<compile_context>
chip_gen: v7x
topology: tpu7x:2x2x1
jax: 0.10.2.dev20260603
libtpu: 0.0.44.dev20260713+nightly
codegen_flags: <defaults>
</compile_context>

<pallas_src>
import functools

import jax
import jax.numpy as jnp
from jax import lax
from jax.experimental import pallas as pl
from jax.experimental.pallas import tpu as pltpu, tpu_sc as plsc

N = 10000
E = 320000
D_IN = 128
D_H = 64
D_OUT = 32

NC = 2
NS = 16
NW = NC * NS
CHUNK = 128
NCHUNKS = E // CHUNK
BASE = NCHUNKS // NW
EXTRA = NCHUNKS - BASE * NW
NBUF = 8
ROWS_PER_TILE = 624
REM_ROWS = N - NS * ROWS_PER_TILE


def _sc_mesh():
    return plsc.VectorSubcoreMesh(core_axis_name="c", subcore_axis_name="s")


def _worker_slab(c, s):
    w = s * NC + c
    start = BASE * w + jnp.minimum(w, EXTRA)
    has_extra = w < EXTRA
    return w, start, has_extra


def _load_idx_slab(ei, row, start, has_extra, idxv):
    pltpu.sync_copy(ei.at[row, pl.ds(start, BASE)], idxv.at[pl.ds(0, BASE)])

    @pl.when(has_extra)
    def _():
        pltpu.sync_copy(ei.at[row, pl.ds(start + BASE, 1)],
                        idxv.at[pl.ds(BASE, 1)])


def _writeback(acc, out, c, s):
    pltpu.sync_copy(
        acc.at[pl.ds(s * ROWS_PER_TILE, ROWS_PER_TILE)],
        out.at[c, pl.ds(s * ROWS_PER_TILE, ROWS_PER_TILE)],
    )

    @pl.when(s == NS - 1)
    def _():
        pltpu.sync_copy(
            acc.at[pl.ds(NS * ROWS_PER_TILE, REM_ROWS)],
            out.at[c, pl.ds(NS * ROWS_PER_TILE, REM_ROWS)],
        )


def _make_deg_kernel():
    @functools.partial(
        pl.kernel,
        out_type=jax.ShapeDtypeStruct((NC, N, 8), jnp.float32),
        mesh=_sc_mesh(),
        scratch_types=[
            pltpu.VMEM((BASE + 1, CHUNK), jnp.int32),
            pltpu.VMEM((CHUNK, 8), jnp.float32),
            pltpu.VMEM_SHARED((N, 8), jnp.float32),
            pltpu.SemaphoreType.DMA,
        ],
        compiler_params=pltpu.CompilerParams(use_tc_tiling_on_sc=False),
    )
    def deg_kernel(ei, ones, zeros, out, dstv, onesv, acc, sem):
        c = lax.axis_index("c")
        s = lax.axis_index("s")
        w, start, has_extra = _worker_slab(c, s)

        @pl.when(s == 0)
        def _():
            pltpu.sync_copy(zeros, acc)

        _load_idx_slab(ei, 1, start, has_extra, dstv)
        pltpu.sync_copy(ones, onesv)
        plsc.subcore_barrier()

        def fire(j, carry):
            pltpu.async_copy(onesv, acc.at[dstv.at[j]], sem, add=True)
            return carry

        lax.fori_loop(0, BASE, fire, 0)

        @pl.when(has_extra)
        def _():
            pltpu.async_copy(onesv, acc.at[dstv.at[BASE]], sem, add=True)

        def drain(j, carry):
            pltpu.make_async_copy(onesv, acc.at[dstv.at[j]], sem).wait()
            return carry

        lax.fori_loop(0, BASE, drain, 0)

        @pl.when(has_extra)
        def _():
            pltpu.make_async_copy(onesv, acc.at[dstv.at[BASE]], sem).wait()

        plsc.subcore_barrier()
        _writeback(acc, out, c, s)

    return deg_kernel


def _make_agg_kernel(d):
    @functools.partial(
        pl.kernel,
        out_type=jax.ShapeDtypeStruct((NC, N, d), jnp.float32),
        mesh=_sc_mesh(),
        scratch_types=[
            pltpu.VMEM((BASE + 1, CHUNK), jnp.int32),
            pltpu.VMEM((BASE + 1, CHUNK), jnp.int32),
            pltpu.VMEM((NBUF, CHUNK, d), jnp.float32),
            pltpu.VMEM_SHARED((N, d), jnp.float32),
            pltpu.SemaphoreType.DMA((NBUF,)),
            pltpu.SemaphoreType.DMA((NBUF,)),
        ],
        compiler_params=pltpu.CompilerParams(use_tc_tiling_on_sc=False),
    )
    def agg_kernel(y, ei, zeros, out, srcv, dstv, buf, acc, gsem, ssem):
        c = lax.axis_index("c")
        s = lax.axis_index("s")
        w, start, has_extra = _worker_slab(c, s)
        nch = BASE + has_extra.astype(jnp.int32)

        @pl.when(s == 0)
        def _():
            pltpu.sync_copy(zeros, acc)

        _load_idx_slab(ei, 0, start, has_extra, srcv)
        _load_idx_slab(ei, 1, start, has_extra, dstv)
        plsc.subcore_barrier()

        for b in range(NBUF):
            pltpu.async_copy(y.at[srcv.at[b]], buf.at[b], gsem.at[b])

        def body(g, carry):
            for b in range(NBUF):
                j = g * NBUF + b

                @pl.when(j < nch)
                def _(b=b, j=j):
                    pltpu.make_async_copy(
                        y.at[srcv.at[j]], buf.at[b], gsem.at[b]).wait()
                    pltpu.async_copy(buf.at[b], acc.at[dstv.at[j]],
                                     ssem.at[b], add=True)

                @pl.when(j + NBUF < nch)
                def _(b=b, j=j):
                    pltpu.make_async_copy(
                        buf.at[b], acc.at[dstv.at[j]], ssem.at[b]).wait()
                    pltpu.async_copy(
                        y.at[srcv.at[j + NBUF]], buf.at[b], gsem.at[b])

            return carry

        lax.fori_loop(0, (BASE + NBUF) // NBUF, body, 0)
        for b in range(NBUF):
            pltpu.make_async_copy(buf.at[b], acc.at[dstv.at[0]],
                                  ssem.at[b]).wait()
        plsc.subcore_barrier()
        _writeback(acc, out, c, s)

    return agg_kernel


_deg_kernel = _make_deg_kernel()
_agg64 = _make_agg_kernel(D_H)
_agg32 = _make_agg_kernel(D_OUT)

_R = 2048
_G = (N + _R - 1) // _R
_P = 4
_RP = _R // _P
_NP = N // _P


def _dot(a, b):
    return jnp.dot(a, b, preferred_element_type=jnp.float32)




def _blkdiag4(w):
    z = jnp.zeros_like(w)
    return jnp.concatenate([
        jnp.concatenate([w, z, z, z], axis=1),
        jnp.concatenate([z, w, z, z], axis=1),
        jnp.concatenate([z, z, w, z], axis=1),
        jnp.concatenate([z, z, z, w], axis=1),
    ], axis=0)


def _expander(d):
    return jnp.kron(jnp.eye(4, dtype=jnp.float32),
                    jnp.ones((1, d), jnp.float32))


def _selector():
    e0 = jnp.zeros((8, 1), jnp.float32).at[0, 0].set(1.0)
    return jnp.kron(jnp.eye(4, dtype=jnp.float32), e0.T).T


def _tc1_body(degp, x, w1b, s8, e64, dis_o, y1_o):
    deg4 = _dot(degp[0] + degp[1], s8[...]) + 1.0
    dis4 = lax.rsqrt(deg4)
    dis_o[...] = dis4
    y1_o[...] = _dot(dis4, e64[...]) * _dot(x[...], w1b[...])


def _tc1(degp, x, w1b, s8, e64):
    return pl.pallas_call(
        _tc1_body,
        grid=(_G,),
        in_specs=[
            pl.BlockSpec((NC, _RP, 32), lambda i: (0, i, 0)),
            pl.BlockSpec((_RP, 4 * D_IN), lambda i: (i, 0)),
            pl.BlockSpec((4 * D_IN, 4 * D_H), lambda i: (0, 0)),
            pl.BlockSpec((32, 4), lambda i: (0, 0)),
            pl.BlockSpec((4, 4 * D_H), lambda i: (0, 0)),
        ],
        out_specs=[
            pl.BlockSpec((_RP, 4), lambda i: (i, 0)),
            pl.BlockSpec((_RP, 4 * D_H), lambda i: (i, 0)),
        ],
        out_shape=[
            jax.ShapeDtypeStruct((_NP, 4), jnp.float32),
            jax.ShapeDtypeStruct((_NP, 4 * D_H), jnp.float32),
        ],
    )(degp, x, w1b, s8, e64)


def _tc2_body(agg, y1, dis, b1p, w2b, e64, e32, y2_o):
    de = _dot(dis[...], e64[...])
    h1 = jax.nn.relu(de * (agg[0] + agg[1] + y1[...]) + b1p[...])
    y2_o[...] = _dot(dis[...], e32[...]) * _dot(h1, w2b[...])


def _tc2(agg, y1, dis, b1p, w2b, e64, e32):
    return pl.pallas_call(
        _tc2_body,
        grid=(_G,),
        in_specs=[
            pl.BlockSpec((NC, _RP, 4 * D_H), lambda i: (0, i, 0)),
            pl.BlockSpec((_RP, 4 * D_H), lambda i: (i, 0)),
            pl.BlockSpec((_RP, 4), lambda i: (i, 0)),
            pl.BlockSpec((1, 4 * D_H), lambda i: (0, 0)),
            pl.BlockSpec((4 * D_H, 4 * D_OUT), lambda i: (0, 0)),
            pl.BlockSpec((4, 4 * D_H), lambda i: (0, 0)),
            pl.BlockSpec((4, 4 * D_OUT), lambda i: (0, 0)),
        ],
        out_specs=pl.BlockSpec((_RP, 4 * D_OUT), lambda i: (i, 0)),
        out_shape=jax.ShapeDtypeStruct((_NP, 4 * D_OUT), jnp.float32),
    )(agg, y1, dis, b1p, w2b, e64, e32)


def _tc3_body(agg, y2, dis, e32, b2p, wr1b, br1p, wr2b, br2p,
              ws1b, bs1p, ws2b, bs2p, h_o, recon_o, score_o):
    de = _dot(dis[...], e32[...])
    h = de * (agg[0] + agg[1] + y2[...]) + b2p[...]
    h_o[...] = h
    r = jax.nn.relu(_dot(h, wr1b[...]) + br1p[...])
    recon_o[...] = _dot(r, wr2b[...]) + br2p[...]
    sc = jax.nn.relu(_dot(h, ws1b[...]) + bs1p[...])
    score_o[...] = jax.nn.sigmoid(_dot(sc, ws2b[...]) + bs2p[...])


def _tc3(agg, y2, dis, e32, b2p, wr1b, br1p, wr2b, br2p, ws1b, bs1p, ws2b, bs2p):
    row = lambda i: (i, 0)
    full = lambda i: (0, 0)
    return pl.pallas_call(
        _tc3_body,
        grid=(_G,),
        in_specs=[
            pl.BlockSpec((NC, _RP, 4 * D_OUT), lambda i: (0, i, 0)),
            pl.BlockSpec((_RP, 4 * D_OUT), row),
            pl.BlockSpec((_RP, 4), row),
            pl.BlockSpec((4, 4 * D_OUT), full),
            pl.BlockSpec((1, 4 * D_OUT), full),
            pl.BlockSpec((4 * D_OUT, 4 * D_H), full),
            pl.BlockSpec((1, 4 * D_H), full),
            pl.BlockSpec((4 * D_H, 4 * D_IN), full),
            pl.BlockSpec((1, 4 * D_IN), full),
            pl.BlockSpec((4 * D_OUT, 4 * (D_H // 2)), full),
            pl.BlockSpec((1, 4 * (D_H // 2)), full),
            pl.BlockSpec((4 * (D_H // 2), 4), full),
            pl.BlockSpec((1, 4), full),
        ],
        out_specs=[
            pl.BlockSpec((_RP, 4 * D_OUT), row),
            pl.BlockSpec((_RP, 4 * D_IN), row),
            pl.BlockSpec((_RP, 4), row),
        ],
        out_shape=[
            jax.ShapeDtypeStruct((_NP, 4 * D_OUT), jnp.float32),
            jax.ShapeDtypeStruct((_NP, 4 * D_IN), jnp.float32),
            jax.ShapeDtypeStruct((_NP, 4), jnp.float32),
        ],
    )(agg, y2, dis, e32, b2p, wr1b, br1p, wr2b, br2p, ws1b, bs1p, ws2b, bs2p)


def _tile4(b):
    return jnp.tile(b, 4).reshape(1, 4 * b.shape[0])


def kernel(x, edge_index, W1, b1, W2, b2, Wr1, br1, Wr2, br2, Ws1, bs1, Ws2, bs2):
    ei = edge_index.reshape(2, NCHUNKS, CHUNK)
    s8 = _selector()
    e64 = _expander(D_H)
    e32 = _expander(D_OUT)

    degp = _deg_kernel(ei,
                       jnp.ones((CHUNK, 8), jnp.float32),
                       jnp.zeros((N, 8), jnp.float32))
    dis, y1 = _tc1(degp.reshape(NC, _NP, 32), x.reshape(_NP, 4 * D_IN),
                   _blkdiag4(W1), s8, e64)

    agg1 = _agg64(y1.reshape(N, D_H), ei, jnp.zeros((N, D_H), jnp.float32))
    y2 = _tc2(agg1.reshape(NC, _NP, 4 * D_H), y1, dis, _tile4(b1),
              _blkdiag4(W2), e64, e32)

    agg2 = _agg32(y2.reshape(N, D_OUT), ei, jnp.zeros((N, D_OUT), jnp.float32))
    h, recon, score = _tc3(agg2.reshape(NC, _NP, 4 * D_OUT), y2, dis, e32,
                           _tile4(b2), _blkdiag4(Wr1), _tile4(br1),
                           _blkdiag4(Wr2), _tile4(br2), _blkdiag4(Ws1),
                           _tile4(bs1), _blkdiag4(Ws2), _tile4(bs2))
    return (h.reshape(N, D_OUT), recon.reshape(N, D_IN), score.reshape(N, 1))

# --- scband reference (transcript-rebuilt; emitter-appended) ---
"""Pipeline reference for scband-gcnanomaly-detector-39384850104825 (READ-ONLY COPY).

The authoritative reference and input builder live on the scoring server;
editing this copy changes nothing except your own understanding.
"""

import jax, jax.numpy as jnp
import numpy as np

N = 10000
E = 320000
D_IN = 128
D_H = 64
D_OUT = 32


def _gcn_conv(x, src, dst, W, b, n):
    # PyG-style GCNConv: add self-loops, symmetric normalization, sum aggregation
    loop = jnp.arange(n, dtype=src.dtype)
    src2 = jnp.concatenate([src, loop])
    dst2 = jnp.concatenate([dst, loop])
    deg = jnp.zeros((n,), x.dtype).at[dst2].add(1.0)
    dis = jnp.where(deg > 0, 1.0 / jnp.sqrt(deg), 0.0)
    norm = dis[src2] * dis[dst2]
    xw = x @ W
    msg = xw[src2] * norm[:, None]
    out = jax.ops.segment_sum(msg, dst2, num_segments=n)
    return out + b


def setup_inputs(seed: int = 0):
    key = jax.random.key(seed)
    ks = jax.random.split(key, 8)
    x = jax.random.normal(ks[0], (N, D_IN), dtype=jnp.float32)
    edge_index = jax.random.randint(ks[1], (2, E), 0, N, dtype=jnp.int32)

    def lin(k, fin, fout):
        k1, k2 = jax.random.split(k)
        lim = 1.0 / np.sqrt(fin)
        W = jax.random.uniform(k1, (fin, fout), jnp.float32, -lim, lim)
        b = jax.random.uniform(k2, (fout,), jnp.float32, -lim, lim)
        return W, b

    W1, b1 = lin(ks[2], D_IN, D_H)
    W2, b2 = lin(ks[3], D_H, D_OUT)
    Wr1, br1 = lin(ks[4], D_OUT, D_H)
    Wr2, br2 = lin(ks[5], D_H, D_IN)
    Ws1, bs1 = lin(ks[6], D_OUT, D_H // 2)
    Ws2, bs2 = lin(ks[7], D_H // 2, 1)
    return {"x": x, "edge_index": edge_index, "W1": W1, "b1": b1, "W2": W2, "b2": b2,
            "Wr1": Wr1, "br1": br1, "Wr2": Wr2, "br2": br2,
            "Ws1": Ws1, "bs1": bs1, "Ws2": Ws2, "bs2": bs2}


def reference(x, edge_index, W1, b1, W2, b2, Wr1, br1, Wr2, br2, Ws1, bs1, Ws2, bs2):
    n = x.shape[0]
    src = edge_index[0]
    dst = edge_index[1]
    # conv1 + relu (dropout inactive at inference)
    h = jax.nn.relu(_gcn_conv(x, src, dst, W1, b1, n))
    # conv2 (last layer, no activation)
    h = _gcn_conv(h, src, dst, W2, b2, n)
    # reconstruction head
    x_reconstructed = jax.nn.relu(h @ Wr1 + br1) @ Wr2 + br2
    # anomaly scorer head
    anomaly_score = jax.nn.sigmoid(jax.nn.relu(h @ Ws1 + bs1) @ Ws2 + bs2)
    return (h, x_reconstructed, anomaly_score)

if __name__ == "__main__":
    import jax
    _d = setup_inputs()
    print(jax.jit(kernel)(*tuple(_d.values())))

</pallas_src>

<mosaic_0001>
#map = affine_map<(d0, d1) -> (0, 0, 0)>
#map1 = affine_map<(d0, d1) -> (0, 0)>
module attributes {stable_mosaic.version = 14 : i64} {
  func.func @deg_kernel(%arg0: i32, %arg1: i32, %arg2: memref<2x2500x128xi32, #tpu.memory_space<hbm>>, %arg3: memref<128x8xf32, #tpu.memory_space<hbm>>, %arg4: memref<10000x8xf32, #tpu.memory_space<hbm>>, %arg5: memref<2x10000x8xf32, #tpu.memory_space<hbm>>, %arg6: memref<79x128xi32, #tpu.memory_space<vmem>>, %arg7: memref<128x8xf32, #tpu.memory_space<vmem>>, %arg8: memref<10000x8xf32, #tpu.memory_space<vmem_shared>>, %arg9: memref<!tpu.dma_semaphore, #tpu.memory_space<semaphore_mem>>) attributes {dimension_semantics = [#tpu.dimension_semantics<core_parallel>, #tpu.dimension_semantics<subcore_parallel>], iteration_bounds = array<i64: 2, 16>, scalar_prefetch = 0 : i64, scratch_operands = 4 : i64, tpu.core_type = #tpu.core_type<sc_vector_subcore>, window_params = [{transform_indices = #map}, {transform_indices = #map1}, {transform_indices = #map1}, {transform_indices = #map}]} {
    %mul3A = arith.constant 2 : i32
    %mul3A_0 = arith.muli %arg1, %mul3A : i32
    %add3A = arith.addi %mul3A_0, %arg0 : i32
    %mul3A_1 = arith.constant 78 : i32
    %mul3A_2 = arith.muli %mul3A_1, %add3A : i32
    %min3A = arith.constant 4 : i32
    %min3A_3 = arith.minsi %add3A, %min3A : i32
    %add3A_4 = arith.addi %mul3A_2, %min3A_3 : i32
    %lt3A = arith.constant 4 : i32
    %lt3A_5 = arith.cmpi slt, %add3A, %lt3A : i32
    %eq3A = arith.constant 0 : i32
    %eq3A_6 = arith.cmpi eq, %arg1, %eq3A : i32
    %convert_element_type3A = arith.extui %eq3A_6 : i1 to i32
    %cond3A = arith.constant 0 : i32
    %cond3A_7 = arith.cmpi ne, %convert_element_type3A, %cond3A : i32
    scf.if %cond3A_7 {
      "tpu.region"() ({
        %run_scoped3A_38 = tpu.sem_alloc : memref<!tpu.dma_semaphore, #tpu.memory_space<semaphore_mem>>
        tpu.enqueue_dma source(%arg4 : memref<10000x8xf32, #tpu.memory_space<hbm>>) target(%arg8 : memref<10000x8xf32, #tpu.memory_space<vmem_shared>>) target_semaphore(%run_scoped3A_38 : memref<!tpu.dma_semaphore, #tpu.memory_space<semaphore_mem>>)
        tpu.wait_dma2 semaphore(%run_scoped3A_38 : memref<!tpu.dma_semaphore, #tpu.memory_space<semaphore_mem>>) src(%arg4 : memref<10000x8xf32, #tpu.memory_space<hbm>>) dst(%arg8 : memref<10000x8xf32, #tpu.memory_space<vmem_shared>>)
        tpu.yield
      }) : () -> ()
    } else {
    }
    %run_scoped3A = arith.constant 1 : i32
    "tpu.region"() ({
      %run_scoped3A_38 = tpu.sem_alloc : memref<!tpu.dma_semaphore, #tpu.memory_space<semaphore_mem>>
      %dma_start3A = arith.constant 0 : i32
      %dma_start3A_39 = arith.constant 0 : i32
      %dma_start3A_40 = tpu.memref_slice %arg6[%dma_start3A, %dma_start3A_39] : memref<79x128xi32, #tpu.memory_space<vmem>> -> memref<78x128xi32, #tpu.memory_space<vmem>>
      %dma_start3A_41 = arith.constant 0 : i32
      %dma_start3A_42 = tpu.memref_slice %arg2[%run_scoped3A, %add3A_4, %dma_start3A_41] : memref<2x2500x128xi32, #tpu.memory_space<hbm>> -> memref<1x78x128xi32, #tpu.memory_space<hbm>>
      %dma_start3A_43 = tpu.memref_squeeze %dma_start3A_42 : memref<1x78x128xi32, #tpu.memory_space<hbm>> -> memref<78x128xi32, #tpu.memory_space<hbm>>
      %dma_start3A_44 = arith.constant 0 : i32
      %dma_start3A_45 = arith.constant 0 : i32
      %dma_start3A_46 = tpu.memref_slice %arg6[%dma_start3A_44, %dma_start3A_45] : memref<79x128xi32, #tpu.memory_space<vmem>> -> memref<78x128xi32, #tpu.memory_space<vmem>>
      %dma_start3A_47 = arith.constant 0 : i32
      %dma_start3A_48 = tpu.memref_slice %arg2[%run_scoped3A, %add3A_4, %dma_start3A_47] : memref<2x2500x128xi32, #tpu.memory_space<hbm>> -> memref<1x78x128xi32, #tpu.memory_space<hbm>>
      %dma_start3A_49 = tpu.memref_squeeze %dma_start3A_48 : memref<1x78x128xi32, #tpu.memory_space<hbm>> -> memref<78x128xi32, #tpu.memory_space<hbm>>
      tpu.enqueue_dma source(%dma_start3A_49 : memref<78x128xi32, #tpu.memory_space<hbm>>) target(%dma_start3A_46 : memref<78x128xi32, #tpu.memory_space<vmem>>) target_semaphore(%run_scoped3A_38 : memref<!tpu.dma_semaphore, #tpu.memory_space<semaphore_mem>>)
      %dma_wait3A = arith.constant 0 : i32
      %dma_wait3A_50 = arith.constant 0 : i32
      %dma_wait3A_51 = tpu.memref_slice %arg6[%dma_wait3A, %dma_wait3A_50] : memref<79x128xi32, #tpu.memory_space<vmem>> -> memref<78x128xi32, #tpu.memory_space<vmem>>
      %dma_wait3A_52 = arith.constant 0 : i32
      %dma_wait3A_53 = tpu.memref_slice %arg2[%run_scoped3A, %add3A_4, %dma_wait3A_52] : memref<2x2500x128xi32, #tpu.memory_space<hbm>> -> memref<1x78x128xi32, #tpu.memory_space<hbm>>
      %dma_wait3A_54 = tpu.memref_squeeze %dma_wait3A_53 : memref<1x78x128xi32, #tpu.memory_space<hbm>> -> memref<78x128xi32, #tpu.memory_space<hbm>>
      %dma_wait3A_55 = arith.constant 0 : i32
      %dma_wait3A_56 = arith.constant 0 : i32
      %dma_wait3A_57 = tpu.memref_slice %arg6[%dma_wait3A_55, %dma_wait3A_56] : memref<79x128xi32, #tpu.memory_space<vmem>> -> memref<78x128xi32, #tpu.memory_space<vmem>>
      %dma_wait3A_58 = arith.constant 0 : i32
      %dma_wait3A_59 = tpu.memref_slice %arg2[%run_scoped3A, %add3A_4, %dma_wait3A_58] : memref<2x2500x128xi32, #tpu.memory_space<hbm>> -> memref<1x78x128xi32, #tpu.memory_space<hbm>>
      %dma_wait3A_60 = tpu.memref_squeeze %dma_wait3A_59 : memref<1x78x128xi32, #tpu.memory_space<hbm>> -> memref<78x128xi32, #tpu.memory_space<hbm>>
      tpu.wait_dma2 semaphore(%run_scoped3A_38 : memref<!tpu.dma_semaphore, #tpu.memory_space<semaphore_mem>>) src(%dma_wait3A_60 : memref<78x128xi32, #tpu.memory_space<hbm>>) dst(%dma_wait3A_57 : memref<78x128xi32, #tpu.memory_space<vmem>>)
      tpu.yield
    }) : () -> ()
    %convert_element_type3A_8 = arith.extui %lt3A_5 : i1 to i32
    %cond3A_9 = arith.constant 0 : i32
    %cond3A_10 = arith.cmpi ne, %convert_element_type3A_8, %cond3A_9 : i32
    scf.if %cond3A_10 {
      %add3A_38 = arith.constant 78 : i32
      %add3A_39 = arith.addi %add3A_4, %add3A_38 : i32
      %run_scoped3A_40 = arith.constant 1 : i32
      "tpu.region"() ({
        %run_scoped3A_41 = tpu.sem_alloc : memref<!tpu.dma_semaphore, #tpu.memory_space<semaphore_mem>>
        %dma_start3A = arith.constant 78 : i32
        %dma_start3A_42 = arith.constant 0 : i32
        %dma_start3A_43 = tpu.memref_slice %arg6[%dma_start3A, %dma_start3A_42] : memref<79x128xi32, #tpu.memory_space<vmem>> -> memref<1x128xi32, #tpu.memory_space<vmem>>
        %dma_start3A_44 = arith.constant 0 : i32
        %dma_start3A_45 = tpu.memref_slice %arg2[%run_scoped3A_40, %add3A_39, %dma_start3A_44] : memref<2x2500x128xi32, #tpu.memory_space<hbm>> -> memref<1x1x128xi32, #tpu.memory_space<hbm>>
        %dma_start3A_46 = tpu.memref_squeeze %dma_start3A_45 : memref<1x1x128xi32, #tpu.memory_space<hbm>> -> memref<1x128xi32, #tpu.memory_space<hbm>>
        %dma_start3A_47 = arith.constant 78 : i32
        %dma_start3A_48 = arith.constant 0 : i32
        %dma_start3A_49 = tpu.memref_slice %arg6[%dma_start3A_47, %dma_start3A_48] : memref<79x128xi32, #tpu.memory_space<vmem>> -> memref<1x128xi32, #tpu.memory_space<vmem>>
        %dma_start3A_50 = arith.constant 0 : i32
        %dma_start3A_51 = tpu.memref_slice %arg2[%run_scoped3A_40, %add3A_39, %dma_start3A_50] : memref<2x2500x128xi32, #tpu.memory_space<hbm>> -> memref<1x1x128xi32, #tpu.memory_space<hbm>>
        %dma_start3A_52 = tpu.memref_squeeze %dma_start3A_51 : memref<1x1x128xi32, #tpu.memory_space<hbm>> -> memref<1x128xi32, #tpu.memory_space<hbm>>
        tpu.enqueue_dma source(%dma_start3A_52 : memref<1x128xi32, #tpu.memory_space<hbm>>) target(%dma_start3A_49 : memref<1x128xi32, #tpu.memory_space<vmem>>) target_semaphore(%run_scoped3A_41 : memref<!tpu.dma_semaphore, #tpu.memory_space<semaphore_mem>>)
        %dma_wait3A = arith.constant 78 : i32
        %dma_wait3A_53 = arith.constant 0 : i32
        %dma_wait3A_54 = tpu.memref_slice %arg6[%dma_wait3A, %dma_wait3A_53] : memref<79x128xi32, #tpu.memory_space<vmem>> -> memref<1x128xi32, #tpu.memory_space<vmem>>
        %dma_wait3A_55 = arith.constant 0 : i32
        %dma_wait3A_56 = tpu.memref_slice %arg2[%run_scoped3A_40, %add3A_39, %dma_wait3A_55] : memref<2x2500x128xi32, #tpu.memory_space<hbm>> -> memref<1x1x128xi32, #tpu.memory_space<hbm>>
        %dma_wait3A_57 = tpu.memref_squeeze %dma_wait3A_56 : memref<1x1x128xi32, #tpu.memory_space<hbm>> -> memref<1x128xi32, #tpu.memory_space<hbm>>
        %dma_wait3A_58 = arith.constant 78 : i32
        %dma_wait3A_59 = arith.constant 0 : i32
        %dma_wait3A_60 = tpu.memref_slice %arg6[%dma_wait3A_58, %dma_wait3A_59] : memref<79x128xi32, #tpu.memory_space<vmem>> -> memref<1x128xi32, #tpu.memory_space<vmem>>
        %dma_wait3A_61 = arith.constant 0 : i32
        %dma_wait3A_62 = tpu.memref_slice %arg2[%run_scoped3A_40, %add3A_39, %dma_wait3A_61] : memref<2x2500x128xi32, #tpu.memory_space<hbm>> -> memref<1x1x128xi32, #tpu.memory_space<hbm>>
        %dma_wait3A_63 = tpu.memref_squeeze %dma_wait3A_62 : memref<1x1x128xi32, #tpu.memory_space<hbm>> -> memref<1x128xi32, #tpu.memory_space<hbm>>
        tpu.wait_dma2 semaphore(%run_scoped3A_41 : memref<!tpu.dma_semaphore, #tpu.memory_space<semaphore_mem>>) src(%dma_wait3A_63 : memref<1x128xi32, #tpu.memory_space<hbm>>) dst(%dma_wait3A_60 : memref<1x128xi32, #tpu.memory_space<vmem>>)
        tpu.yield
      }) : () -> ()
    } else {
    }
    "tpu.region"() ({
      %run_scoped3A_38 = tpu.sem_alloc : memref<!tpu.dma_semaphore, #tpu.memory_space<semaphore_mem>>
      tpu.enqueue_dma source(%arg3 : memref<128x8xf32, #tpu.memory_space<hbm>>) target(%arg7 : memref<128x8xf32, #tpu.memory_space<vmem>>) target_semaphore(%run_scoped3A_38 : memref<!tpu.dma_semaphore, #tpu.memory_space<semaphore_mem>>)
      tpu.wait_dma2 semaphore(%run_scoped3A_38 : memref<!tpu.dma_semaphore, #tpu.memory_space<semaphore_mem>>) src(%arg3 : memref<128x8xf32, #tpu.memory_space<hbm>>) dst(%arg7 : memref<128x8xf32, #tpu.memory_space<vmem>>)
      tpu.yield
    }) : () -> ()
    %barrier3A = arith.constant 0 : index
    tpu.barrier barrier_id(%barrier3A)
    %scan3A = arith.constant 0 : i32
    %scan3A_11 = arith.constant 0 : i32
    %scan3A_12 = arith.constant 78 : i32
    %scan3A_13 = arith.addi %scan3A_11, %scan3A_12 : i32
    %scan3A_14 = arith.constant 1 : i32
    scf.for %scan3A_38 = %scan3A_11 to %scan3A_13 step %scan3A_14  : i32 {
      %dma_start3A = arith.constant 0 : i32
      %dma_start3A_39 = tpu.memref_slice %arg6[%scan3A_38, %dma_start3A] : memref<79x128xi32, #tpu.memory_space<vmem>> -> memref<1x128xi32, #tpu.memory_space<vmem>>
      %dma_start3A_40 = tpu.memref_squeeze %dma_start3A_39 : memref<1x128xi32, #tpu.memory_space<vmem>> -> memref<128xi32, #tpu.memory_space<vmem>>
      %dma_start3A_41 = arith.constant 0 : i32
      %dma_start3A_42 = arith.constant 0 : i32
      %dma_start3A_43 = tpu.memref_slice %arg8[%dma_start3A_41, %dma_start3A_42] : memref<10000x8xf32, #tpu.memory_space<vmem_shared>> -> memref<10000x8xf32, #tpu.memory_space<vmem_shared>>
      tpu.enqueue_indirect_dma source(%arg7 : memref<128x8xf32, #tpu.memory_space<vmem>>) target(%dma_start3A_43 : memref<10000x8xf32, #tpu.memory_space<vmem_shared>>) offsets(%dma_start3A_40 : memref<128xi32, #tpu.memory_space<vmem>>) semaphore(%arg9 : memref<!tpu.dma_semaphore, #tpu.memory_space<semaphore_mem>>) {add = true}
    }
    %scan3A_15 = arith.constant 78 : i32
    %convert_element_type3A_16 = arith.extui %lt3A_5 : i1 to i32
    %cond3A_17 = arith.constant 0 : i32
    %cond3A_18 = arith.cmpi ne, %convert_element_type3A_16, %cond3A_17 : i32
    scf.if %cond3A_18 {
      %dma_start3A = arith.constant 78 : i32
      %dma_start3A_38 = arith.constant 0 : i32
      %dma_start3A_39 = tpu.memref_slice %arg6[%dma_start3A, %dma_start3A_38] : memref<79x128xi32, #tpu.memory_space<vmem>> -> memref<1x128xi32, #tpu.memory_space<vmem>>
      %dma_start3A_40 = tpu.memref_squeeze %dma_start3A_39 : memref<1x128xi32, #tpu.memory_space<vmem>> -> memref<128xi32, #tpu.memory_space<vmem>>
      %dma_start3A_41 = arith.constant 0 : i32
      %dma_start3A_42 = arith.constant 0 : i32
      %dma_start3A_43 = tpu.memref_slice %arg8[%dma_start3A_41, %dma_start3A_42] : memref<10000x8xf32, #tpu.memory_space<vmem_shared>> -> memref<10000x8xf32, #tpu.memory_space<vmem_shared>>
      tpu.enqueue_indirect_dma source(%arg7 : memref<128x8xf32, #tpu.memory_space<vmem>>) target(%dma_start3A_43 : memref<10000x8xf32, #tpu.memory_space<vmem_shared>>) offsets(%dma_start3A_40 : memref<128xi32, #tpu.memory_space<vmem>>) semaphore(%arg9 : memref<!tpu.dma_semaphore, #tpu.memory_space<semaphore_mem>>) {add = true}
    } else {
    }
    %scan3A_19 = arith.constant 0 : i32
    %scan3A_20 = arith.constant 0 : i32
    %scan3A_21 = arith.constant 78 : i32
    %scan3A_22 = arith.addi %scan3A_20, %scan3A_21 : i32
    %scan3A_23 = arith.constant 1 : i32
    scf.for %scan3A_38 = %scan3A_20 to %scan3A_22 step %scan3A_23  : i32 {
      %dma_wait3A = arith.constant 0 : i32
      %dma_wait3A_39 = tpu.memref_slice %arg6[%scan3A_38, %dma_wait3A] : memref<79x128xi32, #tpu.memory_space<vmem>> -> memref<1x128xi32, #tpu.memory_space<vmem>>
      %dma_wait3A_40 = tpu.memref_squeeze %dma_wait3A_39 : memref<1x128xi32, #tpu.memory_space<vmem>> -> memref<128xi32, #tpu.memory_space<vmem>>
      %dma_wait3A_41 = arith.constant 0 : i32
      %dma_wait3A_42 = arith.constant 0 : i32
      %dma_wait3A_43 = tpu.memref_slice %arg8[%dma_wait3A_41, %dma_wait3A_42] : memref<10000x8xf32, #tpu.memory_space<vmem_shared>> -> memref<10000x8xf32, #tpu.memory_space<vmem_shared>>
      tpu.wait_indirect_dma semaphore(%arg9 : memref<!tpu.dma_semaphore, #tpu.memory_space<semaphore_mem>>) src(%arg7 : memref<128x8xf32, #tpu.memory_space<vmem>>) dst(%dma_wait3A_43 : memref<10000x8xf32, #tpu.memory_space<vmem_shared>>)
    }
    %scan3A_24 = arith.constant 78 : i32
    %convert_element_type3A_25 = arith.extui %lt3A_5 : i1 to i32
    %cond3A_26 = arith.constant 0 : i32
    %cond3A_27 = arith.cmpi ne, %convert_element_type3A_25, %cond3A_26 : i32
    scf.if %cond3A_27 {
      %dma_wait3A = arith.constant 78 : i32
      %dma_wait3A_38 = arith.constant 0 : i32
      %dma_wait3A_39 = tpu.memref_slice %arg6[%dma_wait3A, %dma_wait3A_38] : memref<79x128xi32, #tpu.memory_space<vmem>> -> memref<1x128xi32, #tpu.memory_space<vmem>>
      %dma_wait3A_40 = tpu.memref_squeeze %dma_wait3A_39 : memref<1x128xi32, #tpu.memory_space<vmem>> -> memref<128xi32, #tpu.memory_space<vmem>>
      %dma_wait3A_41 = arith.constant 0 : i32
      %dma_wait3A_42 = arith.constant 0 : i32
      %dma_wait3A_43 = tpu.memref_slice %arg8[%dma_wait3A_41, %dma_wait3A_42] : memref<10000x8xf32, #tpu.memory_space<vmem_shared>> -> memref<10000x8xf32, #tpu.memory_space<vmem_shared>>
      tpu.wait_indirect_dma semaphore(%arg9 : memref<!tpu.dma_semaphore, #tpu.memory_space<semaphore_mem>>) src(%arg7 : memref<128x8xf32, #tpu.memory_space<vmem>>) dst(%dma_wait3A_43 : memref<10000x8xf32, #tpu.memory_space<vmem_shared>>)
    } else {
    }
    %barrier3A_28 = arith.constant 0 : index
    tpu.barrier barrier_id(%barrier3A_28)
    %mul3A_29 = arith.constant 624 : i32
    %mul3A_30 = arith.muli %arg1, %mul3A_29 : i32
    %mul3A_31 = arith.constant 624 : i32
    %mul3A_32 = arith.muli %arg1, %mul3A_31 : i32
    "tpu.region"() ({
      %run_scoped3A_38 = tpu.sem_alloc : memref<!tpu.dma_semaphore, #tpu.memory_space<semaphore_mem>>
      %dma_start3A = arith.constant 0 : i32
      %dma_start3A_39 = tpu.memref_slice %arg5[%arg0, %mul3A_32, %dma_start3A] : memref<2x10000x8xf32, #tpu.memory_space<hbm>> -> memref<1x624x8xf32, #tpu.memory_space<hbm>>
      %dma_start3A_40 = tpu.memref_squeeze %dma_start3A_39 : memref<1x624x8xf32, #tpu.memory_space<hbm>> -> memref<624x8xf32, #tpu.memory_space<hbm>>
      %dma_start3A_41 = arith.constant 0 : i32
      %dma_start3A_42 = tpu.memref_slice %arg8[%mul3A_30, %dma_start3A_41] : memref<10000x8xf32, #tpu.memory_space<vmem_shared>> -> memref<624x8xf32, #tpu.memory_space<vmem_shared>>
      tpu.enqueue_dma source(%dma_start3A_42 : memref<624x8xf32, #tpu.memory_space<vmem_shared>>) target(%dma_start3A_40 : memref<624x8xf32, #tpu.memory_space<hbm>>) target_semaphore(%run_scoped3A_38 : memref<!tpu.dma_semaphore, #tpu.memory_space<semaphore_mem>>)
      %dma_wait3A = arith.constant 0 : i32
      %dma_wait3A_43 = tpu.memref_slice %arg5[%arg0, %mul3A_32, %dma_wait3A] : memref<2x10000x8xf32, #tpu.memory_space<hbm>> -> memref<1x624x8xf32, #tpu.memory_space<hbm>>
      %dma_wait3A_44 = tpu.memref_squeeze %dma_wait3A_43 : memref<1x624x8xf32, #tpu.memory_space<hbm>> -> memref<624x8xf32, #tpu.memory_space<hbm>>
      %dma_wait3A_45 = arith.constant 0 : i32
      %dma_wait3A_46 = tpu.memref_slice %arg8[%mul3A_30, %dma_wait3A_45] : memref<10000x8xf32, #tpu.memory_space<vmem_shared>> -> memref<624x8xf32, #tpu.memory_space<vmem_shared>>
      tpu.wait_dma2 semaphore(%run_scoped3A_38 : memref<!tpu.dma_semaphore, #tpu.memory_space<semaphore_mem>>) src(%dma_wait3A_46 : memref<624x8xf32, #tpu.memory_space<vmem_shared>>) dst(%dma_wait3A_44 : memref<624x8xf32, #tpu.memory_space<hbm>>)
      tpu.yield
    }) : () -> ()
    %eq3A_33 = arith.constant 15 : i32
    %eq3A_34 = arith.cmpi eq, %arg1, %eq3A_33 : i32
    %convert_element_type3A_35 = arith.extui %eq3A_34 : i1 to i32
    %cond3A_36 = arith.constant 0 : i32
    %cond3A_37 = arith.cmpi ne, %convert_element_type3A_35, %cond3A_36 : i32
    scf.if %cond3A_37 {
      "tpu.region"() ({
        %run_scoped3A_38 = tpu.sem_alloc : memref<!tpu.dma_semaphore, #tpu.memory_space<semaphore_mem>>
        %dma_start3A = arith.constant 9984 : i32
        %dma_start3A_39 = arith.constant 0 : i32
        %dma_start3A_40 = tpu.memref_slice %arg5[%arg0, %dma_start3A, %dma_start3A_39] : memref<2x10000x8xf32, #tpu.memory_space<hbm>> -> memref<1x16x8xf32, #tpu.memory_space<hbm>>
        %dma_start3A_41 = tpu.memref_squeeze %dma_start3A_40 : memref<1x16x8xf32, #tpu.memory_space<hbm>> -> memref<16x8xf32, #tpu.memory_space<hbm>>
        %dma_start3A_42 = arith.constant 9984 : i32
        %dma_start3A_43 = arith.constant 0 : i32
        %dma_start3A_44 = tpu.memref_slice %arg8[%dma_start3A_42, %dma_start3A_43] : memref<10000x8xf32, #tpu.memory_space<vmem_shared>> -> memref<16x8xf32, #tpu.memory_space<vmem_shared>>
        tpu.enqueue_dma source(%dma_start3A_44 : memref<16x8xf32, #tpu.memory_space<vmem_shared>>) target(%dma_start3A_41 : memref<16x8xf32, #tpu.memory_space<hbm>>) target_semaphore(%run_scoped3A_38 : memref<!tpu.dma_semaphore, #tpu.memory_space<semaphore_mem>>)
        %dma_wait3A = arith.constant 9984 : i32
        %dma_wait3A_45 = arith.constant 0 : i32
        %dma_wait3A_46 = tpu.memref_slice %arg5[%arg0, %dma_wait3A, %dma_wait3A_45] : memref<2x10000x8xf32, #tpu.memory_space<hbm>> -> memref<1x16x8xf32, #tpu.memory_space<hbm>>
        %dma_wait3A_47 = tpu.memref_squeeze %dma_wait3A_46 : memref<1x16x8xf32, #tpu.memory_space<hbm>> -> memref<16x8xf32, #tpu.memory_space<hbm>>
        %dma_wait3A_48 = arith.constant 9984 : i32
        %dma_wait3A_49 = arith.constant 0 : i32
        %dma_wait3A_50 = tpu.memref_slice %arg8[%dma_wait3A_48, %dma_wait3A_49] : memref<10000x8xf32, #tpu.memory_space<vmem_shared>> -> memref<16x8xf32, #tpu.memory_space<vmem_shared>>
        tpu.wait_dma2 semaphore(%run_scoped3A_38 : memref<!tpu.dma_semaphore, #tpu.memory_space<semaphore_mem>>) src(%dma_wait3A_50 : memref<16x8xf32, #tpu.memory_space<vmem_shared>>) dst(%dma_wait3A_47 : memref<16x8xf32, #tpu.memory_space<hbm>>)
        tpu.yield
      }) : () -> ()
    } else {
    }
    return
  }
}

#map = affine_map<(d0, d1) -> (0, 0)>
#map1 = affine_map<(d0, d1) -> (0, 0, 0)>
module attributes {stable_mosaic.version = 14 : i64} {
  func.func @agg_kernel(%arg0: i32, %arg1: i32, %arg2: memref<10000x64xf32, #tpu.memory_space<hbm>>, %arg3: memref<2x2500x128xi32, #tpu.memory_space<hbm>>, %arg4: memref<10000x64xf32, #tpu.memory_space<hbm>>, %arg5: memref<2x10000x64xf32, #tpu.memory_space<hbm>>, %arg6: memref<79x128xi32, #tpu.memory_space<vmem>>, %arg7: memref<79x128xi32, #tpu.memory_space<vmem>>, %arg8: memref<8x128x64xf32, #tpu.memory_space<vmem>>, %arg9: memref<10000x64xf32, #tpu.memory_space<vmem_shared>>, %arg10: memref<8x!tpu.dma_semaphore, #tpu.memory_space<semaphore_mem>>, %arg11: memref<8x!tpu.dma_semaphore, #tpu.memory_space<semaphore_mem>>) attributes {dimension_semantics = [#tpu.dimension_semantics<core_parallel>, #tpu.dimension_semantics<subcore_parallel>], iteration_bounds = array<i64: 2, 16>, scalar_prefetch = 0 : i64, scratch_operands = 6 : i64, tpu.core_type = #tpu.core_type<sc_vector_subcore>, window_params = [{transform_indices = #map}, {transform_indices = #map1}, {transform_indices = #map}, {transform_indices = #map1}]} {
    %mul3A = arith.constant 2 : i32
    %mul3A_0 = arith.muli %arg1, %mul3A : i32
    %add3A = arith.addi %mul3A_0, %arg0 : i32
    %mul3A_1 = arith.constant 78 : i32
    %mul3A_2 = arith.muli %mul3A_1, %add3A : i32
    %min3A = arith.constant 4 : i32
    %min3A_3 = arith.minsi %add3A, %min3A : i32
    %add3A_4 = arith.addi %mul3A_2, %min3A_3 : i32
    %lt3A = arith.constant 4 : i32
    %lt3A_5 = arith.cmpi slt, %add3A, %lt3A : i32
    %convert_element_type3A = arith.extui %lt3A_5 : i1 to i32
    %add3A_6 = arith.constant 78 : i32
    %add3A_7 = arith.addi %add3A_6, %convert_element_type3A : i32
    %eq3A = arith.constant 0 : i32
    %eq3A_8 = arith.cmpi eq, %arg1, %eq3A : i32
    %convert_element_type3A_9 = arith.extui %eq3A_8 : i1 to i32
    %cond3A = arith.constant 0 : i32
    %cond3A_10 = arith.cmpi ne, %convert_element_type3A_9, %cond3A : i32
    scf.if %cond3A_10 {
      "tpu.region"() ({
        %run_scoped3A_271 = tpu.sem_alloc : memref<!tpu.dma_semaphore, #tpu.memory_space<semaphore_mem>>
        tpu.enqueue_dma source(%arg4 : memref<10000x64xf32, #tpu.memory_space<hbm>>) target(%arg9 : memref<10000x64xf32, #tpu.memory_space<vmem_shared>>) target_semaphore(%run_scoped3A_271 : memref<!tpu.dma_semaphore, #tpu.memory_space<semaphore_mem>>)
        tpu.wait_dma2 semaphore(%run_scoped3A_271 : memref<!tpu.dma_semaphore, #tpu.memory_space<semaphore_mem>>) src(%arg4 : memref<10000x64xf32, #tpu.memory_space<hbm>>) dst(%arg9 : memref<10000x64xf32, #tpu.memory_space<vmem_shared>>)
        tpu.yield
      }) : () -> ()
    } else {
    }
    %run_scoped3A = arith.constant 0 : i32
    "tpu.region"() ({
      %run_scoped3A_271 = tpu.sem_alloc : memref<!tpu.dma_semaphore, #tpu.memory_space<semaphore_mem>>
      %dma_start3A_272 = arith.constant 0 : i32
      %dma_start3A_273 = arith.constant 0 : i32
      %dma_start3A_274 = tpu.memref_slice %arg6[%dma_start3A_272, %dma_start3A_273] : memref<79x128xi32, #tpu.memory_space<vmem>> -> memref<78x128xi32, #tpu.memory_space<vmem>>
      %dma_start3A_275 = arith.constant 0 : i32
      %dma_start3A_276 = tpu.memref_slice %arg3[%run_scoped3A, %add3A_4, %dma_start3A_275] : memref<2x2500x128xi32, #tpu.memory_space<hbm>> -> memref<1x78x128xi32, #tpu.memory_space<hbm>>
      %dma_start3A_277 = tpu.memref_squeeze %dma_start3A_276 : memref<1x78x128xi32, #tpu.memory_space<hbm>> -> memref<78x128xi32, #tpu.memory_space<hbm>>
      %dma_start3A_278 = arith.constant 0 : i32
      %dma_start3A_279 = arith.constant 0 : i32
      %dma_start3A_280 = tpu.memref_slice %arg6[%dma_start3A_278, %dma_start3A_279] : memref<79x128xi32, #tpu.memory_space<vmem>> -> memref<78x128xi32, #tpu.memory_space<vmem>>
      %dma_start3A_281 = arith.constant 0 : i32
      %dma_start3A_282 = tpu.memref_slice %arg3[%run_scoped3A, %add3A_4, %dma_start3A_281] : memref<2x2500x128xi32, #tpu.memory_space<hbm>> -> memref<1x78x128xi32, #tpu.memory_space<hbm>>
      %dma_start3A_283 = tpu.memref_squeeze %dma_start3A_282 : memref<1x78x128xi32, #tpu.memory_space<hbm>> -> memref<78x128xi32, #tpu.memory_space<hbm>>
      tpu.enqueue_dma source(%dma_start3A_283 : memref<78x128xi32, #tpu.memory_space<hbm>>) target(%dma_start3A_280 : memref<78x128xi32, #tpu.memory_space<vmem>>) target_semaphore(%run_scoped3A_271 : memref<!tpu.dma_semaphore, #tpu.memory_space<semaphore_mem>>)
      %dma_wait3A_284 = arith.constant 0 : i32
      %dma_wait3A_285 = arith.constant 0 : i32
      %dma_wait3A_286 = tpu.memref_slice %arg6[%dma_wait3A_284, %dma_wait3A_285] : memref<79x128xi32, #tpu.memory_space<vmem>> -> memref<78x128xi32, #tpu.memory_space<vmem>>
      %dma_wait3A_287 = arith.constant 0 : i32
      %dma_wait3A_288 = tpu.memref_slice %arg3[%run_scoped3A, %add3A_4, %dma_wait3A_287] : memref<2x2500x128xi32, #tpu.memory_space<hbm>> -> memref<1x78x128xi32, #tpu.memory_space<hbm>>
      %dma_wait3A_289 = tpu.memref_squeeze %dma_wait3A_288 : memref<1x78x128xi32, #tpu.memory_space<hbm>> -> memref<78x128xi32, #tpu.memory_space<hbm>>
      %dma_wait3A_290 = arith.constant 0 : i32
      %dma_wait3A_291 = arith.constant 0 : i32
      %dma_wait3A_292 = tpu.memref_slice %arg6[%dma_wait3A_290, %dma_wait3A_291] : memref<79x128xi32, #tpu.memory_space<vmem>> -> memref<78x128xi32, #tpu.memory_space<vmem>>
      %dma_wait3A_293 = arith.constant 0 : i32
      %dma_wait3A_294 = tpu.memref_slice %arg3[%run_scoped3A, %add3A_4, %dma_wait3A_293] : memref<2x2500x128xi32, #tpu.memory_space<hbm>> -> memref<1x78x128xi32, #tpu.memory_space<hbm>>
      %dma_wait3A_295 = tpu.memref_squeeze %dma_wait3A_294 : memref<1x78x128xi32, #tpu.memory_space<hbm>> -> memref<78x128xi32, #tpu.memory_space<hbm>>
      tpu.wait_dma2 semaphore(%run_scoped3A_271 : memref<!tpu.dma_semaphore, #tpu.memory_space<semaphore_mem>>) src(%dma_wait3A_295 : memref<78x128xi32, #tpu.memory_space<hbm>>) dst(%dma_wait3A_292 : memref<78x128xi32, #tpu.memory_space<vmem>>)
      tpu.yield
    }) : () -> ()
    %convert_element_type3A_11 = arith.extui %lt3A_5 : i1 to i32
    %cond3A_12 = arith.constant 0 : i32
    %cond3A_13 = arith.cmpi ne, %convert_element_type3A_11, %cond3A_12 : i32
    scf.if %cond3A_13 {
      %add3A_271 = arith.constant 78 : i32
      %add3A_272 = arith.addi %add3A_4, %add3A_271 : i32
      %run_scoped3A_273 = arith.constant 0 : i32
      "tpu.region"() ({
        %run_scoped3A_274 = tpu.sem_alloc : memref<!tpu.dma_semaphore, #tpu.memory_space<semaphore_mem>>
        %dma_start3A_275 = arith.constant 78 : i32
        %dma_start3A_276 = arith.constant 0 : i32
        %dma_start3A_277 = tpu.memref_slice %arg6[%dma_start3A_275, %dma_start3A_276] : memref<79x128xi32, #tpu.memory_space<vmem>> -> memref<1x128xi32, #tpu.memory_space<vmem>>
        %dma_start3A_278 = arith.constant 0 : i32
        %dma_start3A_279 = tpu.memref_slice %arg3[%run_scoped3A_273, %add3A_272, %dma_start3A_278] : memref<2x2500x128xi32, #tpu.memory_space<hbm>> -> memref<1x1x128xi32, #tpu.memory_space<hbm>>
        %dma_start3A_280 = tpu.memref_squeeze %dma_start3A_279 : memref<1x1x128xi32, #tpu.memory_space<hbm>> -> memref<1x128xi32, #tpu.memory_space<hbm>>
        %dma_start3A_281 = arith.constant 78 : i32
        %dma_start3A_282 = arith.constant 0 : i32
        %dma_start3A_283 = tpu.memref_slice %arg6[%dma_start3A_281, %dma_start3A_282] : memref<79x128xi32, #tpu.memory_space<vmem>> -> memref<1x128xi32, #tpu.memory_space<vmem>>
        %dma_start3A_284 = arith.constant 0 : i32
        %dma_start3A_285 = tpu.memref_slice %arg3[%run_scoped3A_273, %add3A_272, %dma_start3A_284] : memref<2x2500x128xi32, #tpu.memory_space<hbm>> -> memref<1x1x128xi32, #tpu.memory_space<hbm>>
        %dma_start3A_286 = tpu.memref_squeeze %dma_start3A_285 : memref<1x1x128xi32, #tpu.memory_space<hbm>> -> memref<1x128xi32, #tpu.memory_space<hbm>>
        tpu.enqueue_dma source(%dma_start3A_286 : memref<1x128xi32, #tpu.memory_space<hbm>>) target(%dma_start3A_283 : memref<1x128xi32, #tpu.memory_space<vmem>>) target_semaphore(%run_scoped3A_274 : memref<!tpu.dma_semaphore, #tpu.memory_space<semaphore_mem>>)
        %dma_wait3A_287 = arith.constant 78 : i32
        %dma_wait3A_288 = arith.constant 0 : i32
        %dma_wait3A_289 = tpu.memref_slice %arg6[%dma_wait3A_287, %dma_wait3A_288] : memref<79x128xi32, #tpu.memory_space<vmem>> -> memref<1x128xi32, #tpu.memory_space<vmem>>
        %dma_wait3A_290 = arith.constant 0 : i32
        %dma_wait3A_291 = tpu.memref_slice %arg3[%run_scoped3A_273, %add3A_272, %dma_wait3A_290] : memref<2x2500x128xi32, #tpu.memory_space<hbm>> -> memref<1x1x128xi32, #tpu.memory_space<hbm>>
        %dma_wait3A_292 = tpu.memref_squeeze %dma_wait3A_291 : memref<1x1x128xi32, #tpu.memory_space<hbm>> -> memref<1x128xi32, #tpu.memory_space<hbm>>
        %dma_wait3A_293 = arith.constant 78 : i32
        %dma_wait3A_294 = arith.constant 0 : i32
        %dma_wait3A_295 = tpu.memref_slice %arg6[%dma_wait3A_293, %dma_wait3A_294] : memref<79x128xi32, #tpu.memory_space<vmem>> -> memref<1x128xi32, #tpu.memory_space<vmem>>
        %dma_wait3A_296 = arith.constant 0 : i32
        %dma_wait3A_297 = tpu.memref_slice %arg3[%run_scoped3A_273, %add3A_272, %dma_wait3A_296] : memref<2x2500x128xi32, #tpu.memory_space<hbm>> -> memref<1x1x128xi32, #tpu.memory_space<hbm>>
        %dma_wait3A_298 = tpu.memref_squeeze %dma_wait3A_297 : memref<1x1x128xi32, #tpu.memory_space<hbm>> -> memref<1x128xi32, #tpu.memory_space<hbm>>
        tpu.wait_dma2 semaphore(%run_scoped3A_274 : memref<!tpu.dma_semaphore, #tpu.memory_space<semaphore_mem>>) src(%dma_wait3A_298 : memref<1x128xi32, #tpu.memory_space<hbm>>) dst(%dma_wait3A_295 : memref<1x128xi32, #tpu.memory_space<vmem>>)
        tpu.yield
      }) : () -> ()
    } else {
    }
    %run_scoped3A_14 = arith.constant 1 : i32
    "tpu.region"() ({
      %run_scoped3A_271 = tpu.sem_alloc : memref<!tpu.dma_semaphore, #tpu.memory_space<semaphore_mem>>
      %dma_start3A_272 = arith.constant 0 : i32
      %dma_start3A_273 = arith.constant 0 : i32
      %dma_start3A_274 = tpu.memref_slice %arg7[%dma_start3A_272, %dma_start3A_273] : memref<79x128xi32, #tpu.memory_space<vmem>> -> memref<78x128xi32, #tpu.memory_space<vmem>>
      %dma_start3A_275 = arith.constant 0 : i32
      %dma_start3A_276 = tpu.memref_slice %arg3[%run_scoped3A_14, %add3A_4, %dma_start3A_275] : memref<2x2500x128xi32, #tpu.memory_space<hbm>> -> memref<1x78x128xi32, #tpu.memory_space<hbm>>
      %dma_start3A_277 = tpu.memref_squeeze %dma_start3A_276 : memref<1x78x128xi32, #tpu.memory_space<hbm>> -> memref<78x128xi32, #tpu.memory_space<hbm>>
      %dma_start3A_278 = arith.constant 0 : i32
      %dma_start3A_279 = arith.constant 0 : i32
      %dma_start3A_280 = tpu.memref_slice %arg7[%dma_start3A_278, %dma_start3A_279] : memref<79x128xi32, #tpu.memory_space<vmem>> -> memref<78x128xi32, #tpu.memory_space<vmem>>
      %dma_start3A_281 = arith.constant 0 : i32
      %dma_start3A_282 = tpu.memref_slice %arg3[%run_scoped3A_14, %add3A_4, %dma_start3A_281] : memref<2x2500x128xi32, #tpu.memory_space<hbm>> -> memref<1x78x128xi32, #tpu.memory_space<hbm>>
      %dma_start3A_283 = tpu.memref_squeeze %dma_start3A_282 : memref<1x78x128xi32, #tpu.memory_space<hbm>> -> memref<78x128xi32, #tpu.memory_space<hbm>>
      tpu.enqueue_dma source(%dma_start3A_283 : memref<78x128xi32, #tpu.memory_space<hbm>>) target(%dma_start3A_280 : memref<78x128xi32, #tpu.memory_space<vmem>>) target_semaphore(%run_scoped3A_271 : memref<!tpu.dma_semaphore, #tpu.memory_space<semaphore_mem>>)
      %dma_wait3A_284 = arith.constant 0 : i32
      %dma_wait3A_285 = arith.constant 0 : i32
      %dma_wait3A_286 = tpu.memref_slice %arg7[%dma_wait3A_284, %dma_wait3A_285] : memref<79x128xi32, #tpu.memory_space<vmem>> -> memref<78x128xi32, #tpu.memory_space<vmem>>
      %dma_wait3A_287 = arith.constant 0 : i32
      %dma_wait3A_288 = tpu.memref_slice %arg3[%run_scoped3A_14, %add3A_4, %dma_wait3A_287] : memref<2x2500x128xi32, #tpu.memory_space<hbm>> -> memref<1x78x128xi32, #tpu.memory_space<hbm>>
      %dma_wait3A_289 = tpu.memref_squeeze %dma_wait3A_288 : memref<1x78x128xi32, #tpu.memory_space<hbm>> -> memref<78x128xi32, #tpu.memory_space<hbm>>
      %dma_wait3A_290 = arith.constant 0 : i32
      %dma_wait3A_291 = arith.constant 0 : i32
      %dma_wait3A_292 = tpu.memref_slice %arg7[%dma_wait3A_290, %dma_wait3A_291] : memref<79x128xi32, #tpu.memory_space<vmem>> -> memref<78x128xi32, #tpu.memory_space<vmem>>
      %dma_wait3A_293 = arith.constant 0 : i32
      %dma_wait3A_294 = tpu.memref_slice %arg3[%run_scoped3A_14, %add3A_4, %dma_wait3A_293] : memref<2x2500x128xi32, #tpu.memory_space<hbm>> -> memref<1x78x128xi32, #tpu.memory_space<hbm>>
      %dma_wait3A_295 = tpu.memref_squeeze %dma_wait3A_294 : memref<1x78x128xi32, #tpu.memory_space<hbm>> -> memref<78x128xi32, #tpu.memory_space<hbm>>
      tpu.wait_dma2 semaphore(%run_scoped3A_271 : memref<!tpu.dma_semaphore, #tpu.memory_space<semaphore_mem>>) src(%dma_wait3A_295 : memref<78x128xi32, #tpu.memory_space<hbm>>) dst(%dma_wait3A_292 : memref<78x128xi32, #tpu.memory_space<vmem>>)
      tpu.yield
    }) : () -> ()
    %convert_element_type3A_15 = arith.extui %lt3A_5 : i1 to i32
    %cond3A_16 = arith.constant 0 : i32
    %cond3A_17 = arith.cmpi ne, %convert_element_type3A_15, %cond3A_16 : i32
    scf.if %cond3A_17 {
      %add3A_271 = arith.constant 78 : i32
      %add3A_272 = arith.addi %add3A_4, %add3A_271 : i32
      %run_scoped3A_273 = arith.constant 1 : i32
      "tpu.region"() ({
        %run_scoped3A_274 = tpu.sem_alloc : memref<!tpu.dma_semaphore, #tpu.memory_space<semaphore_mem>>
        %dma_start3A_275 = arith.constant 78 : i32
        %dma_start3A_276 = arith.constant 0 : i32
        %dma_start3A_277 = tpu.memref_slice %arg7[%dma_start3A_275, %dma_start3A_276] : memref<79x128xi32, #tpu.memory_space<vmem>> -> memref<1x128xi32, #tpu.memory_space<vmem>>
        %dma_start3A_278 = arith.constant 0 : i32
        %dma_start3A_279 = tpu.memref_slice %arg3[%run_scoped3A_273, %add3A_272, %dma_start3A_278] : memref<2x2500x128xi32, #tpu.memory_space<hbm>> -> memref<1x1x128xi32, #tpu.memory_space<hbm>>
        %dma_start3A_280 = tpu.memref_squeeze %dma_start3A_279 : memref<1x1x128xi32, #tpu.memory_space<hbm>> -> memref<1x128xi32, #tpu.memory_space<hbm>>
        %dma_start3A_281 = arith.constant 78 : i32
        %dma_start3A_282 = arith.constant 0 : i32
        %dma_start3A_283 = tpu.memref_slice %arg7[%dma_start3A_281, %dma_start3A_282] : memref<79x128xi32, #tpu.memory_space<vmem>> -> memref<1x128xi32, #tpu.memory_space<vmem>>
        %dma_start3A_284 = arith.constant 0 : i32
        %dma_start3A_285 = tpu.memref_slice %arg3[%run_scoped3A_273, %add3A_272, %dma_start3A_284] : memref<2x2500x128xi32, #tpu.memory_space<hbm>> -> memref<1x1x128xi32, #tpu.memory_space<hbm>>
        %dma_start3A_286 = tpu.memref_squeeze %dma_start3A_285 : memref<1x1x128xi32, #tpu.memory_space<hbm>> -> memref<1x128xi32, #tpu.memory_space<hbm>>
        tpu.enqueue_dma source(%dma_start3A_286 : memref<1x128xi32, #tpu.memory_space<hbm>>) target(%dma_start3A_283 : memref<1x128xi32, #tpu.memory_space<vmem>>) target_semaphore(%run_scoped3A_274 : memref<!tpu.dma_semaphore, #tpu.memory_space<semaphore_mem>>)
        %dma_wait3A_287 = arith.constant 78 : i32
        %dma_wait3A_288 = arith.constant 0 : i32
        %dma_wait3A_289 = tpu.memref_slice %arg7[%dma_wait3A_287, %dma_wait3A_288] : memref<79x128xi32, #tpu.memory_space<vmem>> -> memref<1x128xi32, #tpu.memory_space<vmem>>
        %dma_wait3A_290 = arith.constant 0 : i32
        %dma_wait3A_291 = tpu.memref_slice %arg3[%run_scoped3A_273, %add3A_272, %dma_wait3A_290] : memref<2x2500x128xi32, #tpu.memory_space<hbm>> -> memref<1x1x128xi32, #tpu.memory_space<hbm>>
        %dma_wait3A_292 = tpu.memref_squeeze %dma_wait3A_291 : memref<1x1x128xi32, #tpu.memory_space<hbm>> -> memref<1x128xi32, #tpu.memory_space<hbm>>
        %dma_wait3A_293 = arith.constant 78 : i32
        %dma_wait3A_294 = arith.constant 0 : i32
        %dma_wait3A_295 = tpu.memref_slice %arg7[%dma_wait3A_293, %dma_wait3A_294] : memref<79x128xi32, #tpu.memory_space<vmem>> -> memref<1x128xi32, #tpu.memory_space<vmem>>
        %dma_wait3A_296 = arith.constant 0 : i32
        %dma_wait3A_297 = tpu.memref_slice %arg3[%run_scoped3A_273, %add3A_272, %dma_wait3A_296] : memref<2x2500x128xi32, #tpu.memory_space<hbm>> -> memref<1x1x128xi32, #tpu.memory_space<hbm>>
        %dma_wait3A_298 = tpu.memref_squeeze %dma_wait3A_297 : memref<1x1x128xi32, #tpu.memory_space<hbm>> -> memref<1x128xi32, #tpu.memory_space<hbm>>
        tpu.wait_dma2 semaphore(%run_scoped3A_274 : memref<!tpu.dma_semaphore, #tpu.memory_space<semaphore_mem>>) src(%dma_wait3A_298 : memref<1x128xi32, #tpu.memory_space<hbm>>) dst(%dma_wait3A_295 : memref<1x128xi32, #tpu.memory_space<vmem>>)
        tpu.yield
      }) : () -> ()
    } else {
    }
    %barrier3A = arith.constant 0 : index
    tpu.barrier barrier_id(%barrier3A)
    %dma_start3A = arith.constant 0 : i32
    %dma_start3A_18 = arith.constant 0 : i32
    %dma_start3A_19 = arith.constant 0 : i32
    %dma_start3A_20 = arith.constant 0 : i32
    %dma_start3A_21 = arith.constant 0 : i32
    %dma_start3A_22 = tpu.memref_slice %arg8[%dma_start3A_18, %dma_start3A_20, %dma_start3A_21] : memref<8x128x64xf32, #tpu.memory_space<vmem>> -> memref<1x128x64xf32, #tpu.memory_space<vmem>>
    %dma_start3A_23 = tpu.memref_squeeze %dma_start3A_22 : memref<1x128x64xf32, #tpu.memory_space<vmem>> -> memref<128x64xf32, #tpu.memory_space<vmem>>
    %dma_start3A_24 = arith.constant 0 : i32
    %dma_start3A_25 = tpu.memref_slice %arg6[%dma_start3A, %dma_start3A_24] : memref<79x128xi32, #tpu.memory_space<vmem>> -> memref<1x128xi32, #tpu.memory_space<vmem>>
    %dma_start3A_26 = tpu.memref_squeeze %dma_start3A_25 : memref<1x128xi32, #tpu.memory_space<vmem>> -> memref<128xi32, #tpu.memory_space<vmem>>
    %dma_start3A_27 = arith.constant 0 : i32
    %dma_start3A_28 = arith.constant 0 : i32
    %dma_start3A_29 = tpu.memref_slice %arg2[%dma_start3A_27, %dma_start3A_28] : memref<10000x64xf32, #tpu.memory_space<hbm>> -> memref<10000x64xf32, #tpu.memory_space<hbm>>
    %dma_start3A_30 = tpu.memref_slice %arg10[%dma_start3A_19] : memref<8x!tpu.dma_semaphore, #tpu.memory_space<semaphore_mem>> -> memref<1x!tpu.dma_semaphore, #tpu.memory_space<semaphore_mem>>
    %dma_start3A_31 = tpu.memref_squeeze %dma_start3A_30 : memref<1x!tpu.dma_semaphore, #tpu.memory_space<semaphore_mem>> -> memref<!tpu.dma_semaphore, #tpu.memory_space<semaphore_mem>>
    tpu.enqueue_indirect_dma source(%dma_start3A_29 : memref<10000x64xf32, #tpu.memory_space<hbm>>) target(%dma_start3A_23 : memref<128x64xf32, #tpu.memory_space<vmem>>) offsets(%dma_start3A_26 : memref<128xi32, #tpu.memory_space<vmem>>) semaphore(%dma_start3A_31 : memref<!tpu.dma_semaphore, #tpu.memory_space<semaphore_mem>>)
    %dma_start3A_32 = arith.constant 1 : i32
    %dma_start3A_33 = arith.constant 1 : i32
    %dma_start3A_34 = arith.constant 1 : i32
    %dma_start3A_35 = arith.constant 0 : i32
    %dma_start3A_36 = arith.constant 0 : i32
    %dma_start3A_37 = tpu.memref_slice %arg8[%dma_start3A_33, %dma_start3A_35, %dma_start3A_36] : memref<8x128x64xf32, #tpu.memory_space<vmem>> -> memref<1x128x64xf32, #tpu.memory_space<vmem>>
    %dma_start3A_38 = tpu.memref_squeeze %dma_start3A_37 : memref<1x128x64xf32, #tpu.memory_space<vmem>> -> memref<128x64xf32, #tpu.memory_space<vmem>>
    %dma_start3A_39 = arith.constant 0 : i32
    %dma_start3A_40 = tpu.memref_slice %arg6[%dma_start3A_32, %dma_start3A_39] : memref<79x128xi32, #tpu.memory_space<vmem>> -> memref<1x128xi32, #tpu.memory_space<vmem>>
    %dma_start3A_41 = tpu.memref_squeeze %dma_start3A_40 : memref<1x128xi32, #tpu.memory_space<vmem>> -> memref<128xi32, #tpu.memory_space<vmem>>
    %dma_start3A_42 = arith.constant 0 : i32
    %dma_start3A_43 = arith.constant 0 : i32
    %dma_start3A_44 = tpu.memref_slice %arg2[%dma_start3A_42, %dma_start3A_43] : memref<10000x64xf32, #tpu.memory_space<hbm>> -> memref<10000x64xf32, #tpu.memory_space<hbm>>
    %dma_start3A_45 = tpu.memref_slice %arg10[%dma_start3A_34] : memref<8x!tpu.dma_semaphore, #tpu.memory_space<semaphore_mem>> -> memref<1x!tpu.dma_semaphore, #tpu.memory_space<semaphore_mem>>
    %dma_start3A_46 = tpu.memref_squeeze %dma_start3A_45 : memref<1x!tpu.dma_semaphore, #tpu.memory_space<semaphore_mem>> -> memref<!tpu.dma_semaphore, #tpu.memory_space<semaphore_mem>>
    tpu.enqueue_indirect_dma source(%dma_start3A_44 : memref<10000x64xf32, #tpu.memory_space<hbm>>) target(%dma_start3A_38 : memref<128x64xf32, #tpu.memory_space<vmem>>) offsets(%dma_start3A_41 : memref<128xi32, #tpu.memory_space<vmem>>) semaphore(%dma_start3A_46 : memref<!tpu.dma_semaphore, #tpu.memory_space<semaphore_mem>>)
    %dma_start3A_47 = arith.constant 2 : i32
    %dma_start3A_48 = arith.constant 2 : i32
    %dma_start3A_49 = arith.constant 2 : i32
    %dma_start3A_50 = arith.constant 0 : i32
    %dma_start3A_51 = arith.constant 0 : i32
    %dma_start3A_52 = tpu.memref_slice %arg8[%dma_start3A_48, %dma_start3A_50, %dma_start3A_51] : memref<8x128x64xf32, #tpu.memory_space<vmem>> -> memref<1x128x64xf32, #tpu.memory_space<vmem>>
    %dma_start3A_53 = tpu.memref_squeeze %dma_start3A_52 : memref<1x128x64xf32, #tpu.memory_space<vmem>> -> memref<128x64xf32, #tpu.memory_space<vmem>>
    %dma_start3A_54 = arith.constant 0 : i32
    %dma_start3A_55 = tpu.memref_slice %arg6[%dma_start3A_47, %dma_start3A_54] : memref<79x128xi32, #tpu.memory_space<vmem>> -> memref<1x128xi32, #tpu.memory_space<vmem>>
    %dma_start3A_56 = tpu.memref_squeeze %dma_start3A_55 : memref<1x128xi32, #tpu.memory_space<vmem>> -> memref<128xi32, #tpu.memory_space<vmem>>
    %dma_start3A_57 = arith.constant 0 : i32
    %dma_start3A_58 = arith.constant 0 : i32
    %dma_start3A_59 = tpu.memref_slice %arg2[%dma_start3A_57, %dma_start3A_58] : memref<10000x64xf32, #tpu.memory_space<hbm>> -> memref<10000x64xf32, #tpu.memory_space<hbm>>
    %dma_start3A_60 = tpu.memref_slice %arg10[%dma_start3A_49] : memref<8x!tpu.dma_semaphore, #tpu.memory_space<semaphore_mem>> -> memref<1x!tpu.dma_semaphore, #tpu.memory_space<semaphore_mem>>
    %dma_start3A_61 = tpu.memref_squeeze %dma_start3A_60 : memref<1x!tpu.dma_semaphore, #tpu.memory_space<semaphore_mem>> -> memref<!tpu.dma_semaphore, #tpu.memory_space<semaphore_mem>>
    tpu.enqueue_indirect_dma source(%dma_start3A_59 : memref<10000x64xf32, #tpu.memory_space<hbm>>) target(%dma_start3A_53 : memref<128x64xf32, #tpu.memory_space<vmem>>) offsets(%dma_start3A_56 : memref<128xi32, #tpu.memory_space<vmem>>) semaphore(%dma_start3A_61 : memref<!tpu.dma_semaphore, #tpu.memory_space<semaphore_mem>>)
    %dma_start3A_62 = arith.constant 3 : i32
    %dma_start3A_63 = arith.constant 3 : i32
    %dma_start3A_64 = arith.constant 3 : i32
    %dma_start3A_65 = arith.constant 0 : i32
    %dma_start3A_66 = arith.constant 0 : i32
    %dma_start3A_67 = tpu.memref_slice %arg8[%dma_start3A_63, %dma_start3A_65, %dma_start3A_66] : memref<8x128x64xf32, #tpu.memory_space<vmem>> -> memref<1x128x64xf32, #tpu.memory_space<vmem>>
    %dma_start3A_68 = tpu.memref_squeeze %dma_start3A_67 : memref<1x128x64xf32, #tpu.memory_space<vmem>> -> memref<128x64xf32, #tpu.memory_space<vmem>>
    %dma_start3A_69 = arith.constant 0 : i32
    %dma_start3A_70 = tpu.memref_slice %arg6[%dma_start3A_62, %dma_start3A_69] : memref<79x128xi32, #tpu.memory_space<vmem>> -> memref<1x128xi32, #tpu.memory_space<vmem>>
    %dma_start3A_71 = tpu.memref_squeeze %dma_start3A_70 : memref<1x128xi32, #tpu.memory_space<vmem>> -> memref<128xi32, #tpu.memory_space<vmem>>
    %dma_start3A_72 = arith.constant 0 : i32
    %dma_start3A_73 = arith.constant 0 : i32
    %dma_start3A_74 = tpu.memref_slice %arg2[%dma_start3A_72, %dma_start3A_73] : memref<10000x64xf32, #tpu.memory_space<hbm>> -> memref<10000x64xf32, #tpu.memory_space<hbm>>
    %dma_start3A_75 = tpu.memref_slice %arg10[%dma_start3A_64] : memref<8x!tpu.dma_semaphore, #tpu.memory_space<semaphore_mem>> -> memref<1x!tpu.dma_semaphore, #tpu.memory_space<semaphore_mem>>
    %dma_start3A_76 = tpu.memref_squeeze %dma_start3A_75 : memref<1x!tpu.dma_semaphore, #tpu.memory_space<semaphore_mem>> -> memref<!tpu.dma_semaphore, #tpu.memory_space<semaphore_mem>>
    tpu.enqueue_indirect_dma source(%dma_start3A_74 : memref<10000x64xf32, #tpu.memory_space<hbm>>) target(%dma_start3A_68 : memref<128x64xf32, #tpu.memory_space<vmem>>) offsets(%dma_start3A_71 : memref<128xi32, #tpu.memory_space<vmem>>) semaphore(%dma_start3A_76 : memref<!tpu.dma_semaphore, #tpu.memory_space<semaphore_mem>>)
    %dma_start3A_77 = arith.constant 4 : i32
    %dma_start3A_78 = arith.constant 4 : i32
    %dma_start3A_79 = arith.constant 4 : i32
    %dma_start3A_80 = arith.constant 0 : i32
    %dma_start3A_81 = arith.constant 0 : i32
    %dma_start3A_82 = tpu.memref_slice %arg8[%dma_start3A_78, %dma_start3A_80, %dma_start3A_81] : memref<8x128x64xf32, #tpu.memory_space<vmem>> -> memref<1x128x64xf32, #tpu.memory_space<vmem>>
    %dma_start3A_83 = tpu.memref_squeeze %dma_start3A_82 : memref<1x128x64xf32, #tpu.memory_space<vmem>> -> memref<128x64xf32, #tpu.memory_space<vmem>>
    %dma_start3A_84 = arith.constant 0 : i32
    %dma_start3A_85 = tpu.memref_slice %arg6[%dma_start3A_77, %dma_start3A_84] : memref<79x128xi32, #tpu.memory_space<vmem>> -> memref<1x128xi32, #tpu.memory_space<vmem>>
    %dma_start3A_86 = tpu.memref_squeeze %dma_start3A_85 : memref<1x128xi32, #tpu.memory_space<vmem>> -> memref<128xi32, #tpu.memory_space<vmem>>
    %dma_start3A_87 = arith.constant 0 : i32
    %dma_start3A_88 = arith.constant 0 : i32
    %dma_start3A_89 = tpu.memref_slice %arg2[%dma_start3A_87, %dma_start3A_88] : memref<10000x64xf32, #tpu.memory_space<hbm>> -> memref<10000x64xf32, #tpu.memory_space<hbm>>
    %dma_start3A_90 = tpu.memref_slice %arg10[%dma_start3A_79] : memref<8x!tpu.dma_semaphore, #tpu.memory_space<semaphore_mem>> -> memref<1x!tpu.dma_semaphore, #tpu.memory_space<semaphore_mem>>
    %dma_start3A_91 = tpu.memref_squeeze %dma_start3A_90 : memref<1x!tpu.dma_semaphore, #tpu.memory_space<semaphore_mem>> -> memref<!tpu.dma_semaphore, #tpu.memory_space<semaphore_mem>>
    tpu.enqueue_indirect_dma source(%dma_start3A_89 : memref<10000x64xf32, #tpu.memory_space<hbm>>) target(%dma_start3A_83 : memref<128x64xf32, #tpu.memory_space<vmem>>) offsets(%dma_start3A_86 : memref<128xi32, #tpu.memory_space<vmem>>) semaphore(%dma_start3A_91 : memref<!tpu.dma_semaphore, #tpu.memory_space<semaphore_mem>>)
    %dma_start3A_92 = arith.constant 5 : i32
    %dma_start3A_93 = arith.constant 5 : i32
    %dma_start3A_94 = arith.constant 5 : i32
    %dma_start3A_95 = arith.constant 0 : i32
    %dma_start3A_96 = arith.constant 0 : i32
    %dma_start3A_97 = tpu.memref_slice %arg8[%dma_start3A_93, %dma_start3A_95, %dma_start3A_96] : memref<8x128x64xf32, #tpu.memory_space<vmem>> -> memref<1x128x64xf32, #tpu.memory_space<vmem>>
    %dma_start3A_98 = tpu.memref_squeeze %dma_start3A_97 : memref<1x128x64xf32, #tpu.memory_space<vmem>> -> memref<128x64xf32, #tpu.memory_space<vmem>>
    %dma_start3A_99 = arith.constant 0 : i32
    %dma_start3A_100 = tpu.memref_slice %arg6[%dma_start3A_92, %dma_start3A_99] : memref<79x128xi32, #tpu.memory_space<vmem>> -> memref<1x128xi32, #tpu.memory_space<vmem>>
    %dma_start3A_101 = tpu.memref_squeeze %dma_start3A_100 : memref<1x128xi32, #tpu.memory_space<vmem>> -> memref<128xi32, #tpu.memory_space<vmem>>
    %dma_start3A_102 = arith.constant 0 : i32
    %dma_start3A_103 = arith.constant 0 : i32
    %dma_start3A_104 = tpu.memref_slice %arg2[%dma_start3A_102, %dma_start3A_103] : memref<10000x64xf32, #tpu.memory_space<hbm>> -> memref<10000x64xf32, #tpu.memory_space<hbm>>
    %dma_start3A_105 = tpu.memref_slice %arg10[%dma_start3A_94] : memref<8x!tpu.dma_semaphore, #tpu.memory_space<semaphore_mem>> -> memref<1x!tpu.dma_semaphore, #tpu.memory_space<semaphore_mem>>
    %dma_start3A_106 = tpu.memref_squeeze %dma_start3A_105 : memref<1x!tpu.dma_semaphore, #tpu.memory_space<semaphore_mem>> -> memref<!tpu.dma_semaphore, #tpu.memory_space<semaphore_mem>>
    tpu.enqueue_indirect_dma source(%dma_start3A_104 : memref<10000x64xf32, #tpu.memory_space<hbm>>) target(%dma_start3A_98 : memref<128x64xf32, #tpu.memory_space<vmem>>) offsets(%dma_start3A_101 : memref<128xi32, #tpu.memory_space<vmem>>) semaphore(%dma_start3A_106 : memref<!tpu.dma_semaphore, #tpu.memory_space<semaphore_mem>>)
    %dma_start3A_107 = arith.constant 6 : i32
    %dma_start3A_108 = arith.constant 6 : i32
    %dma_start3A_109 = arith.constant 6 : i32
    %dma_start3A_110 = arith.constant 0 : i32
    %dma_start3A_111 = arith.constant 0 : i32
    %dma_start3A_112 = tpu.memref_slice %arg8[%dma_start3A_108, %dma_start3A_110, %dma_start3A_111] : memref<8x128x64xf32, #tpu.memory_space<vmem>> -> memref<1x128x64xf32, #tpu.memory_space<vmem>>
    %dma_start3A_113 = tpu.memref_squeeze %dma_start3A_112 : memref<1x128x64xf32, #tpu.memory_space<vmem>> -> memref<128x64xf32, #tpu.memory_space<vmem>>
    %dma_start3A_114 = arith.constant 0 : i32
    %dma_start3A_115 = tpu.memref_slice %arg6[%dma_start3A_107, %dma_start3A_114] : memref<79x128xi32, #tpu.memory_space<vmem>> -> memref<1x128xi32, #tpu.memory_space<vmem>>
    %dma_start3A_116 = tpu.memref_squeeze %dma_start3A_115 : memref<1x128xi32, #tpu.memory_space<vmem>> -> memref<128xi32, #tpu.memory_space<vmem>>
    %dma_start3A_117 = arith.constant 0 : i32
    %dma_start3A_118 = arith.constant 0 : i32
    %dma_start3A_119 = tpu.memref_slice %arg2[%dma_start3A_117, %dma_start3A_118] : memref<10000x64xf32, #tpu.memory_space<hbm>> -> memref<10000x64xf32, #tpu.memory_space<hbm>>
    %dma_start3A_120 = tpu.memref_slice %arg10[%dma_start3A_109] : memref<8x!tpu.dma_semaphore, #tpu.memory_space<semaphore_mem>> -> memref<1x!tpu.dma_semaphore, #tpu.memory_space<semaphore_mem>>
    %dma_start3A_121 = tpu.memref_squeeze %dma_start3A_120 : memref<1x!tpu.dma_semaphore, #tpu.memory_space<semaphore_mem>> -> memref<!tpu.dma_semaphore, #tpu.memory_space<semaphore_mem>>
    tpu.enqueue_indirect_dma source(%dma_start3A_119 : memref<10000x64xf32, #tpu.memory_space<hbm>>) target(%dma_start3A_113 : memref<128x64xf32, #tpu.memory_space<vmem>>) offsets(%dma_start3A_116 : memref<128xi32, #tpu.memory_space<vmem>>) semaphore(%dma_start3A_121 : memref<!tpu.dma_semaphore, #tpu.memory_space<semaphore_mem>>)
    %dma_start3A_122 = arith.constant 7 : i32
    %dma_start3A_123 = arith.constant 7 : i32
    %dma_start3A_124 = arith.constant 7 : i32
    %dma_start3A_125 = arith.constant 0 : i32
    %dma_start3A_126 = arith.constant 0 : i32
    %dma_start3A_127 = tpu.memref_slice %arg8[%dma_start3A_123, %dma_start3A_125, %dma_start3A_126] : memref<8x128x64xf32, #tpu.memory_space<vmem>> -> memref<1x128x64xf32, #tpu.memory_space<vmem>>
    %dma_start3A_128 = tpu.memref_squeeze %dma_start3A_127 : memref<1x128x64xf32, #tpu.memory_space<vmem>> -> memref<128x64xf32, #tpu.memory_space<vmem>>
    %dma_start3A_129 = arith.constant 0 : i32
    %dma_start3A_130 = tpu.memref_slice %arg6[%dma_start3A_122, %dma_start3A_129] : memref<79x128xi32, #tpu.memory_space<vmem>> -> memref<1x128xi32, #tpu.memory_space<vmem>>
    %dma_start3A_131 = tpu.memref_squeeze %dma_start3A_130 : memref<1x128xi32, #tpu.memory_space<vmem>> -> memref<128xi32, #tpu.memory_space<vmem>>
    %dma_start3A_132 = arith.constant 0 : i32
    %dma_start3A_133 = arith.constant 0 : i32
    %dma_start3A_134 = tpu.memref_slice %arg2[%dma_start3A_132, %dma_start3A_133] : memref<10000x64xf32, #tpu.memory_space<hbm>> -> memref<10000x64xf32, #tpu.memory_space<hbm>>
    %dma_start3A_135 = tpu.memref_slice %arg10[%dma_start3A_124] : memref<8x!tpu.dma_semaphore, #tpu.memory_space<semaphore_mem>> -> memref<1x!tpu.dma_semaphore, #tpu.memory_space<semaphore_mem>>
    %dma_start3A_136 = tpu.memref_squeeze %dma_start3A_135 : memref<1x!tpu.dma_semaphore, #tpu.memory_space<semaphore_mem>> -> memref<!tpu.dma_semaphore, #tpu.memory_space<semaphore_mem>>
    tpu.enqueue_indirect_dma source(%dma_start3A_134 : memref<10000x64xf32, #tpu.memory_space<hbm>>) target(%dma_start3A_128 : memref<128x64xf32, #tpu.memory_space<vmem>>) offsets(%dma_start3A_131 : memref<128xi32, #tpu.memory_space<vmem>>) semaphore(%dma_start3A_136 : memref<!tpu.dma_semaphore, #tpu.memory_space<semaphore_mem>>)
    %scan3A = arith.constant 0 : i32
    %scan3A_137 = arith.constant 0 : i32
    %scan3A_138 = arith.constant 10 : i32
    %scan3A_139 = arith.addi %scan3A_137, %scan3A_138 : i32
    %scan3A_140 = arith.constant 1 : i32
    scf.for %scan3A_271 = %scan3A_137 to %scan3A_139 step %scan3A_140  : i32 {
      %mul3A_272 = arith.constant 8 : i32
      %mul3A_273 = arith.muli %scan3A_271, %mul3A_272 : i32
      %add3A_274 = arith.constant 0 : i32
      %add3A_275 = arith.addi %mul3A_273, %add3A_274 : i32
      %lt3A_276 = arith.cmpi slt, %add3A_275, %add3A_7 : i32
      %convert_element_type3A_277 = arith.extui %lt3A_276 : i1 to i32
      %cond3A_278 = arith.constant 0 : i32
      %cond3A_279 = arith.cmpi ne, %convert_element_type3A_277, %cond3A_278 : i32
      scf.if %cond3A_279 {
        %dma_wait3A_384 = arith.constant 0 : i32
        %dma_wait3A_385 = arith.constant 0 : i32
        %dma_wait3A_386 = arith.constant 0 : i32
        %dma_wait3A_387 = arith.constant 0 : i32
        %dma_wait3A_388 = tpu.memref_slice %arg8[%dma_wait3A_384, %dma_wait3A_386, %dma_wait3A_387] : memref<8x128x64xf32, #tpu.memory_space<vmem>> -> memref<1x128x64xf32, #tpu.memory_space<vmem>>
        %dma_wait3A_389 = tpu.memref_squeeze %dma_wait3A_388 : memref<1x128x64xf32, #tpu.memory_space<vmem>> -> memref<128x64xf32, #tpu.memory_space<vmem>>
        %dma_wait3A_390 = arith.constant 0 : i32
        %dma_wait3A_391 = tpu.memref_slice %arg6[%add3A_275, %dma_wait3A_390] : memref<79x128xi32, #tpu.memory_space<vmem>> -> memref<1x128xi32, #tpu.memory_space<vmem>>
        %dma_wait3A_392 = tpu.memref_squeeze %dma_wait3A_391 : memref<1x128xi32, #tpu.memory_space<vmem>> -> memref<128xi32, #tpu.memory_space<vmem>>
        %dma_wait3A_393 = arith.constant 0 : i32
        %dma_wait3A_394 = arith.constant 0 : i32
        %dma_wait3A_395 = tpu.memref_slice %arg2[%dma_wait3A_393, %dma_wait3A_394] : memref<10000x64xf32, #tpu.memory_space<hbm>> -> memref<10000x64xf32, #tpu.memory_space<hbm>>
        %dma_wait3A_396 = tpu.memref_slice %arg10[%dma_wait3A_385] : memref<8x!tpu.dma_semaphore, #tpu.memory_space<semaphore_mem>> -> memref<1x!tpu.dma_semaphore, #tpu.memory_space<semaphore_mem>>
        %dma_wait3A_397 = tpu.memref_squeeze %dma_wait3A_396 : memref<1x!tpu.dma_semaphore, #tpu.memory_space<semaphore_mem>> -> memref<!tpu.dma_semaphore, #tpu.memory_space<semaphore_mem>>
        tpu.wait_indirect_dma semaphore(%dma_wait3A_397 : memref<!tpu.dma_semaphore, #tpu.memory_space<semaphore_mem>>) src(%dma_wait3A_395 : memref<10000x64xf32, #tpu.memory_space<hbm>>) dst(%dma_wait3A_389 : memref<128x64xf32, #tpu.memory_space<vmem>>)
        %dma_start3A_398 = arith.constant 0 : i32
        %dma_start3A_399 = arith.constant 0 : i32
        %dma_start3A_400 = arith.constant 0 : i32
        %dma_start3A_401 = arith.constant 0 : i32
        %dma_start3A_402 = tpu.memref_slice %arg8[%dma_start3A_398, %dma_start3A_400, %dma_start3A_401] : memref<8x128x64xf32, #tpu.memory_space<vmem>> -> memref<1x128x64xf32, #tpu.memory_space<vmem>>
        %dma_start3A_403 = tpu.memref_squeeze %dma_start3A_402 : memref<1x128x64xf32, #tpu.memory_space<vmem>> -> memref<128x64xf32, #tpu.memory_space<vmem>>
        %dma_start3A_404 = arith.constant 0 : i32
        %dma_start3A_405 = tpu.memref_slice %arg7[%add3A_275, %dma_start3A_404] : memref<79x128xi32, #tpu.memory_space<vmem>> -> memref<1x128xi32, #tpu.memory_space<vmem>>
        %dma_start3A_406 = tpu.memref_squeeze %dma_start3A_405 : memref<1x128xi32, #tpu.memory_space<vmem>> -> memref<128xi32, #tpu.memory_space<vmem>>
        %dma_start3A_407 = arith.constant 0 : i32
        %dma_start3A_408 = arith.constant 0 : i32
        %dma_start3A_409 = tpu.memref_slice %arg9[%dma_start3A_407, %dma_start3A_408] : memref<10000x64xf32, #tpu.memory_space<vmem_shared>> -> memref<10000x64xf32, #tpu.memory_space<vmem_shared>>
        %dma_start3A_410 = tpu.memref_slice %arg11[%dma_start3A_399] : memref<8x!tpu.dma_semaphore, #tpu.memory_space<semaphore_mem>> -> memref<1x!tpu.dma_semaphore, #tpu.memory_space<semaphore_mem>>
        %dma_start3A_411 = tpu.memref_squeeze %dma_start3A_410 : memref<1x!tpu.dma_semaphore, #tpu.memory_space<semaphore_mem>> -> memref<!tpu.dma_semaphore, #tpu.memory_space<semaphore_mem>>
        tpu.enqueue_indirect_dma source(%dma_start3A_403 : memref<128x64xf32, #tpu.memory_space<vmem>>) target(%dma_start3A_409 : memref<10000x64xf32, #tpu.memory_space<vmem_shared>>) offsets(%dma_start3A_406 : memref<128xi32, #tpu.memory_space<vmem>>) semaphore(%dma_start3A_411 : memref<!tpu.dma_semaphore, #tpu.memory_space<semaphore_mem>>) {add = true}
      } else {
      }
      %add3A_280 = arith.constant 8 : i32
      %add3A_281 = arith.addi %add3A_275, %add3A_280 : i32
      %lt3A_282 = arith.cmpi slt, %add3A_281, %add3A_7 : i32
      %convert_element_type3A_283 = arith.extui %lt3A_282 : i1 to i32
      %cond3A_284 = arith.constant 0 : i32
      %cond3A_285 = arith.cmpi ne, %convert_element_type3A_283, %cond3A_284 : i32
      scf.if %cond3A_285 {
        %dma_wait3A_384 = arith.constant 0 : i32
        %dma_wait3A_385 = arith.constant 0 : i32
        %dma_wait3A_386 = arith.constant 0 : i32
        %dma_wait3A_387 = arith.constant 0 : i32
        %dma_wait3A_388 = tpu.memref_slice %arg8[%dma_wait3A_384, %dma_wait3A_386, %dma_wait3A_387] : memref<8x128x64xf32, #tpu.memory_space<vmem>> -> memref<1x128x64xf32, #tpu.memory_space<vmem>>
        %dma_wait3A_389 = tpu.memref_squeeze %dma_wait3A_388 : memref<1x128x64xf32, #tpu.memory_space<vmem>> -> memref<128x64xf32, #tpu.memory_space<vmem>>
        %dma_wait3A_390 = arith.constant 0 : i32
        %dma_wait3A_391 = tpu.memref_slice %arg7[%add3A_275, %dma_wait3A_390] : memref<79x128xi32, #tpu.memory_space<vmem>> -> memref<1x128xi32, #tpu.memory_space<vmem>>
        %dma_wait3A_392 = tpu.memref_squeeze %dma_wait3A_391 : memref<1x128xi32, #tpu.memory_space<vmem>> -> memref<128xi32, #tpu.memory_space<vmem>>
        %dma_wait3A_393 = arith.constant 0 : i32
        %dma_wait3A_394 = arith.constant 0 : i32
        %dma_wait3A_395 = tpu.memref_slice %arg9[%dma_wait3A_393, %dma_wait3A_394] : memref<10000x64xf32, #tpu.memory_space<vmem_shared>> -> memref<10000x64xf32, #tpu.memory_space<vmem_shared>>
        %dma_wait3A_396 = tpu.memref_slice %arg11[%dma_wait3A_385] : memref<8x!tpu.dma_semaphore, #tpu.memory_space<semaphore_mem>> -> memref<1x!tpu.dma_semaphore, #tpu.memory_space<semaphore_mem>>
        %dma_wait3A_397 = tpu.memref_squeeze %dma_wait3A_396 : memref<1x!tpu.dma_semaphore, #tpu.memory_space<semaphore_mem>> -> memref<!tpu.dma_semaphore, #tpu.memory_space<semaphore_mem>>
        tpu.wait_indirect_dma semaphore(%dma_wait3A_397 : memref<!tpu.dma_semaphore, #tpu.memory_space<semaphore_mem>>) src(%dma_wait3A_389 : memref<128x64xf32, #tpu.memory_space<vmem>>) dst(%dma_wait3A_395 : memref<10000x64xf32, #tpu.memory_space<vmem_shared>>)
        %add3A_398 = arith.constant 8 : i32
        %add3A_399 = arith.addi %add3A_275, %add3A_398 : i32
        %dma_start3A_400 = arith.constant 0 : i32
        %dma_start3A_401 = arith.constant 0 : i32
        %dma_start3A_402 = arith.constant 0 : i32
        %dma_start3A_403 = arith.constant 0 : i32
        %dma_start3A_404 = tpu.memref_slice %arg8[%dma_start3A_400, %dma_start3A_402, %dma_start3A_403] : memref<8x128x64xf32, #tpu.memory_space<vmem>> -> memref<1x128x64xf32, #tpu.memory_space<vmem>>
        %dma_start3A_405 = tpu.memref_squeeze %dma_start3A_404 : memref<1x128x64xf32, #tpu.memory_space<vmem>> -> memref<128x64xf32, #tpu.memory_space<vmem>>
        %dma_start3A_406 = arith.constant 0 : i32
        %dma_start3A_407 = tpu.memref_slice %arg6[%add3A_399, %dma_start3A_406] : memref<79x128xi32, #tpu.memory_space<vmem>> -> memref<1x128xi32, #tpu.memory_space<vmem>>
        %dma_start3A_408 = tpu.memref_squeeze %dma_start3A_407 : memref<1x128xi32, #tpu.memory_space<vmem>> -> memref<128xi32, #tpu.memory_space<vmem>>
        %dma_start3A_409 = arith.constant 0 : i32
        %dma_start3A_410 = arith.constant 0 : i32
        %dma_start3A_411 = tpu.memref_slice %arg2[%dma_start3A_409, %dma_start3A_410] : memref<10000x64xf32, #tpu.memory_space<hbm>> -> memref<10000x64xf32, #tpu.memory_space<hbm>>
        %dma_start3A_412 = tpu.memref_slice %arg10[%dma_start3A_401] : memref<8x!tpu.dma_semaphore, #tpu.memory_space<semaphore_mem>> -> memref<1x!tpu.dma_semaphore, #tpu.memory_space<semaphore_mem>>
        %dma_start3A_413 = tpu.memref_squeeze %dma_start3A_412 : memref<1x!tpu.dma_semaphore, #tpu.memory_space<semaphore_mem>> -> memref<!tpu.dma_semaphore, #tpu.memory_space<semaphore_mem>>
        tpu.enqueue_indirect_dma source(%dma_start3A_411 : memref<10000x64xf32, #tpu.memory_space<hbm>>) target(%dma_start3A_405 : memref<128x64xf32, #tpu.memory_space<vmem>>) offsets(%dma_start3A_408 : memref<128xi32, #tpu.memory_space<vmem>>) semaphore(%dma_start3A_413 : memref<!tpu.dma_semaphore, #tpu.memory_space<semaphore_mem>>)
      } else {
      }
      %mul3A_286 = arith.constant 8 : i32
      %mul3A_287 = arith.muli %scan3A_271, %mul3A_286 : i32
      %add3A_288 = arith.constant 1 : i32
      %add3A_289 = arith.addi %mul3A_287, %add3A_288 : i32
      %lt3A_290 = arith.cmpi slt, %add3A_289, %add3A_7 : i32
      %convert_element_type3A_291 = arith.extui %lt3A_290 : i1 to i32
      %cond3A_292 = arith.constant 0 : i32
      %cond3A_293 = arith.cmpi ne, %convert_element_type3A_291, %cond3A_292 : i32
      scf.if %cond3A_293 {
        %dma_wait3A_384 = arith.constant 1 : i32
        %dma_wait3A_385 = arith.constant 1 : i32
        %dma_wait3A_386 = arith.constant 0 : i32
        %dma_wait3A_387 = arith.constant 0 : i32
        %dma_wait3A_388 = tpu.memref_slice %arg8[%dma_wait3A_384, %dma_wait3A_386, %dma_wait3A_387] : memref<8x128x64xf32, #tpu.memory_space<vmem>> -> memref<1x128x64xf32, #tpu.memory_space<vmem>>
        %dma_wait3A_389 = tpu.memref_squeeze %dma_wait3A_388 : memref<1x128x64xf32, #tpu.memory_space<vmem>> -> memref<128x64xf32, #tpu.memory_space<vmem>>
        %dma_wait3A_390 = arith.constant 0 : i32
        %dma_wait3A_391 = tpu.memref_slice %arg6[%add3A_289, %dma_wait3A_390] : memref<79x128xi32, #tpu.memory_space<vmem>> -> memref<1x128xi32, #tpu.memory_space<vmem>>
        %dma_wait3A_392 = tpu.memref_squeeze %dma_wait3A_391 : memref<1x128xi32, #tpu.memory_space<vmem>> -> memref<128xi32, #tpu.memory_space<vmem>>
        %dma_wait3A_393 = arith.constant 0 : i32
        %dma_wait3A_394 = arith.constant 0 : i32
        %dma_wait3A_395 = tpu.memref_slice %arg2[%dma_wait3A_393, %dma_wait3A_394] : memref<10000x64xf32, #tpu.memory_space<hbm>> -> memref<10000x64xf32, #tpu.memory_space<hbm>>
        %dma_wait3A_396 = tpu.memref_slice %arg10[%dma_wait3A_385] : memref<8x!tpu.dma_semaphore, #tpu.memory_space<semaphore_mem>> -> memref<1x!tpu.dma_semaphore, #tpu.memory_space<semaphore_mem>>
        %dma_wait3A_397 = tpu.memref_squeeze %dma_wait3A_396 : memref<1x!tpu.dma_semaphore, #tpu.memory_space<semaphore_mem>> -> memref<!tpu.dma_semaphore, #tpu.memory_space<semaphore_mem>>
        tpu.wait_indirect_dma semaphore(%dma_wait3A_397 : memref<!tpu.dma_semaphore, #tpu.memory_space<semaphore_mem>>) src(%dma_wait3A_395 : memref<10000x64xf32, #tpu.memory_space<hbm>>) dst(%dma_wait3A_389 : memref<128x64xf32, #tpu.memory_space<vmem>>)
        %dma_start3A_398 = arith.constant 1 : i32
        %dma_start3A_399 = arith.constant 1 : i32
        %dma_start3A_400 = arith.constant 0 : i32
        %dma_start3A_401 = arith.constant 0 : i32
        %dma_start3A_402 = tpu.memref_slice %arg8[%dma_start3A_398, %dma_start3A_400, %dma_start3A_401] : memref<8x128x64xf32, #tpu.memory_space<vmem>> -> memref<1x128x64xf32, #tpu.memory_space<vmem>>
        %dma_start3A_403 = tpu.memref_squeeze %dma_start3A_402 : memref<1x128x64xf32, #tpu.memory_space<vmem>> -> memref<128x64xf32, #tpu.memory_space<vmem>>
        %dma_start3A_404 = arith.constant 0 : i32
        %dma_start3A_405 = tpu.memref_slice %arg7[%add3A_289, %dma_start3A_404] : memref<79x128xi32, #tpu.memory_space<vmem>> -> memref<1x128xi32, #tpu.memory_space<vmem>>
        %dma_start3A_406 = tpu.memref_squeeze %dma_start3A_405 : memref<1x128xi32, #tpu.memory_space<vmem>> -> memref<128xi32, #tpu.memory_space<vmem>>
        %dma_start3A_407 = arith.constant 0 : i32
        %dma_start3A_408 = arith.constant 0 : i32
        %dma_start3A_409 = tpu.memref_slice %arg9[%dma_start3A_407, %dma_start3A_408] : memref<10000x64xf32, #tpu.memory_space<vmem_shared>> -> memref<10000x64xf32, #tpu.memory_space<vmem_shared>>
        %dma_start3A_410 = tpu.memref_slice %arg11[%dma_start3A_399] : memref<8x!tpu.dma_semaphore, #tpu.memory_space<semaphore_mem>> -> memref<1x!tpu.dma_semaphore, #tpu.memory_space<semaphore_mem>>
        %dma_start3A_411 = tpu.memref_squeeze %dma_start3A_410 : memref<1x!tpu.dma_semaphore, #tpu.memory_space<semaphore_mem>> -> memref<!tpu.dma_semaphore, #tpu.memory_space<semaphore_mem>>
        tpu.enqueue_indirect_dma source(%dma_start3A_403 : memref<128x64xf32, #tpu.memory_space<vmem>>) target(%dma_start3A_409 : memref<10000x64xf32, #tpu.memory_space<vmem_shared>>) offsets(%dma_start3A_406 : memref<128xi32, #tpu.memory_space<vmem>>) semaphore(%dma_start3A_411 : memref<!tpu.dma_semaphore, #tpu.memory_space<semaphore_mem>>) {add = true}
      } else {
      }
      %add3A_294 = arith.constant 8 : i32
      %add3A_295 = arith.addi %add3A_289, %add3A_294 : i32
      %lt3A_296 = arith.cmpi slt, %add3A_295, %add3A_7 : i32
      %convert_element_type3A_297 = arith.extui %lt3A_296 : i1 to i32
      %cond3A_298 = arith.constant 0 : i32
      %cond3A_299 = arith.cmpi ne, %convert_element_type3A_297, %cond3A_298 : i32
      scf.if %cond3A_299 {
        %dma_wait3A_384 = arith.constant 1 : i32
        %dma_wait3A_385 = arith.constant 1 : i32
        %dma_wait3A_386 = arith.constant 0 : i32
        %dma_wait3A_387 = arith.constant 0 : i32
        %dma_wait3A_388 = tpu.memref_slice %arg8[%dma_wait3A_384, %dma_wait3A_386, %dma_wait3A_387] : memref<8x128x64xf32, #tpu.memory_space<vmem>> -> memref<1x128x64xf32, #tpu.memory_space<vmem>>
        %dma_wait3A_389 = tpu.memref_squeeze %dma_wait3A_388 : memref<1x128x64xf32, #tpu.memory_space<vmem>> -> memref<128x64xf32, #tpu.memory_space<vmem>>
        %dma_wait3A_390 = arith.constant 0 : i32
        %dma_wait3A_391 = tpu.memref_slice %arg7[%add3A_289, %dma_wait3A_390] : memref<79x128xi32, #tpu.memory_space<vmem>> -> memref<1x128xi32, #tpu.memory_space<vmem>>
        %dma_wait3A_392 = tpu.memref_squeeze %dma_wait3A_391 : memref<1x128xi32, #tpu.memory_space<vmem>> -> memref<128xi32, #tpu.memory_space<vmem>>
        %dma_wait3A_393 = arith.constant 0 : i32
        %dma_wait3A_394 = arith.constant 0 : i32
        %dma_wait3A_395 = tpu.memref_slice %arg9[%dma_wait3A_393, %dma_wait3A_394] : memref<10000x64xf32, #tpu.memory_space<vmem_shared>> -> memref<10000x64xf32, #tpu.memory_space<vmem_shared>>
        %dma_wait3A_396 = tpu.memref_slice %arg11[%dma_wait3A_385] : memref<8x!tpu.dma_semaphore, #tpu.memory_space<semaphore_mem>> -> memref<1x!tpu.dma_semaphore, #tpu.memory_space<semaphore_mem>>
        %dma_wait3A_397 = tpu.memref_squeeze %dma_wait3A_396 : memref<1x!tpu.dma_semaphore, #tpu.memory_space<semaphore_mem>> -> memref<!tpu.dma_semaphore, #tpu.memory_space<semaphore_mem>>
        tpu.wait_indirect_dma semaphore(%dma_wait3A_397 : memref<!tpu.dma_semaphore, #tpu.memory_space<semaphore_mem>>) src(%dma_wait3A_389 : memref<128x64xf32, #tpu.memory_space<vmem>>) dst(%dma_wait3A_395 : memref<10000x64xf32, #tpu.memory_space<vmem_shared>>)
        %add3A_398 = arith.constant 8 : i32
        %add3A_399 = arith.addi %add3A_289, %add3A_398 : i32
        %dma_start3A_400 = arith.constant 1 : i32
        %dma_start3A_401 = arith.constant 1 : i32
        %dma_start3A_402 = arith.constant 0 : i32
        %dma_start3A_403 = arith.constant 0 : i32
        %dma_start3A_404 = tpu.memref_slice %arg8[%dma_start3A_400, %dma_start3A_402, %dma_start3A_403] : memref<8x128x64xf32, #tpu.memory_space<vmem>> -> memref<1x128x64xf32, #tpu.memory_space<vmem>>
        %dma_start3A_405 = tpu.memref_squeeze %dma_start3A_404 : memref<1x128x64xf32, #tpu.memory_space<vmem>> -> memref<128x64xf32, #tpu.memory_space<vmem>>
        %dma_start3A_406 = arith.constant 0 : i32
        %dma_start3A_407 = tpu.memref_slice %arg6[%add3A_399, %dma_start3A_406] : memref<79x128xi32, #tpu.memory_space<vmem>> -> memref<1x128xi32, #tpu.memory_space<vmem>>
        %dma_start3A_408 = tpu.memref_squeeze %dma_start3A_407 : memref<1x128xi32, #tpu.memory_space<vmem>> -> memref<128xi32, #tpu.memory_space<vmem>>
        %dma_start3A_409 = arith.constant 0 : i32
        %dma_start3A_410 = arith.constant 0 : i32
        %dma_start3A_411 = tpu.memref_slice %arg2[%dma_start3A_409, %dma_start3A_410] : memref<10000x64xf32, #tpu.memory_space<hbm>> -> memref<10000x64xf32, #tpu.memory_space<hbm>>
        %dma_start3A_412 = tpu.memref_slice %arg10[%dma_start3A_401] : memref<8x!tpu.dma_semaphore, #tpu.memory_space<semaphore_mem>> -> memref<1x!tpu.dma_semaphore, #tpu.memory_space<semaphore_mem>>
        %dma_start3A_413 = tpu.memref_squeeze %dma_start3A_412 : memref<1x!tpu.dma_semaphore, #tpu.memory_space<semaphore_mem>> -> memref<!tpu.dma_semaphore, #tpu.memory_space<semaphore_mem>>
        tpu.enqueue_indirect_dma source(%dma_start3A_411 : memref<10000x64xf32, #tpu.memory_space<hbm>>) target(%dma_start3A_405 : memref<128x64xf32, #tpu.memory_space<vmem>>) offsets(%dma_start3A_408 : memref<128xi32, #tpu.memory_space<vmem>>) semaphore(%dma_start3A_413 : memref<!tpu.dma_semaphore, #tpu.memory_space<semaphore_mem>>)
      } else {
      }
      %mul3A_300 = arith.constant 8 : i32
      %mul3A_301 = arith.muli %scan3A_271, %mul3A_300 : i32
      %add3A_302 = arith.constant 2 : i32
      %add3A_303 = arith.addi %mul3A_301, %add3A_302 : i32
      %lt3A_304 = arith.cmpi slt, %add3A_303, %add3A_7 : i32
      %convert_element_type3A_305 = arith.extui %lt3A_304 : i1 to i32
      %cond3A_306 = arith.constant 0 : i32
      %cond3A_307 = arith.cmpi ne, %convert_element_type3A_305, %cond3A_306 : i32
      scf.if %cond3A_307 {
        %dma_wait3A_384 = arith.constant 2 : i32
        %dma_wait3A_385 = arith.constant 2 : i32
        %dma_wait3A_386 = arith.constant 0 : i32
        %dma_wait3A_387 = arith.constant 0 : i32
        %dma_wait3A_388 = tpu.memref_slice %arg8[%dma_wait3A_384, %dma_wait3A_386, %dma_wait3A_387] : memref<8x128x64xf32, #tpu.memory_space<vmem>> -> memref<1x128x64xf32, #tpu.memory_space<vmem>>
        %dma_wait3A_389 = tpu.memref_squeeze %dma_wait3A_388 : memref<1x128x64xf32, #tpu.memory_space<vmem>> -> memref<128x64xf32, #tpu.memory_space<vmem>>
        %dma_wait3A_390 = arith.constant 0 : i32
        %dma_wait3A_391 = tpu.memref_slice %arg6[%add3A_303, %dma_wait3A_390] : memref<79x128xi32, #tpu.memory_space<vmem>> -> memref<1x128xi32, #tpu.memory_space<vmem>>
        %dma_wait3A_392 = tpu.memref_squeeze %dma_wait3A_391 : memref<1x128xi32, #tpu.memory_space<vmem>> -> memref<128xi32, #tpu.memory_space<vmem>>
        %dma_wait3A_393 = arith.constant 0 : i32
        %dma_wait3A_394 = arith.constant 0 : i32
        %dma_wait3A_395 = tpu.memref_slice %arg2[%dma_wait3A_393, %dma_wait3A_394] : memref<10000x64xf32, #tpu.memory_space<hbm>> -> memref<10000x64xf32, #tpu.memory_space<hbm>>
        %dma_wait3A_396 = tpu.memref_slice %arg10[%dma_wait3A_385] : memref<8x!tpu.dma_semaphore, #tpu.memory_space<semaphore_mem>> -> memref<1x!tpu.dma_semaphore, #tpu.memory_space<semaphore_mem>>
        %dma_wait3A_397 = tpu.memref_squeeze %dma_wait3A_396 : memref<1x!tpu.dma_semaphore, #tpu.memory_space<semaphore_mem>> -> memref<!tpu.dma_semaphore, #tpu.memory_space<semaphore_mem>>
        tpu.wait_indirect_dma semaphore(%dma_wait3A_397 : memref<!tpu.dma_semaphore, #tpu.memory_space<semaphore_mem>>) src(%dma_wait3A_395 : memref<10000x64xf32, #tpu.memory_space<hbm>>) dst(%dma_wait3A_389 : memref<128x64xf32, #tpu.memory_space<vmem>>)
        %dma_start3A_398 = arith.constant 2 : i32
        %dma_start3A_399 = arith.constant 2 : i32
        %dma_start3A_400 = arith.constant 0 : i32
        %dma_start3A_401 = arith.constant 0 : i32
        %dma_start3A_402 = tpu.memref_slice %arg8[%dma_start3A_398, %dma_start3A_400, %dma_start3A_401] : memref<8x128x64xf32, #tpu.memory_space<vmem>> -> memref<1x128x64xf32, #tpu.memory_space<vmem>>
        %dma_start3A_403 = tpu.memref_squeeze %dma_start3A_402 : memref<1x128x64xf32, #tpu.memory_space<vmem>> -> memref<128x64xf32, #tpu.memory_space<vmem>>
        %dma_start3A_404 = arith.constant 0 : i32
        %dma_start3A_405 = tpu.memref_slice %arg7[%add3A_303, %dma_start3A_404] : memref<79x128xi32, #tpu.memory_space<vmem>> -> memref<1x128xi32, #tpu.memory_space<vmem>>
        %dma_start3A_406 = tpu.memref_squeeze %dma_start3A_405 : memref<1x128xi32, #tpu.memory_space<vmem>> -> memref<128xi32, #tpu.memory_space<vmem>>
        %dma_start3A_407 = arith.constant 0 : i32
        %dma_start3A_408 = arith.constant 0 : i32
        %dma_start3A_409 = tpu.memref_slice %arg9[%dma_start3A_407, %dma_start3A_408] : memref<10000x64xf32, #tpu.memory_space<vmem_shared>> -> memref<10000x64xf32, #tpu.memory_space<vmem_shared>>
        %dma_start3A_410 = tpu.memref_slice %arg11[%dma_start3A_399] : memref<8x!tpu.dma_semaphore, #tpu.memory_space<semaphore_mem>> -> memref<1x!tpu.dma_semaphore, #tpu.memory_space<semaphore_mem>>
        %dma_start3A_411 = tpu.memref_squeeze %dma_start3A_410 : memref<1x!tpu.dma_semaphore, #tpu.memory_space<semaphore_mem>> -> memref<!tpu.dma_semaphore, #tpu.memory_space<semaphore_mem>>
        tpu.enqueue_indirect_dma source(%dma_start3A_403 : memref<128x64xf32, #tpu.memory_space<vmem>>) target(%dma_start3A_409 : memref<10000x64xf32, #tpu.memory_space<vmem_shared>>) offsets(%dma_start3A_406 : memref<128xi32, #tpu.memory_space<vmem>>) semaphore(%dma_start3A_411 : memref<!tpu.dma_semaphore, #tpu.memory_space<semaphore_mem>>) {add = true}
      } else {
      }
      %add3A_308 = arith.constant 8 : i32
      %add3A_309 = arith.addi %add3A_303, %add3A_308 : i32
      %lt3A_310 = arith.cmpi slt, %add3A_309, %add3A_7 : i32
      %convert_element_type3A_311 = arith.extui %lt3A_310 : i1 to i32
      %cond3A_312 = arith.constant 0 : i32
      %cond3A_313 = arith.cmpi ne, %convert_element_type3A_311, %cond3A_312 : i32
      scf.if %cond3A_313 {
        %dma_wait3A_384 = arith.constant 2 : i32
        %dma_wait3A_385 = arith.constant 2 : i32
        %dma_wait3A_386 = arith.constant 0 : i32
        %dma_wait3A_387 = arith.constant 0 : i32
        %dma_wait3A_388 = tpu.memref_slice %arg8[%dma_wait3A_384, %dma_wait3A_386, %dma_wait3A_387] : memref<8x128x64xf32, #tpu.memory_space<vmem>> -> memref<1x128x64xf32, #tpu.memory_space<vmem>>
        %dma_wait3A_389 = tpu.memref_squeeze %dma_wait3A_388 : memref<1x128x64xf32, #tpu.memory_space<vmem>> -> memref<128x64xf32, #tpu.memory_space<vmem>>
        %dma_wait3A_390 = arith.constant 0 : i32
        %dma_wait3A_391 = tpu.memref_slice %arg7[%add3A_303, %dma_wait3A_390] : memref<79x128xi32, #tpu.memory_space<vmem>> -> memref<1x128xi32, #tpu.memory_space<vmem>>
        %dma_wait3A_392 = tpu.memref_squeeze %dma_wait3A_391 : memref<1x128xi32, #tpu.memory_space<vmem>> -> memref<128xi32, #tpu.memory_space<vmem>>
        %dma_wait3A_393 = arith.constant 0 : i32
        %dma_wait3A_394 = arith.constant 0 : i32
        %dma_wait3A_395 = tpu.memref_slice %arg9[%dma_wait3A_393, %dma_wait3A_394] : memref<10000x64xf32, #tpu.memory_space<vmem_shared>> -> memref<10000x64xf32, #tpu.memory_space<vmem_shared>>
        %dma_wait3A_396 = tpu.memref_slice %arg11[%dma_wait3A_385] : memref<8x!tpu.dma_semaphore, #tpu.memory_space<semaphore_mem>> -> memref<1x!tpu.dma_semaphore, #tpu.memory_space<semaphore_mem>>
        %dma_wait3A_397 = tpu.memref_squeeze %dma_wait3A_396 : memref<1x!tpu.dma_semaphore, #tpu.memory_space<semaphore_mem>> -> memref<!tpu.dma_semaphore, #tpu.memory_space<semaphore_mem>>
        tpu.wait_indirect_dma semaphore(%dma_wait3A_397 : memref<!tpu.dma_semaphore, #tpu.memory_space<semaphore_mem>>) src(%dma_wait3A_389 : memref<128x64xf32, #tpu.memory_space<vmem>>) dst(%dma_wait3A_395 : memref<10000x64xf32, #tpu.memory_space<vmem_shared>>)
        %add3A_398 = arith.constant 8 : i32
        %add3A_399 = arith.addi %add3A_303, %add3A_398 : i32
        %dma_start3A_400 = arith.constant 2 : i32
        %dma_start3A_401 = arith.constant 2 : i32
        %dma_start3A_402 = arith.constant 0 : i32
        %dma_start3A_403 = arith.constant 0 : i32
        %dma_start3A_404 = tpu.memref_slice %arg8[%dma_start3A_400, %dma_start3A_402, %dma_start3A_403] : memref<8x128x64xf32, #tpu.memory_space<vmem>> -> memref<1x128x64xf32, #tpu.memory_space<vmem>>
        %dma_start3A_405 = tpu.memref_squeeze %dma_start3A_404 : memref<1x128x64xf32, #tpu.memory_space<vmem>> -> memref<128x64xf32, #tpu.memory_space<vmem>>
        %dma_start3A_406 = arith.constant 0 : i32
        %dma_start3A_407 = tpu.memref_slice %arg6[%add3A_399, %dma_start3A_406] : memref<79x128xi32, #tpu.memory_space<vmem>> -> memref<1x128xi32, #tpu.memory_space<vmem>>
        %dma_start3A_408 = tpu.memref_squeeze %dma_start3A_407 : memref<1x128xi32, #tpu.memory_space<vmem>> -> memref<128xi32, #tpu.memory_space<vmem>>
        %dma_start3A_409 = arith.constant 0 : i32
        %dma_start3A_410 = arith.constant 0 : i32
        %dma_start3A_411 = tpu.memref_slice %arg2[%dma_start3A_409, %dma_start3A_410] : memref<10000x64xf32, #tpu.memory_space<hbm>> -> memref<10000x64xf32, #tpu.memory_space<hbm>>
        %dma_start3A_412 = tpu.memref_slice %arg10[%dma_start3A_401] : memref<8x!tpu.dma_semaphore, #tpu.memory_space<semaphore_mem>> -> memref<1x!tpu.dma_semaphore, #tpu.memory_space<semaphore_mem>>
        %dma_start3A_413 = tpu.memref_squeeze %dma_start3A_412 : memref<1x!tpu.dma_semaphore, #tpu.memory_space<semaphore_mem>> -> memref<!tpu.dma_semaphore, #tpu.memory_space<semaphore_mem>>
        tpu.enqueue_indirect_dma source(%dma_start3A_411 : memref<10000x64xf32, #tpu.memory_space<hbm>>) target(%dma_start3A_405 : memref<128x64xf32, #tpu.memory_space<vmem>>) offsets(%dma_start3A_408 : memref<128xi32, #tpu.memory_space<vmem>>) semaphore(%dma_start3A_413 : memref<!tpu.dma_semaphore, #tpu.memory_space<semaphore_mem>>)
      } else {
      }
      %mul3A_314 = arith.constant 8 : i32
      %mul3A_315 = arith.muli %scan3A_271, %mul3A_314 : i32
      %add3A_316 = arith.constant 3 : i32
      %add3A_317 = arith.addi %mul3A_315, %add3A_316 : i32
      %lt3A_318 = arith.cmpi slt, %add3A_317, %add3A_7 : i32
      %convert_element_type3A_319 = arith.extui %lt3A_318 : i1 to i32
      %cond3A_320 = arith.constant 0 : i32
      %cond3A_321 = arith.cmpi ne, %convert_element_type3A_319, %cond3A_320 : i32
      scf.if %cond3A_321 {
        %dma_wait3A_384 = arith.constant 3 : i32
        %dma_wait3A_385 = arith.constant 3 : i32
        %dma_wait3A_386 = arith.constant 0 : i32
        %dma_wait3A_387 = arith.constant 0 : i32
        %dma_wait3A_388 = tpu.memref_slice %arg8[%dma_wait3A_384, %dma_wait3A_386, %dma_wait3A_387] : memref<8x128x64xf32, #tpu.memory_space<vmem>> -> memref<1x128x64xf32, #tpu.memory_space<vmem>>
        %dma_wait3A_389 = tpu.memref_squeeze %dma_wait3A_388 : memref<1x128x64xf32, #tpu.memory_space<vmem>> -> memref<128x64xf32, #tpu.memory_space<vmem>>
        %dma_wait3A_390 = arith.constant 0 : i32
        %dma_wait3A_391 = tpu.memref_slice %arg6[%add3A_317, %dma_wait3A_390] : memref<79x128xi32, #tpu.memory_space<vmem>> -> memref<1x128xi32, #tpu.memory_space<vmem>>
        %dma_wait3A_392 = tpu.memref_squeeze %dma_wait3A_391 : memref<1x128xi32, #tpu.memory_space<vmem>> -> memref<128xi32, #tpu.memory_space<vmem>>
        %dma_wait3A_393 = arith.constant 0 : i32
        %dma_wait3A_394 = arith.constant 0 : i32
        %dma_wait3A_395 = tpu.memref_slice %arg2[%dma_wait3A_393, %dma_wait3A_394] : memref<10000x64xf32, #tpu.memory_space<hbm>> -> memref<10000x64xf32, #tpu.memory_space<hbm>>
        %dma_wait3A_396 = tpu.memref_slice %arg10[%dma_wait3A_385] : memref<8x!tpu.dma_semaphore, #tpu.memory_space<semaphore_mem>> -> memref<1x!tpu.dma_semaphore, #tpu.memory_space<semaphore_mem>>
        %dma_wait3A_397 = tpu.memref_squeeze %dma_wait3A_396 : memref<1x!tpu.dma_semaphore, #tpu.memory_space<semaphore_mem>> -> memref<!tpu.dma_semaphore, #tpu.memory_space<semaphore_mem>>
        tpu.wait_indirect_dma semaphore(%dma_wait3A_397 : memref<!tpu.dma_semaphore, #tpu.memory_space<semaphore_mem>>) src(%dma_wait3A_395 : memref<10000x64xf32, #tpu.memory_space<hbm>>) dst(%dma_wait3A_389 : memref<128x64xf32, #tpu.memory_space<vmem>>)
        %dma_start3A_398 = arith.constant 3 : i32
        %dma_start3A_399 = arith.constant 3 : i32
        %dma_start3A_400 = arith.constant 0 : i32
        %dma_start3A_401 = arith.constant 0 : i32
        %dma_start3A_402 = tpu.memref_slice %arg8[%dma_start3A_398, %dma_start3A_400, %dma_start3A_401] : memref<8x128x64xf32, #tpu.memory_space<vmem>> -> memref<1x128x64xf32, #tpu.memory_space<vmem>>
        %dma_start3A_403 = tpu.memref_squeeze %dma_start3A_402 : memref<1x128x64xf32, #tpu.memory_space<vmem>> -> memref<128x64xf32, #tpu.memory_space<vmem>>
        %dma_start3A_404 = arith.constant 0 : i32
        %dma_start3A_405 = tpu.memref_slice %arg7[%add3A_317, %dma_start3A_404] : memref<79x128xi32, #tpu.memory_space<vmem>> -> memref<1x128xi32, #tpu.memory_space<vmem>>
        %dma_start3A_406 = tpu.memref_squeeze %dma_start3A_405 : memref<1x128xi32, #tpu.memory_space<vmem>> -> memref<128xi32, #tpu.memory_space<vmem>>
        %dma_start3A_407 = arith.constant 0 : i32
        %dma_start3A_408 = arith.constant 0 : i32
        %dma_start3A_409 = tpu.memref_slice %arg9[%dma_start3A_407, %dma_start3A_408] : memref<10000x64xf32, #tpu.memory_space<vmem_shared>> -> memref<10000x64xf32, #tpu.memory_space<vmem_shared>>
        %dma_start3A_410 = tpu.memref_slice %arg11[%dma_start3A_399] : memref<8x!tpu.dma_semaphore, #tpu.memory_space<semaphore_mem>> -> memref<1x!tpu.dma_semaphore, #tpu.memory_space<semaphore_mem>>
        %dma_start3A_411 = tpu.memref_squeeze %dma_start3A_410 : memref<1x!tpu.dma_semaphore, #tpu.memory_space<semaphore_mem>> -> memref<!tpu.dma_semaphore, #tpu.memory_space<semaphore_mem>>
        tpu.enqueue_indirect_dma source(%dma_start3A_403 : memref<128x64xf32, #tpu.memory_space<vmem>>) target(%dma_start3A_409 : memref<10000x64xf32, #tpu.memory_space<vmem_shared>>) offsets(%dma_start3A_406 : memref<128xi32, #tpu.memory_space<vmem>>) semaphore(%dma_start3A_411 : memref<!tpu.dma_semaphore, #tpu.memory_space<semaphore_mem>>) {add = true}
      } else {
      }
      %add3A_322 = arith.constant 8 : i32
      %add3A_323 = arith.addi %add3A_317, %add3A_322 : i32
      %lt3A_324 = arith.cmpi slt, %add3A_323, %add3A_7 : i32
      %convert_element_type3A_325 = arith.extui %lt3A_324 : i1 to i32
      %cond3A_326 = arith.constant 0 : i32
      %cond3A_327 = arith.cmpi ne, %convert_element_type3A_325, %cond3A_326 : i32
      scf.if %cond3A_327 {
        %dma_wait3A_384 = arith.constant 3 : i32
        %dma_wait3A_385 = arith.constant 3 : i32
        %dma_wait3A_386 = arith.constant 0 : i32
        %dma_wait3A_387 = arith.constant 0 : i32
        %dma_wait3A_388 = tpu.memref_slice %arg8[%dma_wait3A_384, %dma_wait3A_386, %dma_wait3A_387] : memref<8x128x64xf32, #tpu.memory_space<vmem>> -> memref<1x128x64xf32, #tpu.memory_space<vmem>>
        %dma_wait3A_389 = tpu.memref_squeeze %dma_wait3A_388 : memref<1x128x64xf32, #tpu.memory_space<vmem>> -> memref<128x64xf32, #tpu.memory_space<vmem>>
        %dma_wait3A_390 = arith.constant 0 : i32
        %dma_wait3A_391 = tpu.memref_slice %arg7[%add3A_317, %dma_wait3A_390] : memref<79x128xi32, #tpu.memory_space<vmem>> -> memref<1x128xi32, #tpu.memory_space<vmem>>
        %dma_wait3A_392 = tpu.memref_squeeze %dma_wait3A_391 : memref<1x128xi32, #tpu.memory_space<vmem>> -> memref<128xi32, #tpu.memory_space<vmem>>
        %dma_wait3A_393 = arith.constant 0 : i32
        %dma_wait3A_394 = arith.constant 0 : i32
        %dma_wait3A_395 = tpu.memref_slice %arg9[%dma_wait3A_393, %dma_wait3A_394] : memref<10000x64xf32, #tpu.memory_space<vmem_shared>> -> memref<10000x64xf32, #tpu.memory_space<vmem_shared>>
        %dma_wait3A_396 = tpu.memref_slice %arg11[%dma_wait3A_385] : memref<8x!tpu.dma_semaphore, #tpu.memory_space<semaphore_mem>> -> memref<1x!tpu.dma_semaphore, #tpu.memory_space<semaphore_mem>>
        %dma_wait3A_397 = tpu.memref_squeeze %dma_wait3A_396 : memref<1x!tpu.dma_semaphore, #tpu.memory_space<semaphore_mem>> -> memref<!tpu.dma_semaphore, #tpu.memory_space<semaphore_mem>>
        tpu.wait_indirect_dma semaphore(%dma_wait3A_397 : memref<!tpu.dma_semaphore, #tpu.memory_space<semaphore_mem>>) src(%dma_wait3A_389 : memref<128x64xf32, #tpu.memory_space<vmem>>) dst(%dma_wait3A_395 : memref<10000x64xf32, #tpu.memory_space<vmem_shared>>)
        %add3A_398 = arith.constant 8 : i32
        %add3A_399 = arith.addi %add3A_317, %add3A_398 : i32
        %dma_start3A_400 = arith.constant 3 : i32
        %dma_start3A_401 = arith.constant 3 : i32
        %dma_start3A_402 = arith.constant 0 : i32
        %dma_start3A_403 = arith.constant 0 : i32
        %dma_start3A_404 = tpu.memref_slice %arg8[%dma_start3A_400, %dma_start3A_402, %dma_start3A_403] : memref<8x128x64xf32, #tpu.memory_space<vmem>> -> memref<1x128x64xf32, #tpu.memory_space<vmem>>
        %dma_start3A_405 = tpu.memref_squeeze %dma_start3A_404 : memref<1x128x64xf32, #tpu.memory_space<vmem>> -> memref<128x64xf32, #tpu.memory_space<vmem>>
        %dma_start3A_406 = arith.constant 0 : i32
        %dma_start3A_407 = tpu.memref_slice %arg6[%add3A_399, %dma_start3A_406] : memref<79x128xi32, #tpu.memory_space<vmem>> -> memref<1x128xi32, #tpu.memory_space<vmem>>
        %dma_start3A_408 = tpu.memref_squeeze %dma_start3A_407 : memref<1x128xi32, #tpu.memory_space<vmem>> -> memref<128xi32, #tpu.memory_space<vmem>>
        %dma_start3A_409 = arith.constant 0 : i32
        %dma_start3A_410 = arith.constant 0 : i32
        %dma_start3A_411 = tpu.memref_slice %arg2[%dma_start3A_409, %dma_start3A_410] : memref<10000x64xf32, #tpu.memory_space<hbm>> -> memref<10000x64xf32, #tpu.memory_space<hbm>>
        %dma_start3A_412 = tpu.memref_slice %arg10[%dma_start3A_401] : memref<8x!tpu.dma_semaphore, #tpu.memory_space<semaphore_mem>> -> memref<1x!tpu.dma_semaphore, #tpu.memory_space<semaphore_mem>>
        %dma_start3A_413 = tpu.memref_squeeze %dma_start3A_412 : memref<1x!tpu.dma_semaphore, #tpu.memory_space<semaphore_mem>> -> memref<!tpu.dma_semaphore, #tpu.memory_space<semaphore_mem>>
        tpu.enqueue_indirect_dma source(%dma_start3A_411 : memref<10000x64xf32, #tpu.memory_space<hbm>>) target(%dma_start3A_405 : memref<128x64xf32, #tpu.memory_space<vmem>>) offsets(%dma_start3A_408 : memref<128xi32, #tpu.memory_space<vmem>>) semaphore(%dma_start3A_413 : memref<!tpu.dma_semaphore, #tpu.memory_space<semaphore_mem>>)
      } else {
      }
      %mul3A_328 = arith.constant 8 : i32
      %mul3A_329 = arith.muli %scan3A_271, %mul3A_328 : i32
      %add3A_330 = arith.constant 4 : i32
      %add3A_331 = arith.addi %mul3A_329, %add3A_330 : i32
      %lt3A_332 = arith.cmpi slt, %add3A_331, %add3A_7 : i32
      %convert_element_type3A_333 = arith.extui %lt3A_332 : i1 to i32
      %cond3A_334 = arith.constant 0 : i32
      %cond3A_335 = arith.cmpi ne, %convert_element_type3A_333, %cond3A_334 : i32
      scf.if %cond3A_335 {
        %dma_wait3A_384 = arith.constant 4 : i32
        %dma_wait3A_385 = arith.constant 4 : i32
        %dma_wait3A_386 = arith.constant 0 : i32
        %dma_wait3A_387 = arith.constant 0 : i32
        %dma_wait3A_388 = tpu.memref_slice %arg8[%dma_wait3A_384, %dma_wait3A_386, %dma_wait3A_387] : memref<8x128x64xf32, #tpu.memory_space<vmem>> -> memref<1x128x64xf32, #tpu.memory_space<vmem>>
        %dma_wait3A_389 = tpu.memref_squeeze %dma_wait3A_388 : memref<1x128x64xf32, #tpu.memory_space<vmem>> -> memref<128x64xf32, #tpu.memory_space<vmem>>
        %dma_wait3A_390 = arith.constant 0 : i32
        %dma_wait3A_391 = tpu.memref_slice %arg6[%add3A_331, %dma_wait3A_390] : memref<79x128xi32, #tpu.memory_space<vmem>> -> memref<1x128xi32, #tpu.memory_space<vmem>>
        %dma_wait3A_392 = tpu.memref_squeeze %dma_wait3A_391 : memref<1x128xi32, #tpu.memory_space<vmem>> -> memref<128xi32, #tpu.memory_space<vmem>>
        %dma_wait3A_393 = arith.constant 0 : i32
        %dma_wait3A_394 = arith.constant 0 : i32
        %dma_wait3A_395 = tpu.memref_slice %arg2[%dma_wait3A_393, %dma_wait3A_394] : memref<10000x64xf32, #tpu.memory_space<hbm>> -> memref<10000x64xf32, #tpu.memory_space<hbm>>
        %dma_wait3A_396 = tpu.memref_slice %arg10[%dma_wait3A_385] : memref<8x!tpu.dma_semaphore, #tpu.memory_space<semaphore_mem>> -> memref<1x!tpu.dma_semaphore, #tpu.memory_space<semaphore_mem>>
        %dma_wait3A_397 = tpu.memref_squeeze %dma_wait3A_396 : memref<1x!tpu.dma_semaphore, #tpu.memory_space<semaphore_mem>> -> memref<!tpu.dma_semaphore, #tpu.memory_space<semaphore_mem>>
        tpu.wait_indirect_dma semaphore(%dma_wait3A_397 : memref<!tpu.dma_semaphore, #tpu.memory_space<semaphore_mem>>) src(%dma_wait3A_395 : memref<10000x64xf32, #tpu.memory_space<hbm>>) dst(%dma_wait3A_389 : memref<128x64xf32, #tpu.memory_space<vmem>>)
        %dma_start3A_398 = arith.constant 4 : i32
        %dma_start3A_399 = arith.constant 4 : i32
        %dma_start3A_400 = arith.constant 0 : i32
        %dma_start3A_401 = arith.constant 0 : i32
        %dma_start3A_402 = tpu.memref_slice %arg8[%dma_start3A_398, %dma_start3A_400, %dma_start3A_401] : memref<8x128x64xf32, #tpu.memory_space<vmem>> -> memref<1x128x64xf32, #tpu.memory_space<vmem>>
        %dma_start3A_403 = tpu.memref_squeeze %dma_start3A_402 : memref<1x128x64xf32, #tpu.memory_space<vmem>> -> memref<128x64xf32, #tpu.memory_space<vmem>>
        %dma_start3A_404 = arith.constant 0 : i32
        %dma_start3A_405 = tpu.memref_slice %arg7[%add3A_331, %dma_start3A_404] : memref<79x128xi32, #tpu.memory_space<vmem>> -> memref<1x128xi32, #tpu.memory_space<vmem>>
        %dma_start3A_406 = tpu.memref_squeeze %dma_start3A_405 : memref<1x128xi32, #tpu.memory_space<vmem>> -> memref<128xi32, #tpu.memory_space<vmem>>
        %dma_start3A_407 = arith.constant 0 : i32
        %dma_start3A_408 = arith.constant 0 : i32
        %dma_start3A_409 = tpu.memref_slice %arg9[%dma_start3A_407, %dma_start3A_408] : memref<10000x64xf32, #tpu.memory_space<vmem_shared>> -> memref<10000x64xf32, #tpu.memory_space<vmem_shared>>
        %dma_start3A_410 = tpu.memref_slice %arg11[%dma_start3A_399] : memref<8x!tpu.dma_semaphore, #tpu.memory_space<semaphore_mem>> -> memref<1x!tpu.dma_semaphore, #tpu.memory_space<semaphore_mem>>
        %dma_start3A_411 = tpu.memref_squeeze %dma_start3A_410 : memref<1x!tpu.dma_semaphore, #tpu.memory_space<semaphore_mem>> -> memref<!tpu.dma_semaphore, #tpu.memory_space<semaphore_mem>>
        tpu.enqueue_indirect_dma source(%dma_start3A_403 : memref<128x64xf32, #tpu.memory_space<vmem>>) target(%dma_start3A_409 : memref<10000x64xf32, #tpu.memory_space<vmem_shared>>) offsets(%dma_start3A_406 : memref<128xi32, #tpu.memory_space<vmem>>) semaphore(%dma_start3A_411 : memref<!tpu.dma_semaphore, #tpu.memory_space<semaphore_mem>>) {add = true}
      } else {
      }
      %add3A_336 = arith.constant 8 : i32
      %add3A_337 = arith.addi %add3A_331, %add3A_336 : i32
      %lt3A_338 = arith.cmpi slt, %add3A_337, %add3A_7 : i32
      %convert_element_type3A_339 = arith.extui %lt3A_338 : i1 to i32
      %cond3A_340 = arith.constant 0 : i32
      %cond3A_341 = arith.cmpi ne, %convert_element_type3A_339, %cond3A_340 : i32
      scf.if %cond3A_341 {
        %dma_wait3A_384 = arith.constant 4 : i32
        %dma_wait3A_385 = arith.constant 4 : i32
        %dma_wait3A_386 = arith.constant 0 : i32
        %dma_wait3A_387 = arith.constant 0 : i32
        %dma_wait3A_388 = tpu.memref_slice %arg8[%dma_wait3A_384, %dma_wait3A_386, %dma_wait3A_387] : memref<8x128x64xf32, #tpu.memory_space<vmem>> -> memref<1x128x64xf32, #tpu.memory_space<vmem>>
        %dma_wait3A_389 = tpu.memref_squeeze %dma_wait3A_388 : memref<1x128x64xf32, #tpu.memory_space<vmem>> -> memref<128x64xf32, #tpu.memory_space<vmem>>
        %dma_wait3A_390 = arith.constant 0 : i32
        %dma_wait3A_391 = tpu.memref_slice %arg7[%add3A_331, %dma_wait3A_390] : memref<79x128xi32, #tpu.memory_space<vmem>> -> memref<1x128xi32, #tpu.memory_space<vmem>>
        %dma_wait3A_392 = tpu.memref_squeeze %dma_wait3A_391 : memref<1x128xi32, #tpu.memory_space<vmem>> -> memref<128xi32, #tpu.memory_space<vmem>>
        %dma_wait3A_393 = arith.constant 0 : i32
        %dma_wait3A_394 = arith.constant 0 : i32
        %dma_wait3A_395 = tpu.memref_slice %arg9[%dma_wait3A_393, %dma_wait3A_394] : memref<10000x64xf32, #tpu.memory_space<vmem_shared>> -> memref<10000x64xf32, #tpu.memory_space<vmem_shared>>
        %dma_wait3A_396 = tpu.memref_slice %arg11[%dma_wait3A_385] : memref<8x!tpu.dma_semaphore, #tpu.memory_space<semaphore_mem>> -> memref<1x!tpu.dma_semaphore, #tpu.memory_space<semaphore_mem>>
        %dma_wait3A_397 = tpu.memref_squeeze %dma_wait3A_396 : memref<1x!tpu.dma_semaphore, #tpu.memory_space<semaphore_mem>> -> memref<!tpu.dma_semaphore, #tpu.memory_space<semaphore_mem>>
        tpu.wait_indirect_dma semaphore(%dma_wait3A_397 : memref<!tpu.dma_semaphore, #tpu.memory_space<semaphore_mem>>) src(%dma_wait3A_389 : memref<128x64xf32, #tpu.memory_space<vmem>>) dst(%dma_wait3A_395 : memref<10000x64xf32, #tpu.memory_space<vmem_shared>>)
        %add3A_398 = arith.constant 8 : i32
        %add3A_399 = arith.addi %add3A_331, %add3A_398 : i32
        %dma_start3A_400 = arith.constant 4 : i32
        %dma_start3A_401 = arith.constant 4 : i32
        %dma_start3A_402 = arith.constant 0 : i32
        %dma_start3A_403 = arith.constant 0 : i32
        %dma_start3A_404 = tpu.memref_slice %arg8[%dma_start3A_400, %dma_start3A_402, %dma_start3A_403] : memref<8x128x64xf32, #tpu.memory_space<vmem>> -> memref<1x128x64xf32, #tpu.memory_space<vmem>>
        %dma_start3A_405 = tpu.memref_squeeze %dma_start3A_404 : memref<1x128x64xf32, #tpu.memory_space<vmem>> -> memref<128x64xf32, #tpu.memory_space<vmem>>
        %dma_start3A_406 = arith.constant 0 : i32
        %dma_start3A_407 = tpu.memref_slice %arg6[%add3A_399, %dma_start3A_406] : memref<79x128xi32, #tpu.memory_space<vmem>> -> memref<1x128xi32, #tpu.memory_space<vmem>>
        %dma_start3A_408 = tpu.memref_squeeze %dma_start3A_407 : memref<1x128xi32, #tpu.memory_space<vmem>> -> memref<128xi32, #tpu.memory_space<vmem>>
        %dma_start3A_409 = arith.constant 0 : i32
        %dma_start3A_410 = arith.constant 0 : i32
        %dma_start3A_411 = tpu.memref_slice %arg2[%dma_start3A_409, %dma_start3A_410] : memref<10000x64xf32, #tpu.memory_space<hbm>> -> memref<10000x64xf32, #tpu.memory_space<hbm>>
        %dma_start3A_412 = tpu.memref_slice %arg10[%dma_start3A_401] : memref<8x!tpu.dma_semaphore, #tpu.memory_space<semaphore_mem>> -> memref<1x!tpu.dma_semaphore, #tpu.memory_space<semaphore_mem>>
        %dma_start3A_413 = tpu.memref_squeeze %dma_start3A_412 : memref<1x!tpu.dma_semaphore, #tpu.memory_space<semaphore_mem>> -> memref<!tpu.dma_semaphore, #tpu.memory_space<semaphore_mem>>
        tpu.enqueue_indirect_dma source(%dma_start3A_411 : memref<10000x64xf32, #tpu.memory_space<hbm>>) target(%dma_start3A_405 : memref<128x64xf32, #tpu.memory_space<vmem>>) offsets(%dma_start3A_408 : memref<128xi32, #tpu.memory_space<vmem>>) semaphore(%dma_start3A_413 : memref<!tpu.dma_semaphore, #tpu.memory_space<semaphore_mem>>)
      } else {
      }
      %mul3A_342 = arith.constant 8 : i32
      %mul3A_343 = arith.muli %scan3A_271, %mul3A_342 : i32
      %add3A_344 = arith.constant 5 : i32
      %add3A_345 = arith.addi %mul3A_343, %add3A_344 : i32
      %lt3A_346 = arith.cmpi slt, %add3A_345, %add3A_7 : i32
      %convert_element_type3A_347 = arith.extui %lt3A_346 : i1 to i32
      %cond3A_348 = arith.constant 0 : i32
      %cond3A_349 = arith.cmpi ne, %convert_element_type3A_347, %cond3A_348 : i32
      scf.if %cond3A_349 {
        %dma_wait3A_384 = arith.constant 5 : i32
        %dma_wait3A_385 = arith.constant 5 : i32
        %dma_wait3A_386 = arith.constant 0 : i32
        %dma_wait3A_387 = arith.constant 0 : i32
        %dma_wait3A_388 = tpu.memref_slice %arg8[%dma_wait3A_384, %dma_wait3A_386, %dma_wait3A_387] : memref<8x128x64xf32, #tpu.memory_space<vmem>> -> memref<1x128x64xf32, #tpu.memory_space<vmem>>
        %dma_wait3A_389 = tpu.memref_squeeze %dma_wait3A_388 : memref<1x128x64xf32, #tpu.memory_space<vmem>> -> memref<128x64xf32, #tpu.memory_space<vmem>>
        %dma_wait3A_390 = arith.constant 0 : i32
        %dma_wait3A_391 = tpu.memref_slice %arg6[%add3A_345, %dma_wait3A_390] : memref<79x128xi32, #tpu.memory_space<vmem>> -> memref<1x128xi32, #tpu.memory_space<vmem>>
        %dma_wait3A_392 = tpu.memref_squeeze %dma_wait3A_391 : memref<1x128xi32, #tpu.memory_space<vmem>> -> memref<128xi32, #tpu.memory_space<vmem>>
        %dma_wait3A_393 = arith.constant 0 : i32
        %dma_wait3A_394 = arith.constant 0 : i32
        %dma_wait3A_395 = tpu.memref_slice %arg2[%dma_wait3A_393, %dma_wait3A_394] : memref<10000x64xf32, #tpu.memory_space<hbm>> -> memref<10000x64xf32, #tpu.memory_space<hbm>>
        %dma_wait3A_396 = tpu.memref_slice %arg10[%dma_wait3A_385] : memref<8x!tpu.dma_semaphore, #tpu.memory_space<semaphore_mem>> -> memref<1x!tpu.dma_semaphore, #tpu.memory_space<semaphore_mem>>
        %dma_wait3A_397 = tpu.memref_squeeze %dma_wait3A_396 : memref<1x!tpu.dma_semaphore, #tpu.memory_space<semaphore_mem>> -> memref<!tpu.dma_semaphore, #tpu.memory_space<semaphore_mem>>
        tpu.wait_indirect_dma semaphore(%dma_wait3A_397 : memref<!tpu.dma_semaphore, #tpu.memory_space<semaphore_mem>>) src(%dma_wait3A_395 : memref<10000x64xf32, #tpu.memory_space<hbm>>) dst(%dma_wait3A_389 : memref<128x64xf32, #tpu.memory_space<vmem>>)
        %dma_start3A_398 = arith.constant 5 : i32
        %dma_start3A_399 = arith.constant 5 : i32
        %dma_start3A_400 = arith.constant 0 : i32
        %dma_start3A_401 = arith.constant 0 : i32
        %dma_start3A_402 = tpu.memref_slice %arg8[%dma_start3A_398, %dma_start3A_400, %dma_start3A_401] : memref<8x128x64xf32, #tpu.memory_space<vmem>> -> memref<1x128x64xf32, #tpu.memory_space<vmem>>
        %dma_start3A_403 = tpu.memref_squeeze %dma_start3A_402 : memref<1x128x64xf32, #tpu.memory_space<vmem>> -> memref<128x64xf32, #tpu.memory_space<vmem>>
        %dma_start3A_404 = arith.constant 0 : i32
        %dma_start3A_405 = tpu.memref_slice %arg7[%add3A_345, %dma_start3A_404] : memref<79x128xi32, #tpu.memory_space<vmem>> -> memref<1x128xi32, #tpu.memory_space<vmem>>
        %dma_start3A_406 = tpu.memref_squeeze %dma_start3A_405 : memref<1x128xi32, #tpu.memory_space<vmem>> -> memref<128xi32, #tpu.memory_space<vmem>>
        %dma_start3A_407 = arith.constant 0 : i32
        %dma_start3A_408 = arith.constant 0 : i32
        %dma_start3A_409 = tpu.memref_slice %arg9[%dma_start3A_407, %dma_start3A_408] : memref<10000x64xf32, #tpu.memory_space<vmem_shared>> -> memref<10000x64xf32, #tpu.memory_space<vmem_shared>>
        %dma_start3A_410 = tpu.memref_slice %arg11[%dma_start3A_399] : memref<8x!tpu.dma_semaphore, #tpu.memory_space<semaphore_mem>> -> memref<1x!tpu.dma_semaphore, #tpu.memory_space<semaphore_mem>>
        %dma_start3A_411 = tpu.memref_squeeze %dma_start3A_410 : memref<1x!tpu.dma_semaphore, #tpu.memory_space<semaphore_mem>> -> memref<!tpu.dma_semaphore, #tpu.memory_space<semaphore_mem>>
        tpu.enqueue_indirect_dma source(%dma_start3A_403 : memref<128x64xf32, #tpu.memory_space<vmem>>) target(%dma_start3A_409 : memref<10000x64xf32, #tpu.memory_space<vmem_shared>>) offsets(%dma_start3A_406 : memref<128xi32, #tpu.memory_space<vmem>>) semaphore(%dma_start3A_411 : memref<!tpu.dma_semaphore, #tpu.memory_space<semaphore_mem>>) {add = true}
      } else {
      }
      %add3A_350 = arith.constant 8 : i32
      %add3A_351 = arith.addi %add3A_345, %add3A_350 : i32
      %lt3A_352 = arith.cmpi slt, %add3A_351, %add3A_7 : i32
      %convert_element_type3A_353 = arith.extui %lt3A_352 : i1 to i32
      %cond3A_354 = arith.constant 0 : i32
      %cond3A_355 = arith.cmpi ne, %convert_element_type3A_353, %cond3A_354 : i32
      scf.if %cond3A_355 {
        %dma_wait3A_384 = arith.constant 5 : i32
        %dma_wait3A_385 = arith.constant 5 : i32
        %dma_wait3A_386 = arith.constant 0 : i32
        %dma_wait3A_387 = arith.constant 0 : i32
        %dma_wait3A_388 = tpu.memref_slice %arg8[%dma_wait3A_384, %dma_wait3A_386, %dma_wait3A_387] : memref<8x128x64xf32, #tpu.memory_space<vmem>> -> memref<1x128x64xf32, #tpu.memory_space<vmem>>
        %dma_wait3A_389 = tpu.memref_squeeze %dma_wait3A_388 : memref<1x128x64xf32, #tpu.memory_space<vmem>> -> memref<128x64xf32, #tpu.memory_space<vmem>>
        %dma_wait3A_390 = arith.constant 0 : i32
        %dma_wait3A_391 = tpu.memref_slice %arg7[%add3A_345, %dma_wait3A_390] : memref<79x128xi32, #tpu.memory_space<vmem>> -> memref<1x128xi32, #tpu.memory_space<vmem>>
        %dma_wait3A_392 = tpu.memref_squeeze %dma_wait3A_391 : memref<1x128xi32, #tpu.memory_space<vmem>> -> memref<128xi32, #tpu.memory_space<vmem>>
        %dma_wait3A_393 = arith.constant 0 : i32
        %dma_wait3A_394 = arith.constant 0 : i32
        %dma_wait3A_395 = tpu.memref_slice %arg9[%dma_wait3A_393, %dma_wait3A_394] : memref<10000x64xf32, #tpu.memory_space<vmem_shared>> -> memref<10000x64xf32, #tpu.memory_space<vmem_shared>>
        %dma_wait3A_396 = tpu.memref_slice %arg11[%dma_wait3A_385] : memref<8x!tpu.dma_semaphore, #tpu.memory_space<semaphore_mem>> -> memref<1x!tpu.dma_semaphore, #tpu.memory_space<semaphore_mem>>
        %dma_wait3A_397 = tpu.memref_squeeze %dma_wait3A_396 : memref<1x!tpu.dma_semaphore, #tpu.memory_space<semaphore_mem>> -> memref<!tpu.dma_semaphore, #tpu.memory_space<semaphore_mem>>
        tpu.wait_indirect_dma semaphore(%dma_wait3A_397 : memref<!tpu.dma_semaphore, #tpu.memory_space<semaphore_mem>>) src(%dma_wait3A_389 : memref<128x64xf32, #tpu.memory_space<vmem>>) dst(%dma_wait3A_395 : memref<10000x64xf32, #tpu.memory_space<vmem_shared>>)
        %add3A_398 = arith.constant 8 : i32
        %add3A_399 = arith.addi %add3A_345, %add3A_398 : i32
        %dma_start3A_400 = arith.constant 5 : i32
        %dma_start3A_401 = arith.constant 5 : i32
        %dma_start3A_402 = arith.constant 0 : i32
        %dma_start3A_403 = arith.constant 0 : i32
        %dma_start3A_404 = tpu.memref_slice %arg8[%dma_start3A_400, %dma_start3A_402, %dma_start3A_403] : memref<8x128x64xf32, #tpu.memory_space<vmem>> -> memref<1x128x64xf32, #tpu.memory_space<vmem>>
        %dma_start3A_405 = tpu.memref_squeeze %dma_start3A_404 : memref<1x128x64xf32, #tpu.memory_space<vmem>> -> memref<128x64xf32, #tpu.memory_space<vmem>>
        %dma_start3A_406 = arith.constant 0 : i32
        %dma_start3A_407 = tpu.memref_slice %arg6[%add3A_399, %dma_start3A_406] : memref<79x128xi32, #tpu.memory_space<vmem>> -> memref<1x128xi32, #tpu.memory_space<vmem>>
        %dma_start3A_408 = tpu.memref_squeeze %dma_start3A_407 : memref<1x128xi32, #tpu.memory_space<vmem>> -> memref<128xi32, #tpu.memory_space<vmem>>
        %dma_start3A_409 = arith.constant 0 : i32
        %dma_start3A_410 = arith.constant 0 : i32
        %dma_start3A_411 = tpu.memref_slice %arg2[%dma_start3A_409, %dma_start3A_410] : memref<10000x64xf32, #tpu.memory_space<hbm>> -> memref<10000x64xf32, #tpu.memory_space<hbm>>
        %dma_start3A_412 = tpu.memref_slice %arg10[%dma_start3A_401] : memref<8x!tpu.dma_semaphore, #tpu.memory_space<semaphore_mem>> -> memref<1x!tpu.dma_semaphore, #tpu.memory_space<semaphore_mem>>
        %dma_start3A_413 = tpu.memref_squeeze %dma_start3A_412 : memref<1x!tpu.dma_semaphore, #tpu.memory_space<semaphore_mem>> -> memref<!tpu.dma_semaphore, #tpu.memory_space<semaphore_mem>>
        tpu.enqueue_indirect_dma source(%dma_start3A_411 : memref<10000x64xf32, #tpu.memory_space<hbm>>) target(%dma_start3A_405 : memref<128x64xf32, #tpu.memory_space<vmem>>) offsets(%dma_start3A_408 : memref<128xi32, #tpu.memory_space<vmem>>) semaphore(%dma_start3A_413 : memref<!tpu.dma_semaphore, #tpu.memory_space<semaphore_mem>>)
      } else {
      }
      %mul3A_356 = arith.constant 8 : i32
      %mul3A_357 = arith.muli %scan3A_271, %mul3A_356 : i32
      %add3A_358 = arith.constant 6 : i32
      %add3A_359 = arith.addi %mul3A_357, %add3A_358 : i32
      %lt3A_360 = arith.cmpi slt, %add3A_359, %add3A_7 : i32
      %convert_element_type3A_361 = arith.extui %lt3A_360 : i1 to i32
      %cond3A_362 = arith.constant 0 : i32
      %cond3A_363 = arith.cmpi ne, %convert_element_type3A_361, %cond3A_362 : i32
      scf.if %cond3A_363 {
        %dma_wait3A_384 = arith.constant 6 : i32
        %dma_wait3A_385 = arith.constant 6 : i32
        %dma_wait3A_386 = arith.constant 0 : i32
        %dma_wait3A_387 = arith.constant 0 : i32
        %dma_wait3A_388 = tpu.memref_slice %arg8[%dma_wait3A_384, %dma_wait3A_386, %dma_wait3A_387] : memref<8x128x64xf32, #tpu.memory_space<vmem>> -> memref<1x128x64xf32, #tpu.memory_space<vmem>>
        %dma_wait3A_389 = tpu.memref_squeeze %dma_wait3A_388 : memref<1x128x64xf32, #tpu.memory_space<vmem>> -> memref<128x64xf32, #tpu.memory_space<vmem>>
        %dma_wait3A_390 = arith.constant 0 : i32
        %dma_wait3A_391 = tpu.memref_slice %arg6[%add3A_359, %dma_wait3A_390] : memref<79x128xi32, #tpu.memory_space<vmem>> -> memref<1x128xi32, #tpu.memory_space<vmem>>
        %dma_wait3A_392 = tpu.memref_squeeze %dma_wait3A_391 : memref<1x128xi32, #tpu.memory_space<vmem>> -> memref<128xi32, #tpu.memory_space<vmem>>
        %dma_wait3A_393 = arith.constant 0 : i32
        %dma_wait3A_394 = arith.constant 0 : i32
        %dma_wait3A_395 = tpu.memref_slice %arg2[%dma_wait3A_393, %dma_wait3A_394] : memref<10000x64xf32, #tpu.memory_space<hbm>> -> memref<10000x64xf32, #tpu.memory_space<hbm>>
        %dma_wait3A_396 = tpu.memref_slice %arg10[%dma_wait3A_385] : memref<8x!tpu.dma_semaphore, #tpu.memory_space<semaphore_mem>> -> memref<1x!tpu.dma_semaphore, #tpu.memory_space<semaphore_mem>>
        %dma_wait3A_397 = tpu.memref_squeeze %dma_wait3A_396 : memref<1x!tpu.dma_semaphore, #tpu.memory_space<semaphore_mem>> -> memref<!tpu.dma_semaphore, #tpu.memory_space<semaphore_mem>>
        tpu.wait_indirect_dma semaphore(%dma_wait3A_397 : memref<!tpu.dma_semaphore, #tpu.memory_space<semaphore_mem>>) src(%dma_wait3A_395 : memref<10000x64xf32, #tpu.memory_space<hbm>>) dst(%dma_wait3A_389 : memref<128x64xf32, #tpu.memory_space<vmem>>)
        %dma_start3A_398 = arith.constant 6 : i32
        %dma_start3A_399 = arith.constant 6 : i32
        %dma_start3A_400 = arith.constant 0 : i32
        %dma_start3A_401 = arith.constant 0 : i32
        %dma_start3A_402 = tpu.memref_slice %arg8[%dma_start3A_398, %dma_start3A_400, %dma_start3A_401] : memref<8x128x64xf32, #tpu.memory_space<vmem>> -> memref<1x128x64xf32, #tpu.memory_space<vmem>>
        %dma_start3A_403 = tpu.memref_squeeze %dma_start3A_402 : memref<1x128x64xf32, #tpu.memory_space<vmem>> -> memref<128x64xf32, #tpu.memory_space<vmem>>
        %dma_start3A_404 = arith.constant 0 : i32
        %dma_start3A_405 = tpu.memref_slice %arg7[%add3A_359, %dma_start3A_404] : memref<79x128xi32, #tpu.memory_space<vmem>> -> memref<1x128xi32, #tpu.memory_space<vmem>>
        %dma_start3A_406 = tpu.memref_squeeze %dma_start3A_405 : memref<1x128xi32, #tpu.memory_space<vmem>> -> memref<128xi32, #tpu.memory_space<vmem>>
        %dma_start3A_407 = arith.constant 0 : i32
        %dma_start3A_408 = arith.constant 0 : i32
        %dma_start3A_409 = tpu.memref_slice %arg9[%dma_start3A_407, %dma_start3A_408] : memref<10000x64xf32, #tpu.memory_space<vmem_shared>> -> memref<10000x64xf32, #tpu.memory_space<vmem_shared>>
        %dma_start3A_410 = tpu.memref_slice %arg11[%dma_start3A_399] : memref<8x!tpu.dma_semaphore, #tpu.memory_space<semaphore_mem>> -> memref<1x!tpu.dma_semaphore, #tpu.memory_space<semaphore_mem>>
        %dma_start3A_411 = tpu.memref_squeeze %dma_start3A_410 : memref<1x!tpu.dma_semaphore, #tpu.memory_space<semaphore_mem>> -> memref<!tpu.dma_semaphore, #tpu.memory_space<semaphore_mem>>
        tpu.enqueue_indirect_dma source(%dma_start3A_403 : memref<128x64xf32, #tpu.memory_space<vmem>>) target(%dma_start3A_409 : memref<10000x64xf32, #tpu.memory_space<vmem_shared>>) offsets(%dma_start3A_406 : memref<128xi32, #tpu.memory_space<vmem>>) semaphore(%dma_start3A_411 : memref<!tpu.dma_semaphore, #tpu.memory_space<semaphore_mem>>) {add = true}
      } else {
      }
      %add3A_364 = arith.constant 8 : i32
      %add3A_365 = arith.addi %add3A_359, %add3A_364 : i32
      %lt3A_366 = arith.cmpi slt, %add3A_365, %add3A_7 : i32
      %convert_element_type3A_367 = arith.extui %lt3A_366 : i1 to i32
      %cond3A_368 = arith.constant 0 : i32
      %cond3A_369 = arith.cmpi ne, %convert_element_type3A_367, %cond3A_368 : i32
      scf.if %cond3A_369 {
        %dma_wait3A_384 = arith.constant 6 : i32
        %dma_wait3A_385 = arith.constant 6 : i32
        %dma_wait3A_386 = arith.constant 0 : i32
        %dma_wait3A_387 = arith.constant 0 : i32
        %dma_wait3A_388 = tpu.memref_slice %arg8[%dma_wait3A_384, %dma_wait3A_386, %dma_wait3A_387] : memref<8x128x64xf32, #tpu.memory_space<vmem>> -> memref<1x128x64xf32, #tpu.memory_space<vmem>>
        %dma_wait3A_389 = tpu.memref_squeeze %dma_wait3A_388 : memref<1x128x64xf32, #tpu.memory_space<vmem>> -> memref<128x64xf32, #tpu.memory_space<vmem>>
        %dma_wait3A_390 = arith.constant 0 : i32
        %dma_wait3A_391 = tpu.memref_slice %arg7[%add3A_359, %dma_wait3A_390] : memref<79x128xi32, #tpu.memory_space<vmem>> -> memref<1x128xi32, #tpu.memory_space<vmem>>
        %dma_wait3A_392 = tpu.memref_squeeze %dma_wait3A_391 : memref<1x128xi32, #tpu.memory_space<vmem>> -> memref<128xi32, #tpu.memory_space<vmem>>
        %dma_wait3A_393 = arith.constant 0 : i32
        %dma_wait3A_394 = arith.constant 0 : i32
        %dma_wait3A_395 = tpu.memref_slice %arg9[%dma_wait3A_393, %dma_wait3A_394] : memref<10000x64xf32, #tpu.memory_space<vmem_shared>> -> memref<10000x64xf32, #tpu.memory_space<vmem_shared>>
        %dma_wait3A_396 = tpu.memref_slice %arg11[%dma_wait3A_385] : memref<8x!tpu.dma_semaphore, #tpu.memory_space<semaphore_mem>> -> memref<1x!tpu.dma_semaphore, #tpu.memory_space<semaphore_mem>>
        %dma_wait3A_397 = tpu.memref_squeeze %dma_wait3A_396 : memref<1x!tpu.dma_semaphore, #tpu.memory_space<semaphore_mem>> -> memref<!tpu.dma_semaphore, #tpu.memory_space<semaphore_mem>>
        tpu.wait_indirect_dma semaphore(%dma_wait3A_397 : memref<!tpu.dma_semaphore, #tpu.memory_space<semaphore_mem>>) src(%dma_wait3A_389 : memref<128x64xf32, #tpu.memory_space<vmem>>) dst(%dma_wait3A_395 : memref<10000x64xf32, #tpu.memory_space<vmem_shared>>)
        %add3A_398 = arith.constant 8 : i32
        %add3A_399 = arith.addi %add3A_359, %add3A_398 : i32
        %dma_start3A_400 = arith.constant 6 : i32
        %dma_start3A_401 = arith.constant 6 : i32
        %dma_start3A_402 = arith.constant 0 : i32
        %dma_start3A_403 = arith.constant 0 : i32
        %dma_start3A_404 = tpu.memref_slice %arg8[%dma_start3A_400, %dma_start3A_402, %dma_start3A_403] : memref<8x128x64xf32, #tpu.memory_space<vmem>> -> memref<1x128x64xf32, #tpu.memory_space<vmem>>
        %dma_start3A_405 = tpu.memref_squeeze %dma_start3A_404 : memref<1x128x64xf32, #tpu.memory_space<vmem>> -> memref<128x64xf32, #tpu.memory_space<vmem>>
        %dma_start3A_406 = arith.constant 0 : i32
        %dma_start3A_407 = tpu.memref_slice %arg6[%add3A_399, %dma_start3A_406] : memref<79x128xi32, #tpu.memory_space<vmem>> -> memref<1x128xi32, #tpu.memory_space<vmem>>
        %dma_start3A_408 = tpu.memref_squeeze %dma_start3A_407 : memref<1x128xi32, #tpu.memory_space<vmem>> -> memref<128xi32, #tpu.memory_space<vmem>>
        %dma_start3A_409 = arith.constant 0 : i32
        %dma_start3A_410 = arith.constant 0 : i32
        %dma_start3A_411 = tpu.memref_slice %arg2[%dma_start3A_409, %dma_start3A_410] : memref<10000x64xf32, #tpu.memory_space<hbm>> -> memref<10000x64xf32, #tpu.memory_space<hbm>>
        %dma_start3A_412 = tpu.memref_slice %arg10[%dma_start3A_401] : memref<8x!tpu.dma_semaphore, #tpu.memory_space<semaphore_mem>> -> memref<1x!tpu.dma_semaphore, #tpu.memory_space<semaphore_mem>>
        %dma_start3A_413 = tpu.memref_squeeze %dma_start3A_412 : memref<1x!tpu.dma_semaphore, #tpu.memory_space<semaphore_mem>> -> memref<!tpu.dma_semaphore, #tpu.memory_space<semaphore_mem>>
        tpu.enqueue_indirect_dma source(%dma_start3A_411 : memref<10000x64xf32, #tpu.memory_space<hbm>>) target(%dma_start3A_405 : memref<128x64xf32, #tpu.memory_space<vmem>>) offsets(%dma_start3A_408 : memref<128xi32, #tpu.memory_space<vmem>>) semaphore(%dma_start3A_413 : memref<!tpu.dma_semaphore, #tpu.memory_space<semaphore_mem>>)
      } else {
      }
      %mul3A_370 = arith.constant 8 : i32
      %mul3A_371 = arith.muli %scan3A_271, %mul3A_370 : i32
      %add3A_372 = arith.constant 7 : i32
      %add3A_373 = arith.addi %mul3A_371, %add3A_372 : i32
      %lt3A_374 = arith.cmpi slt, %add3A_373, %add3A_7 : i32
      %convert_element_type3A_375 = arith.extui %lt3A_374 : i1 to i32
      %cond3A_376 = arith.constant 0 : i32
      %cond3A_377 = arith.cmpi ne, %convert_element_type3A_375, %cond3A_376 : i32
      scf.if %cond3A_377 {
        %dma_wait3A_384 = arith.constant 7 : i32
        %dma_wait3A_385 = arith.constant 7 : i32
        %dma_wait3A_386 = arith.constant 0 : i32
        %dma_wait3A_387 = arith.constant 0 : i32
        %dma_wait3A_388 = tpu.memref_slice %arg8[%dma_wait3A_384, %dma_wait3A_386, %dma_wait3A_387] : memref<8x128x64xf32, #tpu.memory_space<vmem>> -> memref<1x128x64xf32, #tpu.memory_space<vmem>>
        %dma_wait3A_389 = tpu.memref_squeeze %dma_wait3A_388 : memref<1x128x64xf32, #tpu.memory_space<vmem>> -> memref<128x64xf32, #tpu.memory_space<vmem>>
        %dma_wait3A_390 = arith.constant 0 : i32
        %dma_wait3A_391 = tpu.memref_slice %arg6[%add3A_373, %dma_wait3A_390] : memref<79x128xi32, #tpu.memory_space<vmem>> -> memref<1x128xi32, #tpu.memory_space<vmem>>
        %dma_wait3A_392 = tpu.memref_squeeze %dma_wait3A_391 : memref<1x128xi32, #tpu.memory_space<vmem>> -> memref<128xi32, #tpu.memory_space<vmem>>
        %dma_wait3A_393 = arith.constant 0 : i32
        %dma_wait3A_394 = arith.constant 0 : i32
        %dma_wait3A_395 = tpu.memref_slice %arg2[%dma_wait3A_393, %dma_wait3A_394] : memref<10000x64xf32, #tpu.memory_space<hbm>> -> memref<10000x64xf32, #tpu.memory_space<hbm>>
        %dma_wait3A_396 = tpu.memref_slice %arg10[%dma_wait3A_385] : memref<8x!tpu.dma_semaphore, #tpu.memory_space<semaphore_mem>> -> memref<1x!tpu.dma_semaphore, #tpu.memory_space<semaphore_mem>>
        %dma_wait3A_397 = tpu.memref_squeeze %dma_wait3A_396 : memref<1x!tpu.dma_semaphore, #tpu.memory_space<semaphore_mem>> -> memref<!tpu.dma_semaphore, #tpu.memory_space<semaphore_mem>>
        tpu.wait_indirect_dma semaphore(%dma_wait3A_397 : memref<!tpu.dma_semaphore, #tpu.memory_space<semaphore_mem>>) src(%dma_wait3A_395 : memref<10000x64xf32, #tpu.memory_space<hbm>>) dst(%dma_wait3A_389 : memref<128x64xf32, #tpu.memory_space<vmem>>)
        %dma_start3A_398 = arith.constant 7 : i32
        %dma_start3A_399 = arith.constant 7 : i32
        %dma_start3A_400 = arith.constant 0 : i32
        %dma_start3A_401 = arith.constant 0 : i32
        %dma_start3A_402 = tpu.memref_slice %arg8[%dma_start3A_398, %dma_start3A_400, %dma_start3A_401] : memref<8x128x64xf32, #tpu.memory_space<vmem>> -> memref<1x128x64xf32, #tpu.memory_space<vmem>>
        %dma_start3A_403 = tpu.memref_squeeze %dma_start3A_402 : memref<1x128x64xf32, #tpu.memory_space<vmem>> -> memref<128x64xf32, #tpu.memory_space<vmem>>
        %dma_start3A_404 = arith.constant 0 : i32
        %dma_start3A_405 = tpu.memref_slice %arg7[%add3A_373, %dma_start3A_404] : memref<79x128xi32, #tpu.memory_space<vmem>> -> memref<1x128xi32, #tpu.memory_space<vmem>>
        %dma_start3A_406 = tpu.memref_squeeze %dma_start3A_405 : memref<1x128xi32, #tpu.memory_space<vmem>> -> memref<128xi32, #tpu.memory_space<vmem>>
        %dma_start3A_407 = arith.constant 0 : i32
        %dma_start3A_408 = arith.constant 0 : i32
        %dma_start3A_409 = tpu.memref_slice %arg9[%dma_start3A_407, %dma_start3A_408] : memref<10000x64xf32, #tpu.memory_space<vmem_shared>> -> memref<10000x64xf32, #tpu.memory_space<vmem_shared>>
        %dma_start3A_410 = tpu.memref_slice %arg11[%dma_start3A_399] : memref<8x!tpu.dma_semaphore, #tpu.memory_space<semaphore_mem>> -> memref<1x!tpu.dma_semaphore, #tpu.memory_space<semaphore_mem>>
        %dma_start3A_411 = tpu.memref_squeeze %dma_start3A_410 : memref<1x!tpu.dma_semaphore, #tpu.memory_space<semaphore_mem>> -> memref<!tpu.dma_semaphore, #tpu.memory_space<semaphore_mem>>
        tpu.enqueue_indirect_dma source(%dma_start3A_403 : memref<128x64xf32, #tpu.memory_space<vmem>>) target(%dma_start3A_409 : memref<10000x64xf32, #tpu.memory_space<vmem_shared>>) offsets(%dma_start3A_406 : memref<128xi32, #tpu.memory_space<vmem>>) semaphore(%dma_start3A_411 : memref<!tpu.dma_semaphore, #tpu.memory_space<semaphore_mem>>) {add = true}
      } else {
      }
      %add3A_378 = arith.constant 8 : i32
      %add3A_379 = arith.addi %add3A_373, %add3A_378 : i32
      %lt3A_380 = arith.cmpi slt, %add3A_379, %add3A_7 : i32
      %convert_element_type3A_381 = arith.extui %lt3A_380 : i1 to i32
      %cond3A_382 = arith.constant 0 : i32
      %cond3A_383 = arith.cmpi ne, %convert_element_type3A_381, %cond3A_382 : i32
      scf.if %cond3A_383 {
        %dma_wait3A_384 = arith.constant 7 : i32
        %dma_wait3A_385 = arith.constant 7 : i32
        %dma_wait3A_386 = arith.constant 0 : i32
        %dma_wait3A_387 = arith.constant 0 : i32
        %dma_wait3A_388 = tpu.memref_slice %arg8[%dma_wait3A_384, %dma_wait3A_386, %dma_wait3A_387] : memref<8x128x64xf32, #tpu.memory_space<vmem>> -> memref<1x128x64xf32, #tpu.memory_space<vmem>>
        %dma_wait3A_389 = tpu.memref_squeeze %dma_wait3A_388 : memref<1x128x64xf32, #tpu.memory_space<vmem>> -> memref<128x64xf32, #tpu.memory_space<vmem>>
        %dma_wait3A_390 = arith.constant 0 : i32
        %dma_wait3A_391 = tpu.memref_slice %arg7[%add3A_373, %dma_wait3A_390] : memref<79x128xi32, #tpu.memory_space<vmem>> -> memref<1x128xi32, #tpu.memory_space<vmem>>
        %dma_wait3A_392 = tpu.memref_squeeze %dma_wait3A_391 : memref<1x128xi32, #tpu.memory_space<vmem>> -> memref<128xi32, #tpu.memory_space<vmem>>
        %dma_wait3A_393 = arith.constant 0 : i32
        %dma_wait3A_394 = arith.constant 0 : i32
        %dma_wait3A_395 = tpu.memref_slice %arg9[%dma_wait3A_393, %dma_wait3A_394] : memref<10000x64xf32, #tpu.memory_space<vmem_shared>> -> memref<10000x64xf32, #tpu.memory_space<vmem_shared>>
        %dma_wait3A_396 = tpu.memref_slice %arg11[%dma_wait3A_385] : memref<8x!tpu.dma_semaphore, #tpu.memory_space<semaphore_mem>> -> memref<1x!tpu.dma_semaphore, #tpu.memory_space<semaphore_mem>>
        %dma_wait3A_397 = tpu.memref_squeeze %dma_wait3A_396 : memref<1x!tpu.dma_semaphore, #tpu.memory_space<semaphore_mem>> -> memref<!tpu.dma_semaphore, #tpu.memory_space<semaphore_mem>>
        tpu.wait_indirect_dma semaphore(%dma_wait3A_397 : memref<!tpu.dma_semaphore, #tpu.memory_space<semaphore_mem>>) src(%dma_wait3A_389 : memref<128x64xf32, #tpu.memory_space<vmem>>) dst(%dma_wait3A_395 : memref<10000x64xf32, #tpu.memory_space<vmem_shared>>)
        %add3A_398 = arith.constant 8 : i32
        %add3A_399 = arith.addi %add3A_373, %add3A_398 : i32
        %dma_start3A_400 = arith.constant 7 : i32
        %dma_start3A_401 = arith.constant 7 : i32
        %dma_start3A_402 = arith.constant 0 : i32
        %dma_start3A_403 = arith.constant 0 : i32
        %dma_start3A_404 = tpu.memref_slice %arg8[%dma_start3A_400, %dma_start3A_402, %dma_start3A_403] : memref<8x128x64xf32, #tpu.memory_space<vmem>> -> memref<1x128x64xf32, #tpu.memory_space<vmem>>
        %dma_start3A_405 = tpu.memref_squeeze %dma_start3A_404 : memref<1x128x64xf32, #tpu.memory_space<vmem>> -> memref<128x64xf32, #tpu.memory_space<vmem>>
        %dma_start3A_406 = arith.constant 0 : i32
        %dma_start3A_407 = tpu.memref_slice %arg6[%add3A_399, %dma_start3A_406] : memref<79x128xi32, #tpu.memory_space<vmem>> -> memref<1x128xi32, #tpu.memory_space<vmem>>
        %dma_start3A_408 = tpu.memref_squeeze %dma_start3A_407 : memref<1x128xi32, #tpu.memory_space<vmem>> -> memref<128xi32, #tpu.memory_space<vmem>>
        %dma_start3A_409 = arith.constant 0 : i32
        %dma_start3A_410 = arith.constant 0 : i32
        %dma_start3A_411 = tpu.memref_slice %arg2[%dma_start3A_409, %dma_start3A_410] : memref<10000x64xf32, #tpu.memory_space<hbm>> -> memref<10000x64xf32, #tpu.memory_space<hbm>>
        %dma_start3A_412 = tpu.memref_slice %arg10[%dma_start3A_401] : memref<8x!tpu.dma_semaphore, #tpu.memory_space<semaphore_mem>> -> memref<1x!tpu.dma_semaphore, #tpu.memory_space<semaphore_mem>>
        %dma_start3A_413 = tpu.memref_squeeze %dma_start3A_412 : memref<1x!tpu.dma_semaphore, #tpu.memory_space<semaphore_mem>> -> memref<!tpu.dma_semaphore, #tpu.memory_space<semaphore_mem>>
        tpu.enqueue_indirect_dma source(%dma_start3A_411 : memref<10000x64xf32, #tpu.memory_space<hbm>>) target(%dma_start3A_405 : memref<128x64xf32, #tpu.memory_space<vmem>>) offsets(%dma_start3A_408 : memref<128xi32, #tpu.memory_space<vmem>>) semaphore(%dma_start3A_413 : memref<!tpu.dma_semaphore, #tpu.memory_space<semaphore_mem>>)
      } else {
      }
    }
    %scan3A_141 = arith.constant 10 : i32
    %dma_wait3A = arith.constant 0 : i32
    %dma_wait3A_142 = arith.constant 0 : i32
    %dma_wait3A_143 = arith.constant 0 : i32
    %dma_wait3A_144 = arith.constant 0 : i32
    %dma_wait3A_145 = arith.constant 0 : i32
    %dma_wait3A_146 = tpu.memref_slice %arg8[%dma_wait3A, %dma_wait3A_144, %dma_wait3A_145] : memref<8x128x64xf32, #tpu.memory_space<vmem>> -> memref<1x128x64xf32, #tpu.memory_space<vmem>>
    %dma_wait3A_147 = tpu.memref_squeeze %dma_wait3A_146 : memref<1x128x64xf32, #tpu.memory_space<vmem>> -> memref<128x64xf32, #tpu.memory_space<vmem>>
    %dma_wait3A_148 = arith.constant 0 : i32
    %dma_wait3A_149 = tpu.memref_slice %arg7[%dma_wait3A_142, %dma_wait3A_148] : memref<79x128xi32, #tpu.memory_space<vmem>> -> memref<1x128xi32, #tpu.memory_space<vmem>>
    %dma_wait3A_150 = tpu.memref_squeeze %dma_wait3A_149 : memref<1x128xi32, #tpu.memory_space<vmem>> -> memref<128xi32, #tpu.memory_space<vmem>>
    %dma_wait3A_151 = arith.constant 0 : i32
    %dma_wait3A_152 = arith.constant 0 : i32
    %dma_wait3A_153 = tpu.memref_slice %arg9[%dma_wait3A_151, %dma_wait3A_152] : memref<10000x64xf32, #tpu.memory_space<vmem_shared>> -> memref<10000x64xf32, #tpu.memory_space<vmem_shared>>
    %dma_wait3A_154 = tpu.memref_slice %arg11[%dma_wait3A_143] : memref<8x!tpu.dma_semaphore, #tpu.memory_space<semaphore_mem>> -> memref<1x!tpu.dma_semaphore, #tpu.memory_space<semaphore_mem>>
    %dma_wait3A_155 = tpu.memref_squeeze %dma_wait3A_154 : memref<1x!tpu.dma_semaphore, #tpu.memory_space<semaphore_mem>> -> memref<!tpu.dma_semaphore, #tpu.memory_space<semaphore_mem>>
    tpu.wait_indirect_dma semaphore(%dma_wait3A_155 : memref<!tpu.dma_semaphore, #tpu.memory_space<semaphore_mem>>) src(%dma_wait3A_147 : memref<128x64xf32, #tpu.memory_space<vmem>>) dst(%dma_wait3A_153 : memref<10000x64xf32, #tpu.memory_space<vmem_shared>>)
    %dma_wait3A_156 = arith.constant 1 : i32
    %dma_wait3A_157 = arith.constant 0 : i32
    %dma_wait3A_158 = arith.constant 1 : i32
    %dma_wait3A_159 = arith.constant 0 : i32
    %dma_wait3A_160 = arith.constant 0 : i32
    %dma_wait3A_161 = tpu.memref_slice %arg8[%dma_wait3A_156, %dma_wait3A_159, %dma_wait3A_160] : memref<8x128x64xf32, #tpu.memory_space<vmem>> -> memref<1x128x64xf32, #tpu.memory_space<vmem>>
    %dma_wait3A_162 = tpu.memref_squeeze %dma_wait3A_161 : memref<1x128x64xf32, #tpu.memory_space<vmem>> -> memref<128x64xf32, #tpu.memory_space<vmem>>
    %dma_wait3A_163 = arith.constant 0 : i32
    %dma_wait3A_164 = tpu.memref_slice %arg7[%dma_wait3A_157, %dma_wait3A_163] : memref<79x128xi32, #tpu.memory_space<vmem>> -> memref<1x128xi32, #tpu.memory_space<vmem>>
    %dma_wait3A_165 = tpu.memref_squeeze %dma_wait3A_164 : memref<1x128xi32, #tpu.memory_space<vmem>> -> memref<128xi32, #tpu.memory_space<vmem>>
    %dma_wait3A_166 = arith.constant 0 : i32
    %dma_wait3A_167 = arith.constant 0 : i32
    %dma_wait3A_168 = tpu.memref_slice %arg9[%dma_wait3A_166, %dma_wait3A_167] : memref<10000x64xf32, #tpu.memory_space<vmem_shared>> -> memref<10000x64xf32, #tpu.memory_space<vmem_shared>>
    %dma_wait3A_169 = tpu.memref_slice %arg11[%dma_wait3A_158] : memref<8x!tpu.dma_semaphore, #tpu.memory_space<semaphore_mem>> -> memref<1x!tpu.dma_semaphore, #tpu.memory_space<semaphore_mem>>
    %dma_wait3A_170 = tpu.memref_squeeze %dma_wait3A_169 : memref<1x!tpu.dma_semaphore, #tpu.memory_space<semaphore_mem>> -> memref<!tpu.dma_semaphore, #tpu.memory_space<semaphore_mem>>
    tpu.wait_indirect_dma semaphore(%dma_wait3A_170 : memref<!tpu.dma_semaphore, #tpu.memory_space<semaphore_mem>>) src(%dma_wait3A_162 : memref<128x64xf32, #tpu.memory_space<vmem>>) dst(%dma_wait3A_168 : memref<10000x64xf32, #tpu.memory_space<vmem_shared>>)
    %dma_wait3A_171 = arith.constant 2 : i32
    %dma_wait3A_172 = arith.constant 0 : i32
    %dma_wait3A_173 = arith.constant 2 : i32
    %dma_wait3A_174 = arith.constant 0 : i32
    %dma_wait3A_175 = arith.constant 0 : i32
    %dma_wait3A_176 = tpu.memref_slice %arg8[%dma_wait3A_171, %dma_wait3A_174, %dma_wait3A_175] : memref<8x128x64xf32, #tpu.memory_space<vmem>> -> memref<1x128x64xf32, #tpu.memory_space<vmem>>
    %dma_wait3A_177 = tpu.memref_squeeze %dma_wait3A_176 : memref<1x128x64xf32, #tpu.memory_space<vmem>> -> memref<128x64xf32, #tpu.memory_space<vmem>>
    %dma_wait3A_178 = arith.constant 0 : i32
    %dma_wait3A_179 = tpu.memref_slice %arg7[%dma_wait3A_172, %dma_wait3A_178] : memref<79x128xi32, #tpu.memory_space<vmem>> -> memref<1x128xi32, #tpu.memory_space<vmem>>
    %dma_wait3A_180 = tpu.memref_squeeze %dma_wait3A_179 : memref<1x128xi32, #tpu.memory_space<vmem>> -> memref<128xi32, #tpu.memory_space<vmem>>
    %dma_wait3A_181 = arith.constant 0 : i32
    %dma_wait3A_182 = arith.constant 0 : i32
    %dma_wait3A_183 = tpu.memref_slice %arg9[%dma_wait3A_181, %dma_wait3A_182] : memref<10000x64xf32, #tpu.memory_space<vmem_shared>> -> memref<10000x64xf32, #tpu.memory_space<vmem_shared>>
    %dma_wait3A_184 = tpu.memref_slice %arg11[%dma_wait3A_173] : memref<8x!tpu.dma_semaphore, #tpu.memory_space<semaphore_mem>> -> memref<1x!tpu.dma_semaphore, #tpu.memory_space<semaphore_mem>>
    %dma_wait3A_185 = tpu.memref_squeeze %dma_wait3A_184 : memref<1x!tpu.dma_semaphore, #tpu.memory_space<semaphore_mem>> -> memref<!tpu.dma_semaphore, #tpu.memory_space<semaphore_mem>>
    tpu.wait_indirect_dma semaphore(%dma_wait3A_185 : memref<!tpu.dma_semaphore, #tpu.memory_space<semaphore_mem>>) src(%dma_wait3A_177 : memref<128x64xf32, #tpu.memory_space<vmem>>) dst(%dma_wait3A_183 : memref<10000x64xf32, #tpu.memory_space<vmem_shared>>)
    %dma_wait3A_186 = arith.constant 3 : i32
    %dma_wait3A_187 = arith.constant 0 : i32
    %dma_wait3A_188 = arith.constant 3 : i32
    %dma_wait3A_189 = arith.constant 0 : i32
    %dma_wait3A_190 = arith.constant 0 : i32
    %dma_wait3A_191 = tpu.memref_slice %arg8[%dma_wait3A_186, %dma_wait3A_189, %dma_wait3A_190] : memref<8x128x64xf32, #tpu.memory_space<vmem>> -> memref<1x128x64xf32, #tpu.memory_space<vmem>>
    %dma_wait3A_192 = tpu.memref_squeeze %dma_wait3A_191 : memref<1x128x64xf32, #tpu.memory_space<vmem>> -> memref<128x64xf32, #tpu.memory_space<vmem>>
    %dma_wait3A_193 = arith.constant 0 : i32
    %dma_wait3A_194 = tpu.memref_slice %arg7[%dma_wait3A_187, %dma_wait3A_193] : memref<79x128xi32, #tpu.memory_space<vmem>> -> memref<1x128xi32, #tpu.memory_space<vmem>>
    %dma_wait3A_195 = tpu.memref_squeeze %dma_wait3A_194 : memref<1x128xi32, #tpu.memory_space<vmem>> -> memref<128xi32, #tpu.memory_space<vmem>>
    %dma_wait3A_196 = arith.constant 0 : i32
    %dma_wait3A_197 = arith.constant 0 : i32
    %dma_wait3A_198 = tpu.memref_slice %arg9[%dma_wait3A_196, %dma_wait3A_197] : memref<10000x64xf32, #tpu.memory_space<vmem_shared>> -> memref<10000x64xf32, #tpu.memory_space<vmem_shared>>
    %dma_wait3A_199 = tpu.memref_slice %arg11[%dma_wait3A_188] : memref<8x!tpu.dma_semaphore, #tpu.memory_space<semaphore_mem>> -> memref<1x!tpu.dma_semaphore, #tpu.memory_space<semaphore_mem>>
    %dma_wait3A_200 = tpu.memref_squeeze %dma_wait3A_199 : memref<1x!tpu.dma_semaphore, #tpu.memory_space<semaphore_mem>> -> memref<!tpu.dma_semaphore, #tpu.memory_space<semaphore_mem>>
    tpu.wait_indirect_dma semaphore(%dma_wait3A_200 : memref<!tpu.dma_semaphore, #tpu.memory_space<semaphore_mem>>) src(%dma_wait3A_192 : memref<128x64xf32, #tpu.memory_space<vmem>>) dst(%dma_wait3A_198 : memref<10000x64xf32, #tpu.memory_space<vmem_shared>>)
    %dma_wait3A_201 = arith.constant 4 : i32
    %dma_wait3A_202 = arith.constant 0 : i32
    %dma_wait3A_203 = arith.constant 4 : i32
    %dma_wait3A_204 = arith.constant 0 : i32
    %dma_wait3A_205 = arith.constant 0 : i32
    %dma_wait3A_206 = tpu.memref_slice %arg8[%dma_wait3A_201, %dma_wait3A_204, %dma_wait3A_205] : memref<8x128x64xf32, #tpu.memory_space<vmem>> -> memref<1x128x64xf32, #tpu.memory_space<vmem>>
    %dma_wait3A_207 = tpu.memref_squeeze %dma_wait3A_206 : memref<1x128x64xf32, #tpu.memory_space<vmem>> -> memref<128x64xf32, #tpu.memory_space<vmem>>
    %dma_wait3A_208 = arith.constant 0 : i32
    %dma_wait3A_209 = tpu.memref_slice %arg7[%dma_wait3A_202, %dma_wait3A_208] : memref<79x128xi32, #tpu.memory_space<vmem>> -> memref<1x128xi32, #tpu.memory_space<vmem>>
    %dma_wait3A_210 = tpu.memref_squeeze %dma_wait3A_209 : memref<1x128xi32, #tpu.memory_space<vmem>> -> memref<128xi32, #tpu.memory_space<vmem>>
    %dma_wait3A_211 = arith.constant 0 : i32
    %dma_wait3A_212 = arith.constant 0 : i32
    %dma_wait3A_213 = tpu.memref_slice %arg9[%dma_wait3A_211, %dma_wait3A_212] : memref<10000x64xf32, #tpu.memory_space<vmem_shared>> -> memref<10000x64xf32, #tpu.memory_space<vmem_shared>>
    %dma_wait3A_214 = tpu.memref_slice %arg11[%dma_wait3A_203] : memref<8x!tpu.dma_semaphore, #tpu.memory_space<semaphore_mem>> -> memref<1x!tpu.dma_semaphore, #tpu.memory_space<semaphore_mem>>
    %dma_wait3A_215 = tpu.memref_squeeze %dma_wait3A_214 : memref<1x!tpu.dma_semaphore, #tpu.memory_space<semaphore_mem>> -> memref<!tpu.dma_semaphore, #tpu.memory_space<semaphore_mem>>
    tpu.wait_indirect_dma semaphore(%dma_wait3A_215 : memref<!tpu.dma_semaphore, #tpu.memory_space<semaphore_mem>>) src(%dma_wait3A_207 : memref<128x64xf32, #tpu.memory_space<vmem>>) dst(%dma_wait3A_213 : memref<10000x64xf32, #tpu.memory_space<vmem_shared>>)
    %dma_wait3A_216 = arith.constant 5 : i32
    %dma_wait3A_217 = arith.constant 0 : i32
    %dma_wait3A_218 = arith.constant 5 : i32
    %dma_wait3A_219 = arith.constant 0 : i32
    %dma_wait3A_220 = arith.constant 0 : i32
    %dma_wait3A_221 = tpu.memref_slice %arg8[%dma_wait3A_216, %dma_wait3A_219, %dma_wait3A_220] : memref<8x128x64xf32, #tpu.memory_space<vmem>> -> memref<1x128x64xf32, #tpu.memory_space<vmem>>
    %dma_wait3A_222 = tpu.memref_squeeze %dma_wait3A_221 : memref<1x128x64xf32, #tpu.memory_space<vmem>> -> memref<128x64xf32, #tpu.memory_space<vmem>>
    %dma_wait3A_223 = arith.constant 0 : i32
    %dma_wait3A_224 = tpu.memref_slice %arg7[%dma_wait3A_217, %dma_wait3A_223] : memref<79x128xi32, #tpu.memory_space<vmem>> -> memref<1x128xi32, #tpu.memory_space<vmem>>
    %dma_wait3A_225 = tpu.memref_squeeze %dma_wait3A_224 : memref<1x128xi32, #tpu.memory_space<vmem>> -> memref<128xi32, #tpu.memory_space<vmem>>
    %dma_wait3A_226 = arith.constant 0 : i32
    %dma_wait3A_227 = arith.constant 0 : i32
    %dma_wait3A_228 = tpu.memref_slice %arg9[%dma_wait3A_226, %dma_wait3A_227] : memref<10000x64xf32, #tpu.memory_space<vmem_shared>> -> memref<10000x64xf32, #tpu.memory_space<vmem_shared>>
    %dma_wait3A_229 = tpu.memref_slice %arg11[%dma_wait3A_218] : memref<8x!tpu.dma_semaphore, #tpu.memory_space<semaphore_mem>> -> memref<1x!tpu.dma_semaphore, #tpu.memory_space<semaphore_mem>>
    %dma_wait3A_230 = tpu.memref_squeeze %dma_wait3A_229 : memref<1x!tpu.dma_semaphore, #tpu.memory_space<semaphore_mem>> -> memref<!tpu.dma_semaphore, #tpu.memory_space<semaphore_mem>>
    tpu.wait_indirect_dma semaphore(%dma_wait3A_230 : memref<!tpu.dma_semaphore, #tpu.memory_space<semaphore_mem>>) src(%dma_wait3A_222 : memref<128x64xf32, #tpu.memory_space<vmem>>) dst(%dma_wait3A_228 : memref<10000x64xf32, #tpu.memory_space<vmem_shared>>)
    %dma_wait3A_231 = arith.constant 6 : i32
    %dma_wait3A_232 = arith.constant 0 : i32
    %dma_wait3A_233 = arith.constant 6 : i32
    %dma_wait3A_234 = arith.constant 0 : i32
    %dma_wait3A_235 = arith.constant 0 : i32
    %dma_wait3A_236 = tpu.memref_slice %arg8[%dma_wait3A_231, %dma_wait3A_234, %dma_wait3A_235] : memref<8x128x64xf32, #tpu.memory_space<vmem>> -> memref<1x128x64xf32, #tpu.memory_space<vmem>>
    %dma_wait3A_237 = tpu.memref_squeeze %dma_wait3A_236 : memref<1x128x64xf32, #tpu.memory_space<vmem>> -> memref<128x64xf32, #tpu.memory_space<vmem>>
    %dma_wait3A_238 = arith.constant 0 : i32
    %dma_wait3A_239 = tpu.memref_slice %arg7[%dma_wait3A_232, %dma_wait3A_238] : memref<79x128xi32, #tpu.memory_space<vmem>> -> memref<1x128xi32, #tpu.memory_space<vmem>>
    %dma_wait3A_240 = tpu.memref_squeeze %dma_wait3A_239 : memref<1x128xi32, #tpu.memory_space<vmem>> -> memref<128xi32, #tpu.memory_space<vmem>>
    %dma_wait3A_241 = arith.constant 0 : i32
    %dma_wait3A_242 = arith.constant 0 : i32
    %dma_wait3A_243 = tpu.memref_slice %arg9[%dma_wait3A_241, %dma_wait3A_242] : memref<10000x64xf32, #tpu.memory_space<vmem_shared>> -> memref<10000x64xf32, #tpu.memory_space<vmem_shared>>
    %dma_wait3A_244 = tpu.memref_slice %arg11[%dma_wait3A_233] : memref<8x!tpu.dma_semaphore, #tpu.memory_space<semaphore_mem>> -> memref<1x!tpu.dma_semaphore, #tpu.memory_space<semaphore_mem>>
    %dma_wait3A_245 = tpu.memref_squeeze %dma_wait3A_244 : memref<1x!tpu.dma_semaphore, #tpu.memory_space<semaphore_mem>> -> memref<!tpu.dma_semaphore, #tpu.memory_space<semaphore_mem>>
    tpu.wait_indirect_dma semaphore(%dma_wait3A_245 : memref<!tpu.dma_semaphore, #tpu.memory_space<semaphore_mem>>) src(%dma_wait3A_237 : memref<128x64xf32, #tpu.memory_space<vmem>>) dst(%dma_wait3A_243 : memref<10000x64xf32, #tpu.memory_space<vmem_shared>>)
    %dma_wait3A_246 = arith.constant 7 : i32
    %dma_wait3A_247 = arith.constant 0 : i32
    %dma_wait3A_248 = arith.constant 7 : i32
    %dma_wait3A_249 = arith.constant 0 : i32
    %dma_wait3A_250 = arith.constant 0 : i32
    %dma_wait3A_251 = tpu.memref_slice %arg8[%dma_wait3A_246, %dma_wait3A_249, %dma_wait3A_250] : memref<8x128x64xf32, #tpu.memory_space<vmem>> -> memref<1x128x64xf32, #tpu.memory_space<vmem>>
    %dma_wait3A_252 = tpu.memref_squeeze %dma_wait3A_251 : memref<1x128x64xf32, #tpu.memory_space<vmem>> -> memref<128x64xf32, #tpu.memory_space<vmem>>
    %dma_wait3A_253 = arith.constant 0 : i32
    %dma_wait3A_254 = tpu.memref_slice %arg7[%dma_wait3A_247, %dma_wait3A_253] : memref<79x128xi32, #tpu.memory_space<vmem>> -> memref<1x128xi32, #tpu.memory_space<vmem>>
    %dma_wait3A_255 = tpu.memref_squeeze %dma_wait3A_254 : memref<1x128xi32, #tpu.memory_space<vmem>> -> memref<128xi32, #tpu.memory_space<vmem>>
    %dma_wait3A_256 = arith.constant 0 : i32
    %dma_wait3A_257 = arith.constant 0 : i32
    %dma_wait3A_258 = tpu.memref_slice %arg9[%dma_wait3A_256, %dma_wait3A_257] : memref<10000x64xf32, #tpu.memory_space<vmem_shared>> -> memref<10000x64xf32, #tpu.memory_space<vmem_shared>>
    %dma_wait3A_259 = tpu.memref_slice %arg11[%dma_wait3A_248] : memref<8x!tpu.dma_semaphore, #tpu.memory_space<semaphore_mem>> -> memref<1x!tpu.dma_semaphore, #tpu.memory_space<semaphore_mem>>
    %dma_wait3A_260 = tpu.memref_squeeze %dma_wait3A_259 : memref<1x!tpu.dma_semaphore, #tpu.memory_space<semaphore_mem>> -> memref<!tpu.dma_semaphore, #tpu.memory_space<semaphore_mem>>
    tpu.wait_indirect_dma semaphore(%dma_wait3A_260 : memref<!tpu.dma_semaphore, #tpu.memory_space<semaphore_mem>>) src(%dma_wait3A_252 : memref<128x64xf32, #tpu.memory_space<vmem>>) dst(%dma_wait3A_258 : memref<10000x64xf32, #tpu.memory_space<vmem_shared>>)
    %barrier3A_261 = arith.constant 0 : index
    tpu.barrier barrier_id(%barrier3A_261)
    %mul3A_262 = arith.constant 624 : i32
    %mul3A_263 = arith.muli %arg1, %mul3A_262 : i32
    %mul3A_264 = arith.constant 624 : i32
    %mul3A_265 = arith.muli %arg1, %mul3A_264 : i32
    "tpu.region"() ({
      %run_scoped3A_271 = tpu.sem_alloc : memref<!tpu.dma_semaphore, #tpu.memory_space<semaphore_mem>>
      %dma_start3A_272 = arith.constant 0 : i32
      %dma_start3A_273 = tpu.memref_slice %arg5[%arg0, %mul3A_265, %dma_start3A_272] : memref<2x10000x64xf32, #tpu.memory_space<hbm>> -> memref<1x624x64xf32, #tpu.memory_space<hbm>>
      %dma_start3A_274 = tpu.memref_squeeze %dma_start3A_273 : memref<1x624x64xf32, #tpu.memory_space<hbm>> -> memref<624x64xf32, #tpu.memory_space<hbm>>
      %dma_start3A_275 = arith.constant 0 : i32
      %dma_start3A_276 = tpu.memref_slice %arg9[%mul3A_263, %dma_start3A_275] : memref<10000x64xf32, #tpu.memory_space<vmem_shared>> -> memref<624x64xf32, #tpu.memory_space<vmem_shared>>
      tpu.enqueue_dma source(%dma_start3A_276 : memref<624x64xf32, #tpu.memory_space<vmem_shared>>) target(%dma_start3A_274 : memref<624x64xf32, #tpu.memory_space<hbm>>) target_semaphore(%run_scoped3A_271 : memref<!tpu.dma_semaphore, #tpu.memory_space<semaphore_mem>>)
      %dma_wait3A_277 = arith.constant 0 : i32
      %dma_wait3A_278 = tpu.memref_slice %arg5[%arg0, %mul3A_265, %dma_wait3A_277] : memref<2x10000x64xf32, #tpu.memory_space<hbm>> -> memref<1x624x64xf32, #tpu.memory_space<hbm>>
      %dma_wait3A_279 = tpu.memref_squeeze %dma_wait3A_278 : memref<1x624x64xf32, #tpu.memory_space<hbm>> -> memref<624x64xf32, #tpu.memory_space<hbm>>
      %dma_wait3A_280 = arith.constant 0 : i32
      %dma_wait3A_281 = tpu.memref_slice %arg9[%mul3A_263, %dma_wait3A_280] : memref<10000x64xf32, #tpu.memory_space<vmem_shared>> -> memref<624x64xf32, #tpu.memory_space<vmem_shared>>
      tpu.wait_dma2 semaphore(%run_scoped3A_271 : memref<!tpu.dma_semaphore, #tpu.memory_space<semaphore_mem>>) src(%dma_wait3A_281 : memref<624x64xf32, #tpu.memory_space<vmem_shared>>) dst(%dma_wait3A_279 : memref<624x64xf32, #tpu.memory_space<hbm>>)
      tpu.yield
    }) : () -> ()
    %eq3A_266 = arith.constant 15 : i32
    %eq3A_267 = arith.cmpi eq, %arg1, %eq3A_266 : i32
    %convert_element_type3A_268 = arith.extui %eq3A_267 : i1 to i32
    %cond3A_269 = arith.constant 0 : i32
    %cond3A_270 = arith.cmpi ne, %convert_element_type3A_268, %cond3A_269 : i32
    scf.if %cond3A_270 {
      "tpu.region"() ({
        %run_scoped3A_271 = tpu.sem_alloc : memref<!tpu.dma_semaphore, #tpu.memory_space<semaphore_mem>>
        %dma_start3A_272 = arith.constant 9984 : i32
        %dma_start3A_273 = arith.constant 0 : i32
        %dma_start3A_274 = tpu.memref_slice %arg5[%arg0, %dma_start3A_272, %dma_start3A_273] : memref<2x10000x64xf32, #tpu.memory_space<hbm>> -> memref<1x16x64xf32, #tpu.memory_space<hbm>>
        %dma_start3A_275 = tpu.memref_squeeze %dma_start3A_274 : memref<1x16x64xf32, #tpu.memory_space<hbm>> -> memref<16x64xf32, #tpu.memory_space<hbm>>
        %dma_start3A_276 = arith.constant 9984 : i32
        %dma_start3A_277 = arith.constant 0 : i32
        %dma_start3A_278 = tpu.memref_slice %arg9[%dma_start3A_276, %dma_start3A_277] : memref<10000x64xf32, #tpu.memory_space<vmem_shared>> -> memref<16x64xf32, #tpu.memory_space<vmem_shared>>
        tpu.enqueue_dma source(%dma_start3A_278 : memref<16x64xf32, #tpu.memory_space<vmem_shared>>) target(%dma_start3A_275 : memref<16x64xf32, #tpu.memory_space<hbm>>) target_semaphore(%run_scoped3A_271 : memref<!tpu.dma_semaphore, #tpu.memory_space<semaphore_mem>>)
        %dma_wait3A_279 = arith.constant 9984 : i32
        %dma_wait3A_280 = arith.constant 0 : i32
        %dma_wait3A_281 = tpu.memref_slice %arg5[%arg0, %dma_wait3A_279, %dma_wait3A_280] : memref<2x10000x64xf32, #tpu.memory_space<hbm>> -> memref<1x16x64xf32, #tpu.memory_space<hbm>>
        %dma_wait3A_282 = tpu.memref_squeeze %dma_wait3A_281 : memref<1x16x64xf32, #tpu.memory_space<hbm>> -> memref<16x64xf32, #tpu.memory_space<hbm>>
        %dma_wait3A_283 = arith.constant 9984 : i32
        %dma_wait3A_284 = arith.constant 0 : i32
        %dma_wait3A_285 = tpu.memref_slice %arg9[%dma_wait3A_283, %dma_wait3A_284] : memref<10000x64xf32, #tpu.memory_space<vmem_shared>> -> memref<16x64xf32, #tpu.memory_space<vmem_shared>>
        tpu.wait_dma2 semaphore(%run_scoped3A_271 : memref<!tpu.dma_semaphore, #tpu.memory_space<semaphore_mem>>) src(%dma_wait3A_285 : memref<16x64xf32, #tpu.memory_space<vmem_shared>>) dst(%dma_wait3A_282 : memref<16x64xf32, #tpu.memory_space<hbm>>)
        tpu.yield
      }) : () -> ()
    } else {
    }
    return
  }
}

#map = affine_map<(d0, d1) -> (0, 0)>
#map1 = affine_map<(d0, d1) -> (0, 0, 0)>
module attributes {stable_mosaic.version = 14 : i64} {
  func.func @agg_kernel(%arg0: i32, %arg1: i32, %arg2: memref<10000x32xf32, #tpu.memory_space<hbm>>, %arg3: memref<2x2500x128xi32, #tpu.memory_space<hbm>>, %arg4: memref<10000x32xf32, #tpu.memory_space<hbm>>, %arg5: memref<2x10000x32xf32, #tpu.memory_space<hbm>>, %arg6: memref<79x128xi32, #tpu.memory_space<vmem>>, %arg7: memref<79x128xi32, #tpu.memory_space<vmem>>, %arg8: memref<8x128x32xf32, #tpu.memory_space<vmem>>, %arg9: memref<10000x32xf32, #tpu.memory_space<vmem_shared>>, %arg10: memref<8x!tpu.dma_semaphore, #tpu.memory_space<semaphore_mem>>, %arg11: memref<8x!tpu.dma_semaphore, #tpu.memory_space<semaphore_mem>>) attributes {dimension_semantics = [#tpu.dimension_semantics<core_parallel>, #tpu.dimension_semantics<subcore_parallel>], iteration_bounds = array<i64: 2, 16>, scalar_prefetch = 0 : i64, scratch_operands = 6 : i64, tpu.core_type = #tpu.core_type<sc_vector_subcore>, window_params = [{transform_indices = #map}, {transform_indices = #map1}, {transform_indices = #map}, {transform_indices = #map1}]} {
    %mul3A = arith.constant 2 : i32
    %mul3A_0 = arith.muli %arg1, %mul3A : i32
    %add3A = arith.addi %mul3A_0, %arg0 : i32
    %mul3A_1 = arith.constant 78 : i32
    %mul3A_2 = arith.muli %mul3A_1, %add3A : i32
    %min3A = arith.constant 4 : i32
    %min3A_3 = arith.minsi %add3A, %min3A : i32
    %add3A_4 = arith.addi %mul3A_2, %min3A_3 : i32
    %lt3A = arith.constant 4 : i32
    %lt3A_5 = arith.cmpi slt, %add3A, %lt3A : i32
    %convert_element_type3A = arith.extui %lt3A_5 : i1 to i32
    %add3A_6 = arith.constant 78 : i32
    %add3A_7 = arith.addi %add3A_6, %convert_element_type3A : i32
    %eq3A = arith.constant 0 : i32
    %eq3A_8 = arith.cmpi eq, %arg1, %eq3A : i32
    %convert_element_type3A_9 = arith.extui %eq3A_8 : i1 to i32
    %cond3A = arith.constant 0 : i32
    %cond3A_10 = arith.cmpi ne, %convert_element_type3A_9, %cond3A : i32
    scf.if %cond3A_10 {
      "tpu.region"() ({
        %run_scoped3A_271 = tpu.sem_alloc : memref<!tpu.dma_semaphore, #tpu.memory_space<semaphore_mem>>
        tpu.enqueue_dma source(%arg4 : memref<10000x32xf32, #tpu.memory_space<hbm>>) target(%arg9 : memref<10000x32xf32, #tpu.memory_space<vmem_shared>>) target_semaphore(%run_scoped3A_271 : memref<!tpu.dma_semaphore, #tpu.memory_space<semaphore_mem>>)
        tpu.wait_dma2 semaphore(%run_scoped3A_271 : memref<!tpu.dma_semaphore, #tpu.memory_space<semaphore_mem>>) src(%arg4 : memref<10000x32xf32, #tpu.memory_space<hbm>>) dst(%arg9 : memref<10000x32xf32, #tpu.memory_space<vmem_shared>>)
        tpu.yield
      }) : () -> ()
    } else {
    }
    %run_scoped3A = arith.constant 0 : i32
    "tpu.region"() ({
      %run_scoped3A_271 = tpu.sem_alloc : memref<!tpu.dma_semaphore, #tpu.memory_space<semaphore_mem>>
      %dma_start3A_272 = arith.constant 0 : i32
      %dma_start3A_273 = arith.constant 0 : i32
      %dma_start3A_274 = tpu.memref_slice %arg6[%dma_start3A_272, %dma_start3A_273] : memref<79x128xi32, #tpu.memory_space<vmem>> -> memref<78x128xi32, #tpu.memory_space<vmem>>
      %dma_start3A_275 = arith.constant 0 : i32
      %dma_start3A_276 = tpu.memref_slice %arg3[%run_scoped3A, %add3A_4, %dma_start3A_275] : memref<2x2500x128xi32, #tpu.memory_space<hbm>> -> memref<1x78x128xi32, #tpu.memory_space<hbm>>
      %dma_start3A_277 = tpu.memref_squeeze %dma_start3A_276 : memref<1x78x128xi32, #tpu.memory_space<hbm>> -> memref<78x128xi32, #tpu.memory_space<hbm>>
      %dma_start3A_278 = arith.constant 0 : i32
      %dma_start3A_279 = arith.constant 0 : i32
      %dma_start3A_280 = tpu.memref_slice %arg6[%dma_start3A_278, %dma_start3A_279] : memref<79x128xi32, #tpu.memory_space<vmem>> -> memref<78x128xi32, #tpu.memory_space<vmem>>
      %dma_start3A_281 = arith.constant 0 : i32
      %dma_start3A_282 = tpu.memref_slice %arg3[%run_scoped3A, %add3A_4, %dma_start3A_281] : memref<2x2500x128xi32, #tpu.memory_space<hbm>> -> memref<1x78x128xi32, #tpu.memory_space<hbm>>
      %dma_start3A_283 = tpu.memref_squeeze %dma_start3A_282 : memref<1x78x128xi32, #tpu.memory_space<hbm>> -> memref<78x128xi32, #tpu.memory_space<hbm>>
      tpu.enqueue_dma source(%dma_start3A_283 : memref<78x128xi32, #tpu.memory_space<hbm>>) target(%dma_start3A_280 : memref<78x128xi32, #tpu.memory_space<vmem>>) target_semaphore(%run_scoped3A_271 : memref<!tpu.dma_semaphore, #tpu.memory_space<semaphore_mem>>)
      %dma_wait3A_284 = arith.constant 0 : i32
      %dma_wait3A_285 = arith.constant 0 : i32
      %dma_wait3A_286 = tpu.memref_slice %arg6[%dma_wait3A_284, %dma_wait3A_285] : memref<79x128xi32, #tpu.memory_space<vmem>> -> memref<78x128xi32, #tpu.memory_space<vmem>>
      %dma_wait3A_287 = arith.constant 0 : i32
      %dma_wait3A_288 = tpu.memref_slice %arg3[%run_scoped3A, %add3A_4, %dma_wait3A_287] : memref<2x2500x128xi32, #tpu.memory_space<hbm>> -> memref<1x78x128xi32, #tpu.memory_space<hbm>>
      %dma_wait3A_289 = tpu.memref_squeeze %dma_wait3A_288 : memref<1x78x128xi32, #tpu.memory_space<hbm>> -> memref<78x128xi32, #tpu.memory_space<hbm>>
      %dma_wait3A_290 = arith.constant 0 : i32
      %dma_wait3A_291 = arith.constant 0 : i32
      %dma_wait3A_292 = tpu.memref_slice %arg6[%dma_wait3A_290, %dma_wait3A_291] : memref<79x128xi32, #tpu.memory_space<vmem>> -> memref<78x128xi32, #tpu.memory_space<vmem>>
      %dma_wait3A_293 = arith.constant 0 : i32
      %dma_wait3A_294 = tpu.memref_slice %arg3[%run_scoped3A, %add3A_4, %dma_wait3A_293] : memref<2x2500x128xi32, #tpu.memory_space<hbm>> -> memref<1x78x128xi32, #tpu.memory_space<hbm>>
      %dma_wait3A_295 = tpu.memref_squeeze %dma_wait3A_294 : memref<1x78x128xi32, #tpu.memory_space<hbm>> -> memref<78x128xi32, #tpu.memory_space<hbm>>
      tpu.wait_dma2 semaphore(%run_scoped3A_271 : memref<!tpu.dma_semaphore, #tpu.memory_space<semaphore_mem>>) src(%dma_wait3A_295 : memref<78x128xi32, #tpu.memory_space<hbm>>) dst(%dma_wait3A_292 : memref<78x128xi32, #tpu.memory_space<vmem>>)
      tpu.yield
    }) : () -> ()
    %convert_element_type3A_11 = arith.extui %lt3A_5 : i1 to i32
    %cond3A_12 = arith.constant 0 : i32
    %cond3A_13 = arith.cmpi ne, %convert_element_type3A_11, %cond3A_12 : i32
    scf.if %cond3A_13 {
      %add3A_271 = arith.constant 78 : i32
      %add3A_272 = arith.addi %add3A_4, %add3A_271 : i32
      %run_scoped3A_273 = arith.constant 0 : i32
      "tpu.region"() ({
        %run_scoped3A_274 = tpu.sem_alloc : memref<!tpu.dma_semaphore, #tpu.memory_space<semaphore_mem>>
        %dma_start3A_275 = arith.constant 78 : i32
        %dma_start3A_276 = arith.constant 0 : i32
        %dma_start3A_277 = tpu.memref_slice %arg6[%dma_start3A_275, %dma_start3A_276] : memref<79x128xi32, #tpu.memory_space<vmem>> -> memref<1x128xi32, #tpu.memory_space<vmem>>
        %dma_start3A_278 = arith.constant 0 : i32
        %dma_start3A_279 = tpu.memref_slice %arg3[%run_scoped3A_273, %add3A_272, %dma_start3A_278] : memref<2x2500x128xi32, #tpu.memory_space<hbm>> -> memref<1x1x128xi32, #tpu.memory_space<hbm>>
        %dma_start3A_280 = tpu.memref_squeeze %dma_start3A_279 : memref<1x1x128xi32, #tpu.memory_space<hbm>> -> memref<1x128xi32, #tpu.memory_space<hbm>>
        %dma_start3A_281 = arith.constant 78 : i32
        %dma_start3A_282 = arith.constant 0 : i32
        %dma_start3A_283 = tpu.memref_slice %arg6[%dma_start3A_281, %dma_start3A_282] : memref<79x128xi32, #tpu.memory_space<vmem>> -> memref<1x128xi32, #tpu.memory_space<vmem>>
        %dma_start3A_284 = arith.constant 0 : i32
        %dma_start3A_285 = tpu.memref_slice %arg3[%run_scoped3A_273, %add3A_272, %dma_start3A_284] : memref<2x2500x128xi32, #tpu.memory_space<hbm>> -> memref<1x1x128xi32, #tpu.memory_space<hbm>>
        %dma_start3A_286 = tpu.memref_squeeze %dma_start3A_285 : memref<1x1x128xi32, #tpu.memory_space<hbm>> -> memref<1x128xi32, #tpu.memory_space<hbm>>
        tpu.enqueue_dma source(%dma_start3A_286 : memref<1x128xi32, #tpu.memory_space<hbm>>) target(%dma_start3A_283 : memref<1x128xi32, #tpu.memory_space<vmem>>) target_semaphore(%run_scoped3A_274 : memref<!tpu.dma_semaphore, #tpu.memory_space<semaphore_mem>>)
        %dma_wait3A_287 = arith.constant 78 : i32
        %dma_wait3A_288 = arith.constant 0 : i32
        %dma_wait3A_289 = tpu.memref_slice %arg6[%dma_wait3A_287, %dma_wait3A_288] : memref<79x128xi32, #tpu.memory_space<vmem>> -> memref<1x128xi32, #tpu.memory_space<vmem>>
        %dma_wait3A_290 = arith.constant 0 : i32
        %dma_wait3A_291 = tpu.memref_slice %arg3[%run_scoped3A_273, %add3A_272, %dma_wait3A_290] : memref<2x2500x128xi32, #tpu.memory_space<hbm>> -> memref<1x1x128xi32, #tpu.memory_space<hbm>>
        %dma_wait3A_292 = tpu.memref_squeeze %dma_wait3A_291 : memref<1x1x128xi32, #tpu.memory_space<hbm>> -> memref<1x128xi32, #tpu.memory_space<hbm>>
        %dma_wait3A_293 = arith.constant 78 : i32
        %dma_wait3A_294 = arith.constant 0 : i32
        %dma_wait3A_295 = tpu.memref_slice %arg6[%dma_wait3A_293, %dma_wait3A_294] : memref<79x128xi32, #tpu.memory_space<vmem>> -> memref<1x128xi32, #tpu.memory_space<vmem>>
        %dma_wait3A_296 = arith.constant 0 : i32
        %dma_wait3A_297 = tpu.memref_slice %arg3[%run_scoped3A_273, %add3A_272, %dma_wait3A_296] : memref<2x2500x128xi32, #tpu.memory_space<hbm>> -> memref<1x1x128xi32, #tpu.memory_space<hbm>>
        %dma_wait3A_298 = tpu.memref_squeeze %dma_wait3A_297 : memref<1x1x128xi32, #tpu.memory_space<hbm>> -> memref<1x128xi32, #tpu.memory_space<hbm>>
        tpu.wait_dma2 semaphore(%run_scoped3A_274 : memref<!tpu.dma_semaphore, #tpu.memory_space<semaphore_mem>>) src(%dma_wait3A_298 : memref<1x128xi32, #tpu.memory_space<hbm>>) dst(%dma_wait3A_295 : memref<1x128xi32, #tpu.memory_space<vmem>>)
        tpu.yield
      }) : () -> ()
    } else {
    }
    %run_scoped3A_14 = arith.constant 1 : i32
    "tpu.region"() ({
      %run_scoped3A_271 = tpu.sem_alloc : memref<!tpu.dma_semaphore, #tpu.memory_space<semaphore_mem>>
      %dma_start3A_272 = arith.constant 0 : i32
      %dma_start3A_273 = arith.constant 0 : i32
      %dma_start3A_274 = tpu.memref_slice %arg7[%dma_start3A_272, %dma_start3A_273] : memref<79x128xi32, #tpu.memory_space<vmem>> -> memref<78x128xi32, #tpu.memory_space<vmem>>
      %dma_start3A_275 = arith.constant 0 : i32
      %dma_start3A_276 = tpu.memref_slice %arg3[%run_scoped3A_14, %add3A_4, %dma_start3A_275] : memref<2x2500x128xi32, #tpu.memory_space<hbm>> -> memref<1x78x128xi32, #tpu.memory_space<hbm>>
      %dma_start3A_277 = tpu.memref_squeeze %dma_start3A_276 : memref<1x78x128xi32, #tpu.memory_space<hbm>> -> memref<78x128xi32, #tpu.memory_space<hbm>>
      %dma_start3A_278 = arith.constant 0 : i32
      %dma_start3A_279 = arith.constant 0 : i32
      %dma_start3A_280 = tpu.memref_slice %arg7[%dma_start3A_278, %dma_start3A_279] : memref<79x128xi32, #tpu.memory_space<vmem>> -> memref<78x128xi32, #tpu.memory_space<vmem>>
      %dma_start3A_281 = arith.constant 0 : i32
      %dma_start3A_282 = tpu.memref_slice %arg3[%run_scoped3A_14, %add3A_4, %dma_start3A_281] : memref<2x2500x128xi32, #tpu.memory_space<hbm>> -> memref<1x78x128xi32, #tpu.memory_space<hbm>>
      %dma_start3A_283 = tpu.memref_squeeze %dma_start3A_282 : memref<1x78x128xi32, #tpu.memory_space<hbm>> -> memref<78x128xi32, #tpu.memory_space<hbm>>
      tpu.enqueue_dma source(%dma_start3A_283 : memref<78x128xi32, #tpu.memory_space<hbm>>) target(%dma_start3A_280 : memref<78x128xi32, #tpu.memory_space<vmem>>) target_semaphore(%run_scoped3A_271 : memref<!tpu.dma_semaphore, #tpu.memory_space<semaphore_mem>>)
      %dma_wait3A_284 = arith.constant 0 : i32
      %dma_wait3A_285 = arith.constant 0 : i32
      %dma_wait3A_286 = tpu.memref_slice %arg7[%dma_wait3A_284, %dma_wait3A_285] : memref<79x128xi32, #tpu.memory_space<vmem>> -> memref<78x128xi32, #tpu.memory_space<vmem>>
      %dma_wait3A_287 = arith.constant 0 : i32
      %dma_wait3A_288 = tpu.memref_slice %arg3[%run_scoped3A_14, %add3A_4, %dma_wait3A_287] : memref<2x2500x128xi32, #tpu.memory_space<hbm>> -> memref<1x78x128xi32, #tpu.memory_space<hbm>>
      %dma_wait3A_289 = tpu.memref_squeeze %dma_wait3A_288 : memref<1x78x128xi32, #tpu.memory_space<hbm>> -> memref<78x128xi32, #tpu.memory_space<hbm>>
      %dma_wait3A_290 = arith.constant 0 : i32
      %dma_wait3A_291 = arith.constant 0 : i32
      %dma_wait3A_292 = tpu.memref_slice %arg7[%dma_wait3A_290, %dma_wait3A_291] : memref<79x128xi32, #tpu.memory_space<vmem>> -> memref<78x128xi32, #tpu.memory_space<vmem>>
      %dma_wait3A_293 = arith.constant 0 : i32
      %dma_wait3A_294 = tpu.memref_slice %arg3[%run_scoped3A_14, %add3A_4, %dma_wait3A_293] : memref<2x2500x128xi32, #tpu.memory_space<hbm>> -> memref<1x78x128xi32, #tpu.memory_space<hbm>>
      %dma_wait3A_295 = tpu.memref_squeeze %dma_wait3A_294 : memref<1x78x128xi32, #tpu.memory_space<hbm>> -> memref<78x128xi32, #tpu.memory_space<hbm>>
      tpu.wait_dma2 semaphore(%run_scoped3A_271 : memref<!tpu.dma_semaphore, #tpu.memory_space<semaphore_mem>>) src(%dma_wait3A_295 : memref<78x128xi32, #tpu.memory_space<hbm>>) dst(%dma_wait3A_292 : memref<78x128xi32, #tpu.memory_space<vmem>>)
      tpu.yield
    }) : () -> ()
    %convert_element_type3A_15 = arith.extui %lt3A_5 : i1 to i32
    %cond3A_16 = arith.constant 0 : i32
    %cond3A_17 = arith.cmpi ne, %convert_element_type3A_15, %cond3A_16 : i32
    scf.if %cond3A_17 {
      %add3A_271 = arith.constant 78 : i32
      %add3A_272 = arith.addi %add3A_4, %add3A_271 : i32
      %run_scoped3A_273 = arith.constant 1 : i32
      "tpu.region"() ({
        %run_scoped3A_274 = tpu.sem_alloc : memref<!tpu.dma_semaphore, #tpu.memory_space<semaphore_mem>>
        %dma_start3A_275 = arith.constant 78 : i32
        %dma_start3A_276 = arith.constant 0 : i32
        %dma_start3A_277 = tpu.memref_slice %arg7[%dma_start3A_275, %dma_start3A_276] : memref<79x128xi32, #tpu.memory_space<vmem>> -> memref<1x128xi32, #tpu.memory_space<vmem>>
        %dma_start3A_278 = arith.constant 0 : i32
        %dma_start3A_279 = tpu.memref_slice %arg3[%run_scoped3A_273, %add3A_272, %dma_start3A_278] : memref<2x2500x128xi32, #tpu.memory_space<hbm>> -> memref<1x1x128xi32, #tpu.memory_space<hbm>>
        %dma_start3A_280 = tpu.memref_squeeze %dma_start3A_279 : memref<1x1x128xi32, #tpu.memory_space<hbm>> -> memref<1x128xi32, #tpu.memory_space<hbm>>
        %dma_start3A_281 = arith.constant 78 : i32
        %dma_start3A_282 = arith.constant 0 : i32
        %dma_start3A_283 = tpu.memref_slice %arg7[%dma_start3A_281, %dma_start3A_282] : memref<79x128xi32, #tpu.memory_space<vmem>> -> memref<1x128xi32, #tpu.memory_space<vmem>>
        %dma_start3A_284 = arith.constant 0 : i32
        %dma_start3A_285 = tpu.memref_slice %arg3[%run_scoped3A_273, %add3A_272, %dma_start3A_284] : memref<2x2500x128xi32, #tpu.memory_space<hbm>> -> memref<1x1x128xi32, #tpu.memory_space<hbm>>
        %dma_start3A_286 = tpu.memref_squeeze %dma_start3A_285 : memref<1x1x128xi32, #tpu.memory_space<hbm>> -> memref<1x128xi32, #tpu.memory_space<hbm>>
        tpu.enqueue_dma source(%dma_start3A_286 : memref<1x128xi32, #tpu.memory_space<hbm>>) target(%dma_start3A_283 : memref<1x128xi32, #tpu.memory_space<vmem>>) target_semaphore(%run_scoped3A_274 : memref<!tpu.dma_semaphore, #tpu.memory_space<semaphore_mem>>)
        %dma_wait3A_287 = arith.constant 78 : i32
        %dma_wait3A_288 = arith.constant 0 : i32
        %dma_wait3A_289 = tpu.memref_slice %arg7[%dma_wait3A_287, %dma_wait3A_288] : memref<79x128xi32, #tpu.memory_space<vmem>> -> memref<1x128xi32, #tpu.memory_space<vmem>>
        %dma_wait3A_290 = arith.constant 0 : i32
        %dma_wait3A_291 = tpu.memref_slice %arg3[%run_scoped3A_273, %add3A_272, %dma_wait3A_290] : memref<2x2500x128xi32, #tpu.memory_space<hbm>> -> memref<1x1x128xi32, #tpu.memory_space<hbm>>
        %dma_wait3A_292 = tpu.memref_squeeze %dma_wait3A_291 : memref<1x1x128xi32, #tpu.memory_space<hbm>> -> memref<1x128xi32, #tpu.memory_space<hbm>>
        %dma_wait3A_293 = arith.constant 78 : i32
        %dma_wait3A_294 = arith.constant 0 : i32
        %dma_wait3A_295 = tpu.memref_slice %arg7[%dma_wait3A_293, %dma_wait3A_294] : memref<79x128xi32, #tpu.memory_space<vmem>> -> memref<1x128xi32, #tpu.memory_space<vmem>>
        %dma_wait3A_296 = arith.constant 0 : i32
        %dma_wait3A_297 = tpu.memref_slice %arg3[%run_scoped3A_273, %add3A_272, %dma_wait3A_296] : memref<2x2500x128xi32, #tpu.memory_space<hbm>> -> memref<1x1x128xi32, #tpu.memory_space<hbm>>
        %dma_wait3A_298 = tpu.memref_squeeze %dma_wait3A_297 : memref<1x1x128xi32, #tpu.memory_space<hbm>> -> memref<1x128xi32, #tpu.memory_space<hbm>>
        tpu.wait_dma2 semaphore(%run_scoped3A_274 : memref<!tpu.dma_semaphore, #tpu.memory_space<semaphore_mem>>) src(%dma_wait3A_298 : memref<1x128xi32, #tpu.memory_space<hbm>>) dst(%dma_wait3A_295 : memref<1x128xi32, #tpu.memory_space<vmem>>)
        tpu.yield
      }) : () -> ()
    } else {
    }
    %barrier3A = arith.constant 0 : index
    tpu.barrier barrier_id(%barrier3A)
    %dma_start3A = arith.constant 0 : i32
    %dma_start3A_18 = arith.constant 0 : i32
    %dma_start3A_19 = arith.constant 0 : i32
    %dma_start3A_20 = arith.constant 0 : i32
    %dma_start3A_21 = arith.constant 0 : i32
    %dma_start3A_22 = tpu.memref_slice %arg8[%dma_start3A_18, %dma_start3A_20, %dma_start3A_21] : memref<8x128x32xf32, #tpu.memory_space<vmem>> -> memref<1x128x32xf32, #tpu.memory_space<vmem>>
    %dma_start3A_23 = tpu.memref_squeeze %dma_start3A_22 : memref<1x128x32xf32, #tpu.memory_space<vmem>> -> memref<128x32xf32, #tpu.memory_space<vmem>>
    %dma_start3A_24 = arith.constant 0 : i32
    %dma_start3A_25 = tpu.memref_slice %arg6[%dma_start3A, %dma_start3A_24] : memref<79x128xi32, #tpu.memory_space<vmem>> -> memref<1x128xi32, #tpu.memory_space<vmem>>
    %dma_start3A_26 = tpu.memref_squeeze %dma_start3A_25 : memref<1x128xi32, #tpu.memory_space<vmem>> -> memref<128xi32, #tpu.memory_space<vmem>>
    %dma_start3A_27 = arith.constant 0 : i32
    %dma_start3A_28 = arith.constant 0 : i32
    %dma_start3A_29 = tpu.memref_slice %arg2[%dma_start3A_27, %dma_start3A_28] : memref<10000x32xf32, #tpu.memory_space<hbm>> -> memref<10000x32xf32, #tpu.memory_space<hbm>>
    %dma_start3A_30 = tpu.memref_slice %arg10[%dma_start3A_19] : memref<8x!tpu.dma_semaphore, #tpu.memory_space<semaphore_mem>> -> memref<1x!tpu.dma_semaphore, #tpu.memory_space<semaphore_mem>>
    %dma_start3A_31 = tpu.memref_squeeze %dma_start3A_30 : memref<1x!tpu.dma_semaphore, #tpu.memory_space<semaphore_mem>> -> memref<!tpu.dma_semaphore, #tpu.memory_space<semaphore_mem>>
    tpu.enqueue_indirect_dma source(%dma_start3A_29 : memref<10000x32xf32, #tpu.memory_space<hbm>>) target(%dma_start3A_23 : memref<128x32xf32, #tpu.memory_space<vmem>>) offsets(%dma_start3A_26 : memref<128xi32, #tpu.memory_space<vmem>>) semaphore(%dma_start3A_31 : memref<!tpu.dma_semaphore, #tpu.memory_space<semaphore_mem>>)
    %dma_start3A_32 = arith.constant 1 : i32
    %dma_start3A_33 = arith.constant 1 : i32
    %dma_start3A_34 = arith.constant 1 : i32
    %dma_start3A_35 = arith.constant 0 : i32
    %dma_start3A_36 = arith.constant 0 : i32
    %dma_start3A_37 = tpu.memref_slice %arg8[%dma_start3A_33, %dma_start3A_35, %dma_start3A_36] : memref<8x128x32xf32, #tpu.memory_space<vmem>> -> memref<1x128x32xf32, #tpu.memory_space<vmem>>
    %dma_start3A_38 = tpu.memref_squeeze %dma_start3A_37 : memref<1x128x32xf32, #tpu.memory_space<vmem>> -> memref<128x32xf32, #tpu.memory_space<vmem>>
    %dma_start3A_39 = arith.constant 0 : i32
    %dma_start3A_40 = tpu.memref_slice %arg6[%dma_start3A_32, %dma_start3A_39] : memref<79x128xi32, #tpu.memory_space<vmem>> -> memref<1x128xi32, #tpu.memory_space<vmem>>
    %dma_start3A_41 = tpu.memref_squeeze %dma_start3A_40 : memref<1x128xi32, #tpu.memory_space<vmem>> -> memref<128xi32, #tpu.memory_space<vmem>>
    %dma_start3A_42 = arith.constant 0 : i32
    %dma_start3A_43 = arith.constant 0 : i32
    %dma_start3A_44 = tpu.memref_slice %arg2[%dma_start3A_42, %dma_start3A_43] : memref<10000x32xf32, #tpu.memory_space<hbm>> -> memref<10000x32xf32, #tpu.memory_space<hbm>>
    %dma_start3A_45 = tpu.memref_slice %arg10[%dma_start3A_34] : memref<8x!tpu.dma_semaphore, #tpu.memory_space<semaphore_mem>> -> memref<1x!tpu.dma_semaphore, #tpu.memory_space<semaphore_mem>>
    %dma_start3A_46 = tpu.memref_squeeze %dma_start3A_45 : memref<1x!tpu.dma_semaphore, #tpu.memory_space<semaphore_mem>> -> memref<!tpu.dma_semaphore, #tpu.memory_space<semaphore_mem>>
    tpu.enqueue_indirect_dma source(%dma_start3A_44 : memref<10000x32xf32, #tpu.memory_space<hbm>>) target(%dma_start3A_38 : memref<128x32xf32, #tpu.memory_space<vmem>>) offsets(%dma_start3A_41 : memref<128xi32, #tpu.memory_space<vmem>>) semaphore(%dma_start3A_46 : memref<!tpu.dma_semaphore, #tpu.memory_space<semaphore_mem>>)
    %dma_start3A_47 = arith.constant 2 : i32
    %dma_start3A_48 = arith.constant 2 : i32
    %dma_start3A_49 = arith.constant 2 : i32
    %dma_start3A_50 = arith.constant 0 : i32
    %dma_start3A_51 = arith.constant 0 : i32
    %dma_start3A_52 = tpu.memref_slice %arg8[%dma_start3A_48, %dma_start3A_50, %dma_start3A_51] : memref<8x128x32xf32, #tpu.memory_space<vmem>> -> memref<1x128x32xf32, #tpu.memory_space<vmem>>
    %dma_start3A_53 = tpu.memref_squeeze %dma_start3A_52 : memref<1x128x32xf32, #tpu.memory_space<vmem>> -> memref<128x32xf32, #tpu.memory_space<vmem>>
    %dma_start3A_54 = arith.constant 0 : i32
    %dma_start3A_55 = tpu.memref_slice %arg6[%dma_start3A_47, %dma_start3A_54] : memref<79x128xi32, #tpu.memory_space<vmem>> -> memref<1x128xi32, #tpu.memory_space<vmem>>
    %dma_start3A_56 = tpu.memref_squeeze %dma_start3A_55 : memref<1x128xi32, #tpu.memory_space<vmem>> -> memref<128xi32, #tpu.memory_space<vmem>>
    %dma_start3A_57 = arith.constant 0 : i32
    %dma_start3A_58 = arith.constant 0 : i32
    %dma_start3A_59 = tpu.memref_slice %arg2[%dma_start3A_57, %dma_start3A_58] : memref<10000x32xf32, #tpu.memory_space<hbm>> -> memref<10000x32xf32, #tpu.memory_space<hbm>>
    %dma_start3A_60 = tpu.memref_slice %arg10[%dma_start3A_49] : memref<8x!tpu.dma_semaphore, #tpu.memory_space<semaphore_mem>> -> memref<1x!tpu.dma_semaphore, #tpu.memory_space<semaphore_mem>>
    %dma_start3A_61 = tpu.memref_squeeze %dma_start3A_60 : memref<1x!tpu.dma_semaphore, #tpu.memory_space<semaphore_mem>> -> memref<!tpu.dma_semaphore, #tpu.memory_space<semaphore_mem>>
    tpu.enqueue_indirect_dma source(%dma_start3A_59 : memref<10000x32xf32, #tpu.memory_space<hbm>>) target(%dma_start3A_53 : memref<128x32xf32, #tpu.memory_space<vmem>>) offsets(%dma_start3A_56 : memref<128xi32, #tpu.memory_space<vmem>>) semaphore(%dma_start3A_61 : memref<!tpu.dma_semaphore, #tpu.memory_space<semaphore_mem>>)
    %dma_start3A_62 = arith.constant 3 : i32
    %dma_start3A_63 = arith.constant 3 : i32
    %dma_start3A_64 = arith.constant 3 : i32
    %dma_start3A_65 = arith.constant 0 : i32
    %dma_start3A_66 = arith.constant 0 : i32
    %dma_start3A_67 = tpu.memref_slice %arg8[%dma_start3A_63, %dma_start3A_65, %dma_start3A_66] : memref<8x128x32xf32, #tpu.memory_space<vmem>> -> memref<1x128x32xf32, #tpu.memory_space<vmem>>
    %dma_start3A_68 = tpu.memref_squeeze %dma_start3A_67 : memref<1x128x32xf32, #tpu.memory_space<vmem>> -> memref<128x32xf32, #tpu.memory_space<vmem>>
    %dma_start3A_69 = arith.constant 0 : i32
    %dma_start3A_70 = tpu.memref_slice %arg6[%dma_start3A_62, %dma_start3A_69] : memref<79x128xi32, #tpu.memory_space<vmem>> -> memref<1x128xi32, #tpu.memory_space<vmem>>
    %dma_start3A_71 = tpu.memref_squeeze %dma_start3A_70 : memref<1x128xi32, #tpu.memory_space<vmem>> -> memref<128xi32, #tpu.memory_space<vmem>>
    %dma_start3A_72 = arith.constant 0 : i32
    %dma_start3A_73 = arith.constant 0 : i32
    %dma_start3A_74 = tpu.memref_slice %arg2[%dma_start3A_72, %dma_start3A_73] : memref<10000x32xf32, #tpu.memory_space<hbm>> -> memref<10000x32xf32, #tpu.memory_space<hbm>>
    %dma_start3A_75 = tpu.memref_slice %arg10[%dma_start3A_64] : memref<8x!tpu.dma_semaphore, #tpu.memory_space<semaphore_mem>> -> memref<1x!tpu.dma_semaphore, #tpu.memory_space<semaphore_mem>>
    %dma_start3A_76 = tpu.memref_squeeze %dma_start3A_75 : memref<1x!tpu.dma_semaphore, #tpu.memory_space<semaphore_mem>> -> memref<!tpu.dma_semaphore, #tpu.memory_space<semaphore_mem>>
    tpu.enqueue_indirect_dma source(%dma_start3A_74 : memref<10000x32xf32, #tpu.memory_space<hbm>>) target(%dma_start3A_68 : memref<128x32xf32, #tpu.memory_space<vmem>>) offsets(%dma_start3A_71 : memref<128xi32, #tpu.memory_space<vmem>>) semaphore(%dma_start3A_76 : memref<!tpu.dma_semaphore, #tpu.memory_space<semaphore_mem>>)
    %dma_start3A_77 = arith.constant 4 : i32
    %dma_start3A_78 = arith.constant 4 : i32
    %dma_start3A_79 = arith.constant 4 : i32
    %dma_start3A_80 = arith.constant 0 : i32
    %dma_start3A_81 = arith.constant 0 : i32
    %dma_start3A_82 = tpu.memref_slice %arg8[%dma_start3A_78, %dma_start3A_80, %dma_start3A_81] : memref<8x128x32xf32, #tpu.memory_space<vmem>> -> memref<1x128x32xf32, #tpu.memory_space<vmem>>
    %dma_start3A_83 = tpu.memref_squeeze %dma_start3A_82 : memref<1x128x32xf32, #tpu.memory_space<vmem>> -> memref<128x32xf32, #tpu.memory_space<vmem>>
    %dma_start3A_84 = arith.constant 0 : i32
    %dma_start3A_85 = tpu.memref_slice %arg6[%dma_start3A_77, %dma_start3A_84] : memref<79x128xi32, #tpu.memory_space<vmem>> -> memref<1x128xi32, #tpu.memory_space<vmem>>
    %dma_start3A_86 = tpu.memref_squeeze %dma_start3A_85 : memref<1x128xi32, #tpu.memory_space<vmem>> -> memref<128xi32, #tpu.memory_space<vmem>>
    %dma_start3A_87 = arith.constant 0 : i32
    %dma_start3A_88 = arith.constant 0 : i32
    %dma_start3A_89 = tpu.memref_slice %arg2[%dma_start3A_87, %dma_start3A_88] : memref<10000x32xf32, #tpu.memory_space<hbm>> -> memref<10000x32xf32, #tpu.memory_space<hbm>>
    %dma_start3A_90 = tpu.memref_slice %arg10[%dma_start3A_79] : memref<8x!tpu.dma_semaphore, #tpu.memory_space<semaphore_mem>> -> memref<1x!tpu.dma_semaphore, #tpu.memory_space<semaphore_mem>>
    %dma_start3A_91 = tpu.memref_squeeze %dma_start3A_90 : memref<1x!tpu.dma_semaphore, #tpu.memory_space<semaphore_mem>> -> memref<!tpu.dma_semaphore, #tpu.memory_space<semaphore_mem>>
    tpu.enqueue_indirect_dma source(%dma_start3A_89 : memref<10000x32xf32, #tpu.memory_space<hbm>>) target(%dma_start3A_83 : memref<128x32xf32, #tpu.memory_space<vmem>>) offsets(%dma_start3A_86 : memref<128xi32, #tpu.memory_space<vmem>>) semaphore(%dma_start3A_91 : memref<!tpu.dma_semaphore, #tpu.memory_space<semaphore_mem>>)
    %dma_start3A_92 = arith.constant 5 : i32
    %dma_start3A_93 = arith.constant 5 : i32
    %dma_start3A_94 = arith.constant 5 : i32
    %dma_start3A_95 = arith.constant 0 : i32
    %dma_start3A_96 = arith.constant 0 : i32
    %dma_start3A_97 = tpu.memref_slice %arg8[%dma_start3A_93, %dma_start3A_95, %dma_start3A_96] : memref<8x128x32xf32, #tpu.memory_space<vmem>> -> memref<1x128x32xf32, #tpu.memory_space<vmem>>
    %dma_start3A_98 = tpu.memref_squeeze %dma_start3A_97 : memref<1x128x32xf32, #tpu.memory_space<vmem>> -> memref<128x32xf32, #tpu.memory_space<vmem>>
    %dma_start3A_99 = arith.constant 0 : i32
    %dma_start3A_100 = tpu.memref_slice %arg6[%dma_start3A_92, %dma_start3A_99] : memref<79x128xi32, #tpu.memory_space<vmem>> -> memref<1x128xi32, #tpu.memory_space<vmem>>
    %dma_start3A_101 = tpu.memref_squeeze %dma_start3A_100 : memref<1x128xi32, #tpu.memory_space<vmem>> -> memref<128xi32, #tpu.memory_space<vmem>>
    %dma_start3A_102 = arith.constant 0 : i32
    %dma_start3A_103 = arith.constant 0 : i32
    %dma_start3A_104 = tpu.memref_slice %arg2[%dma_start3A_102, %dma_start3A_103] : memref<10000x32xf32, #tpu.memory_space<hbm>> -> memref<10000x32xf32, #tpu.memory_space<hbm>>
    %dma_start3A_105 = tpu.memref_slice %arg10[%dma_start3A_94] : memref<8x!tpu.dma_semaphore, #tpu.memory_space<semaphore_mem>> -> memref<1x!tpu.dma_semaphore, #tpu.memory_space<semaphore_mem>>
    %dma_start3A_106 = tpu.memref_squeeze %dma_start3A_105 : memref<1x!tpu.dma_semaphore, #tpu.memory_space<semaphore_mem>> -> memref<!tpu.dma_semaphore, #tpu.memory_space<semaphore_mem>>
    tpu.enqueue_indirect_dma source(%dma_start3A_104 : memref<10000x32xf32, #tpu.memory_space<hbm>>) target(%dma_start3A_98 : memref<128x32xf32, #tpu.memory_space<vmem>>) offsets(%dma_start3A_101 : memref<128xi32, #tpu.memory_space<vmem>>) semaphore(%dma_start3A_106 : memref<!tpu.dma_semaphore, #tpu.memory_space<semaphore_mem>>)
    %dma_start3A_107 = arith.constant 6 : i32
    %dma_start3A_108 = arith.constant 6 : i32
    %dma_start3A_109 = arith.constant 6 : i32
    %dma_start3A_110 = arith.constant 0 : i32
    %dma_start3A_111 = arith.constant 0 : i32
    %dma_start3A_112 = tpu.memref_slice %arg8[%dma_start3A_108, %dma_start3A_110, %dma_start3A_111] : memref<8x128x32xf32, #tpu.memory_space<vmem>> -> memref<1x128x32xf32, #tpu.memory_space<vmem>>
    %dma_start3A_113 = tpu.memref_squeeze %dma_start3A_112 : memref<1x128x32xf32, #tpu.memory_space<vmem>> -> memref<128x32xf32, #tpu.memory_space<vmem>>
    %dma_start3A_114 = arith.constant 0 : i32
    %dma_start3A_115 = tpu.memref_slice %arg6[%dma_start3A_107, %dma_start3A_114] : memref<79x128xi32, #tpu.memory_space<vmem>> -> memref<1x128xi32, #tpu.memory_space<vmem>>
    %dma_start3A_116 = tpu.memref_squeeze %dma_start3A_115 : memref<1x128xi32, #tpu.memory_space<vmem>> -> memref<128xi32, #tpu.memory_space<vmem>>
    %dma_start3A_117 = arith.constant 0 : i32
    %dma_start3A_118 = arith.constant 0 : i32
    %dma_start3A_119 = tpu.memref_slice %arg2[%dma_start3A_117, %dma_start3A_118] : memref<10000x32xf32, #tpu.memory_space<hbm>> -> memref<10000x32xf32, #tpu.memory_space<hbm>>
    %dma_start3A_120 = tpu.memref_slice %arg10[%dma_start3A_109] : memref<8x!tpu.dma_semaphore, #tpu.memory_space<semaphore_mem>> -> memref<1x!tpu.dma_semaphore, #tpu.memory_space<semaphore_mem>>
    %dma_start3A_121 = tpu.memref_squeeze %dma_start3A_120 : memref<1x!tpu.dma_semaphore, #tpu.memory_space<semaphore_mem>> -> memref<!tpu.dma_semaphore, #tpu.memory_space<semaphore_mem>>
    tpu.enqueue_indirect_dma source(%dma_start3A_119 : memref<10000x32xf32, #tpu.memory_space<hbm>>) target(%dma_start3A_113 : memref<128x32xf32, #tpu.memory_space<vmem>>) offsets(%dma_start3A_116 : memref<128xi32, #tpu.memory_space<vmem>>) semaphore(%dma_start3A_121 : memref<!tpu.dma_semaphore, #tpu.memory_space<semaphore_mem>>)
    %dma_start3A_122 = arith.constant 7 : i32
    %dma_start3A_123 = arith.constant 7 : i32
    %dma_start3A_124 = arith.constant 7 : i32
    %dma_start3A_125 = arith.constant 0 : i32
    %dma_start3A_126 = arith.constant 0 : i32
    %dma_start3A_127 = tpu.memref_slice %arg8[%dma_start3A_123, %dma_start3A_125, %dma_start3A_126] : memref<8x128x32xf32, #tpu.memory_space<vmem>> -> memref<1x128x32xf32, #tpu.memory_space<vmem>>
    %dma_start3A_128 = tpu.memref_squeeze %dma_start3A_127 : memref<1x128x32xf32, #tpu.memory_space<vmem>> -> memref<128x32xf32, #tpu.memory_space<vmem>>
    %dma_start3A_129 = arith.constant 0 : i32
    %dma_start3A_130 = tpu.memref_slice %arg6[%dma_start3A_122, %dma_start3A_129] : memref<79x128xi32, #tpu.memory_space<vmem>> -> memref<1x128xi32, #tpu.memory_space<vmem>>
    %dma_start3A_131 = tpu.memref_squeeze %dma_start3A_130 : memref<1x128xi32, #tpu.memory_space<vmem>> -> memref<128xi32, #tpu.memory_space<vmem>>
    %dma_start3A_132 = arith.constant 0 : i32
    %dma_start3A_133 = arith.constant 0 : i32
    %dma_start3A_134 = tpu.memref_slice %arg2[%dma_start3A_132, %dma_start3A_133] : memref<10000x32xf32, #tpu.memory_space<hbm>> -> memref<10000x32xf32, #tpu.memory_space<hbm>>
    %dma_start3A_135 = tpu.memref_slice %arg10[%dma_start3A_124] : memref<8x!tpu.dma_semaphore, #tpu.memory_space<semaphore_mem>> -> memref<1x!tpu.dma_semaphore, #tpu.memory_space<semaphore_mem>>
    %dma_start3A_136 = tpu.memref_squeeze %dma_start3A_135 : memref<1x!tpu.dma_semaphore, #tpu.memory_space<semaphore_mem>> -> memref<!tpu.dma_semaphore, #tpu.memory_space<semaphore_mem>>
    tpu.enqueue_indirect_dma source(%dma_start3A_134 : memref<10000x32xf32, #tpu.memory_space<hbm>>) target(%dma_start3A_128 : memref<128x32xf32, #tpu.memory_space<vmem>>) offsets(%dma_start3A_131 : memref<128xi32, #tpu.memory_space<vmem>>) semaphore(%dma_start3A_136 : memref<!tpu.dma_semaphore, #tpu.memory_space<semaphore_mem>>)
    %scan3A = arith.constant 0 : i32
    %scan3A_137 = arith.constant 0 : i32
    %scan3A_138 = arith.constant 10 : i32
    %scan3A_139 = arith.addi %scan3A_137, %scan3A_138 : i32
    %scan3A_140 = arith.constant 1 : i32
    scf.for %scan3A_271 = %scan3A_137 to %scan3A_139 step %scan3A_140  : i32 {
      %mul3A_272 = arith.constant 8 : i32
      %mul3A_273 = arith.muli %scan3A_271, %mul3A_272 : i32
      %add3A_274 = arith.constant 0 : i32
      %add3A_275 = arith.addi %mul3A_273, %add3A_274 : i32
      %lt3A_276 = arith.cmpi slt, %add3A_275, %add3A_7 : i32
      %convert_element_type3A_277 = arith.extui %lt3A_276 : i1 to i32
      %cond3A_278 = arith.constant 0 : i32
      %cond3A_279 = arith.cmpi ne, %convert_element_type3A_277, %cond3A_278 : i32
      scf.if %cond3A_279 {
        %dma_wait3A_384 = arith.constant 0 : i32
        %dma_wait3A_385 = arith.constant 0 : i32
        %dma_wait3A_386 = arith.constant 0 : i32
        %dma_wait3A_387 = arith.constant 0 : i32
        %dma_wait3A_388 = tpu.memref_slice %arg8[%dma_wait3A_384, %dma_wait3A_386, %dma_wait3A_387] : memref<8x128x32xf32, #tpu.memory_space<vmem>> -> memref<1x128x32xf32, #tpu.memory_space<vmem>>
        %dma_wait3A_389 = tpu.memref_squeeze %dma_wait3A_388 : memref<1x128x32xf32, #tpu.memory_space<vmem>> -> memref<128x32xf32, #tpu.memory_space<vmem>>
        %dma_wait3A_390 = arith.constant 0 : i32
        %dma_wait3A_391 = tpu.memref_slice %arg6[%add3A_275, %dma_wait3A_390] : memref<79x128xi32, #tpu.memory_space<vmem>> -> memref<1x128xi32, #tpu.memory_space<vmem>>
        %dma_wait3A_392 = tpu.memref_squeeze %dma_wait3A_391 : memref<1x128xi32, #tpu.memory_space<vmem>> -> memref<128xi32, #tpu.memory_space<vmem>>
        %dma_wait3A_393 = arith.constant 0 : i32
        %dma_wait3A_394 = arith.constant 0 : i32
        %dma_wait3A_395 = tpu.memref_slice %arg2[%dma_wait3A_393, %dma_wait3A_394] : memref<10000x32xf32, #tpu.memory_space<hbm>> -> memref<10000x32xf32, #tpu.memory_space<hbm>>
        %dma_wait3A_396 = tpu.memref_slice %arg10[%dma_wait3A_385] : memref<8x!tpu.dma_semaphore, #tpu.memory_space<semaphore_mem>> -> memref<1x!tpu.dma_semaphore, #tpu.memory_space<semaphore_mem>>
        %dma_wait3A_397 = tpu.memref_squeeze %dma_wait3A_396 : memref<1x!tpu.dma_semaphore, #tpu.memory_space<semaphore_mem>> -> memref<!tpu.dma_semaphore, #tpu.memory_space<semaphore_mem>>
        tpu.wait_indirect_dma semaphore(%dma_wait3A_397 : memref<!tpu.dma_semaphore, #tpu.memory_space<semaphore_mem>>) src(%dma_wait3A_395 : memref<10000x32xf32, #tpu.memory_space<hbm>>) dst(%dma_wait3A_389 : memref<128x32xf32, #tpu.memory_space<vmem>>)
        %dma_start3A_398 = arith.constant 0 : i32
        %dma_start3A_399 = arith.constant 0 : i32
        %dma_start3A_400 = arith.constant 0 : i32
        %dma_start3A_401 = arith.constant 0 : i32
        %dma_start3A_402 = tpu.memref_slice %arg8[%dma_start3A_398, %dma_start3A_400, %dma_start3A_401] : memref<8x128x32xf32, #tpu.memory_space<vmem>> -> memref<1x128x32xf32, #tpu.memory_space<vmem>>
        %dma_start3A_403 = tpu.memref_squeeze %dma_start3A_402 : memref<1x128x32xf32, #tpu.memory_space<vmem>> -> memref<128x32xf32, #tpu.memory_space<vmem>>
        %dma_start3A_404 = arith.constant 0 : i32
        %dma_start3A_405 = tpu.memref_slice %arg7[%add3A_275, %dma_start3A_404] : memref<79x128xi32, #tpu.memory_space<vmem>> -> memref<1x128xi32, #tpu.memory_space<vmem>>
        %dma_start3A_406 = tpu.memref_squeeze %dma_start3A_405 : memref<1x128xi32, #tpu.memory_space<vmem>> -> memref<128xi32, #tpu.memory_space<vmem>>
        %dma_start3A_407 = arith.constant 0 : i32
        %dma_start3A_408 = arith.constant 0 : i32
        %dma_start3A_409 = tpu.memref_slice %arg9[%dma_start3A_407, %dma_start3A_408] : memref<10000x32xf32, #tpu.memory_space<vmem_shared>> -> memref<10000x32xf32, #tpu.memory_space<vmem_shared>>
        %dma_start3A_410 = tpu.memref_slice %arg11[%dma_start3A_399] : memref<8x!tpu.dma_semaphore, #tpu.memory_space<semaphore_mem>> -> memref<1x!tpu.dma_semaphore, #tpu.memory_space<semaphore_mem>>
        %dma_start3A_411 = tpu.memref_squeeze %dma_start3A_410 : memref<1x!tpu.dma_semaphore, #tpu.memory_space<semaphore_mem>> -> memref<!tpu.dma_semaphore, #tpu.memory_space<semaphore_mem>>
        tpu.enqueue_indirect_dma source(%dma_start3A_403 : memref<128x32xf32, #tpu.memory_space<vmem>>) target(%dma_start3A_409 : memref<10000x32xf32, #tpu.memory_space<vmem_shared>>) offsets(%dma_start3A_406 : memref<128xi32, #tpu.memory_space<vmem>>) semaphore(%dma_start3A_411 : memref<!tpu.dma_semaphore, #tpu.memory_space<semaphore_mem>>) {add = true}
      } else {
      }
      %add3A_280 = arith.constant 8 : i32
      %add3A_281 = arith.addi %add3A_275, %add3A_280 : i32
      %lt3A_282 = arith.cmpi slt, %add3A_281, %add3A_7 : i32
      %convert_element_type3A_283 = arith.extui %lt3A_282 : i1 to i32
      %cond3A_284 = arith.constant 0 : i32
      %cond3A_285 = arith.cmpi ne, %convert_element_type3A_283, %cond3A_284 : i32
      scf.if %cond3A_285 {
        %dma_wait3A_384 = arith.constant 0 : i32
        %dma_wait3A_385 = arith.constant 0 : i32
        %dma_wait3A_386 = arith.constant 0 : i32
        %dma_wait3A_387 = arith.constant 0 : i32
        %dma_wait3A_388 = tpu.memref_slice %arg8[%dma_wait3A_384, %dma_wait3A_386, %dma_wait3A_387] : memref<8x128x32xf32, #tpu.memory_space<vmem>> -> memref<1x128x32xf32, #tpu.memory_space<vmem>>
        %dma_wait3A_389 = tpu.memref_squeeze %dma_wait3A_388 : memref<1x128x32xf32, #tpu.memory_space<vmem>> -> memref<128x32xf32, #tpu.memory_space<vmem>>
        %dma_wait3A_390 = arith.constant 0 : i32
        %dma_wait3A_391 = tpu.memref_slice %arg7[%add3A_275, %dma_wait3A_390] : memref<79x128xi32, #tpu.memory_space<vmem>> -> memref<1x128xi32, #tpu.memory_space<vmem>>
        %dma_wait3A_392 = tpu.memref_squeeze %dma_wait3A_391 : memref<1x128xi32, #tpu.memory_space<vmem>> -> memref<128xi32, #tpu.memory_space<vmem>>
        %dma_wait3A_393 = arith.constant 0 : i32
        %dma_wait3A_394 = arith.constant 0 : i32
        %dma_wait3A_395 = tpu.memref_slice %arg9[%dma_wait3A_393, %dma_wait3A_394] : memref<10000x32xf32, #tpu.memory_space<vmem_shared>> -> memref<10000x32xf32, #tpu.memory_space<vmem_shared>>
        %dma_wait3A_396 = tpu.memref_slice %arg11[%dma_wait3A_385] : memref<8x!tpu.dma_semaphore, #tpu.memory_space<semaphore_mem>> -> memref<1x!tpu.dma_semaphore, #tpu.memory_space<semaphore_mem>>
        %dma_wait3A_397 = tpu.memref_squeeze %dma_wait3A_396 : memref<1x!tpu.dma_semaphore, #tpu.memory_space<semaphore_mem>> -> memref<!tpu.dma_semaphore, #tpu.memory_space<semaphore_mem>>
        tpu.wait_indirect_dma semaphore(%dma_wait3A_397 : memref<!tpu.dma_semaphore, #tpu.memory_space<semaphore_mem>>) src(%dma_wait3A_389 : memref<128x32xf32, #tpu.memory_space<vmem>>) dst(%dma_wait3A_395 : memref<10000x32xf32, #tpu.memory_space<vmem_shared>>)
        %add3A_398 = arith.constant 8 : i32
        %add3A_399 = arith.addi %add3A_275, %add3A_398 : i32
        %dma_start3A_400 = arith.constant 0 : i32
        %dma_start3A_401 = arith.constant 0 : i32
        %dma_start3A_402 = arith.constant 0 : i32
        %dma_start3A_403 = arith.constant 0 : i32
        %dma_start3A_404 = tpu.memref_slice %arg8[%dma_start3A_400, %dma_start3A_402, %dma_start3A_403] : memref<8x128x32xf32, #tpu.memory_space<vmem>> -> memref<1x128x32xf32, #tpu.memory_space<vmem>>
        %dma_start3A_405 = tpu.memref_squeeze %dma_start3A_404 : memref<1x128x32xf32, #tpu.memory_space<vmem>> -> memref<128x32xf32, #tpu.memory_space<vmem>>
        %dma_start3A_406 = arith.constant 0 : i32
        %dma_start3A_407 = tpu.memref_slice %arg6[%add3A_399, %dma_start3A_406] : memref<79x128xi32, #tpu.memory_space<vmem>> -> memref<1x128xi32, #tpu.memory_space<vmem>>
        %dma_start3A_408 = tpu.memref_squeeze %dma_start3A_407 : memref<1x128xi32, #tpu.memory_space<vmem>> -> memref<128xi32, #tpu.memory_space<vmem>>
        %dma_start3A_409 = arith.constant 0 : i32
        %dma_start3A_410 = arith.constant 0 : i32
        %dma_start3A_411 = tpu.memref_slice %arg2[%dma_start3A_409, %dma_start3A_410] : memref<10000x32xf32, #tpu.memory_space<hbm>> -> memref<10000x32xf32, #tpu.memory_space<hbm>>
        %dma_start3A_412 = tpu.memref_slice %arg10[%dma_start3A_401] : memref<8x!tpu.dma_semaphore, #tpu.memory_space<semaphore_mem>> -> memref<1x!tpu.dma_semaphore, #tpu.memory_space<semaphore_mem>>
        %dma_start3A_413 = tpu.memref_squeeze %dma_start3A_412 : memref<1x!tpu.dma_semaphore, #tpu.memory_space<semaphore_mem>> -> memref<!tpu.dma_semaphore, #tpu.memory_space<semaphore_mem>>
        tpu.enqueue_indirect_dma source(%dma_start3A_411 : memref<10000x32xf32, #tpu.memory_space<hbm>>) target(%dma_start3A_405 : memref<128x32xf32, #tpu.memory_space<vmem>>) offsets(%dma_start3A_408 : memref<128xi32, #tpu.memory_space<vmem>>) semaphore(%dma_start3A_413 : memref<!tpu.dma_semaphore, #tpu.memory_space<semaphore_mem>>)
      } else {
      }
      %mul3A_286 = arith.constant 8 : i32
      %mul3A_287 = arith.muli %scan3A_271, %mul3A_286 : i32
      %add3A_288 = arith.constant 1 : i32
      %add3A_289 = arith.addi %mul3A_287, %add3A_288 : i32
      %lt3A_290 = arith.cmpi slt, %add3A_289, %add3A_7 : i32
      %convert_element_type3A_291 = arith.extui %lt3A_290 : i1 to i32
      %cond3A_292 = arith.constant 0 : i32
      %cond3A_293 = arith.cmpi ne, %convert_element_type3A_291, %cond3A_292 : i32
      scf.if %cond3A_293 {
        %dma_wait3A_384 = arith.constant 1 : i32
        %dma_wait3A_385 = arith.constant 1 : i32
        %dma_wait3A_386 = arith.constant 0 : i32
        %dma_wait3A_387 = arith.constant 0 : i32
        %dma_wait3A_388 = tpu.memref_slice %arg8[%dma_wait3A_384, %dma_wait3A_386, %dma_wait3A_387] : memref<8x128x32xf32, #tpu.memory_space<vmem>> -> memref<1x128x32xf32, #tpu.memory_space<vmem>>
        %dma_wait3A_389 = tpu.memref_squeeze %dma_wait3A_388 : memref<1x128x32xf32, #tpu.memory_space<vmem>> -> memref<128x32xf32, #tpu.memory_space<vmem>>
        %dma_wait3A_390 = arith.constant 0 : i32
        %dma_wait3A_391 = tpu.memref_slice %arg6[%add3A_289, %dma_wait3A_390] : memref<79x128xi32, #tpu.memory_space<vmem>> -> memref<1x128xi32, #tpu.memory_space<vmem>>
        %dma_wait3A_392 = tpu.memref_squeeze %dma_wait3A_391 : memref<1x128xi32, #tpu.memory_space<vmem>> -> memref<128xi32, #tpu.memory_space<vmem>>
        %dma_wait3A_393 = arith.constant 0 : i32
        %dma_wait3A_394 = arith.constant 0 : i32
        %dma_wait3A_395 = tpu.memref_slice %arg2[%dma_wait3A_393, %dma_wait3A_394] : memref<10000x32xf32, #tpu.memory_space<hbm>> -> memref<10000x32xf32, #tpu.memory_space<hbm>>
        %dma_wait3A_396 = tpu.memref_slice %arg10[%dma_wait3A_385] : memref<8x!tpu.dma_semaphore, #tpu.memory_space<semaphore_mem>> -> memref<1x!tpu.dma_semaphore, #tpu.memory_space<semaphore_mem>>
        %dma_wait3A_397 = tpu.memref_squeeze %dma_wait3A_396 : memref<1x!tpu.dma_semaphore, #tpu.memory_space<semaphore_mem>> -> memref<!tpu.dma_semaphore, #tpu.memory_space<semaphore_mem>>
        tpu.wait_indirect_dma semaphore(%dma_wait3A_397 : memref<!tpu.dma_semaphore, #tpu.memory_space<semaphore_mem>>) src(%dma_wait3A_395 : memref<10000x32xf32, #tpu.memory_space<hbm>>) dst(%dma_wait3A_389 : memref<128x32xf32, #tpu.memory_space<vmem>>)
        %dma_start3A_398 = arith.constant 1 : i32
        %dma_start3A_399 = arith.constant 1 : i32
        %dma_start3A_400 = arith.constant 0 : i32
        %dma_start3A_401 = arith.constant 0 : i32
        %dma_start3A_402 = tpu.memref_slice %arg8[%dma_start3A_398, %dma_start3A_400, %dma_start3A_401] : memref<8x128x32xf32, #tpu.memory_space<vmem>> -> memref<1x128x32xf32, #tpu.memory_space<vmem>>
        %dma_start3A_403 = tpu.memref_squeeze %dma_start3A_402 : memref<1x128x32xf32, #tpu.memory_space<vmem>> -> memref<128x32xf32, #tpu.memory_space<vmem>>
        %dma_start3A_404 = arith.constant 0 : i32
        %dma_start3A_405 = tpu.memref_slice %arg7[%add3A_289, %dma_start3A_404] : memref<79x128xi32, #tpu.memory_space<vmem>> -> memref<1x128xi32, #tpu.memory_space<vmem>>
        %dma_start3A_406 = tpu.memref_squeeze %dma_start3A_405 : memref<1x128xi32, #tpu.memory_space<vmem>> -> memref<128xi32, #tpu.memory_space<vmem>>
        %dma_start3A_407 = arith.constant 0 : i32
        %dma_start3A_408 = arith.constant 0 : i32
        %dma_start3A_409 = tpu.memref_slice %arg9[%dma_start3A_407, %dma_start3A_408] : memref<10000x32xf32, #tpu.memory_space<vmem_shared>> -> memref<10000x32xf32, #tpu.memory_space<vmem_shared>>
        %dma_start3A_410 = tpu.memref_slice %arg11[%dma_start3A_399] : memref<8x!tpu.dma_semaphore, #tpu.memory_space<semaphore_mem>> -> memref<1x!tpu.dma_semaphore, #tpu.memory_space<semaphore_mem>>
        %dma_start3A_411 = tpu.memref_squeeze %dma_start3A_410 : memref<1x!tpu.dma_semaphore, #tpu.memory_space<semaphore_mem>> -> memref<!tpu.dma_semaphore, #tpu.memory_space<semaphore_mem>>
        tpu.enqueue_indirect_dma source(%dma_start3A_403 : memref<128x32xf32, #tpu.memory_space<vmem>>) target(%dma_start3A_409 : memref<10000x32xf32, #tpu.memory_space<vmem_shared>>) offsets(%dma_start3A_406 : memref<128xi32, #tpu.memory_space<vmem>>) semaphore(%dma_start3A_411 : memref<!tpu.dma_semaphore, #tpu.memory_space<semaphore_mem>>) {add = true}
      } else {
      }
      %add3A_294 = arith.constant 8 : i32
      %add3A_295 = arith.addi %add3A_289, %add3A_294 : i32
      %lt3A_296 = arith.cmpi slt, %add3A_295, %add3A_7 : i32
      %convert_element_type3A_297 = arith.extui %lt3A_296 : i1 to i32
      %cond3A_298 = arith.constant 0 : i32
      %cond3A_299 = arith.cmpi ne, %convert_element_type3A_297, %cond3A_298 : i32
      scf.if %cond3A_299 {
        %dma_wait3A_384 = arith.constant 1 : i32
        %dma_wait3A_385 = arith.constant 1 : i32
        %dma_wait3A_386 = arith.constant 0 : i32
        %dma_wait3A_387 = arith.constant 0 : i32
        %dma_wait3A_388 = tpu.memref_slice %arg8[%dma_wait3A_384, %dma_wait3A_386, %dma_wait3A_387] : memref<8x128x32xf32, #tpu.memory_space<vmem>> -> memref<1x128x32xf32, #tpu.memory_space<vmem>>
        %dma_wait3A_389 = tpu.memref_squeeze %dma_wait3A_388 : memref<1x128x32xf32, #tpu.memory_space<vmem>> -> memref<128x32xf32, #tpu.memory_space<vmem>>
        %dma_wait3A_390 = arith.constant 0 : i32
        %dma_wait3A_391 = tpu.memref_slice %arg7[%add3A_289, %dma_wait3A_390] : memref<79x128xi32, #tpu.memory_space<vmem>> -> memref<1x128xi32, #tpu.memory_space<vmem>>
        %dma_wait3A_392 = tpu.memref_squeeze %dma_wait3A_391 : memref<1x128xi32, #tpu.memory_space<vmem>> -> memref<128xi32, #tpu.memory_space<vmem>>
        %dma_wait3A_393 = arith.constant 0 : i32
        %dma_wait3A_394 = arith.constant 0 : i32
        %dma_wait3A_395 = tpu.memref_slice %arg9[%dma_wait3A_393, %dma_wait3A_394] : memref<10000x32xf32, #tpu.memory_space<vmem_shared>> -> memref<10000x32xf32, #tpu.memory_space<vmem_shared>>
        %dma_wait3A_396 = tpu.memref_slice %arg11[%dma_wait3A_385] : memref<8x!tpu.dma_semaphore, #tpu.memory_space<semaphore_mem>> -> memref<1x!tpu.dma_semaphore, #tpu.memory_space<semaphore_mem>>
        %dma_wait3A_397 = tpu.memref_squeeze %dma_wait3A_396 : memref<1x!tpu.dma_semaphore, #tpu.memory_space<semaphore_mem>> -> memref<!tpu.dma_semaphore, #tpu.memory_space<semaphore_mem>>
        tpu.wait_indirect_dma semaphore(%dma_wait3A_397 : memref<!tpu.dma_semaphore, #tpu.memory_space<semaphore_mem>>) src(%dma_wait3A_389 : memref<128x32xf32, #tpu.memory_space<vmem>>) dst(%dma_wait3A_395 : memref<10000x32xf32, #tpu.memory_space<vmem_shared>>)
        %add3A_398 = arith.constant 8 : i32
        %add3A_399 = arith.addi %add3A_289, %add3A_398 : i32
        %dma_start3A_400 = arith.constant 1 : i32
        %dma_start3A_401 = arith.constant 1 : i32
        %dma_start3A_402 = arith.constant 0 : i32
        %dma_start3A_403 = arith.constant 0 : i32
        %dma_start3A_404 = tpu.memref_slice %arg8[%dma_start3A_400, %dma_start3A_402, %dma_start3A_403] : memref<8x128x32xf32, #tpu.memory_space<vmem>> -> memref<1x128x32xf32, #tpu.memory_space<vmem>>
        %dma_start3A_405 = tpu.memref_squeeze %dma_start3A_404 : memref<1x128x32xf32, #tpu.memory_space<vmem>> -> memref<128x32xf32, #tpu.memory_space<vmem>>
        %dma_start3A_406 = arith.constant 0 : i32
        %dma_start3A_407 = tpu.memref_slice %arg6[%add3A_399, %dma_start3A_406] : memref<79x128xi32, #tpu.memory_space<vmem>> -> memref<1x128xi32, #tpu.memory_space<vmem>>
        %dma_start3A_408 = tpu.memref_squeeze %dma_start3A_407 : memref<1x128xi32, #tpu.memory_space<vmem>> -> memref<128xi32, #tpu.memory_space<vmem>>
        %dma_start3A_409 = arith.constant 0 : i32
        %dma_start3A_410 = arith.constant 0 : i32
        %dma_start3A_411 = tpu.memref_slice %arg2[%dma_start3A_409, %dma_start3A_410] : memref<10000x32xf32, #tpu.memory_space<hbm>> -> memref<10000x32xf32, #tpu.memory_space<hbm>>
        %dma_start3A_412 = tpu.memref_slice %arg10[%dma_start3A_401] : memref<8x!tpu.dma_semaphore, #tpu.memory_space<semaphore_mem>> -> memref<1x!tpu.dma_semaphore, #tpu.memory_space<semaphore_mem>>
        %dma_start3A_413 = tpu.memref_squeeze %dma_start3A_412 : memref<1x!tpu.dma_semaphore, #tpu.memory_space<semaphore_mem>> -> memref<!tpu.dma_semaphore, #tpu.memory_space<semaphore_mem>>
        tpu.enqueue_indirect_dma source(%dma_start3A_411 : memref<10000x32xf32, #tpu.memory_space<hbm>>) target(%dma_start3A_405 : memref<128x32xf32, #tpu.memory_space<vmem>>) offsets(%dma_start3A_408 : memref<128xi32, #tpu.memory_space<vmem>>) semaphore(%dma_start3A_413 : memref<!tpu.dma_semaphore, #tpu.memory_space<semaphore_mem>>)
      } else {
      }
      %mul3A_300 = arith.constant 8 : i32
      %mul3A_301 = arith.muli %scan3A_271, %mul3A_300 : i32
      %add3A_302 = arith.constant 2 : i32
      %add3A_303 = arith.addi %mul3A_301, %add3A_302 : i32
      %lt3A_304 = arith.cmpi slt, %add3A_303, %add3A_7 : i32
      %convert_element_type3A_305 = arith.extui %lt3A_304 : i1 to i32
      %cond3A_306 = arith.constant 0 : i32
      %cond3A_307 = arith.cmpi ne, %convert_element_type3A_305, %cond3A_306 : i32
      scf.if %cond3A_307 {
        %dma_wait3A_384 = arith.constant 2 : i32
        %dma_wait3A_385 = arith.constant 2 : i32
        %dma_wait3A_386 = arith.constant 0 : i32
        %dma_wait3A_387 = arith.constant 0 : i32
        %dma_wait3A_388 = tpu.memref_slice %arg8[%dma_wait3A_384, %dma_wait3A_386, %dma_wait3A_387] : memref<8x128x32xf32, #tpu.memory_space<vmem>> -> memref<1x128x32xf32, #tpu.memory_space<vmem>>
        %dma_wait3A_389 = tpu.memref_squeeze %dma_wait3A_388 : memref<1x128x32xf32, #tpu.memory_space<vmem>> -> memref<128x32xf32, #tpu.memory_space<vmem>>
        %dma_wait3A_390 = arith.constant 0 : i32
        %dma_wait3A_391 = tpu.memref_slice %arg6[%add3A_303, %dma_wait3A_390] : memref<79x128xi32, #tpu.memory_space<vmem>> -> memref<1x128xi32, #tpu.memory_space<vmem>>
        %dma_wait3A_392 = tpu.memref_squeeze %dma_wait3A_391 : memref<1x128xi32, #tpu.memory_space<vmem>> -> memref<128xi32, #tpu.memory_space<vmem>>
        %dma_wait3A_393 = arith.constant 0 : i32
        %dma_wait3A_394 = arith.constant 0 : i32
        %dma_wait3A_395 = tpu.memref_slice %arg2[%dma_wait3A_393, %dma_wait3A_394] : memref<10000x32xf32, #tpu.memory_space<hbm>> -> memref<10000x32xf32, #tpu.memory_space<hbm>>
        %dma_wait3A_396 = tpu.memref_slice %arg10[%dma_wait3A_385] : memref<8x!tpu.dma_semaphore, #tpu.memory_space<semaphore_mem>> -> memref<1x!tpu.dma_semaphore, #tpu.memory_space<semaphore_mem>>
        %dma_wait3A_397 = tpu.memref_squeeze %dma_wait3A_396 : memref<1x!tpu.dma_semaphore, #tpu.memory_space<semaphore_mem>> -> memref<!tpu.dma_semaphore, #tpu.memory_space<semaphore_mem>>
        tpu.wait_indirect_dma semaphore(%dma_wait3A_397 : memref<!tpu.dma_semaphore, #tpu.memory_space<semaphore_mem>>) src(%dma_wait3A_395 : memref<10000x32xf32, #tpu.memory_space<hbm>>) dst(%dma_wait3A_389 : memref<128x32xf32, #tpu.memory_space<vmem>>)
        %dma_start3A_398 = arith.constant 2 : i32
        %dma_start3A_399 = arith.constant 2 : i32
        %dma_start3A_400 = arith.constant 0 : i32
        %dma_start3A_401 = arith.constant 0 : i32
        %dma_start3A_402 = tpu.memref_slice %arg8[%dma_start3A_398, %dma_start3A_400, %dma_start3A_401] : memref<8x128x32xf32, #tpu.memory_space<vmem>> -> memref<1x128x32xf32, #tpu.memory_space<vmem>>
        %dma_start3A_403 = tpu.memref_squeeze %dma_start3A_402 : memref<1x128x32xf32, #tpu.memory_space<vmem>> -> memref<128x32xf32, #tpu.memory_space<vmem>>
        %dma_start3A_404 = arith.constant 0 : i32
        %dma_start3A_405 = tpu.memref_slice %arg7[%add3A_303, %dma_start3A_404] : memref<79x128xi32, #tpu.memory_space<vmem>> -> memref<1x128xi32, #tpu.memory_space<vmem>>
        %dma_start3A_406 = tpu.memref_squeeze %dma_start3A_405 : memref<1x128xi32, #tpu.memory_space<vmem>> -> memref<128xi32, #tpu.memory_space<vmem>>
        %dma_start3A_407 = arith.constant 0 : i32
        %dma_start3A_408 = arith.constant 0 : i32
        %dma_start3A_409 = tpu.memref_slice %arg9[%dma_start3A_407, %dma_start3A_408] : memref<10000x32xf32, #tpu.memory_space<vmem_shared>> -> memref<10000x32xf32, #tpu.memory_space<vmem_shared>>
        %dma_start3A_410 = tpu.memref_slice %arg11[%dma_start3A_399] : memref<8x!tpu.dma_semaphore, #tpu.memory_space<semaphore_mem>> -> memref<1x!tpu.dma_semaphore, #tpu.memory_space<semaphore_mem>>
        %dma_start3A_411 = tpu.memref_squeeze %dma_start3A_410 : memref<1x!tpu.dma_semaphore, #tpu.memory_space<semaphore_mem>> -> memref<!tpu.dma_semaphore, #tpu.memory_space<semaphore_mem>>
        tpu.enqueue_indirect_dma source(%dma_start3A_403 : memref<128x32xf32, #tpu.memory_space<vmem>>) target(%dma_start3A_409 : memref<10000x32xf32, #tpu.memory_space<vmem_shared>>) offsets(%dma_start3A_406 : memref<128xi32, #tpu.memory_space<vmem>>) semaphore(%dma_start3A_411 : memref<!tpu.dma_semaphore, #tpu.memory_space<semaphore_mem>>) {add = true}
      } else {
      }
      %add3A_308 = arith.constant 8 : i32
      %add3A_309 = arith.addi %add3A_303, %add3A_308 : i32
      %lt3A_310 = arith.cmpi slt, %add3A_309, %add3A_7 : i32
      %convert_element_type3A_311 = arith.extui %lt3A_310 : i1 to i32
      %cond3A_312 = arith.constant 0 : i32
      %cond3A_313 = arith.cmpi ne, %convert_element_type3A_311, %cond3A_312 : i32
      scf.if %cond3A_313 {
        %dma_wait3A_384 = arith.constant 2 : i32
        %dma_wait3A_385 = arith.constant 2 : i32
        %dma_wait3A_386 = arith.constant 0 : i32
        %dma_wait3A_387 = arith.constant 0 : i32
        %dma_wait3A_388 = tpu.memref_slice %arg8[%dma_wait3A_384, %dma_wait3A_386, %dma_wait3A_387] : memref<8x128x32xf32, #tpu.memory_space<vmem>> -> memref<1x128x32xf32, #tpu.memory_space<vmem>>
        %dma_wait3A_389 = tpu.memref_squeeze %dma_wait3A_388 : memref<1x128x32xf32, #tpu.memory_space<vmem>> -> memref<128x32xf32, #tpu.memory_space<vmem>>
        %dma_wait3A_390 = arith.constant 0 : i32
        %dma_wait3A_391 = tpu.memref_slice %arg7[%add3A_303, %dma_wait3A_390] : memref<79x128xi32, #tpu.memory_space<vmem>> -> memref<1x128xi32, #tpu.memory_space<vmem>>
        %dma_wait3A_392 = tpu.memref_squeeze %dma_wait3A_391 : memref<1x128xi32, #tpu.memory_space<vmem>> -> memref<128xi32, #tpu.memory_space<vmem>>
        %dma_wait3A_393 = arith.constant 0 : i32
        %dma_wait3A_394 = arith.constant 0 : i32
        %dma_wait3A_395 = tpu.memref_slice %arg9[%dma_wait3A_393, %dma_wait3A_394] : memref<10000x32xf32, #tpu.memory_space<vmem_shared>> -> memref<10000x32xf32, #tpu.memory_space<vmem_shared>>
        %dma_wait3A_396 = tpu.memref_slice %arg11[%dma_wait3A_385] : memref<8x!tpu.dma_semaphore, #tpu.memory_space<semaphore_mem>> -> memref<1x!tpu.dma_semaphore, #tpu.memory_space<semaphore_mem>>
        %dma_wait3A_397 = tpu.memref_squeeze %dma_wait3A_396 : memref<1x!tpu.dma_semaphore, #tpu.memory_space<semaphore_mem>> -> memref<!tpu.dma_semaphore, #tpu.memory_space<semaphore_mem>>
        tpu.wait_indirect_dma semaphore(%dma_wait3A_397 : memref<!tpu.dma_semaphore, #tpu.memory_space<semaphore_mem>>) src(%dma_wait3A_389 : memref<128x32xf32, #tpu.memory_space<vmem>>) dst(%dma_wait3A_395 : memref<10000x32xf32, #tpu.memory_space<vmem_shared>>)
        %add3A_398 = arith.constant 8 : i32
        %add3A_399 = arith.addi %add3A_303, %add3A_398 : i32
        %dma_start3A_400 = arith.constant 2 : i32
        %dma_start3A_401 = arith.constant 2 : i32
        %dma_start3A_402 = arith.constant 0 : i32
        %dma_start3A_403 = arith.constant 0 : i32
        %dma_start3A_404 = tpu.memref_slice %arg8[%dma_start3A_400, %dma_start3A_402, %dma_start3A_403] : memref<8x128x32xf32, #tpu.memory_space<vmem>> -> memref<1x128x32xf32, #tpu.memory_space<vmem>>
        %dma_start3A_405 = tpu.memref_squeeze %dma_start3A_404 : memref<1x128x32xf32, #tpu.memory_space<vmem>> -> memref<128x32xf32, #tpu.memory_space<vmem>>
        %dma_start3A_406 = arith.constant 0 : i32
        %dma_start3A_407 = tpu.memref_slice %arg6[%add3A_399, %dma_start3A_406] : memref<79x128xi32, #tpu.memory_space<vmem>> -> memref<1x128xi32, #tpu.memory_space<vmem>>
        %dma_start3A_408 = tpu.memref_squeeze %dma_start3A_407 : memref<1x128xi32, #tpu.memory_space<vmem>> -> memref<128xi32, #tpu.memory_space<vmem>>
        %dma_start3A_409 = arith.constant 0 : i32
        %dma_start3A_410 = arith.constant 0 : i32
        %dma_start3A_411 = tpu.memref_slice %arg2[%dma_start3A_409, %dma_start3A_410] : memref<10000x32xf32, #tpu.memory_space<hbm>> -> memref<10000x32xf32, #tpu.memory_space<hbm>>
        %dma_start3A_412 = tpu.memref_slice %arg10[%dma_start3A_401] : memref<8x!tpu.dma_semaphore, #tpu.memory_space<semaphore_mem>> -> memref<1x!tpu.dma_semaphore, #tpu.memory_space<semaphore_mem>>
        %dma_start3A_413 = tpu.memref_squeeze %dma_start3A_412 : memref<1x!tpu.dma_semaphore, #tpu.memory_space<semaphore_mem>> -> memref<!tpu.dma_semaphore, #tpu.memory_space<semaphore_mem>>
        tpu.enqueue_indirect_dma source(%dma_start3A_411 : memref<10000x32xf32, #tpu.memory_space<hbm>>) target(%dma_start3A_405 : memref<128x32xf32, #tpu.memory_space<vmem>>) offsets(%dma_start3A_408 : memref<128xi32, #tpu.memory_space<vmem>>) semaphore(%dma_start3A_413 : memref<!tpu.dma_semaphore, #tpu.memory_space<semaphore_mem>>)
      } else {
      }
      %mul3A_314 = arith.constant 8 : i32
      %mul3A_315 = arith.muli %scan3A_271, %mul3A_314 : i32
      %add3A_316 = arith.constant 3 : i32
      %add3A_317 = arith.addi %mul3A_315, %add3A_316 : i32
      %lt3A_318 = arith.cmpi slt, %add3A_317, %add3A_7 : i32
      %convert_element_type3A_319 = arith.extui %lt3A_318 : i1 to i32
      %cond3A_320 = arith.constant 0 : i32
      %cond3A_321 = arith.cmpi ne, %convert_element_type3A_319, %cond3A_320 : i32
      scf.if %cond3A_321 {
        %dma_wait3A_384 = arith.constant 3 : i32
        %dma_wait3A_385 = arith.constant 3 : i32
        %dma_wait3A_386 = arith.constant 0 : i32
        %dma_wait3A_387 = arith.constant 0 : i32
        %dma_wait3A_388 = tpu.memref_slice %arg8[%dma_wait3A_384, %dma_wait3A_386, %dma_wait3A_387] : memref<8x128x32xf32, #tpu.memory_space<vmem>> -> memref<1x128x32xf32, #tpu.memory_space<vmem>>
        %dma_wait3A_389 = tpu.memref_squeeze %dma_wait3A_388 : memref<1x128x32xf32, #tpu.memory_space<vmem>> -> memref<128x32xf32, #tpu.memory_space<vmem>>
        %dma_wait3A_390 = arith.constant 0 : i32
        %dma_wait3A_391 = tpu.memref_slice %arg6[%add3A_317, %dma_wait3A_390] : memref<79x128xi32, #tpu.memory_space<vmem>> -> memref<1x128xi32, #tpu.memory_space<vmem>>
        %dma_wait3A_392 = tpu.memref_squeeze %dma_wait3A_391 : memref<1x128xi32, #tpu.memory_space<vmem>> -> memref<128xi32, #tpu.memory_space<vmem>>
        %dma_wait3A_393 = arith.constant 0 : i32
        %dma_wait3A_394 = arith.constant 0 : i32
        %dma_wait3A_395 = tpu.memref_slice %arg2[%dma_wait3A_393, %dma_wait3A_394] : memref<10000x32xf32, #tpu.memory_space<hbm>> -> memref<10000x32xf32, #tpu.memory_space<hbm>>
        %dma_wait3A_396 = tpu.memref_slice %arg10[%dma_wait3A_385] : memref<8x!tpu.dma_semaphore, #tpu.memory_space<semaphore_mem>> -> memref<1x!tpu.dma_semaphore, #tpu.memory_space<semaphore_mem>>
        %dma_wait3A_397 = tpu.memref_squeeze %dma_wait3A_396 : memref<1x!tpu.dma_semaphore, #tpu.memory_space<semaphore_mem>> -> memref<!tpu.dma_semaphore, #tpu.memory_space<semaphore_mem>>
        tpu.wait_indirect_dma semaphore(%dma_wait3A_397 : memref<!tpu.dma_semaphore, #tpu.memory_space<semaphore_mem>>) src(%dma_wait3A_395 : memref<10000x32xf32, #tpu.memory_space<hbm>>) dst(%dma_wait3A_389 : memref<128x32xf32, #tpu.memory_space<vmem>>)
        %dma_start3A_398 = arith.constant 3 : i32
        %dma_start3A_399 = arith.constant 3 : i32
        %dma_start3A_400 = arith.constant 0 : i32
        %dma_start3A_401 = arith.constant 0 : i32
        %dma_start3A_402 = tpu.memref_slice %arg8[%dma_start3A_398, %dma_start3A_400, %dma_start3A_401] : memref<8x128x32xf32, #tpu.memory_space<vmem>> -> memref<1x128x32xf32, #tpu.memory_space<vmem>>
        %dma_start3A_403 = tpu.memref_squeeze %dma_start3A_402 : memref<1x128x32xf32, #tpu.memory_space<vmem>> -> memref<128x32xf32, #tpu.memory_space<vmem>>
        %dma_start3A_404 = arith.constant 0 : i32
        %dma_start3A_405 = tpu.memref_slice %arg7[%add3A_317, %dma_start3A_404] : memref<79x128xi32, #tpu.memory_space<vmem>> -> memref<1x128xi32, #tpu.memory_space<vmem>>
        %dma_start3A_406 = tpu.memref_squeeze %dma_start3A_405 : memref<1x128xi32, #tpu.memory_space<vmem>> -> memref<128xi32, #tpu.memory_space<vmem>>
        %dma_start3A_407 = arith.constant 0 : i32
        %dma_start3A_408 = arith.constant 0 : i32
        %dma_start3A_409 = tpu.memref_slice %arg9[%dma_start3A_407, %dma_start3A_408] : memref<10000x32xf32, #tpu.memory_space<vmem_shared>> -> memref<10000x32xf32, #tpu.memory_space<vmem_shared>>
        %dma_start3A_410 = tpu.memref_slice %arg11[%dma_start3A_399] : memref<8x!tpu.dma_semaphore, #tpu.memory_space<semaphore_mem>> -> memref<1x!tpu.dma_semaphore, #tpu.memory_space<semaphore_mem>>
        %dma_start3A_411 = tpu.memref_squeeze %dma_start3A_410 : memref<1x!tpu.dma_semaphore, #tpu.memory_space<semaphore_mem>> -> memref<!tpu.dma_semaphore, #tpu.memory_space<semaphore_mem>>
        tpu.enqueue_indirect_dma source(%dma_start3A_403 : memref<128x32xf32, #tpu.memory_space<vmem>>) target(%dma_start3A_409 : memref<10000x32xf32, #tpu.memory_space<vmem_shared>>) offsets(%dma_start3A_406 : memref<128xi32, #tpu.memory_space<vmem>>) semaphore(%dma_start3A_411 : memref<!tpu.dma_semaphore, #tpu.memory_space<semaphore_mem>>) {add = true}
      } else {
      }
      %add3A_322 = arith.constant 8 : i32
      %add3A_323 = arith.addi %add3A_317, %add3A_322 : i32
      %lt3A_324 = arith.cmpi slt, %add3A_323, %add3A_7 : i32
      %convert_element_type3A_325 = arith.extui %lt3A_324 : i1 to i32
      %cond3A_326 = arith.constant 0 : i32
      %cond3A_327 = arith.cmpi ne, %convert_element_type3A_325, %cond3A_326 : i32
      scf.if %cond3A_327 {
        %dma_wait3A_384 = arith.constant 3 : i32
        %dma_wait3A_385 = arith.constant 3 : i32
        %dma_wait3A_386 = arith.constant 0 : i32
        %dma_wait3A_387 = arith.constant 0 : i32
        %dma_wait3A_388 = tpu.memref_slice %arg8[%dma_wait3A_384, %dma_wait3A_386, %dma_wait3A_387] : memref<8x128x32xf32, #tpu.memory_space<vmem>> -> memref<1x128x32xf32, #tpu.memory_space<vmem>>
        %dma_wait3A_389 = tpu.memref_squeeze %dma_wait3A_388 : memref<1x128x32xf32, #tpu.memory_space<vmem>> -> memref<128x32xf32, #tpu.memory_space<vmem>>
        %dma_wait3A_390 = arith.constant 0 : i32
        %dma_wait3A_391 = tpu.memref_slice %arg7[%add3A_317, %dma_wait3A_390] : memref<79x128xi32, #tpu.memory_space<vmem>> -> memref<1x128xi32, #tpu.memory_space<vmem>>
        %dma_wait3A_392 = tpu.memref_squeeze %dma_wait3A_391 : memref<1x128xi32, #tpu.memory_space<vmem>> -> memref<128xi32, #tpu.memory_space<vmem>>
        %dma_wait3A_393 = arith.constant 0 : i32
        %dma_wait3A_394 = arith.constant 0 : i32
        %dma_wait3A_395 = tpu.memref_slice %arg9[%dma_wait3A_393, %dma_wait3A_394] : memref<10000x32xf32, #tpu.memory_space<vmem_shared>> -> memref<10000x32xf32, #tpu.memory_space<vmem_shared>>
        %dma_wait3A_396 = tpu.memref_slice %arg11[%dma_wait3A_385] : memref<8x!tpu.dma_semaphore, #tpu.memory_space<semaphore_mem>> -> memref<1x!tpu.dma_semaphore, #tpu.memory_space<semaphore_mem>>
        %dma_wait3A_397 = tpu.memref_squeeze %dma_wait3A_396 : memref<1x!tpu.dma_semaphore, #tpu.memory_space<semaphore_mem>> -> memref<!tpu.dma_semaphore, #tpu.memory_space<semaphore_mem>>
        tpu.wait_indirect_dma semaphore(%dma_wait3A_397 : memref<!tpu.dma_semaphore, #tpu.memory_space<semaphore_mem>>) src(%dma_wait3A_389 : memref<128x32xf32, #tpu.memory_space<vmem>>) dst(%dma_wait3A_395 : memref<10000x32xf32, #tpu.memory_space<vmem_shared>>)
        %add3A_398 = arith.constant 8 : i32
        %add3A_399 = arith.addi %add3A_317, %add3A_398 : i32
        %dma_start3A_400 = arith.constant 3 : i32
        %dma_start3A_401 = arith.constant 3 : i32
        %dma_start3A_402 = arith.constant 0 : i32
        %dma_start3A_403 = arith.constant 0 : i32
        %dma_start3A_404 = tpu.memref_slice %arg8[%dma_start3A_400, %dma_start3A_402, %dma_start3A_403] : memref<8x128x32xf32, #tpu.memory_space<vmem>> -> memref<1x128x32xf32, #tpu.memory_space<vmem>>
        %dma_start3A_405 = tpu.memref_squeeze %dma_start3A_404 : memref<1x128x32xf32, #tpu.memory_space<vmem>> -> memref<128x32xf32, #tpu.memory_space<vmem>>
        %dma_start3A_406 = arith.constant 0 : i32
        %dma_start3A_407 = tpu.memref_slice %arg6[%add3A_399, %dma_start3A_406] : memref<79x128xi32, #tpu.memory_space<vmem>> -> memref<1x128xi32, #tpu.memory_space<vmem>>
        %dma_start3A_408 = tpu.memref_squeeze %dma_start3A_407 : memref<1x128xi32, #tpu.memory_space<vmem>> -> memref<128xi32, #tpu.memory_space<vmem>>
        %dma_start3A_409 = arith.constant 0 : i32
        %dma_start3A_410 = arith.constant 0 : i32
        %dma_start3A_411 = tpu.memref_slice %arg2[%dma_start3A_409, %dma_start3A_410] : memref<10000x32xf32, #tpu.memory_space<hbm>> -> memref<10000x32xf32, #tpu.memory_space<hbm>>
        %dma_start3A_412 = tpu.memref_slice %arg10[%dma_start3A_401] : memref<8x!tpu.dma_semaphore, #tpu.memory_space<semaphore_mem>> -> memref<1x!tpu.dma_semaphore, #tpu.memory_space<semaphore_mem>>
        %dma_start3A_413 = tpu.memref_squeeze %dma_start3A_412 : memref<1x!tpu.dma_semaphore, #tpu.memory_space<semaphore_mem>> -> memref<!tpu.dma_semaphore, #tpu.memory_space<semaphore_mem>>
        tpu.enqueue_indirect_dma source(%dma_start3A_411 : memref<10000x32xf32, #tpu.memory_space<hbm>>) target(%dma_start3A_405 : memref<128x32xf32, #tpu.memory_space<vmem>>) offsets(%dma_start3A_408 : memref<128xi32, #tpu.memory_space<vmem>>) semaphore(%dma_start3A_413 : memref<!tpu.dma_semaphore, #tpu.memory_space<semaphore_mem>>)
      } else {
      }
      %mul3A_328 = arith.constant 8 : i32
      %mul3A_329 = arith.muli %scan3A_271, %mul3A_328 : i32
      %add3A_330 = arith.constant 4 : i32
      %add3A_331 = arith.addi %mul3A_329, %add3A_330 : i32
      %lt3A_332 = arith.cmpi slt, %add3A_331, %add3A_7 : i32
      %convert_element_type3A_333 = arith.extui %lt3A_332 : i1 to i32
      %cond3A_334 = arith.constant 0 : i32
      %cond3A_335 = arith.cmpi ne, %convert_element_type3A_333, %cond3A_334 : i32
      scf.if %cond3A_335 {
        %dma_wait3A_384 = arith.constant 4 : i32
        %dma_wait3A_385 = arith.constant 4 : i32
        %dma_wait3A_386 = arith.constant 0 : i32
        %dma_wait3A_387 = arith.constant 0 : i32
        %dma_wait3A_388 = tpu.memref_slice %arg8[%dma_wait3A_384, %dma_wait3A_386, %dma_wait3A_387] : memref<8x128x32xf32, #tpu.memory_space<vmem>> -> memref<1x128x32xf32, #tpu.memory_space<vmem>>
        %dma_wait3A_389 = tpu.memref_squeeze %dma_wait3A_388 : memref<1x128x32xf32, #tpu.memory_space<vmem>> -> memref<128x32xf32, #tpu.memory_space<vmem>>
        %dma_wait3A_390 = arith.constant 0 : i32
        %dma_wait3A_391 = tpu.memref_slice %arg6[%add3A_331, %dma_wait3A_390] : memref<79x128xi32, #tpu.memory_space<vmem>> -> memref<1x128xi32, #tpu.memory_space<vmem>>
        %dma_wait3A_392 = tpu.memref_squeeze %dma_wait3A_391 : memref<1x128xi32, #tpu.memory_space<vmem>> -> memref<128xi32, #tpu.memory_space<vmem>>
        %dma_wait3A_393 = arith.constant 0 : i32
        %dma_wait3A_394 = arith.constant 0 : i32
        %dma_wait3A_395 = tpu.memref_slice %arg2[%dma_wait3A_393, %dma_wait3A_394] : memref<10000x32xf32, #tpu.memory_space<hbm>> -> memref<10000x32xf32, #tpu.memory_space<hbm>>
        %dma_wait3A_396 = tpu.memref_slice %arg10[%dma_wait3A_385] : memref<8x!tpu.dma_semaphore, #tpu.memory_space<semaphore_mem>> -> memref<1x!tpu.dma_semaphore, #tpu.memory_space<semaphore_mem>>
        %dma_wait3A_397 = tpu.memref_squeeze %dma_wait3A_396 : memref<1x!tpu.dma_semaphore, #tpu.memory_space<semaphore_mem>> -> memref<!tpu.dma_semaphore, #tpu.memory_space<semaphore_mem>>
        tpu.wait_indirect_dma semaphore(%dma_wait3A_397 : memref<!tpu.dma_semaphore, #tpu.memory_space<semaphore_mem>>) src(%dma_wait3A_395 : memref<10000x32xf32, #tpu.memory_space<hbm>>) dst(%dma_wait3A_389 : memref<128x32xf32, #tpu.memory_space<vmem>>)
        %dma_start3A_398 = arith.constant 4 : i32
        %dma_start3A_399 = arith.constant 4 : i32
        %dma_start3A_400 = arith.constant 0 : i32
        %dma_start3A_401 = arith.constant 0 : i32
        %dma_start3A_402 = tpu.memref_slice %arg8[%dma_start3A_398, %dma_start3A_400, %dma_start3A_401] : memref<8x128x32xf32, #tpu.memory_space<vmem>> -> memref<1x128x32xf32, #tpu.memory_space<vmem>>
        %dma_start3A_403 = tpu.memref_squeeze %dma_start3A_402 : memref<1x128x32xf32, #tpu.memory_space<vmem>> -> memref<128x32xf32, #tpu.memory_space<vmem>>
        %dma_start3A_404 = arith.constant 0 : i32
        %dma_start3A_405 = tpu.memref_slice %arg7[%add3A_331, %dma_start3A_404] : memref<79x128xi32, #tpu.memory_space<vmem>> -> memref<1x128xi32, #tpu.memory_space<vmem>>
        %dma_start3A_406 = tpu.memref_squeeze %dma_start3A_405 : memref<1x128xi32, #tpu.memory_space<vmem>> -> memref<128xi32, #tpu.memory_space<vmem>>
        %dma_start3A_407 = arith.constant 0 : i32
        %dma_start3A_408 = arith.constant 0 : i32
        %dma_start3A_409 = tpu.memref_slice %arg9[%dma_start3A_407, %dma_start3A_408] : memref<10000x32xf32, #tpu.memory_space<vmem_shared>> -> memref<10000x32xf32, #tpu.memory_space<vmem_shared>>
        %dma_start3A_410 = tpu.memref_slice %arg11[%dma_start3A_399] : memref<8x!tpu.dma_semaphore, #tpu.memory_space<semaphore_mem>> -> memref<1x!tpu.dma_semaphore, #tpu.memory_space<semaphore_mem>>
        %dma_start3A_411 = tpu.memref_squeeze %dma_start3A_410 : memref<1x!tpu.dma_semaphore, #tpu.memory_space<semaphore_mem>> -> memref<!tpu.dma_semaphore, #tpu.memory_space<semaphore_mem>>
        tpu.enqueue_indirect_dma source(%dma_start3A_403 : memref<128x32xf32, #tpu.memory_space<vmem>>) target(%dma_start3A_409 : memref<10000x32xf32, #tpu.memory_space<vmem_shared>>) offsets(%dma_start3A_406 : memref<128xi32, #tpu.memory_space<vmem>>) semaphore(%dma_start3A_411 : memref<!tpu.dma_semaphore, #tpu.memory_space<semaphore_mem>>) {add = true}
      } else {
      }
      %add3A_336 = arith.constant 8 : i32
      %add3A_337 = arith.addi %add3A_331, %add3A_336 : i32
      %lt3A_338 = arith.cmpi slt, %add3A_337, %add3A_7 : i32
      %convert_element_type3A_339 = arith.extui %lt3A_338 : i1 to i32
      %cond3A_340 = arith.constant 0 : i32
      %cond3A_341 = arith.cmpi ne, %convert_element_type3A_339, %cond3A_340 : i32
      scf.if %cond3A_341 {
        %dma_wait3A_384 = arith.constant 4 : i32
        %dma_wait3A_385 = arith.constant 4 : i32
        %dma_wait3A_386 = arith.constant 0 : i32
        %dma_wait3A_387 = arith.constant 0 : i32
        %dma_wait3A_388 = tpu.memref_slice %arg8[%dma_wait3A_384, %dma_wait3A_386, %dma_wait3A_387] : memref<8x128x32xf32, #tpu.memory_space<vmem>> -> memref<1x128x32xf32, #tpu.memory_space<vmem>>
        %dma_wait3A_389 = tpu.memref_squeeze %dma_wait3A_388 : memref<1x128x32xf32, #tpu.memory_space<vmem>> -> memref<128x32xf32, #tpu.memory_space<vmem>>
        %dma_wait3A_390 = arith.constant 0 : i32
        %dma_wait3A_391 = tpu.memref_slice %arg7[%add3A_331, %dma_wait3A_390] : memref<79x128xi32, #tpu.memory_space<vmem>> -> memref<1x128xi32, #tpu.memory_space<vmem>>
        %dma_wait3A_392 = tpu.memref_squeeze %dma_wait3A_391 : memref<1x128xi32, #tpu.memory_space<vmem>> -> memref<128xi32, #tpu.memory_space<vmem>>
        %dma_wait3A_393 = arith.constant 0 : i32
        %dma_wait3A_394 = arith.constant 0 : i32
        %dma_wait3A_395 = tpu.memref_slice %arg9[%dma_wait3A_393, %dma_wait3A_394] : memref<10000x32xf32, #tpu.memory_space<vmem_shared>> -> memref<10000x32xf32, #tpu.memory_space<vmem_shared>>
        %dma_wait3A_396 = tpu.memref_slice %arg11[%dma_wait3A_385] : memref<8x!tpu.dma_semaphore, #tpu.memory_space<semaphore_mem>> -> memref<1x!tpu.dma_semaphore, #tpu.memory_space<semaphore_mem>>
        %dma_wait3A_397 = tpu.memref_squeeze %dma_wait3A_396 : memref<1x!tpu.dma_semaphore, #tpu.memory_space<semaphore_mem>> -> memref<!tpu.dma_semaphore, #tpu.memory_space<semaphore_mem>>
        tpu.wait_indirect_dma semaphore(%dma_wait3A_397 : memref<!tpu.dma_semaphore, #tpu.memory_space<semaphore_mem>>) src(%dma_wait3A_389 : memref<128x32xf32, #tpu.memory_space<vmem>>) dst(%dma_wait3A_395 : memref<10000x32xf32, #tpu.memory_space<vmem_shared>>)
        %add3A_398 = arith.constant 8 : i32
        %add3A_399 = arith.addi %add3A_331, %add3A_398 : i32
        %dma_start3A_400 = arith.constant 4 : i32
        %dma_start3A_401 = arith.constant 4 : i32
        %dma_start3A_402 = arith.constant 0 : i32
        %dma_start3A_403 = arith.constant 0 : i32
        %dma_start3A_404 = tpu.memref_slice %arg8[%dma_start3A_400, %dma_start3A_402, %dma_start3A_403] : memref<8x128x32xf32, #tpu.memory_space<vmem>> -> memref<1x128x32xf32, #tpu.memory_space<vmem>>
        %dma_start3A_405 = tpu.memref_squeeze %dma_start3A_404 : memref<1x128x32xf32, #tpu.memory_space<vmem>> -> memref<128x32xf32, #tpu.memory_space<vmem>>
        %dma_start3A_406 = arith.constant 0 : i32
        %dma_start3A_407 = tpu.memref_slice %arg6[%add3A_399, %dma_start3A_406] : memref<79x128xi32, #tpu.memory_space<vmem>> -> memref<1x128xi32, #tpu.memory_space<vmem>>
        %dma_start3A_408 = tpu.memref_squeeze %dma_start3A_407 : memref<1x128xi32, #tpu.memory_space<vmem>> -> memref<128xi32, #tpu.memory_space<vmem>>
        %dma_start3A_409 = arith.constant 0 : i32
        %dma_start3A_410 = arith.constant 0 : i32
        %dma_start3A_411 = tpu.memref_slice %arg2[%dma_start3A_409, %dma_start3A_410] : memref<10000x32xf32, #tpu.memory_space<hbm>> -> memref<10000x32xf32, #tpu.memory_space<hbm>>
        %dma_start3A_412 = tpu.memref_slice %arg10[%dma_start3A_401] : memref<8x!tpu.dma_semaphore, #tpu.memory_space<semaphore_mem>> -> memref<1x!tpu.dma_semaphore, #tpu.memory_space<semaphore_mem>>
        %dma_start3A_413 = tpu.memref_squeeze %dma_start3A_412 : memref<1x!tpu.dma_semaphore, #tpu.memory_space<semaphore_mem>> -> memref<!tpu.dma_semaphore, #tpu.memory_space<semaphore_mem>>
        tpu.enqueue_indirect_dma source(%dma_start3A_411 : memref<10000x32xf32, #tpu.memory_space<hbm>>) target(%dma_start3A_405 : memref<128x32xf32, #tpu.memory_space<vmem>>) offsets(%dma_start3A_408 : memref<128xi32, #tpu.memory_space<vmem>>) semaphore(%dma_start3A_413 : memref<!tpu.dma_semaphore, #tpu.memory_space<semaphore_mem>>)
      } else {
      }
      %mul3A_342 = arith.constant 8 : i32
      %mul3A_343 = arith.muli %scan3A_271, %mul3A_342 : i32
      %add3A_344 = arith.constant 5 : i32
      %add3A_345 = arith.addi %mul3A_343, %add3A_344 : i32
      %lt3A_346 = arith.cmpi slt, %add3A_345, %add3A_7 : i32
      %convert_element_type3A_347 = arith.extui %lt3A_346 : i1 to i32
      %cond3A_348 = arith.constant 0 : i32
      %cond3A_349 = arith.cmpi ne, %convert_element_type3A_347, %cond3A_348 : i32
      scf.if %cond3A_349 {
        %dma_wait3A_384 = arith.constant 5 : i32
        %dma_wait3A_385 = arith.constant 5 : i32
        %dma_wait3A_386 = arith.constant 0 : i32
        %dma_wait3A_387 = arith.constant 0 : i32
        %dma_wait3A_388 = tpu.memref_slice %arg8[%dma_wait3A_384, %dma_wait3A_386, %dma_wait3A_387] : memref<8x128x32xf32, #tpu.memory_space<vmem>> -> memref<1x128x32xf32, #tpu.memory_space<vmem>>
        %dma_wait3A_389 = tpu.memref_squeeze %dma_wait3A_388 : memref<1x128x32xf32, #tpu.memory_space<vmem>> -> memref<128x32xf32, #tpu.memory_space<vmem>>
        %dma_wait3A_390 = arith.constant 0 : i32
        %dma_wait3A_391 = tpu.memref_slice %arg6[%add3A_345, %dma_wait3A_390] : memref<79x128xi32, #tpu.memory_space<vmem>> -> memref<1x128xi32, #tpu.memory_space<vmem>>
        %dma_wait3A_392 = tpu.memref_squeeze %dma_wait3A_391 : memref<1x128xi32, #tpu.memory_space<vmem>> -> memref<128xi32, #tpu.memory_space<vmem>>
        %dma_wait3A_393 = arith.constant 0 : i32
        %dma_wait3A_394 = arith.constant 0 : i32
        %dma_wait3A_395 = tpu.memref_slice %arg2[%dma_wait3A_393, %dma_wait3A_394] : memref<10000x32xf32, #tpu.memory_space<hbm>> -> memref<10000x32xf32, #tpu.memory_space<hbm>>
        %dma_wait3A_396 = tpu.memref_slice %arg10[%dma_wait3A_385] : memref<8x!tpu.dma_semaphore, #tpu.memory_space<semaphore_mem>> -> memref<1x!tpu.dma_semaphore, #tpu.memory_space<semaphore_mem>>
        %dma_wait3A_397 = tpu.memref_squeeze %dma_wait3A_396 : memref<1x!tpu.dma_semaphore, #tpu.memory_space<semaphore_mem>> -> memref<!tpu.dma_semaphore, #tpu.memory_space<semaphore_mem>>
        tpu.wait_indirect_dma semaphore(%dma_wait3A_397 : memref<!tpu.dma_semaphore, #tpu.memory_space<semaphore_mem>>) src(%dma_wait3A_395 : memref<10000x32xf32, #tpu.memory_space<hbm>>) dst(%dma_wait3A_389 : memref<128x32xf32, #tpu.memory_space<vmem>>)
        %dma_start3A_398 = arith.constant 5 : i32
        %dma_start3A_399 = arith.constant 5 : i32
        %dma_start3A_400 = arith.constant 0 : i32
        %dma_start3A_401 = arith.constant 0 : i32
        %dma_start3A_402 = tpu.memref_slice %arg8[%dma_start3A_398, %dma_start3A_400, %dma_start3A_401] : memref<8x128x32xf32, #tpu.memory_space<vmem>> -> memref<1x128x32xf32, #tpu.memory_space<vmem>>
        %dma_start3A_403 = tpu.memref_squeeze %dma_start3A_402 : memref<1x128x32xf32, #tpu.memory_space<vmem>> -> memref<128x32xf32, #tpu.memory_space<vmem>>
        %dma_start3A_404 = arith.constant 0 : i32
        %dma_start3A_405 = tpu.memref_slice %arg7[%add3A_345, %dma_start3A_404] : memref<79x128xi32, #tpu.memory_space<vmem>> -> memref<1x128xi32, #tpu.memory_space<vmem>>
        %dma_start3A_406 = tpu.memref_squeeze %dma_start3A_405 : memref<1x128xi32, #tpu.memory_space<vmem>> -> memref<128xi32, #tpu.memory_space<vmem>>
        %dma_start3A_407 = arith.constant 0 : i32
        %dma_start3A_408 = arith.constant 0 : i32
        %dma_start3A_409 = tpu.memref_slice %arg9[%dma_start3A_407, %dma_start3A_408] : memref<10000x32xf32, #tpu.memory_space<vmem_shared>> -> memref<10000x32xf32, #tpu.memory_space<vmem_shared>>
        %dma_start3A_410 = tpu.memref_slice %arg11[%dma_start3A_399] : memref<8x!tpu.dma_semaphore, #tpu.memory_space<semaphore_mem>> -> memref<1x!tpu.dma_semaphore, #tpu.memory_space<semaphore_mem>>
        %dma_start3A_411 = tpu.memref_squeeze %dma_start3A_410 : memref<1x!tpu.dma_semaphore, #tpu.memory_space<semaphore_mem>> -> memref<!tpu.dma_semaphore, #tpu.memory_space<semaphore_mem>>
        tpu.enqueue_indirect_dma source(%dma_start3A_403 : memref<128x32xf32, #tpu.memory_space<vmem>>) target(%dma_start3A_409 : memref<10000x32xf32, #tpu.memory_space<vmem_shared>>) offsets(%dma_start3A_406 : memref<128xi32, #tpu.memory_space<vmem>>) semaphore(%dma_start3A_411 : memref<!tpu.dma_semaphore, #tpu.memory_space<semaphore_mem>>) {add = true}
      } else {
      }
      %add3A_350 = arith.constant 8 : i32
      %add3A_351 = arith.addi %add3A_345, %add3A_350 : i32
      %lt3A_352 = arith.cmpi slt, %add3A_351, %add3A_7 : i32
      %convert_element_type3A_353 = arith.extui %lt3A_352 : i1 to i32
      %cond3A_354 = arith.constant 0 : i32
      %cond3A_355 = arith.cmpi ne, %convert_element_type3A_353, %cond3A_354 : i32
      scf.if %cond3A_355 {
        %dma_wait3A_384 = arith.constant 5 : i32
        %dma_wait3A_385 = arith.constant 5 : i32
        %dma_wait3A_386 = arith.constant 0 : i32
        %dma_wait3A_387 = arith.constant 0 : i32
        %dma_wait3A_388 = tpu.memref_slice %arg8[%dma_wait3A_384, %dma_wait3A_386, %dma_wait3A_387] : memref<8x128x32xf32, #tpu.memory_space<vmem>> -> memref<1x128x32xf32, #tpu.memory_space<vmem>>
        %dma_wait3A_389 = tpu.memref_squeeze %dma_wait3A_388 : memref<1x128x32xf32, #tpu.memory_space<vmem>> -> memref<128x32xf32, #tpu.memory_space<vmem>>
        %dma_wait3A_390 = arith.constant 0 : i32
        %dma_wait3A_391 = tpu.memref_slice %arg7[%add3A_345, %dma_wait3A_390] : memref<79x128xi32, #tpu.memory_space<vmem>> -> memref<1x128xi32, #tpu.memory_space<vmem>>
        %dma_wait3A_392 = tpu.memref_squeeze %dma_wait3A_391 : memref<1x128xi32, #tpu.memory_space<vmem>> -> memref<128xi32, #tpu.memory_space<vmem>>
        %dma_wait3A_393 = arith.constant 0 : i32
        %dma_wait3A_394 = arith.constant 0 : i32
        %dma_wait3A_395 = tpu.memref_slice %arg9[%dma_wait3A_393, %dma_wait3A_394] : memref<10000x32xf32, #tpu.memory_space<vmem_shared>> -> memref<10000x32xf32, #tpu.memory_space<vmem_shared>>
        %dma_wait3A_396 = tpu.memref_slice %arg11[%dma_wait3A_385] : memref<8x!tpu.dma_semaphore, #tpu.memory_space<semaphore_mem>> -> memref<1x!tpu.dma_semaphore, #tpu.memory_space<semaphore_mem>>
        %dma_wait3A_397 = tpu.memref_squeeze %dma_wait3A_396 : memref<1x!tpu.dma_semaphore, #tpu.memory_space<semaphore_mem>> -> memref<!tpu.dma_semaphore, #tpu.memory_space<semaphore_mem>>
        tpu.wait_indirect_dma semaphore(%dma_wait3A_397 : memref<!tpu.dma_semaphore, #tpu.memory_space<semaphore_mem>>) src(%dma_wait3A_389 : memref<128x32xf32, #tpu.memory_space<vmem>>) dst(%dma_wait3A_395 : memref<10000x32xf32, #tpu.memory_space<vmem_shared>>)
        %add3A_398 = arith.constant 8 : i32
        %add3A_399 = arith.addi %add3A_345, %add3A_398 : i32
        %dma_start3A_400 = arith.constant 5 : i32
        %dma_start3A_401 = arith.constant 5 : i32
        %dma_start3A_402 = arith.constant 0 : i32
        %dma_start3A_403 = arith.constant 0 : i32
        %dma_start3A_404 = tpu.memref_slice %arg8[%dma_start3A_400, %dma_start3A_402, %dma_start3A_403] : memref<8x128x32xf32, #tpu.memory_space<vmem>> -> memref<1x128x32xf32, #tpu.memory_space<vmem>>
        %dma_start3A_405 = tpu.memref_squeeze %dma_start3A_404 : memref<1x128x32xf32, #tpu.memory_space<vmem>> -> memref<128x32xf32, #tpu.memory_space<vmem>>
        %dma_start3A_406 = arith.constant 0 : i32
        %dma_start3A_407 = tpu.memref_slice %arg6[%add3A_399, %dma_start3A_406] : memref<79x128xi32, #tpu.memory_space<vmem>> -> memref<1x128xi32, #tpu.memory_space<vmem>>
        %dma_start3A_408 = tpu.memref_squeeze %dma_start3A_407 : memref<1x128xi32, #tpu.memory_space<vmem>> -> memref<128xi32, #tpu.memory_space<vmem>>
        %dma_start3A_409 = arith.constant 0 : i32
        %dma_start3A_410 = arith.constant 0 : i32
        %dma_start3A_411 = tpu.memref_slice %arg2[%dma_start3A_409, %dma_start3A_410] : memref<10000x32xf32, #tpu.memory_space<hbm>> -> memref<10000x32xf32, #tpu.memory_space<hbm>>
        %dma_start3A_412 = tpu.memref_slice %arg10[%dma_start3A_401] : memref<8x!tpu.dma_semaphore, #tpu.memory_space<semaphore_mem>> -> memref<1x!tpu.dma_semaphore, #tpu.memory_space<semaphore_mem>>
        %dma_start3A_413 = tpu.memref_squeeze %dma_start3A_412 : memref<1x!tpu.dma_semaphore, #tpu.memory_space<semaphore_mem>> -> memref<!tpu.dma_semaphore, #tpu.memory_space<semaphore_mem>>
        tpu.enqueue_indirect_dma source(%dma_start3A_411 : memref<10000x32xf32, #tpu.memory_space<hbm>>) target(%dma_start3A_405 : memref<128x32xf32, #tpu.memory_space<vmem>>) offsets(%dma_start3A_408 : memref<128xi32, #tpu.memory_space<vmem>>) semaphore(%dma_start3A_413 : memref<!tpu.dma_semaphore, #tpu.memory_space<semaphore_mem>>)
      } else {
      }
      %mul3A_356 = arith.constant 8 : i32
      %mul3A_357 = arith.muli %scan3A_271, %mul3A_356 : i32
      %add3A_358 = arith.constant 6 : i32
      %add3A_359 = arith.addi %mul3A_357, %add3A_358 : i32
      %lt3A_360 = arith.cmpi slt, %add3A_359, %add3A_7 : i32
      %convert_element_type3A_361 = arith.extui %lt3A_360 : i1 to i32
      %cond3A_362 = arith.constant 0 : i32
      %cond3A_363 = arith.cmpi ne, %convert_element_type3A_361, %cond3A_362 : i32
      scf.if %cond3A_363 {
        %dma_wait3A_384 = arith.constant 6 : i32
        %dma_wait3A_385 = arith.constant 6 : i32
        %dma_wait3A_386 = arith.constant 0 : i32
        %dma_wait3A_387 = arith.constant 0 : i32
        %dma_wait3A_388 = tpu.memref_slice %arg8[%dma_wait3A_384, %dma_wait3A_386, %dma_wait3A_387] : memref<8x128x32xf32, #tpu.memory_space<vmem>> -> memref<1x128x32xf32, #tpu.memory_space<vmem>>
        %dma_wait3A_389 = tpu.memref_squeeze %dma_wait3A_388 : memref<1x128x32xf32, #tpu.memory_space<vmem>> -> memref<128x32xf32, #tpu.memory_space<vmem>>
        %dma_wait3A_390 = arith.constant 0 : i32
        %dma_wait3A_391 = tpu.memref_slice %arg6[%add3A_359, %dma_wait3A_390] : memref<79x128xi32, #tpu.memory_space<vmem>> -> memref<1x128xi32, #tpu.memory_space<vmem>>
        %dma_wait3A_392 = tpu.memref_squeeze %dma_wait3A_391 : memref<1x128xi32, #tpu.memory_space<vmem>> -> memref<128xi32, #tpu.memory_space<vmem>>
        %dma_wait3A_393 = arith.constant 0 : i32
        %dma_wait3A_394 = arith.constant 0 : i32
        %dma_wait3A_395 = tpu.memref_slice %arg2[%dma_wait3A_393, %dma_wait3A_394] : memref<10000x32xf32, #tpu.memory_space<hbm>> -> memref<10000x32xf32, #tpu.memory_space<hbm>>
        %dma_wait3A_396 = tpu.memref_slice %arg10[%dma_wait3A_385] : memref<8x!tpu.dma_semaphore, #tpu.memory_space<semaphore_mem>> -> memref<1x!tpu.dma_semaphore, #tpu.memory_space<semaphore_mem>>
        %dma_wait3A_397 = tpu.memref_squeeze %dma_wait3A_396 : memref<1x!tpu.dma_semaphore, #tpu.memory_space<semaphore_mem>> -> memref<!tpu.dma_semaphore, #tpu.memory_space<semaphore_mem>>
        tpu.wait_indirect_dma semaphore(%dma_wait3A_397 : memref<!tpu.dma_semaphore, #tpu.memory_space<semaphore_mem>>) src(%dma_wait3A_395 : memref<10000x32xf32, #tpu.memory_space<hbm>>) dst(%dma_wait3A_389 : memref<128x32xf32, #tpu.memory_space<vmem>>)
        %dma_start3A_398 = arith.constant 6 : i32
        %dma_start3A_399 = arith.constant 6 : i32
        %dma_start3A_400 = arith.constant 0 : i32
        %dma_start3A_401 = arith.constant 0 : i32
        %dma_start3A_402 = tpu.memref_slice %arg8[%dma_start3A_398, %dma_start3A_400, %dma_start3A_401] : memref<8x128x32xf32, #tpu.memory_space<vmem>> -> memref<1x128x32xf32, #tpu.memory_space<vmem>>
        %dma_start3A_403 = tpu.memref_squeeze %dma_start3A_402 : memref<1x128x32xf32, #tpu.memory_space<vmem>> -> memref<128x32xf32, #tpu.memory_space<vmem>>
        %dma_start3A_404 = arith.constant 0 : i32
        %dma_start3A_405 = tpu.memref_slice %arg7[%add3A_359, %dma_start3A_404] : memref<79x128xi32, #tpu.memory_space<vmem>> -> memref<1x128xi32, #tpu.memory_space<vmem>>
        %dma_start3A_406 = tpu.memref_squeeze %dma_start3A_405 : memref<1x128xi32, #tpu.memory_space<vmem>> -> memref<128xi32, #tpu.memory_space<vmem>>
        %dma_start3A_407 = arith.constant 0 : i32
        %dma_start3A_408 = arith.constant 0 : i32
        %dma_start3A_409 = tpu.memref_slice %arg9[%dma_start3A_407, %dma_start3A_408] : memref<10000x32xf32, #tpu.memory_space<vmem_shared>> -> memref<10000x32xf32, #tpu.memory_space<vmem_shared>>
        %dma_start3A_410 = tpu.memref_slice %arg11[%dma_start3A_399] : memref<8x!tpu.dma_semaphore, #tpu.memory_space<semaphore_mem>> -> memref<1x!tpu.dma_semaphore, #tpu.memory_space<semaphore_mem>>
        %dma_start3A_411 = tpu.memref_squeeze %dma_start3A_410 : memref<1x!tpu.dma_semaphore, #tpu.memory_space<semaphore_mem>> -> memref<!tpu.dma_semaphore, #tpu.memory_space<semaphore_mem>>
        tpu.enqueue_indirect_dma source(%dma_start3A_403 : memref<128x32xf32, #tpu.memory_space<vmem>>) target(%dma_start3A_409 : memref<10000x32xf32, #tpu.memory_space<vmem_shared>>) offsets(%dma_start3A_406 : memref<128xi32, #tpu.memory_space<vmem>>) semaphore(%dma_start3A_411 : memref<!tpu.dma_semaphore, #tpu.memory_space<semaphore_mem>>) {add = true}
      } else {
      }
      %add3A_364 = arith.constant 8 : i32
      %add3A_365 = arith.addi %add3A_359, %add3A_364 : i32
      %lt3A_366 = arith.cmpi slt, %add3A_365, %add3A_7 : i32
      %convert_element_type3A_367 = arith.extui %lt3A_366 : i1 to i32
      %cond3A_368 = arith.constant 0 : i32
      %cond3A_369 = arith.cmpi ne, %convert_element_type3A_367, %cond3A_368 : i32
      scf.if %cond3A_369 {
        %dma_wait3A_384 = arith.constant 6 : i32
        %dma_wait3A_385 = arith.constant 6 : i32
        %dma_wait3A_386 = arith.constant 0 : i32
        %dma_wait3A_387 = arith.constant 0 : i32
        %dma_wait3A_388 = tpu.memref_slice %arg8[%dma_wait3A_384, %dma_wait3A_386, %dma_wait3A_387] : memref<8x128x32xf32, #tpu.memory_space<vmem>> -> memref<1x128x32xf32, #tpu.memory_space<vmem>>
        %dma_wait3A_389 = tpu.memref_squeeze %dma_wait3A_388 : memref<1x128x32xf32, #tpu.memory_space<vmem>> -> memref<128x32xf32, #tpu.memory_space<vmem>>
        %dma_wait3A_390 = arith.constant 0 : i32
        %dma_wait3A_391 = tpu.memref_slice %arg7[%add3A_359, %dma_wait3A_390] : memref<79x128xi32, #tpu.memory_space<vmem>> -> memref<1x128xi32, #tpu.memory_space<vmem>>
        %dma_wait3A_392 = tpu.memref_squeeze %dma_wait3A_391 : memref<1x128xi32, #tpu.memory_space<vmem>> -> memref<128xi32, #tpu.memory_space<vmem>>
        %dma_wait3A_393 = arith.constant 0 : i32
        %dma_wait3A_394 = arith.constant 0 : i32
        %dma_wait3A_395 = tpu.memref_slice %arg9[%dma_wait3A_393, %dma_wait3A_394] : memref<10000x32xf32, #tpu.memory_space<vmem_shared>> -> memref<10000x32xf32, #tpu.memory_space<vmem_shared>>
        %dma_wait3A_396 = tpu.memref_slice %arg11[%dma_wait3A_385] : memref<8x!tpu.dma_semaphore, #tpu.memory_space<semaphore_mem>> -> memref<1x!tpu.dma_semaphore, #tpu.memory_space<semaphore_mem>>
        %dma_wait3A_397 = tpu.memref_squeeze %dma_wait3A_396 : memref<1x!tpu.dma_semaphore, #tpu.memory_space<semaphore_mem>> -> memref<!tpu.dma_semaphore, #tpu.memory_space<semaphore_mem>>
        tpu.wait_indirect_dma semaphore(%dma_wait3A_397 : memref<!tpu.dma_semaphore, #tpu.memory_space<semaphore_mem>>) src(%dma_wait3A_389 : memref<128x32xf32, #tpu.memory_space<vmem>>) dst(%dma_wait3A_395 : memref<10000x32xf32, #tpu.memory_space<vmem_shared>>)
        %add3A_398 = arith.constant 8 : i32
        %add3A_399 = arith.addi %add3A_359, %add3A_398 : i32
        %dma_start3A_400 = arith.constant 6 : i32
        %dma_start3A_401 = arith.constant 6 : i32
        %dma_start3A_402 = arith.constant 0 : i32
        %dma_start3A_403 = arith.constant 0 : i32
        %dma_start3A_404 = tpu.memref_slice %arg8[%dma_start3A_400, %dma_start3A_402, %dma_start3A_403] : memref<8x128x32xf32, #tpu.memory_space<vmem>> -> memref<1x128x32xf32, #tpu.memory_space<vmem>>
        %dma_start3A_405 = tpu.memref_squeeze %dma_start3A_404 : memref<1x128x32xf32, #tpu.memory_space<vmem>> -> memref<128x32xf32, #tpu.memory_space<vmem>>
        %dma_start3A_406 = arith.constant 0 : i32
        %dma_start3A_407 = tpu.memref_slice %arg6[%add3A_399, %dma_start3A_406] : memref<79x128xi32, #tpu.memory_space<vmem>> -> memref<1x128xi32, #tpu.memory_space<vmem>>
        %dma_start3A_408 = tpu.memref_squeeze %dma_start3A_407 : memref<1x128xi32, #tpu.memory_space<vmem>> -> memref<128xi32, #tpu.memory_space<vmem>>
        %dma_start3A_409 = arith.constant 0 : i32
        %dma_start3A_410 = arith.constant 0 : i32
        %dma_start3A_411 = tpu.memref_slice %arg2[%dma_start3A_409, %dma_start3A_410] : memref<10000x32xf32, #tpu.memory_space<hbm>> -> memref<10000x32xf32, #tpu.memory_space<hbm>>
        %dma_start3A_412 = tpu.memref_slice %arg10[%dma_start3A_401] : memref<8x!tpu.dma_semaphore, #tpu.memory_space<semaphore_mem>> -> memref<1x!tpu.dma_semaphore, #tpu.memory_space<semaphore_mem>>
        %dma_start3A_413 = tpu.memref_squeeze %dma_start3A_412 : memref<1x!tpu.dma_semaphore, #tpu.memory_space<semaphore_mem>> -> memref<!tpu.dma_semaphore, #tpu.memory_space<semaphore_mem>>
        tpu.enqueue_indirect_dma source(%dma_start3A_411 : memref<10000x32xf32, #tpu.memory_space<hbm>>) target(%dma_start3A_405 : memref<128x32xf32, #tpu.memory_space<vmem>>) offsets(%dma_start3A_408 : memref<128xi32, #tpu.memory_space<vmem>>) semaphore(%dma_start3A_413 : memref<!tpu.dma_semaphore, #tpu.memory_space<semaphore_mem>>)
      } else {
      }
      %mul3A_370 = arith.constant 8 : i32
      %mul3A_371 = arith.muli %scan3A_271, %mul3A_370 : i32
      %add3A_372 = arith.constant 7 : i32
      %add3A_373 = arith.addi %mul3A_371, %add3A_372 : i32
      %lt3A_374 = arith.cmpi slt, %add3A_373, %add3A_7 : i32
      %convert_element_type3A_375 = arith.extui %lt3A_374 : i1 to i32
      %cond3A_376 = arith.constant 0 : i32
      %cond3A_377 = arith.cmpi ne, %convert_element_type3A_375, %cond3A_376 : i32
      scf.if %cond3A_377 {
        %dma_wait3A_384 = arith.constant 7 : i32
        %dma_wait3A_385 = arith.constant 7 : i32
        %dma_wait3A_386 = arith.constant 0 : i32
        %dma_wait3A_387 = arith.constant 0 : i32
        %dma_wait3A_388 = tpu.memref_slice %arg8[%dma_wait3A_384, %dma_wait3A_386, %dma_wait3A_387] : memref<8x128x32xf32, #tpu.memory_space<vmem>> -> memref<1x128x32xf32, #tpu.memory_space<vmem>>
        %dma_wait3A_389 = tpu.memref_squeeze %dma_wait3A_388 : memref<1x128x32xf32, #tpu.memory_space<vmem>> -> memref<128x32xf32, #tpu.memory_space<vmem>>
        %dma_wait3A_390 = arith.constant 0 : i32
        %dma_wait3A_391 = tpu.memref_slice %arg6[%add3A_373, %dma_wait3A_390] : memref<79x128xi32, #tpu.memory_space<vmem>> -> memref<1x128xi32, #tpu.memory_space<vmem>>
        %dma_wait3A_392 = tpu.memref_squeeze %dma_wait3A_391 : memref<1x128xi32, #tpu.memory_space<vmem>> -> memref<128xi32, #tpu.memory_space<vmem>>
        %dma_wait3A_393 = arith.constant 0 : i32
        %dma_wait3A_394 = arith.constant 0 : i32
        %dma_wait3A_395 = tpu.memref_slice %arg2[%dma_wait3A_393, %dma_wait3A_394] : memref<10000x32xf32, #tpu.memory_space<hbm>> -> memref<10000x32xf32, #tpu.memory_space<hbm>>
        %dma_wait3A_396 = tpu.memref_slice %arg10[%dma_wait3A_385] : memref<8x!tpu.dma_semaphore, #tpu.memory_space<semaphore_mem>> -> memref<1x!tpu.dma_semaphore, #tpu.memory_space<semaphore_mem>>
        %dma_wait3A_397 = tpu.memref_squeeze %dma_wait3A_396 : memref<1x!tpu.dma_semaphore, #tpu.memory_space<semaphore_mem>> -> memref<!tpu.dma_semaphore, #tpu.memory_space<semaphore_mem>>
        tpu.wait_indirect_dma semaphore(%dma_wait3A_397 : memref<!tpu.dma_semaphore, #tpu.memory_space<semaphore_mem>>) src(%dma_wait3A_395 : memref<10000x32xf32, #tpu.memory_space<hbm>>) dst(%dma_wait3A_389 : memref<128x32xf32, #tpu.memory_space<vmem>>)
        %dma_start3A_398 = arith.constant 7 : i32
        %dma_start3A_399 = arith.constant 7 : i32
        %dma_start3A_400 = arith.constant 0 : i32
        %dma_start3A_401 = arith.constant 0 : i32
        %dma_start3A_402 = tpu.memref_slice %arg8[%dma_start3A_398, %dma_start3A_400, %dma_start3A_401] : memref<8x128x32xf32, #tpu.memory_space<vmem>> -> memref<1x128x32xf32, #tpu.memory_space<vmem>>
        %dma_start3A_403 = tpu.memref_squeeze %dma_start3A_402 : memref<1x128x32xf32, #tpu.memory_space<vmem>> -> memref<128x32xf32, #tpu.memory_space<vmem>>
        %dma_start3A_404 = arith.constant 0 : i32
        %dma_start3A_405 = tpu.memref_slice %arg7[%add3A_373, %dma_start3A_404] : memref<79x128xi32, #tpu.memory_space<vmem>> -> memref<1x128xi32, #tpu.memory_space<vmem>>
        %dma_start3A_406 = tpu.memref_squeeze %dma_start3A_405 : memref<1x128xi32, #tpu.memory_space<vmem>> -> memref<128xi32, #tpu.memory_space<vmem>>
        %dma_start3A_407 = arith.constant 0 : i32
        %dma_start3A_408 = arith.constant 0 : i32
        %dma_start3A_409 = tpu.memref_slice %arg9[%dma_start3A_407, %dma_start3A_408] : memref<10000x32xf32, #tpu.memory_space<vmem_shared>> -> memref<10000x32xf32, #tpu.memory_space<vmem_shared>>
        %dma_start3A_410 = tpu.memref_slice %arg11[%dma_start3A_399] : memref<8x!tpu.dma_semaphore, #tpu.memory_space<semaphore_mem>> -> memref<1x!tpu.dma_semaphore, #tpu.memory_space<semaphore_mem>>
        %dma_start3A_411 = tpu.memref_squeeze %dma_start3A_410 : memref<1x!tpu.dma_semaphore, #tpu.memory_space<semaphore_mem>> -> memref<!tpu.dma_semaphore, #tpu.memory_space<semaphore_mem>>
        tpu.enqueue_indirect_dma source(%dma_start3A_403 : memref<128x32xf32, #tpu.memory_space<vmem>>) target(%dma_start3A_409 : memref<10000x32xf32, #tpu.memory_space<vmem_shared>>) offsets(%dma_start3A_406 : memref<128xi32, #tpu.memory_space<vmem>>) semaphore(%dma_start3A_411 : memref<!tpu.dma_semaphore, #tpu.memory_space<semaphore_mem>>) {add = true}
      } else {
      }
      %add3A_378 = arith.constant 8 : i32
      %add3A_379 = arith.addi %add3A_373, %add3A_378 : i32
      %lt3A_380 = arith.cmpi slt, %add3A_379, %add3A_7 : i32
      %convert_element_type3A_381 = arith.extui %lt3A_380 : i1 to i32
      %cond3A_382 = arith.constant 0 : i32
      %cond3A_383 = arith.cmpi ne, %convert_element_type3A_381, %cond3A_382 : i32
      scf.if %cond3A_383 {
        %dma_wait3A_384 = arith.constant 7 : i32
        %dma_wait3A_385 = arith.constant 7 : i32
        %dma_wait3A_386 = arith.constant 0 : i32
        %dma_wait3A_387 = arith.constant 0 : i32
        %dma_wait3A_388 = tpu.memref_slice %arg8[%dma_wait3A_384, %dma_wait3A_386, %dma_wait3A_387] : memref<8x128x32xf32, #tpu.memory_space<vmem>> -> memref<1x128x32xf32, #tpu.memory_space<vmem>>
        %dma_wait3A_389 = tpu.memref_squeeze %dma_wait3A_388 : memref<1x128x32xf32, #tpu.memory_space<vmem>> -> memref<128x32xf32, #tpu.memory_space<vmem>>
        %dma_wait3A_390 = arith.constant 0 : i32
        %dma_wait3A_391 = tpu.memref_slice %arg7[%add3A_373, %dma_wait3A_390] : memref<79x128xi32, #tpu.memory_space<vmem>> -> memref<1x128xi32, #tpu.memory_space<vmem>>
        %dma_wait3A_392 = tpu.memref_squeeze %dma_wait3A_391 : memref<1x128xi32, #tpu.memory_space<vmem>> -> memref<128xi32, #tpu.memory_space<vmem>>
        %dma_wait3A_393 = arith.constant 0 : i32
        %dma_wait3A_394 = arith.constant 0 : i32
        %dma_wait3A_395 = tpu.memref_slice %arg9[%dma_wait3A_393, %dma_wait3A_394] : memref<10000x32xf32, #tpu.memory_space<vmem_shared>> -> memref<10000x32xf32, #tpu.memory_space<vmem_shared>>
        %dma_wait3A_396 = tpu.memref_slice %arg11[%dma_wait3A_385] : memref<8x!tpu.dma_semaphore, #tpu.memory_space<semaphore_mem>> -> memref<1x!tpu.dma_semaphore, #tpu.memory_space<semaphore_mem>>
        %dma_wait3A_397 = tpu.memref_squeeze %dma_wait3A_396 : memref<1x!tpu.dma_semaphore, #tpu.memory_space<semaphore_mem>> -> memref<!tpu.dma_semaphore, #tpu.memory_space<semaphore_mem>>
        tpu.wait_indirect_dma semaphore(%dma_wait3A_397 : memref<!tpu.dma_semaphore, #tpu.memory_space<semaphore_mem>>) src(%dma_wait3A_389 : memref<128x32xf32, #tpu.memory_space<vmem>>) dst(%dma_wait3A_395 : memref<10000x32xf32, #tpu.memory_space<vmem_shared>>)
        %add3A_398 = arith.constant 8 : i32
        %add3A_399 = arith.addi %add3A_373, %add3A_398 : i32
        %dma_start3A_400 = arith.constant 7 : i32
        %dma_start3A_401 = arith.constant 7 : i32
        %dma_start3A_402 = arith.constant 0 : i32
        %dma_start3A_403 = arith.constant 0 : i32
        %dma_start3A_404 = tpu.memref_slice %arg8[%dma_start3A_400, %dma_start3A_402, %dma_start3A_403] : memref<8x128x32xf32, #tpu.memory_space<vmem>> -> memref<1x128x32xf32, #tpu.memory_space<vmem>>
        %dma_start3A_405 = tpu.memref_squeeze %dma_start3A_404 : memref<1x128x32xf32, #tpu.memory_space<vmem>> -> memref<128x32xf32, #tpu.memory_space<vmem>>
        %dma_start3A_406 = arith.constant 0 : i32
        %dma_start3A_407 = tpu.memref_slice %arg6[%add3A_399, %dma_start3A_406] : memref<79x128xi32, #tpu.memory_space<vmem>> -> memref<1x128xi32, #tpu.memory_space<vmem>>
        %dma_start3A_408 = tpu.memref_squeeze %dma_start3A_407 : memref<1x128xi32, #tpu.memory_space<vmem>> -> memref<128xi32, #tpu.memory_space<vmem>>
        %dma_start3A_409 = arith.constant 0 : i32
        %dma_start3A_410 = arith.constant 0 : i32
        %dma_start3A_411 = tpu.memref_slice %arg2[%dma_start3A_409, %dma_start3A_410] : memref<10000x32xf32, #tpu.memory_space<hbm>> -> memref<10000x32xf32, #tpu.memory_space<hbm>>
        %dma_start3A_412 = tpu.memref_slice %arg10[%dma_start3A_401] : memref<8x!tpu.dma_semaphore, #tpu.memory_space<semaphore_mem>> -> memref<1x!tpu.dma_semaphore, #tpu.memory_space<semaphore_mem>>
        %dma_start3A_413 = tpu.memref_squeeze %dma_start3A_412 : memref<1x!tpu.dma_semaphore, #tpu.memory_space<semaphore_mem>> -> memref<!tpu.dma_semaphore, #tpu.memory_space<semaphore_mem>>
        tpu.enqueue_indirect_dma source(%dma_start3A_411 : memref<10000x32xf32, #tpu.memory_space<hbm>>) target(%dma_start3A_405 : memref<128x32xf32, #tpu.memory_space<vmem>>) offsets(%dma_start3A_408 : memref<128xi32, #tpu.memory_space<vmem>>) semaphore(%dma_start3A_413 : memref<!tpu.dma_semaphore, #tpu.memory_space<semaphore_mem>>)
      } else {
      }
    }
    %scan3A_141 = arith.constant 10 : i32
    %dma_wait3A = arith.constant 0 : i32
    %dma_wait3A_142 = arith.constant 0 : i32
    %dma_wait3A_143 = arith.constant 0 : i32
    %dma_wait3A_144 = arith.constant 0 : i32
    %dma_wait3A_145 = arith.constant 0 : i32
    %dma_wait3A_146 = tpu.memref_slice %arg8[%dma_wait3A, %dma_wait3A_144, %dma_wait3A_145] : memref<8x128x32xf32, #tpu.memory_space<vmem>> -> memref<1x128x32xf32, #tpu.memory_space<vmem>>
    %dma_wait3A_147 = tpu.memref_squeeze %dma_wait3A_146 : memref<1x128x32xf32, #tpu.memory_space<vmem>> -> memref<128x32xf32, #tpu.memory_space<vmem>>
    %dma_wait3A_148 = arith.constant 0 : i32
    %dma_wait3A_149 = tpu.memref_slice %arg7[%dma_wait3A_142, %dma_wait3A_148] : memref<79x128xi32, #tpu.memory_space<vmem>> -> memref<1x128xi32, #tpu.memory_space<vmem>>
    %dma_wait3A_150 = tpu.memref_squeeze %dma_wait3A_149 : memref<1x128xi32, #tpu.memory_space<vmem>> -> memref<128xi32, #tpu.memory_space<vmem>>
    %dma_wait3A_151 = arith.constant 0 : i32
    %dma_wait3A_152 = arith.constant 0 : i32
    %dma_wait3A_153 = tpu.memref_slice %arg9[%dma_wait3A_151, %dma_wait3A_152] : memref<10000x32xf32, #tpu.memory_space<vmem_shared>> -> memref<10000x32xf32, #tpu.memory_space<vmem_shared>>
    %dma_wait3A_154 = tpu.memref_slice %arg11[%dma_wait3A_143] : memref<8x!tpu.dma_semaphore, #tpu.memory_space<semaphore_mem>> -> memref<1x!tpu.dma_semaphore, #tpu.memory_space<semaphore_mem>>
    %dma_wait3A_155 = tpu.memref_squeeze %dma_wait3A_154 : memref<1x!tpu.dma_semaphore, #tpu.memory_space<semaphore_mem>> -> memref<!tpu.dma_semaphore, #tpu.memory_space<semaphore_mem>>
    tpu.wait_indirect_dma semaphore(%dma_wait3A_155 : memref<!tpu.dma_semaphore, #tpu.memory_space<semaphore_mem>>) src(%dma_wait3A_147 : memref<128x32xf32, #tpu.memory_space<vmem>>) dst(%dma_wait3A_153 : memref<10000x32xf32, #tpu.memory_space<vmem_shared>>)
    %dma_wait3A_156 = arith.constant 1 : i32
    %dma_wait3A_157 = arith.constant 0 : i32
    %dma_wait3A_158 = arith.constant 1 : i32
    %dma_wait3A_159 = arith.constant 0 : i32
    %dma_wait3A_160 = arith.constant 0 : i32
    %dma_wait3A_161 = tpu.memref_slice %arg8[%dma_wait3A_156, %dma_wait3A_159, %dma_wait3A_160] : memref<8x128x32xf32, #tpu.memory_space<vmem>> -> memref<1x128x32xf32, #tpu.memory_space<vmem>>
    %dma_wait3A_162 = tpu.memref_squeeze %dma_wait3A_161 : memref<1x128x32xf32, #tpu.memory_space<vmem>> -> memref<128x32xf32, #tpu.memory_space<vmem>>
    %dma_wait3A_163 = arith.constant 0 : i32
    %dma_wait3A_164 = tpu.memref_slice %arg7[%dma_wait3A_157, %dma_wait3A_163] : memref<79x128xi32, #tpu.memory_space<vmem>> -> memref<1x128xi32, #tpu.memory_space<vmem>>
    %dma_wait3A_165 = tpu.memref_squeeze %dma_wait3A_164 : memref<1x128xi32, #tpu.memory_space<vmem>> -> memref<128xi32, #tpu.memory_space<vmem>>
    %dma_wait3A_166 = arith.constant 0 : i32
    %dma_wait3A_167 = arith.constant 0 : i32
    %dma_wait3A_168 = tpu.memref_slice %arg9[%dma_wait3A_166, %dma_wait3A_167] : memref<10000x32xf32, #tpu.memory_space<vmem_shared>> -> memref<10000x32xf32, #tpu.memory_space<vmem_shared>>
    %dma_wait3A_169 = tpu.memref_slice %arg11[%dma_wait3A_158] : memref<8x!tpu.dma_semaphore, #tpu.memory_space<semaphore_mem>> -> memref<1x!tpu.dma_semaphore, #tpu.memory_space<semaphore_mem>>
    %dma_wait3A_170 = tpu.memref_squeeze %dma_wait3A_169 : memref<1x!tpu.dma_semaphore, #tpu.memory_space<semaphore_mem>> -> memref<!tpu.dma_semaphore, #tpu.memory_space<semaphore_mem>>
    tpu.wait_indirect_dma semaphore(%dma_wait3A_170 : memref<!tpu.dma_semaphore, #tpu.memory_space<semaphore_mem>>) src(%dma_wait3A_162 : memref<128x32xf32, #tpu.memory_space<vmem>>) dst(%dma_wait3A_168 : memref<10000x32xf32, #tpu.memory_space<vmem_shared>>)
    %dma_wait3A_171 = arith.constant 2 : i32
    %dma_wait3A_172 = arith.constant 0 : i32
    %dma_wait3A_173 = arith.constant 2 : i32
    %dma_wait3A_174 = arith.constant 0 : i32
    %dma_wait3A_175 = arith.constant 0 : i32
    %dma_wait3A_176 = tpu.memref_slice %arg8[%dma_wait3A_171, %dma_wait3A_174, %dma_wait3A_175] : memref<8x128x32xf32, #tpu.memory_space<vmem>> -> memref<1x128x32xf32, #tpu.memory_space<vmem>>
    %dma_wait3A_177 = tpu.memref_squeeze %dma_wait3A_176 : memref<1x128x32xf32, #tpu.memory_space<vmem>> -> memref<128x32xf32, #tpu.memory_space<vmem>>
    %dma_wait3A_178 = arith.constant 0 : i32
    %dma_wait3A_179 = tpu.memref_slice %arg7[%dma_wait3A_172, %dma_wait3A_178] : memref<79x128xi32, #tpu.memory_space<vmem>> -> memref<1x128xi32, #tpu.memory_space<vmem>>
    %dma_wait3A_180 = tpu.memref_squeeze %dma_wait3A_179 : memref<1x128xi32, #tpu.memory_space<vmem>> -> memref<128xi32, #tpu.memory_space<vmem>>
    %dma_wait3A_181 = arith.constant 0 : i32
    %dma_wait3A_182 = arith.constant 0 : i32
    %dma_wait3A_183 = tpu.memref_slice %arg9[%dma_wait3A_181, %dma_wait3A_182] : memref<10000x32xf32, #tpu.memory_space<vmem_shared>> -> memref<10000x32xf32, #tpu.memory_space<vmem_shared>>
    %dma_wait3A_184 = tpu.memref_slice %arg11[%dma_wait3A_173] : memref<8x!tpu.dma_semaphore, #tpu.memory_space<semaphore_mem>> -> memref<1x!tpu.dma_semaphore, #tpu.memory_space<semaphore_mem>>
    %dma_wait3A_185 = tpu.memref_squeeze %dma_wait3A_184 : memref<1x!tpu.dma_semaphore, #tpu.memory_space<semaphore_mem>> -> memref<!tpu.dma_semaphore, #tpu.memory_space<semaphore_mem>>
    tpu.wait_indirect_dma semaphore(%dma_wait3A_185 : memref<!tpu.dma_semaphore, #tpu.memory_space<semaphore_mem>>) src(%dma_wait3A_177 : memref<128x32xf32, #tpu.memory_space<vmem>>) dst(%dma_wait3A_183 : memref<10000x32xf32, #tpu.memory_space<vmem_shared>>)
    %dma_wait3A_186 = arith.constant 3 : i32
    %dma_wait3A_187 = arith.constant 0 : i32
    %dma_wait3A_188 = arith.constant 3 : i32
    %dma_wait3A_189 = arith.constant 0 : i32
    %dma_wait3A_190 = arith.constant 0 : i32
    %dma_wait3A_191 = tpu.memref_slice %arg8[%dma_wait3A_186, %dma_wait3A_189, %dma_wait3A_190] : memref<8x128x32xf32, #tpu.memory_space<vmem>> -> memref<1x128x32xf32, #tpu.memory_space<vmem>>
    %dma_wait3A_192 = tpu.memref_squeeze %dma_wait3A_191 : memref<1x128x32xf32, #tpu.memory_space<vmem>> -> memref<128x32xf32, #tpu.memory_space<vmem>>
    %dma_wait3A_193 = arith.constant 0 : i32
    %dma_wait3A_194 = tpu.memref_slice %arg7[%dma_wait3A_187, %dma_wait3A_193] : memref<79x128xi32, #tpu.memory_space<vmem>> -> memref<1x128xi32, #tpu.memory_space<vmem>>
    %dma_wait3A_195 = tpu.memref_squeeze %dma_wait3A_194 : memref<1x128xi32, #tpu.memory_space<vmem>> -> memref<128xi32, #tpu.memory_space<vmem>>
    %dma_wait3A_196 = arith.constant 0 : i32
    %dma_wait3A_197 = arith.constant 0 : i32
    %dma_wait3A_198 = tpu.memref_slice %arg9[%dma_wait3A_196, %dma_wait3A_197] : memref<10000x32xf32, #tpu.memory_space<vmem_shared>> -> memref<10000x32xf32, #tpu.memory_space<vmem_shared>>
    %dma_wait3A_199 = tpu.memref_slice %arg11[%dma_wait3A_188] : memref<8x!tpu.dma_semaphore, #tpu.memory_space<semaphore_mem>> -> memref<1x!tpu.dma_semaphore, #tpu.memory_space<semaphore_mem>>
    %dma_wait3A_200 = tpu.memref_squeeze %dma_wait3A_199 : memref<1x!tpu.dma_semaphore, #tpu.memory_space<semaphore_mem>> -> memref<!tpu.dma_semaphore, #tpu.memory_space<semaphore_mem>>
    tpu.wait_indirect_dma semaphore(%dma_wait3A_200 : memref<!tpu.dma_semaphore, #tpu.memory_space<semaphore_mem>>) src(%dma_wait3A_192 : memref<128x32xf32, #tpu.memory_space<vmem>>) dst(%dma_wait3A_198 : memref<10000x32xf32, #tpu.memory_space<vmem_shared>>)
    %dma_wait3A_201 = arith.constant 4 : i32
    %dma_wait3A_202 = arith.constant 0 : i32
    %dma_wait3A_203 = arith.constant 4 : i32
    %dma_wait3A_204 = arith.constant 0 : i32
    %dma_wait3A_205 = arith.constant 0 : i32
    %dma_wait3A_206 = tpu.memref_slice %arg8[%dma_wait3A_201, %dma_wait3A_204, %dma_wait3A_205] : memref<8x128x32xf32, #tpu.memory_space<vmem>> -> memref<1x128x32xf32, #tpu.memory_space<vmem>>
    %dma_wait3A_207 = tpu.memref_squeeze %dma_wait3A_206 : memref<1x128x32xf32, #tpu.memory_space<vmem>> -> memref<128x32xf32, #tpu.memory_space<vmem>>
    %dma_wait3A_208 = arith.constant 0 : i32
    %dma_wait3A_209 = tpu.memref_slice %arg7[%dma_wait3A_202, %dma_wait3A_208] : memref<79x128xi32, #tpu.memory_space<vmem>> -> memref<1x128xi32, #tpu.memory_space<vmem>>
    %dma_wait3A_210 = tpu.memref_squeeze %dma_wait3A_209 : memref<1x128xi32, #tpu.memory_space<vmem>> -> memref<128xi32, #tpu.memory_space<vmem>>
    %dma_wait3A_211 = arith.constant 0 : i32
    %dma_wait3A_212 = arith.constant 0 : i32
    %dma_wait3A_213 = tpu.memref_slice %arg9[%dma_wait3A_211, %dma_wait3A_212] : memref<10000x32xf32, #tpu.memory_space<vmem_shared>> -> memref<10000x32xf32, #tpu.memory_space<vmem_shared>>
    %dma_wait3A_214 = tpu.memref_slice %arg11[%dma_wait3A_203] : memref<8x!tpu.dma_semaphore, #tpu.memory_space<semaphore_mem>> -> memref<1x!tpu.dma_semaphore, #tpu.memory_space<semaphore_mem>>
    %dma_wait3A_215 = tpu.memref_squeeze %dma_wait3A_214 : memref<1x!tpu.dma_semaphore, #tpu.memory_space<semaphore_mem>> -> memref<!tpu.dma_semaphore, #tpu.memory_space<semaphore_mem>>
    tpu.wait_indirect_dma semaphore(%dma_wait3A_215 : memref<!tpu.dma_semaphore, #tpu.memory_space<semaphore_mem>>) src(%dma_wait3A_207 : memref<128x32xf32, #tpu.memory_space<vmem>>) dst(%dma_wait3A_213 : memref<10000x32xf32, #tpu.memory_space<vmem_shared>>)
    %dma_wait3A_216 = arith.constant 5 : i32
    %dma_wait3A_217 = arith.constant 0 : i32
    %dma_wait3A_218 = arith.constant 5 : i32
    %dma_wait3A_219 = arith.constant 0 : i32
    %dma_wait3A_220 = arith.constant 0 : i32
    %dma_wait3A_221 = tpu.memref_slice %arg8[%dma_wait3A_216, %dma_wait3A_219, %dma_wait3A_220] : memref<8x128x32xf32, #tpu.memory_space<vmem>> -> memref<1x128x32xf32, #tpu.memory_space<vmem>>
    %dma_wait3A_222 = tpu.memref_squeeze %dma_wait3A_221 : memref<1x128x32xf32, #tpu.memory_space<vmem>> -> memref<128x32xf32, #tpu.memory_space<vmem>>
    %dma_wait3A_223 = arith.constant 0 : i32
    %dma_wait3A_224 = tpu.memref_slice %arg7[%dma_wait3A_217, %dma_wait3A_223] : memref<79x128xi32, #tpu.memory_space<vmem>> -> memref<1x128xi32, #tpu.memory_space<vmem>>
    %dma_wait3A_225 = tpu.memref_squeeze %dma_wait3A_224 : memref<1x128xi32, #tpu.memory_space<vmem>> -> memref<128xi32, #tpu.memory_space<vmem>>
    %dma_wait3A_226 = arith.constant 0 : i32
    %dma_wait3A_227 = arith.constant 0 : i32
    %dma_wait3A_228 = tpu.memref_slice %arg9[%dma_wait3A_226, %dma_wait3A_227] : memref<10000x32xf32, #tpu.memory_space<vmem_shared>> -> memref<10000x32xf32, #tpu.memory_space<vmem_shared>>
    %dma_wait3A_229 = tpu.memref_slice %arg11[%dma_wait3A_218] : memref<8x!tpu.dma_semaphore, #tpu.memory_space<semaphore_mem>> -> memref<1x!tpu.dma_semaphore, #tpu.memory_space<semaphore_mem>>
    %dma_wait3A_230 = tpu.memref_squeeze %dma_wait3A_229 : memref<1x!tpu.dma_semaphore, #tpu.memory_space<semaphore_mem>> -> memref<!tpu.dma_semaphore, #tpu.memory_space<semaphore_mem>>
    tpu.wait_indirect_dma semaphore(%dma_wait3A_230 : memref<!tpu.dma_semaphore, #tpu.memory_space<semaphore_mem>>) src(%dma_wait3A_222 : memref<128x32xf32, #tpu.memory_space<vmem>>) dst(%dma_wait3A_228 : memref<10000x32xf32, #tpu.memory_space<vmem_shared>>)
    %dma_wait3A_231 = arith.constant 6 : i32
    %dma_wait3A_232 = arith.constant 0 : i32
    %dma_wait3A_233 = arith.constant 6 : i32
    %dma_wait3A_234 = arith.constant 0 : i32
    %dma_wait3A_235 = arith.constant 0 : i32
    %dma_wait3A_236 = tpu.memref_slice %arg8[%dma_wait3A_231, %dma_wait3A_234, %dma_wait3A_235] : memref<8x128x32xf32, #tpu.memory_space<vmem>> -> memref<1x128x32xf32, #tpu.memory_space<vmem>>
    %dma_wait3A_237 = tpu.memref_squeeze %dma_wait3A_236 : memref<1x128x32xf32, #tpu.memory_space<vmem>> -> memref<128x32xf32, #tpu.memory_space<vmem>>
    %dma_wait3A_238 = arith.constant 0 : i32
    %dma_wait3A_239 = tpu.memref_slice %arg7[%dma_wait3A_232, %dma_wait3A_238] : memref<79x128xi32, #tpu.memory_space<vmem>> -> memref<1x128xi32, #tpu.memory_space<vmem>>
    %dma_wait3A_240 = tpu.memref_squeeze %dma_wait3A_239 : memref<1x128xi32, #tpu.memory_space<vmem>> -> memref<128xi32, #tpu.memory_space<vmem>>
    %dma_wait3A_241 = arith.constant 0 : i32
    %dma_wait3A_242 = arith.constant 0 : i32
    %dma_wait3A_243 = tpu.memref_slice %arg9[%dma_wait3A_241, %dma_wait3A_242] : memref<10000x32xf32, #tpu.memory_space<vmem_shared>> -> memref<10000x32xf32, #tpu.memory_space<vmem_shared>>
    %dma_wait3A_244 = tpu.memref_slice %arg11[%dma_wait3A_233] : memref<8x!tpu.dma_semaphore, #tpu.memory_space<semaphore_mem>> -> memref<1x!tpu.dma_semaphore, #tpu.memory_space<semaphore_mem>>
    %dma_wait3A_245 = tpu.memref_squeeze %dma_wait3A_244 : memref<1x!tpu.dma_semaphore, #tpu.memory_space<semaphore_mem>> -> memref<!tpu.dma_semaphore, #tpu.memory_space<semaphore_mem>>
    tpu.wait_indirect_dma semaphore(%dma_wait3A_245 : memref<!tpu.dma_semaphore, #tpu.memory_space<semaphore_mem>>) src(%dma_wait3A_237 : memref<128x32xf32, #tpu.memory_space<vmem>>) dst(%dma_wait3A_243 : memref<10000x32xf32, #tpu.memory_space<vmem_shared>>)
    %dma_wait3A_246 = arith.constant 7 : i32
    %dma_wait3A_247 = arith.constant 0 : i32
    %dma_wait3A_248 = arith.constant 7 : i32
    %dma_wait3A_249 = arith.constant 0 : i32
    %dma_wait3A_250 = arith.constant 0 : i32
    %dma_wait3A_251 = tpu.memref_slice %arg8[%dma_wait3A_246, %dma_wait3A_249, %dma_wait3A_250] : memref<8x128x32xf32, #tpu.memory_space<vmem>> -> memref<1x128x32xf32, #tpu.memory_space<vmem>>
    %dma_wait3A_252 = tpu.memref_squeeze %dma_wait3A_251 : memref<1x128x32xf32, #tpu.memory_space<vmem>> -> memref<128x32xf32, #tpu.memory_space<vmem>>
    %dma_wait3A_253 = arith.constant 0 : i32
    %dma_wait3A_254 = tpu.memref_slice %arg7[%dma_wait3A_247, %dma_wait3A_253] : memref<79x128xi32, #tpu.memory_space<vmem>> -> memref<1x128xi32, #tpu.memory_space<vmem>>
    %dma_wait3A_255 = tpu.memref_squeeze %dma_wait3A_254 : memref<1x128xi32, #tpu.memory_space<vmem>> -> memref<128xi32, #tpu.memory_space<vmem>>
    %dma_wait3A_256 = arith.constant 0 : i32
    %dma_wait3A_257 = arith.constant 0 : i32
    %dma_wait3A_258 = tpu.memref_slice %arg9[%dma_wait3A_256, %dma_wait3A_257] : memref<10000x32xf32, #tpu.memory_space<vmem_shared>> -> memref<10000x32xf32, #tpu.memory_space<vmem_shared>>
    %dma_wait3A_259 = tpu.memref_slice %arg11[%dma_wait3A_248] : memref<8x!tpu.dma_semaphore, #tpu.memory_space<semaphore_mem>> -> memref<1x!tpu.dma_semaphore, #tpu.memory_space<semaphore_mem>>
    %dma_wait3A_260 = tpu.memref_squeeze %dma_wait3A_259 : memref<1x!tpu.dma_semaphore, #tpu.memory_space<semaphore_mem>> -> memref<!tpu.dma_semaphore, #tpu.memory_space<semaphore_mem>>
    tpu.wait_indirect_dma semaphore(%dma_wait3A_260 : memref<!tpu.dma_semaphore, #tpu.memory_space<semaphore_mem>>) src(%dma_wait3A_252 : memref<128x32xf32, #tpu.memory_space<vmem>>) dst(%dma_wait3A_258 : memref<10000x32xf32, #tpu.memory_space<vmem_shared>>)
    %barrier3A_261 = arith.constant 0 : index
    tpu.barrier barrier_id(%barrier3A_261)
    %mul3A_262 = arith.constant 624 : i32
    %mul3A_263 = arith.muli %arg1, %mul3A_262 : i32
    %mul3A_264 = arith.constant 624 : i32
    %mul3A_265 = arith.muli %arg1, %mul3A_264 : i32
    "tpu.region"() ({
      %run_scoped3A_271 = tpu.sem_alloc : memref<!tpu.dma_semaphore, #tpu.memory_space<semaphore_mem>>
      %dma_start3A_272 = arith.constant 0 : i32
      %dma_start3A_273 = tpu.memref_slice %arg5[%arg0, %mul3A_265, %dma_start3A_272] : memref<2x10000x32xf32, #tpu.memory_space<hbm>> -> memref<1x624x32xf32, #tpu.memory_space<hbm>>
      %dma_start3A_274 = tpu.memref_squeeze %dma_start3A_273 : memref<1x624x32xf32, #tpu.memory_space<hbm>> -> memref<624x32xf32, #tpu.memory_space<hbm>>
      %dma_start3A_275 = arith.constant 0 : i32
      %dma_start3A_276 = tpu.memref_slice %arg9[%mul3A_263, %dma_start3A_275] : memref<10000x32xf32, #tpu.memory_space<vmem_shared>> -> memref<624x32xf32, #tpu.memory_space<vmem_shared>>
      tpu.enqueue_dma source(%dma_start3A_276 : memref<624x32xf32, #tpu.memory_space<vmem_shared>>) target(%dma_start3A_274 : memref<624x32xf32, #tpu.memory_space<hbm>>) target_semaphore(%run_scoped3A_271 : memref<!tpu.dma_semaphore, #tpu.memory_space<semaphore_mem>>)
      %dma_wait3A_277 = arith.constant 0 : i32
      %dma_wait3A_278 = tpu.memref_slice %arg5[%arg0, %mul3A_265, %dma_wait3A_277] : memref<2x10000x32xf32, #tpu.memory_space<hbm>> -> memref<1x624x32xf32, #tpu.memory_space<hbm>>
      %dma_wait3A_279 = tpu.memref_squeeze %dma_wait3A_278 : memref<1x624x32xf32, #tpu.memory_space<hbm>> -> memref<624x32xf32, #tpu.memory_space<hbm>>
      %dma_wait3A_280 = arith.constant 0 : i32
      %dma_wait3A_281 = tpu.memref_slice %arg9[%mul3A_263, %dma_wait3A_280] : memref<10000x32xf32, #tpu.memory_space<vmem_shared>> -> memref<624x32xf32, #tpu.memory_space<vmem_shared>>
      tpu.wait_dma2 semaphore(%run_scoped3A_271 : memref<!tpu.dma_semaphore, #tpu.memory_space<semaphore_mem>>) src(%dma_wait3A_281 : memref<624x32xf32, #tpu.memory_space<vmem_shared>>) dst(%dma_wait3A_279 : memref<624x32xf32, #tpu.memory_space<hbm>>)
      tpu.yield
    }) : () -> ()
    %eq3A_266 = arith.constant 15 : i32
    %eq3A_267 = arith.cmpi eq, %arg1, %eq3A_266 : i32
    %convert_element_type3A_268 = arith.extui %eq3A_267 : i1 to i32
    %cond3A_269 = arith.constant 0 : i32
    %cond3A_270 = arith.cmpi ne, %convert_element_type3A_268, %cond3A_269 : i32
    scf.if %cond3A_270 {
      "tpu.region"() ({
        %run_scoped3A_271 = tpu.sem_alloc : memref<!tpu.dma_semaphore, #tpu.memory_space<semaphore_mem>>
        %dma_start3A_272 = arith.constant 9984 : i32
        %dma_start3A_273 = arith.constant 0 : i32
        %dma_start3A_274 = tpu.memref_slice %arg5[%arg0, %dma_start3A_272, %dma_start3A_273] : memref<2x10000x32xf32, #tpu.memory_space<hbm>> -> memref<1x16x32xf32, #tpu.memory_space<hbm>>
        %dma_start3A_275 = tpu.memref_squeeze %dma_start3A_274 : memref<1x16x32xf32, #tpu.memory_space<hbm>> -> memref<16x32xf32, #tpu.memory_space<hbm>>
        %dma_start3A_276 = arith.constant 9984 : i32
        %dma_start3A_277 = arith.constant 0 : i32
        %dma_start3A_278 = tpu.memref_slice %arg9[%dma_start3A_276, %dma_start3A_277] : memref<10000x32xf32, #tpu.memory_space<vmem_shared>> -> memref<16x32xf32, #tpu.memory_space<vmem_shared>>
        tpu.enqueue_dma source(%dma_start3A_278 : memref<16x32xf32, #tpu.memory_space<vmem_shared>>) target(%dma_start3A_275 : memref<16x32xf32, #tpu.memory_space<hbm>>) target_semaphore(%run_scoped3A_271 : memref<!tpu.dma_semaphore, #tpu.memory_space<semaphore_mem>>)
        %dma_wait3A_279 = arith.constant 9984 : i32
        %dma_wait3A_280 = arith.constant 0 : i32
        %dma_wait3A_281 = tpu.memref_slice %arg5[%arg0, %dma_wait3A_279, %dma_wait3A_280] : memref<2x10000x32xf32, #tpu.memory_space<hbm>> -> memref<1x16x32xf32, #tpu.memory_space<hbm>>
        %dma_wait3A_282 = tpu.memref_squeeze %dma_wait3A_281 : memref<1x16x32xf32, #tpu.memory_space<hbm>> -> memref<16x32xf32, #tpu.memory_space<hbm>>
        %dma_wait3A_283 = arith.constant 9984 : i32
        %dma_wait3A_284 = arith.constant 0 : i32
        %dma_wait3A_285 = tpu.memref_slice %arg9[%dma_wait3A_283, %dma_wait3A_284] : memref<10000x32xf32, #tpu.memory_space<vmem_shared>> -> memref<16x32xf32, #tpu.memory_space<vmem_shared>>
        tpu.wait_dma2 semaphore(%run_scoped3A_271 : memref<!tpu.dma_semaphore, #tpu.memory_space<semaphore_mem>>) src(%dma_wait3A_285 : memref<16x32xf32, #tpu.memory_space<vmem_shared>>) dst(%dma_wait3A_282 : memref<16x32xf32, #tpu.memory_space<hbm>>)
        tpu.yield
      }) : () -> ()
    } else {
    }
    return
  }
}

module attributes {stable_mosaic.version = 14 : i64} {
  func.func @_tc1_body(%arg0: i32, %arg1: memref<2x512x32xf32, #tpu.memory_space<vmem>>, %arg2: memref<512x512xf32, #tpu.memory_space<vmem>>, %arg3: memref<512x256xf32, #tpu.memory_space<vmem>>, %arg4: memref<32x4xf32, #tpu.memory_space<vmem>>, %arg5: memref<4x256xf32, #tpu.memory_space<vmem>>, %arg6: memref<512x4xf32, #tpu.memory_space<vmem>>, %arg7: memref<512x256xf32, #tpu.memory_space<vmem>>) attributes {dimension_semantics = [#tpu.dimension_semantics<arbitrary>], iteration_bounds = array<i64: 5>, scalar_prefetch = 0 : i64, scratch_operands = 0 : i64, tpu.core_type = #tpu.core_type<tc>, window_params = [{transform_indices = @transform_0, window_bounds = array<i64: 2, 512, 32>}, {transform_indices = @transform_1, window_bounds = array<i64: 512, 512>}, {pipeline_mode = #tpu.pipeline_mode<synchronous>, transform_indices = @transform_2, window_bounds = array<i64: 512, 256>}, {pipeline_mode = #tpu.pipeline_mode<synchronous>, transform_indices = @transform_3, window_bounds = array<i64: 32, 4>}, {pipeline_mode = #tpu.pipeline_mode<synchronous>, transform_indices = @transform_4, window_bounds = array<i64: 4, 256>}, {transform_indices = @transform_5, window_bounds = array<i64: 512, 4>}, {transform_indices = @transform_6, window_bounds = array<i64: 512, 256>}]} {
    %get3A = arith.constant 0 : index
    %get3A_0 = arith.constant 0 : index
    %get3A_1 = arith.constant 0 : index
    %get3A_2 = vector.load %arg1[%get3A, %get3A_0, %get3A_1] : memref<2x512x32xf32, #tpu.memory_space<vmem>>, vector<1x512x32xf32>
    %get3A_3 = vector.shape_cast %get3A_2 : vector<1x512x32xf32> to vector<512x32xf32>
    %get3A_4 = arith.constant 1 : index
    %get3A_5 = arith.constant 0 : index
    %get3A_6 = arith.constant 0 : index
    %get3A_7 = vector.load %arg1[%get3A_4, %get3A_5, %get3A_6] : memref<2x512x32xf32, #tpu.memory_space<vmem>>, vector<1x512x32xf32>
    %get3A_8 = vector.shape_cast %get3A_7 : vector<1x512x32xf32> to vector<512x32xf32>
    %add3A = arith.addf %get3A_3, %get3A_8 : vector<512x32xf32>
    %get3A_9 = arith.constant 0 : index
    %get3A_10 = arith.constant 0 : index
    %get3A_11 = vector.load %arg4[%get3A_9, %get3A_10] : memref<32x4xf32, #tpu.memory_space<vmem>>, vector<32x4xf32>
    %dot_general3A = arith.constant dense<0.000000e+00> : vector<512x4xf32>
    %dot_general3A_12 = tpu.matmul %add3A, %get3A_11, %dot_general3A {dimension_numbers = #tpu.dot_dimension_numbers<[1], [0], [0], [1], [0, 0, 1, 1], [], []>, transpose_lhs_hint = false} : vector<512x32xf32>, vector<32x4xf32>, vector<512x4xf32> -> vector<512x4xf32>
    %add3A_13 = arith.constant 1.000000e+00 : f32
    %add3A_14 = vector.broadcast %add3A_13 : f32 to vector<512x4xf32>
    %add3A_15 = arith.addf %dot_general3A_12, %add3A_14 : vector<512x4xf32>
    %rsqrt3A = math.rsqrt %add3A_15 : vector<512x4xf32>
    %swap3A = arith.constant 0 : index
    %swap3A_16 = arith.constant 0 : index
    %swap3A_17 = vector.load %arg6[%swap3A, %swap3A_16] : memref<512x4xf32, #tpu.memory_space<vmem>>, vector<512x4xf32>
    tpu.vector_store %arg6[%swap3A, %swap3A_16], %rsqrt3A {strides = array<i32>} : memref<512x4xf32, #tpu.memory_space<vmem>>, vector<512x4xf32>,
    %get3A_18 = arith.constant 0 : index
    %get3A_19 = arith.constant 0 : index
    %get3A_20 = vector.load %arg5[%get3A_18, %get3A_19] : memref<4x256xf32, #tpu.memory_space<vmem>>, vector<4x256xf32>
    %dot_general3A_21 = arith.constant dense<0.000000e+00> : vector<512x256xf32>
    %dot_general3A_22 = tpu.matmul %rsqrt3A, %get3A_20, %dot_general3A_21 {dimension_numbers = #tpu.dot_dimension_numbers<[1], [0], [0], [1], [0, 0, 1, 1], [], []>, transpose_lhs_hint = false} : vector<512x4xf32>, vector<4x256xf32>, vector<512x256xf32> -> vector<512x256xf32>
    %get3A_23 = arith.constant 0 : index
    %get3A_24 = arith.constant 0 : index
    %get3A_25 = vector.load %arg2[%get3A_23, %get3A_24] : memref<512x512xf32, #tpu.memory_space<vmem>>, vector<512x512xf32>
    %get3A_26 = arith.constant 0 : index
    %get3A_27 = arith.constant 0 : index
    %get3A_28 = vector.load %arg3[%get3A_26, %get3A_27] : memref<512x256xf32, #tpu.memory_space<vmem>>, vector<512x256xf32>
    %dot_general3A_29 = arith.constant dense<0.000000e+00> : vector<512x256xf32>
    %dot_general3A_30 = tpu.matmul %get3A_25, %get3A_28, %dot_general3A_29 {dimension_numbers = #tpu.dot_dimension_numbers<[1], [0], [0], [1], [0, 0, 1, 1], [], []>, transpose_lhs_hint = false} : vector<512x512xf32>, vector<512x256xf32>, vector<512x256xf32> -> vector<512x256xf32>
    %mul3A = arith.mulf %dot_general3A_22, %dot_general3A_30 : vector<512x256xf32>
    %swap3A_31 = arith.constant 0 : index
    %swap3A_32 = arith.constant 0 : index
    %swap3A_33 = vector.load %arg7[%swap3A_31, %swap3A_32] : memref<512x256xf32, #tpu.memory_space<vmem>>, vector<512x256xf32>
    tpu.vector_store %arg7[%swap3A_31, %swap3A_32], %mul3A {strides = array<i32>} : memref<512x256xf32, #tpu.memory_space<vmem>>, vector<512x256xf32>,
    return
  }
  func.func @transform_0(%arg0: i32) -> (i32, i32, i32) {
    %c0_i32 = arith.constant 0 : i32
    %c0_i32_0 = arith.constant 0 : i32
    %c0_i32_1 = arith.constant 0 : i32
    return %c0_i32, %arg0, %c0_i32_0 : i32, i32, i32
  }
  func.func @transform_1(%arg0: i32) -> (i32, i32) {
    %c0_i32 = arith.constant 0 : i32
    %c0_i32_0 = arith.constant 0 : i32
    return %arg0, %c0_i32 : i32, i32
  }
  func.func @transform_2(%arg0: i32) -> (i32, i32) {
    %c0_i32 = arith.constant 0 : i32
    %c0_i32_0 = arith.constant 0 : i32
    %c0_i32_1 = arith.constant 0 : i32
    return %c0_i32, %c0_i32_0 : i32, i32
  }
  func.func @transform_3(%arg0: i32) -> (i32, i32) {
    %c0_i32 = arith.constant 0 : i32
    %c0_i32_0 = arith.constant 0 : i32
    %c0_i32_1 = arith.constant 0 : i32
    return %c0_i32, %c0_i32_0 : i32, i32
  }
  func.func @transform_4(%arg0: i32) -> (i32, i32) {
    %c0_i32 = arith.constant 0 : i32
    %c0_i32_0 = arith.constant 0 : i32
    %c0_i32_1 = arith.constant 0 : i32
    return %c0_i32, %c0_i32_0 : i32, i32
  }
  func.func @transform_5(%arg0: i32) -> (i32, i32) {
    %c0_i32 = arith.constant 0 : i32
    %c0_i32_0 = arith.constant 0 : i32
    return %arg0, %c0_i32 : i32, i32
  }
  func.func @transform_6(%arg0: i32) -> (i32, i32) {
    %c0_i32 = arith.constant 0 : i32
    %c0_i32_0 = arith.constant 0 : i32
    return %arg0, %c0_i32 : i32, i32
  }
}

module attributes {stable_mosaic.version = 14 : i64} {
  func.func @_tc2_body(%arg0: i32, %arg1: memref<2x512x256xf32, #tpu.memory_space<vmem>>, %arg2: memref<512x256xf32, #tpu.memory_space<vmem>>, %arg3: memref<512x4xf32, #tpu.memory_space<vmem>>, %arg4: memref<1x256xf32, #tpu.memory_space<vmem>>, %arg5: memref<256x128xf32, #tpu.memory_space<vmem>>, %arg6: memref<4x256xf32, #tpu.memory_space<vmem>>, %arg7: memref<4x128xf32, #tpu.memory_space<vmem>>, %arg8: memref<512x128xf32, #tpu.memory_space<vmem>>) attributes {dimension_semantics = [#tpu.dimension_semantics<arbitrary>], iteration_bounds = array<i64: 5>, scalar_prefetch = 0 : i64, scratch_operands = 0 : i64, tpu.core_type = #tpu.core_type<tc>, window_params = [{transform_indices = @transform_0, window_bounds = array<i64: 2, 512, 256>}, {transform_indices = @transform_1, window_bounds = array<i64: 512, 256>}, {transform_indices = @transform_2, window_bounds = array<i64: 512, 4>}, {pipeline_mode = #tpu.pipeline_mode<synchronous>, transform_indices = @transform_3, window_bounds = array<i64: 1, 256>}, {pipeline_mode = #tpu.pipeline_mode<synchronous>, transform_indices = @transform_4, window_bounds = array<i64: 256, 128>}, {pipeline_mode = #tpu.pipeline_mode<synchronous>, transform_indices = @transform_5, window_bounds = array<i64: 4, 256>}, {pipeline_mode = #tpu.pipeline_mode<synchronous>, transform_indices = @transform_6, window_bounds = array<i64: 4, 128>}, {transform_indices = @transform_7, window_bounds = array<i64: 512, 128>}]} {
    %get3A = arith.constant 0 : index
    %get3A_0 = arith.constant 0 : index
    %get3A_1 = vector.load %arg3[%get3A, %get3A_0] : memref<512x4xf32, #tpu.memory_space<vmem>>, vector<512x4xf32>
    %get3A_2 = arith.constant 0 : index
    %get3A_3 = arith.constant 0 : index
    %get3A_4 = vector.load %arg6[%get3A_2, %get3A_3] : memref<4x256xf32, #tpu.memory_space<vmem>>, vector<4x256xf32>
    %dot_general3A = arith.constant dense<0.000000e+00> : vector<512x256xf32>
    %dot_general3A_5 = tpu.matmul %get3A_1, %get3A_4, %dot_general3A {dimension_numbers = #tpu.dot_dimension_numbers<[1], [0], [0], [1], [0, 0, 1, 1], [], []>, transpose_lhs_hint = false} : vector<512x4xf32>, vector<4x256xf32>, vector<512x256xf32> -> vector<512x256xf32>
    %get3A_6 = arith.constant 0 : index
    %get3A_7 = arith.constant 0 : index
    %get3A_8 = arith.constant 0 : index
    %get3A_9 = vector.load %arg1[%get3A_6, %get3A_7, %get3A_8] : memref<2x512x256xf32, #tpu.memory_space<vmem>>, vector<1x512x256xf32>
    %get3A_10 = vector.shape_cast %get3A_9 : vector<1x512x256xf32> to vector<512x256xf32>
    %get3A_11 = arith.constant 1 : index
    %get3A_12 = arith.constant 0 : index
    %get3A_13 = arith.constant 0 : index
    %get3A_14 = vector.load %arg1[%get3A_11, %get3A_12, %get3A_13] : memref<2x512x256xf32, #tpu.memory_space<vmem>>, vector<1x512x256xf32>
    %get3A_15 = vector.shape_cast %get3A_14 : vector<1x512x256xf32> to vector<512x256xf32>
    %add3A = arith.addf %get3A_10, %get3A_15 : vector<512x256xf32>
    %get3A_16 = arith.constant 0 : index
    %get3A_17 = arith.constant 0 : index
    %get3A_18 = vector.load %arg2[%get3A_16, %get3A_17] : memref<512x256xf32, #tpu.memory_space<vmem>>, vector<512x256xf32>
    %add3A_19 = arith.addf %add3A, %get3A_18 : vector<512x256xf32>
    %mul3A = arith.mulf %dot_general3A_5, %add3A_19 : vector<512x256xf32>
    %get3A_20 = arith.constant 0 : index
    %get3A_21 = arith.constant 0 : index
    %get3A_22 = vector.load %arg4[%get3A_20, %get3A_21] : memref<1x256xf32, #tpu.memory_space<vmem>>, vector<1x256xf32>
    %add3A_23 = vector.broadcast %get3A_22 : vector<1x256xf32> to vector<512x256xf32>
    %add3A_24 = arith.addf %mul3A, %add3A_23 : vector<512x256xf32>
    %max3A = arith.constant 0.000000e+00 : f32
    %max3A_25 = vector.broadcast %max3A : f32 to vector<512x256xf32>
    %max3A_26 = arith.maximumf %add3A_24, %max3A_25 : vector<512x256xf32>
    %get3A_27 = arith.constant 0 : index
    %get3A_28 = arith.constant 0 : index
    %get3A_29 = vector.load %arg3[%get3A_27, %get3A_28] : memref<512x4xf32, #tpu.memory_space<vmem>>, vector<512x4xf32>
    %get3A_30 = arith.constant 0 : index
    %get3A_31 = arith.constant 0 : index
    %get3A_32 = vector.load %arg7[%get3A_30, %get3A_31] : memref<4x128xf32, #tpu.memory_space<vmem>>, vector<4x128xf32>
    %dot_general3A_33 = arith.constant dense<0.000000e+00> : vector<512x128xf32>
    %dot_general3A_34 = tpu.matmul %get3A_29, %get3A_32, %dot_general3A_33 {dimension_numbers = #tpu.dot_dimension_numbers<[1], [0], [0], [1], [0, 0, 1, 1], [], []>, transpose_lhs_hint = false} : vector<512x4xf32>, vector<4x128xf32>, vector<512x128xf32> -> vector<512x128xf32>
    %get3A_35 = arith.constant 0 : index
    %get3A_36 = arith.constant 0 : index
    %get3A_37 = vector.load %arg5[%get3A_35, %get3A_36] : memref<256x128xf32, #tpu.memory_space<vmem>>, vector<256x128xf32>
    %dot_general3A_38 = arith.constant dense<0.000000e+00> : vector<512x128xf32>
    %dot_general3A_39 = tpu.matmul %max3A_26, %get3A_37, %dot_general3A_38 {dimension_numbers = #tpu.dot_dimension_numbers<[1], [0], [0], [1], [0, 0, 1, 1], [], []>, transpose_lhs_hint = false} : vector<512x256xf32>, vector<256x128xf32>, vector<512x128xf32> -> vector<512x128xf32>
    %mul3A_40 = arith.mulf %dot_general3A_34, %dot_general3A_39 : vector<512x128xf32>
    %swap3A = arith.constant 0 : index
    %swap3A_41 = arith.constant 0 : index
    %swap3A_42 = vector.load %arg8[%swap3A, %swap3A_41] : memref<512x128xf32, #tpu.memory_space<vmem>>, vector<512x128xf32>
    tpu.vector_store %arg8[%swap3A, %swap3A_41], %mul3A_40 {strides = array<i32>} : memref<512x128xf32, #tpu.memory_space<vmem>>, vector<512x128xf32>,
    return
  }
  func.func @transform_0(%arg0: i32) -> (i32, i32, i32) {
    %c0_i32 = arith.constant 0 : i32
    %c0_i32_0 = arith.constant 0 : i32
    %c0_i32_1 = arith.constant 0 : i32
    return %c0_i32, %arg0, %c0_i32_0 : i32, i32, i32
  }
  func.func @transform_1(%arg0: i32) -> (i32, i32) {
    %c0_i32 = arith.constant 0 : i32
    %c0_i32_0 = arith.constant 0 : i32
    return %arg0, %c0_i32 : i32, i32
  }
  func.func @transform_2(%arg0: i32) -> (i32, i32) {
    %c0_i32 = arith.constant 0 : i32
    %c0_i32_0 = arith.constant 0 : i32
    return %arg0, %c0_i32 : i32, i32
  }
  func.func @transform_3(%arg0: i32) -> (i32, i32) {
    %c0_i32 = arith.constant 0 : i32
    %c0_i32_0 = arith.constant 0 : i32
    %c0_i32_1 = arith.constant 0 : i32
    return %c0_i32, %c0_i32_0 : i32, i32
  }
  func.func @transform_4(%arg0: i32) -> (i32, i32) {
    %c0_i32 = arith.constant 0 : i32
    %c0_i32_0 = arith.constant 0 : i32
    %c0_i32_1 = arith.constant 0 : i32
    return %c0_i32, %c0_i32_0 : i32, i32
  }
  func.func @transform_5(%arg0: i32) -> (i32, i32) {
    %c0_i32 = arith.constant 0 : i32
    %c0_i32_0 = arith.constant 0 : i32
    %c0_i32_1 = arith.constant 0 : i32
    return %c0_i32, %c0_i32_0 : i32, i32
  }
  func.func @transform_6(%arg0: i32) -> (i32, i32) {
    %c0_i32 = arith.constant 0 : i32
    %c0_i32_0 = arith.constant 0 : i32
    %c0_i32_1 = arith.constant 0 : i32
    return %c0_i32, %c0_i32_0 : i32, i32
  }
  func.func @transform_7(%arg0: i32) -> (i32, i32) {
    %c0_i32 = arith.constant 0 : i32
    %c0_i32_0 = arith.constant 0 : i32
    return %arg0, %c0_i32 : i32, i32
  }
}

module attributes {stable_mosaic.version = 14 : i64} {
  func.func @_tc3_body(%arg0: i32, %arg1: memref<2x512x128xf32, #tpu.memory_space<vmem>>, %arg2: memref<512x128xf32, #tpu.memory_space<vmem>>, %arg3: memref<512x4xf32, #tpu.memory_space<vmem>>, %arg4: memref<4x128xf32, #tpu.memory_space<vmem>>, %arg5: memref<1x128xf32, #tpu.memory_space<vmem>>, %arg6: memref<128x256xf32, #tpu.memory_space<vmem>>, %arg7: memref<1x256xf32, #tpu.memory_space<vmem>>, %arg8: memref<256x512xf32, #tpu.memory_space<vmem>>, %arg9: memref<1x512xf32, #tpu.memory_space<vmem>>, %arg10: memref<128x128xf32, #tpu.memory_space<vmem>>, %arg11: memref<1x128xf32, #tpu.memory_space<vmem>>, %arg12: memref<128x4xf32, #tpu.memory_space<vmem>>, %arg13: memref<1x4xf32, #tpu.memory_space<vmem>>, %arg14: memref<512x128xf32, #tpu.memory_space<vmem>>, %arg15: memref<512x512xf32, #tpu.memory_space<vmem>>, %arg16: memref<512x4xf32, #tpu.memory_space<vmem>>) attributes {dimension_semantics = [#tpu.dimension_semantics<arbitrary>], iteration_bounds = array<i64: 5>, scalar_prefetch = 0 : i64, scratch_operands = 0 : i64, tpu.core_type = #tpu.core_type<tc>, window_params = [{transform_indices = @transform_0, window_bounds = array<i64: 2, 512, 128>}, {transform_indices = @transform_1, window_bounds = array<i64: 512, 128>}, {transform_indices = @transform_2, window_bounds = array<i64: 512, 4>}, {pipeline_mode = #tpu.pipeline_mode<synchronous>, transform_indices = @transform_3, window_bounds = array<i64: 4, 128>}, {pipeline_mode = #tpu.pipeline_mode<synchronous>, transform_indices = @transform_4, window_bounds = array<i64: 1, 128>}, {pipeline_mode = #tpu.pipeline_mode<synchronous>, transform_indices = @transform_5, window_bounds = array<i64: 128, 256>}, {pipeline_mode = #tpu.pipeline_mode<synchronous>, transform_indices = @transform_6, window_bounds = array<i64: 1, 256>}, {pipeline_mode = #tpu.pipeline_mode<synchronous>, transform_indices = @transform_7, window_bounds = array<i64: 256, 512>}, {pipeline_mode = #tpu.pipeline_mode<synchronous>, transform_indices = @transform_8, window_bounds = array<i64: 1, 512>}, {pipeline_mode = #tpu.pipeline_mode<synchronous>, transform_indices = @transform_9, window_bounds = array<i64: 128, 128>}, {pipeline_mode = #tpu.pipeline_mode<synchronous>, transform_indices = @transform_10, window_bounds = array<i64: 1, 128>}, {pipeline_mode = #tpu.pipeline_mode<synchronous>, transform_indices = @transform_11, window_bounds = array<i64: 128, 4>}, {pipeline_mode = #tpu.pipeline_mode<synchronous>, transform_indices = @transform_12, window_bounds = array<i64: 1, 4>}, {transform_indices = @transform_13, window_bounds = array<i64: 512, 128>}, {transform_indices = @transform_14, window_bounds = array<i64: 512, 512>}, {transform_indices = @transform_15, window_bounds = array<i64: 512, 4>}]} {
    %get3A = arith.constant 0 : index
    %get3A_0 = arith.constant 0 : index
    %get3A_1 = vector.load %arg3[%get3A, %get3A_0] : memref<512x4xf32, #tpu.memory_space<vmem>>, vector<512x4xf32>
    %get3A_2 = arith.constant 0 : index
    %get3A_3 = arith.constant 0 : index
    %get3A_4 = vector.load %arg4[%get3A_2, %get3A_3] : memref<4x128xf32, #tpu.memory_space<vmem>>, vector<4x128xf32>
    %dot_general3A = arith.constant dense<0.000000e+00> : vector<512x128xf32>
    %dot_general3A_5 = tpu.matmul %get3A_1, %get3A_4, %dot_general3A {dimension_numbers = #tpu.dot_dimension_numbers<[1], [0], [0], [1], [0, 0, 1, 1], [], []>, transpose_lhs_hint = false} : vector<512x4xf32>, vector<4x128xf32>, vector<512x128xf32> -> vector<512x128xf32>
    %get3A_6 = arith.constant 0 : index
    %get3A_7 = arith.constant 0 : index
    %get3A_8 = arith.constant 0 : index
    %get3A_9 = vector.load %arg1[%get3A_6, %get3A_7, %get3A_8] : memref<2x512x128xf32, #tpu.memory_space<vmem>>, vector<1x512x128xf32>
    %get3A_10 = vector.shape_cast %get3A_9 : vector<1x512x128xf32> to vector<512x128xf32>
    %get3A_11 = arith.constant 1 : index
    %get3A_12 = arith.constant 0 : index
    %get3A_13 = arith.constant 0 : index
    %get3A_14 = vector.load %arg1[%get3A_11, %get3A_12, %get3A_13] : memref<2x512x128xf32, #tpu.memory_space<vmem>>, vector<1x512x128xf32>
    %get3A_15 = vector.shape_cast %get3A_14 : vector<1x512x128xf32> to vector<512x128xf32>
    %add3A = arith.addf %get3A_10, %get3A_15 : vector<512x128xf32>
    %get3A_16 = arith.constant 0 : index
    %get3A_17 = arith.constant 0 : index
    %get3A_18 = vector.load %arg2[%get3A_16, %get3A_17] : memref<512x128xf32, #tpu.memory_space<vmem>>, vector<512x128xf32>
    %add3A_19 = arith.addf %add3A, %get3A_18 : vector<512x128xf32>
    %mul3A = arith.mulf %dot_general3A_5, %add3A_19 : vector<512x128xf32>
    %get3A_20 = arith.constant 0 : index
    %get3A_21 = arith.constant 0 : index
    %get3A_22 = vector.load %arg5[%get3A_20, %get3A_21] : memref<1x128xf32, #tpu.memory_space<vmem>>, vector<1x128xf32>
    %add3A_23 = vector.broadcast %get3A_22 : vector<1x128xf32> to vector<512x128xf32>
    %add3A_24 = arith.addf %mul3A, %add3A_23 : vector<512x128xf32>
    %swap3A = arith.constant 0 : index
    %swap3A_25 = arith.constant 0 : index
    %swap3A_26 = vector.load %arg14[%swap3A, %swap3A_25] : memref<512x128xf32, #tpu.memory_space<vmem>>, vector<512x128xf32>
    tpu.vector_store %arg14[%swap3A, %swap3A_25], %add3A_24 {strides = array<i32>} : memref<512x128xf32, #tpu.memory_space<vmem>>, vector<512x128xf32>,
    %get3A_27 = arith.constant 0 : index
    %get3A_28 = arith.constant 0 : index
    %get3A_29 = vector.load %arg6[%get3A_27, %get3A_28] : memref<128x256xf32, #tpu.memory_space<vmem>>, vector<128x256xf32>
    %dot_general3A_30 = arith.constant dense<0.000000e+00> : vector<512x256xf32>
    %dot_general3A_31 = tpu.matmul %add3A_24, %get3A_29, %dot_general3A_30 {dimension_numbers = #tpu.dot_dimension_numbers<[1], [0], [0], [1], [0, 0, 1, 1], [], []>, transpose_lhs_hint = false} : vector<512x128xf32>, vector<128x256xf32>, vector<512x256xf32> -> vector<512x256xf32>
    %get3A_32 = arith.constant 0 : index
    %get3A_33 = arith.constant 0 : index
    %get3A_34 = vector.load %arg7[%get3A_32, %get3A_33] : memref<1x256xf32, #tpu.memory_space<vmem>>, vector<1x256xf32>
    %add3A_35 = vector.broadcast %get3A_34 : vector<1x256xf32> to vector<512x256xf32>
    %add3A_36 = arith.addf %dot_general3A_31, %add3A_35 : vector<512x256xf32>
    %max3A = arith.constant 0.000000e+00 : f32
    %max3A_37 = vector.broadcast %max3A : f32 to vector<512x256xf32>
    %max3A_38 = arith.maximumf %add3A_36, %max3A_37 : vector<512x256xf32>
    %get3A_39 = arith.constant 0 : index
    %get3A_40 = arith.constant 0 : index
    %get3A_41 = vector.load %arg8[%get3A_39, %get3A_40] : memref<256x512xf32, #tpu.memory_space<vmem>>, vector<256x512xf32>
    %dot_general3A_42 = arith.constant dense<0.000000e+00> : vector<512x512xf32>
    %dot_general3A_43 = tpu.matmul %max3A_38, %get3A_41, %dot_general3A_42 {dimension_numbers = #tpu.dot_dimension_numbers<[1], [0], [0], [1], [0, 0, 1, 1], [], []>, transpose_lhs_hint = false} : vector<512x256xf32>, vector<256x512xf32>, vector<512x512xf32> -> vector<512x512xf32>
    %get3A_44 = arith.constant 0 : index
    %get3A_45 = arith.constant 0 : index
    %get3A_46 = vector.load %arg9[%get3A_44, %get3A_45] : memref<1x512xf32, #tpu.memory_space<vmem>>, vector<1x512xf32>
    %add3A_47 = vector.broadcast %get3A_46 : vector<1x512xf32> to vector<512x512xf32>
    %add3A_48 = arith.addf %dot_general3A_43, %add3A_47 : vector<512x512xf32>
    %swap3A_49 = arith.constant 0 : index
    %swap3A_50 = arith.constant 0 : index
    %swap3A_51 = vector.load %arg15[%swap3A_49, %swap3A_50] : memref<512x512xf32, #tpu.memory_space<vmem>>, vector<512x512xf32>
    tpu.vector_store %arg15[%swap3A_49, %swap3A_50], %add3A_48 {strides = array<i32>} : memref<512x512xf32, #tpu.memory_space<vmem>>, vector<512x512xf32>,
    %get3A_52 = arith.constant 0 : index
    %get3A_53 = arith.constant 0 : index
    %get3A_54 = vector.load %arg10[%get3A_52, %get3A_53] : memref<128x128xf32, #tpu.memory_space<vmem>>, vector<128x128xf32>
    %dot_general3A_55 = arith.constant dense<0.000000e+00> : vector<512x128xf32>
    %dot_general3A_56 = tpu.matmul %add3A_24, %get3A_54, %dot_general3A_55 {dimension_numbers = #tpu.dot_dimension_numbers<[1], [0], [0], [1], [0, 0, 1, 1], [], []>, transpose_lhs_hint = false} : vector<512x128xf32>, vector<128x128xf32>, vector<512x128xf32> -> vector<512x128xf32>
    %get3A_57 = arith.constant 0 : index
    %get3A_58 = arith.constant 0 : index
    %get3A_59 = vector.load %arg11[%get3A_57, %get3A_58] : memref<1x128xf32, #tpu.memory_space<vmem>>, vector<1x128xf32>
    %add3A_60 = vector.broadcast %get3A_59 : vector<1x128xf32> to vector<512x128xf32>
    %add3A_61 = arith.addf %dot_general3A_56, %add3A_60 : vector<512x128xf32>
    %max3A_62 = arith.constant 0.000000e+00 : f32
    %max3A_63 = vector.broadcast %max3A_62 : f32 to vector<512x128xf32>
    %max3A_64 = arith.maximumf %add3A_61, %max3A_63 : vector<512x128xf32>
    %get3A_65 = arith.constant 0 : index
    %get3A_66 = arith.constant 0 : index
    %get3A_67 = vector.load %arg12[%get3A_65, %get3A_66] : memref<128x4xf32, #tpu.memory_space<vmem>>, vector<128x4xf32>
    %dot_general3A_68 = arith.constant dense<0.000000e+00> : vector<512x4xf32>
    %dot_general3A_69 = tpu.matmul %max3A_64, %get3A_67, %dot_general3A_68 {dimension_numbers = #tpu.dot_dimension_numbers<[1], [0], [0], [1], [0, 0, 1, 1], [], []>, transpose_lhs_hint = false} : vector<512x128xf32>, vector<128x4xf32>, vector<512x4xf32> -> vector<512x4xf32>
    %get3A_70 = arith.constant 0 : index
    %get3A_71 = arith.constant 0 : index
    %get3A_72 = vector.load %arg13[%get3A_70, %get3A_71] : memref<1x4xf32, #tpu.memory_space<vmem>>, vector<1x4xf32>
    %add3A_73 = vector.broadcast %get3A_72 : vector<1x4xf32> to vector<512x4xf32>
    %add3A_74 = arith.addf %dot_general3A_69, %add3A_73 : vector<512x4xf32>
    %logistic3A = arith.negf %add3A_74 : vector<512x4xf32>
    %logistic3A_75 = math.exp %logistic3A : vector<512x4xf32>
    %logistic3A_76 = arith.constant 1.000000e+00 : f32
    %logistic3A_77 = vector.broadcast %logistic3A_76 : f32 to vector<512x4xf32>
    %logistic3A_78 = arith.addf %logistic3A_77, %logistic3A_75 : vector<512x4xf32>
    %logistic3A_79 = arith.divf %logistic3A_77, %logistic3A_78 : vector<512x4xf32>
    %swap3A_80 = arith.constant 0 : index
    %swap3A_81 = arith.constant 0 : index
    %swap3A_82 = vector.load %arg16[%swap3A_80, %swap3A_81] : memref<512x4xf32, #tpu.memory_space<vmem>>, vector<512x4xf32>
    tpu.vector_store %arg16[%swap3A_80, %swap3A_81], %logistic3A_79 {strides = array<i32>} : memref<512x4xf32, #tpu.memory_space<vmem>>, vector<512x4xf32>,
    return
  }
  func.func @transform_0(%arg0: i32) -> (i32, i32, i32) {
    %c0_i32 = arith.constant 0 : i32
    %c0_i32_0 = arith.constant 0 : i32
    %c0_i32_1 = arith.constant 0 : i32
    return %c0_i32, %arg0, %c0_i32_0 : i32, i32, i32
  }
  func.func @transform_1(%arg0: i32) -> (i32, i32) {
    %c0_i32 = arith.constant 0 : i32
    %c0_i32_0 = arith.constant 0 : i32
    return %arg0, %c0_i32 : i32, i32
  }
  func.func @transform_2(%arg0: i32) -> (i32, i32) {
    %c0_i32 = arith.constant 0 : i32
    %c0_i32_0 = arith.constant 0 : i32
    return %arg0, %c0_i32 : i32, i32
  }
  func.func @transform_3(%arg0: i32) -> (i32, i32) {
    %c0_i32 = arith.constant 0 : i32
    %c0_i32_0 = arith.constant 0 : i32
    %c0_i32_1 = arith.constant 0 : i32
    return %c0_i32, %c0_i32_0 : i32, i32
  }
  func.func @transform_4(%arg0: i32) -> (i32, i32) {
    %c0_i32 = arith.constant 0 : i32
    %c0_i32_0 = arith.constant 0 : i32
    %c0_i32_1 = arith.constant 0 : i32
    return %c0_i32, %c0_i32_0 : i32, i32
  }
  func.func @transform_5(%arg0: i32) -> (i32, i32) {
    %c0_i32 = arith.constant 0 : i32
    %c0_i32_0 = arith.constant 0 : i32
    %c0_i32_1 = arith.constant 0 : i32
    return %c0_i32, %c0_i32_0 : i32, i32
  }
  func.func @transform_6(%arg0: i32) -> (i32, i32) {
    %c0_i32 = arith.constant 0 : i32
    %c0_i32_0 = arith.constant 0 : i32
    %c0_i32_1 = arith.constant 0 : i32
    return %c0_i32, %c0_i32_0 : i32, i32
  }
  func.func @transform_7(%arg0: i32) -> (i32, i32) {
    %c0_i32 = arith.constant 0 : i32
    %c0_i32_0 = arith.constant 0 : i32
    %c0_i32_1 = arith.constant 0 : i32
    return %c0_i32, %c0_i32_0 : i32, i32
  }
  func.func @transform_8(%arg0: i32) -> (i32, i32) {
    %c0_i32 = arith.constant 0 : i32
    %c0_i32_0 = arith.constant 0 : i32
    %c0_i32_1 = arith.constant 0 : i32
    return %c0_i32, %c0_i32_0 : i32, i32
  }
  func.func @transform_9(%arg0: i32) -> (i32, i32) {
    %c0_i32 = arith.constant 0 : i32
    %c0_i32_0 = arith.constant 0 : i32
    %c0_i32_1 = arith.constant 0 : i32
    return %c0_i32, %c0_i32_0 : i32, i32
  }
  func.func @transform_10(%arg0: i32) -> (i32, i32) {
    %c0_i32 = arith.constant 0 : i32
    %c0_i32_0 = arith.constant 0 : i32
    %c0_i32_1 = arith.constant 0 : i32
    return %c0_i32, %c0_i32_0 : i32, i32
  }
  func.func @transform_11(%arg0: i32) -> (i32, i32) {
    %c0_i32 = arith.constant 0 : i32
    %c0_i32_0 = arith.constant 0 : i32
    %c0_i32_1 = arith.constant 0 : i32
    return %c0_i32, %c0_i32_0 : i32, i32
  }
  func.func @transform_12(%arg0: i32) -> (i32, i32) {
    %c0_i32 = arith.constant 0 : i32
    %c0_i32_0 = arith.constant 0 : i32
    %c0_i32_1 = arith.constant 0 : i32
    return %c0_i32, %c0_i32_0 : i32, i32
  }
  func.func @transform_13(%arg0: i32) -> (i32, i32) {
    %c0_i32 = arith.constant 0 : i32
    %c0_i32_0 = arith.constant 0 : i32
    return %arg0, %c0_i32 : i32, i32
  }
  func.func @transform_14(%arg0: i32) -> (i32, i32) {
    %c0_i32 = arith.constant 0 : i32
    %c0_i32_0 = arith.constant 0 : i32
    return %arg0, %c0_i32 : i32, i32
  }
  func.func @transform_15(%arg0: i32) -> (i32, i32) {
    %c0_i32 = arith.constant 0 : i32
    %c0_i32_0 = arith.constant 0 : i32
    return %arg0, %c0_i32 : i32, i32
  }
}

</mosaic_0001>

<sc_bundles>
// kernel: kernel.11.cloned.1.call-start
scs
__scs_entry_jumppad:
0x0: {  	(pc) =	sbr.rel $0x88, $3  }
0x1: {  	(tag) =	ssettag $0x0;
	lr =	simm.s32 $0x1  }
0x2: {  	[smem:$0x3F93] =	sst lr;
	_ =	strace $0xD0000000  }
0x3: {  	_ = 	snop  }
0x4: {  	_ = 	snop  }
0x5: {  	_ = 	snop  }
0x6: {  	_ = 	snop  }
0x7: {  	_ = 	snop  }
__scs_overlays_trampoline_lowered:
0x8: {  	[smem:$0x3FA2] =	sst s0  }
0x9: {  	[smem:$0x3FA3] =	sst s1  }
0xa: {  	[smem:$0x3FA4] =	sst s2  }
0xb: {  	[smem:$0x3FA5] =	sst s3  }
0xc: {  	[smem:$0x3FA6] =	sst s4  }
0xd: {  	[smem:$0x3FA7] =	sst s5  }
0xe: {  	[smem:$0x3FA8] =	sst s6  }
0xf: {  	[smem:$0x3FA9] =	sst s7  }
0x10: {  	[smem:$0x3FAA] =	sst s8  }
0x11: {  	[smem:$0x3FAB] =	sst s9;
	s0 =	simm.s32 @!p0 $0x0  }
0x12: {  	s1 =	sld [smem:$0x3F91];
	s0 =	simm.s32 @p0 $0x1  }
0x13: {  	[smem:$0x3FAC] =	sst s0;
	s0 =	simm.s32 @!p1 $0x0  }
0x14: {  	s2 =	sld [smem:$0x3F90];
	s0 =	simm.s32 @p1 $0x1  }
0x15: {  	[smem:$0x3FAD] =	sst s0;
	s0 =	simm.s32 @!p2 $0x0  }
0x16: {  	s3 =	sld [smem:$0x3FDB];
	s0 =	simm.s32 @p2 $0x1  }
0x17: {  	s4 =	simm.s32 $0x1BF5;
	[smem:$0x3FAF] =	sst s0  }
0x18: {  	s0 =	sld [smem:$0x3F92];
	_ =	swait.ge [sflag:s4], $0x0  }
0x19: {  	s7 =	sld [smem:$0x3F93]  }
0x1a: {  	s8 =	sadd.s32 $0xFFFFE003, lr  }
0x1b: {  	s9 =	sadd.s32 $0xFFFFFEF7, lr;
	s5 =	simm.s32 $0xFFFFFFFF;
	p2 =	slt.u32 s8, $0xFFFFF086  }
0x1c: {  	p1 =	slt.u32 s9, $0xF7A;
	s5 =	simm.s32 @!p2 $0x0  }
0x1d: {  	s5 =	simm.s32 @p1 $0x1;
	p0 =	seq.s32 s7, s2  }
0x1e: {  	s7 =	smul.u32 @!p0 $0xF7A, s2;
	p2 =	seq.s32 @!p0 s5, $0x0  }
0x1f: {  	s9 =	smul.u32 $0xF7A, s1;
	s8 =	simm.s32 @!p0 $0x1BF5;
	p2 =	por !p2, p0  }
0x20: {  	[sflag:s8] =	ssyncset.s32 @!p0 $0xFFFFF086;
	s6 =	sadd.s32 @!p0 s3, s7;
	s7 =	simm.s32 @!p0 $0x108  }
0x21: {  	s3 =	sadd.s32 s3, s9;
	s6 =	sadd.s32 @!p0 $0x88, s6;
	s7 =	simm.s32 @p2 $0x1082  }
0x22: {  	[simem:s7], [sflag:s8] =	dma.local @!p0 [hbm:s6], $0xF7A  }
0x23: {  	s9 =	sor.u32 $0xD0000000, s2;
	s6 =	simm.s32 $0x108;
	_ =	swait.ge @!p0 [sflag:s8], $0x0  }
0x24: {  	s3 =	sadd.s32 $0x88, s3;
	s6 =	simm.s32 @!p1 $0x1082;
	[sflag:s4] =	ssyncset.s32 $0xFFFFF086  }
0x25: {  	[simem:s6], [sflag:s4] =	dma.local [hbm:s3], $0xF7A  }
0x26: {  	[smem:$0x3F93] =	sst s1;
	(tag) =	ssettag s2;
	_ =	strace s9  }
0x27: {  	s1 =	sld [smem:$0x3FA3]  }
0x28: {  	s2 =	sld [smem:$0x3FA4]  }
0x29: {  	s4 =	sld [smem:$0x3FA6]  }
0x2a: {  	p0 =	seq.s32 s5, $0x0;
	s5 =	sld [smem:$0x3FA7]  }
0x2b: {  	s6 =	sld [smem:$0x3FA8]  }
0x2c: {  	s7 =	sld [smem:$0x3FA9]  }
0x2d: {  	s3 =	simm.s32 $0x108;
	s8 =	sld [smem:$0x3FAA]  }
0x2e: {  	s3 =	simm.s32 @!p0 $0x1082;
	s9 =	sld [smem:$0x3FAB]  }
0x2f: {  	lr =	sadd.s32 s0, s3;
	s0 =	sld [smem:$0x3FA2]  }
0x30: {  	s3 =	sld [smem:$0x3FA5]  }
0x31: {  	[smem:$0x3FAE] =	sst s10  }
0x32: {  	s10 =	sld [smem:$0x3FAC];
	_ =	sdelay $0x3  }
0x33: {  	p0 =	seq.s32 s10, $0x1;
	s10 =	sld [smem:$0x3FAE];
	_ =	sdelay $0x3  }
0x34: {  	[smem:$0x3FAE] =	sst s10  }
0x35: {  	s10 =	sld [smem:$0x3FAD];
	_ =	sdelay $0x3  }
0x36: {  	p1 =	seq.s32 s10, $0x1;
	s10 =	sld [smem:$0x3FAE];
	_ =	sdelay $0x3  }
0x37: {  	[smem:$0x3FAE] =	sst s10  }
0x38: {  	s10 =	sld [smem:$0x3FAF]  }
0x39: {  	_ = 	snop;
	(pc) =	sbr.ind lr, $3  }
0x3a: {  	_ = 	snop  }
0x3b: {  	_ = 	snop  }
0x3c: {  	p2 =	seq.s32 s10, $0x1;
	s10 =	sld [smem:$0x3FAE]  }
0x3d: {  	_ =	shalt  }
0x3e: {  	_ =	shalt  }
0x3f: {  	_ =	shalt  }
0x40: {  	_ =	shalt  }
0x41: {  	_ =	shalt  }
0x42: {  	_ =	shalt  }
0x43: {  	_ =	shalt  }
0x44: {  	_ =	shalt  }
0x45: {  	_ =	shalt  }
0x46: {  	_ =	shalt  }
0x47: {  	_ =	shalt  }
0x48: {  	_ =	shalt  }
0x49: {  	_ =	shalt  }
0x4a: {  	_ =	shalt  }
0x4b: {  	_ =	shalt  }
0x4c: {  	_ =	shalt  }
0x4d: {  	_ =	shalt  }
0x4e: {  	_ =	shalt  }
0x4f: {  	_ =	shalt  }
0x50: {  	_ =	shalt  }
0x51: {  	_ =	shalt  }
0x52: {  	_ =	shalt  }
0x53: {  	_ =	shalt  }
0x54: {  	_ =	shalt  }
0x55: {  	_ =	shalt  }
0x56: {  	_ =	shalt  }
0x57: {  	_ =	shalt  }
0x58: {  	_ =	shalt  }
0x59: {  	_ =	shalt  }
0x5a: {  	_ =	shalt  }
0x5b: {  	_ =	shalt  }
0x5c: {  	_ =	shalt  }
0x5d: {  	_ =	shalt  }
0x5e: {  	_ =	shalt  }
0x5f: {  	_ =	shalt  }
0x60: {  	_ =	shalt  }
0x61: {  	_ =	shalt  }
0x62: {  	_ =	shalt  }
0x63: {  	_ =	shalt  }
0x64: {  	_ =	shalt  }
0x65: {  	_ =	shalt  }
0x66: {  	_ =	shalt  }
0x67: {  	_ =	shalt  }
0x68: {  	_ =	shalt  }
0x69: {  	_ =	shalt  }
0x6a: {  	_ =	shalt  }
0x6b: {  	_ =	shalt  }
0x6c: {  	_ =	shalt  }
0x6d: {  	_ =	shalt  }
0x6e: {  	_ =	shalt  }
0x6f: {  	_ =	shalt  }
0x70: {  	_ =	shalt  }
0x71: {  	_ =	shalt  }
0x72: {  	_ =	shalt  }
0x73: {  	_ =	shalt  }
0x74: {  	_ =	shalt  }
0x75: {  	_ =	shalt  }
0x76: {  	_ =	shalt  }
0x77: {  	_ =	shalt  }
0x78: {  	_ =	shalt  }
0x79: {  	_ =	shalt  }
0x7a: {  	_ =	shalt  }
0x7b: {  	_ =	shalt  }
0x7c: {  	_ =	shalt  }
0x7d: {  	_ =	shalt  }
0x7e: {  	_ =	shalt  }
0x7f: {  	_ =	shalt  }
0x80: {  	_ =	shalt  }
0x81: {  	_ =	shalt  }
0x82: {  	_ =	shalt  }
0x83: {  	_ =	shalt  }
0x84: {  	_ =	shalt  }
0x85: {  	_ =	shalt  }
0x86: {  	_ =	shalt  }
0x87: {  	_ =	shalt  }
.Lfunc_end0:
.L_simem_size_0:
called_computation.1_lowered:
.L_overlay_start_0:
0x88: {  	s2 =	sld [smem:$0x3FD9]  }
0x89: {  	s3 =	sld [smem:$0x3FFE];
	_ =	sdelay $0x1  }
0x8a: {  	s1 =	srdreg.scid  }
0x8b: {  	s0 =	sand.u32 $0x1, s1  }
0x8c: {  	s14 =	sshll.u32 s0, $0xA;
	s2 =	sadd.s32 s3, s2  }
0x8d: {  	s2 =	sadd.s32 s2, s14  }
0x8e: {  	[smem:$0x3FBA] =	sst s2  }
0x8f: {  	_ = 	snop  }
0x90: {  	s2 =	sld [smem:$0x3FD0];
	_ =	sdelay $0x2  }
0x91: {  	s15 =	simm.s32 $0xA;
	s4 =	simm.s32 $0x10  }
0x92: {  	[smem:s4], [sflag:s15] =	dma.local [hbm:s2], $0x1  }
0x93: {  	_ =	swait.eq [sflag:s15], $0x1  }
0x94: {  	[sflag:s15] =	ssyncset.done $0x0  }
0x95: {  	[sflag:s15] =	ssyncadd.s32 $0xFFFFFFFF  }
0x96: {  	s16 =	sld [smem:$0x11];
	(tm) =	ssettm $0x1  }
0x97: {  	s17 =	sld [smem:$0x3FFB];
	_ =	sdelay $0x3  }
0x98: {  	_ =	strace s17  }
0x99: {  	s3 =	sld [smem:$0x3FFC];
	_ =	sdelay $0x3  }
0x9a: {  	_ =	strace s3  }
0x9b: {  	s3 =	sld [smem:$0x3FFD];
	_ =	sdelay $0x3  }
0x9c: {  	_ =	strace s3  }
0x9d: {  	_ =	strace $0x8FFFFFFF  }
0x9e: {  	s18 =	sld [smem:$0x3FDB];
	_ =	sdelay $0x1  }
0x9f: {  	s19 =	simm.s32 $_scs_section_size  }
0xa0: {  	s5 =	simm.s32 $_size__tile_overlayer_lowered;
	s6 =	simm.s32 $_tile_overlayer_lowered  }
0xa1: {  	s22 =	simm.s32 $0x1BFF;
	s21 =	sshll.u32 s6, $0x1;
	s3 =	sadd.s32 s19, s18  }
0xa2: {  	s7 =	simm.s32 $0x0;
	s20 =	sshll.u32 s5, $0x1;
	s5 =	sadd.s32 s21, s3  }
0xa3: {  	[timem:s7], [sflag:s22] =	dma.local [hbm:s5], s20  }
0xa4: {  	_ =	swait.ge [sflag:s22], s20  }
0xa5: {  	s4 =	ssub.s32 $0x0, s20;
	[sflag:s22] =	ssyncset.done $0x0  }
0xa6: {  	[sflag:s22] =	ssyncadd.s32 s4;
	_ =	sdelay $0x1  }
0xa7: {  	s23 =	simm.s32 $0x1B8B  }
0xa8: {  	_ =	swait.ge [sflag:s23], $0x1  }
0xa9: {  	[sflag:s23] =	ssyncset.done $0x0  }
0xaa: {  	s25 =	simm.s32 $0x1B8E;
	s24 =	sld [smem:$0x3FFE];
	[sflag:s23] =	ssyncadd.s32 $0xFFFFFFFF  }
0xab: {  	s26 =	simm.s32 $execute0_lowered;
	[smem:$0x3FD2] =	sst s25  }
0xac: {  	s5 =	sshll.u32 s26, $0x1;
	_ =	strace $0x80000049;
	[dreg:$0x1] =	wrdreg $0xFFFFFFFF  }
0xad: {  	s28 =	simm.s32 $_size_execute0_lowered;
	s3 =	sadd.s32 s3, s5;
	[dreg:$0x0] =	wrdreg $0x0  }
0xae: {  	s5 =	sshll.u32 s28, $0x1;
	[dreg:$0x2] =	wrdreg s3  }
0xaf: {  	[dreg:$0x3] =	wrdreg s5  }
0xb0: {  	[dreg:$0x4] =	wrdreg $0xC0  }
0xb1: {  	_ =	task [dreg:s7], $0x5FFFF  }
0xb2: {  	[dreg:$0x1] =	wrdreg $0xFFFFFFFF  }
0xb3: {  	[dreg:$0x0] =	wrdreg $0x60  }
0xb4: {  	[dreg:$0x2] =	wrdreg s24  }
0xb5: {  	[dreg:$0x3] =	wrdreg s16  }
0xb6: {  	[dreg:$0x4] =	wrdreg $0x14F000  }
0xb7: {  	[dreg:$0x5] =	wrdreg $0x9  }
0xb8: {  	_ =	task.clear_ibuf [dreg:s7], $0x6FFFF;
	_ =	strace $0x90000049  }
0xb9: {  	s29 =	simm.s32 $0x9;
	_ =	strace $0x8000004B  }
0xba: {  	_ =	swait.ge [sflag:s29], $0x1  }
0xbb: {  	[sflag:s29] =	ssyncadd.s32 $0xFFFFFFFF  }
0xbc: {  	_ =	strace $0x9000004B  }
0xbd: {  	_ =	sfence  }
0xbe: {  	s30 =	sld [smem:$0x0];
	_ =	sdelay $0x2  }
0xbf: {  	s31 =	sshll.u32 s1, $0xD;
	s1 =	sshrl.u32 s1, $0x2  }
0xc0: {  	s3 =	sand.u32 $0x4000, s31;
	s1 =	sadd.s32 s1, s30  }
0xc1: {  	s0 =	sor.u32 s3, s0;
	s1 =	sshll.u32 s1, $0x11  }
0xc2: {  	s0 =	sor.u32 s1, s0  }
0xc3: {  	s0 =	sadd.s32 $0x8F2B, s0  }
0xc4: {  	[sflag:s0] =	ssyncadd.remote.s32 $0x1  }
0xc5: {  	_ =	sfence.sel $0xFFFF  }
0xc6: {  	[dreg:$0x0] =	wrdreg $0xFFFFFFFF;
	(pc) =	sbr.abs _section_cstart, $3  }
0xc7: {  	[dreg:$0x1] =	wrdreg $0xFFFFFFFF  }
0xc8: {  	_ =	task.clear_ibuf [dreg:s7], $0x2FFFF;
	_ =	strace $0x9FFFFFFF  }
0xc9: {  	(tm) =	ssettm $0x7FFFFFFF  }
tec
execute0_lowered:
.L_overlay_start_1:
0x0: {  	(tag) =	ssettag $0x1  }
0x1: {  	s0 =	srdreg.scid  }
0x2: {  	s10 =	stileid.u32;
	s1 =	rddreg [dreg:$0x0]  }
0x3: {  	s3 =	rddreg [dreg:$0x1];
	s6 =	simm.s32 $0x0;
	s15 =	simm.s32 $0x11  }
0x4: {  	s16 =	simm.s32 $0x80;
	s17 =	simm.s32 $0x4F00;
	s18 =	simm.s32 $0x6F00  }
0x5: {  	s29 =	simm.s32 $0xEF00;
	s28 =	simm.s32 $0x3;
	s30 =	simm.s32 $0x4  }
0x6: {  	s31 =	simm.s32 $0x5;
	s11 =	simm.s32 $0x10;
	s12 =	simm.s32 $0x0  }
0x7: {  	s0 =	sand.u32 $0x1, s0;
	s2 =	sshll.u32 s10, $0x1;
	[smem:$0x7FF] =	sst s6  }
0x8: {  	p0 =	slt.u32 s10, $0x2;
	s6 =	simm.s32 $0x4F;
	s22 =	smul.u32 $0x9C00, s10  }
0x9: {  	p1 =	sgt.u32 s10, $0x1;
	p2 =	sne.s32 s10, $0xF;
	s4 =	sor.u32 s0, s2  }
0xa: {  	s2 =	rddreg [dreg:$0x2];
	_ =	strace $0x8000004A;
	s20 =	ssub.s32 $0x2, s0  }
0xb: {  	s0 =	smul.u32 $0x9C400, s0;
	s6 =	simm.s32 @!p0 $0x4E;
	p0 =	sne.s32 s10, $0x0  }
0xc: {  	s10 =	simm.s32 $0xF;
	s5 =	smul.u32 $0x4E, s4;
	s7 =	sshrl.u32 s20, $0x1  }
0xd: {  	s4 =	smin.u32 s4, $0x4;
	s25 =	sadd.s32 s22, s2;
	s21 =	ssub.s32 s20, s7  }
0xe: {  	s23 =	sadd.s32 s22, s0;
	s0 =	sshrl.u32 s0, $0x3;
	s26 =	sshrl.u32 s25, $0x3  }
0xf: {  	s4 =	sadd.s32 s4, s5;
	s24 =	sshrl.u32 s23, $0x3;
	s0 =	sadd.s32 s3, s0  }
0x10: {  	[dreg:$0xc] =	wrdreg s26;
	s5 =	sshll.u32 s4, $0x4;
	s3 =	sadd.s32 s3, s24  }
0x11: {  	s4 =	sadd.s32 $0x16E00, s1;
	s0 =	sadd.s32 $0x13800, s0;
	[dreg:$0x8] =	wrdreg s3  }
0x12: {  	s5 =	sadd.s32 s5, s1;
	s1 =	sadd.s32 $0x2A800, s1;
	[dreg:$0x9] =	wrdreg s0  }
0x13: {  	s20 =	simm.s32 $0x8F00;
	[dreg:$0x4] =	wrdreg s1;
	s8 =	sadd.s32 $0x3400, s5  }
0x14: {  	s22 =	simm.s32 $0xAF00;
	s9 =	sadd.s32 $0x38E0, s5;
	[dreg:$0x5] =	wrdreg s8  }
0x15: {  	s0 =	sadd.s32 $0x9C000, s2;
	s1 =	smax.u32 s21, $0x1;
	[dreg:$0x6] =	wrdreg s9  }
0x16: {  	s26 =	simm.s32 $0xCF00;
	s0 =	sshrl.u32 @!p2 s0, $0x3;
	[dreg:$0xa] =	wrdreg s1  }
0x17: {  	s8 =	sadd.s32 $0xD040, s5;
	s5 =	sadd.s32 $0xD520, s5;
	[dreg:$0xd] =	wrdreg s0  }
0x18: {  	s23 =	simm.s32 $0x2;
	s1 =	sshrl.u32 @!p0 s2, $0x3;
	[dreg:$0x7] =	wrdreg s5  }
0x19: {  	s21 =	simm.s32 $0x1;
	[dreg:$0xb] =	wrdreg s1;
	s1 =	simm.s32 $0x6  }
.LBB2_1:
0x1a: {  	s3 =	rddreg [dreg:$0x4]  }
0x1b: {  	s0 =	simm.s32 @!p0 $0x1C11;
	s5 =	rddreg [dreg:$0xb]  }
0x1c: {  	[spmem:s5], [sflag:s0] =	dma.local @!p0 [hbm:s3], $0x13880  }
0x1d: {  	s0 =	simm.s32 @!p0 $0x11  }
0x1e: {  	_ =	swait.ge @!p0 [sflag:s0], $0x13880  }
0x1f: {  	[sflag:s0] =	ssyncset.done @!p0 $0x0  }
0x20: {  	s25 =	simm.s32 $0x0;
	s7 =	rddreg [dreg:$0x5];
	[sflag:s0] =	ssyncadd.s32 @!p0 $0xFFFEC780  }
0x21: {  	[tilespmem:s25], [sflag:$0x11] =	stream.linear.gather [hbm4b:s7+s25], $0x2700, $0x38;
	[tilespmem:$0x1EB40] =	vst v63  }
0x22: {  	_ =	swait.ge [sflag:s15], $0x2700  }
0x23: {  	[sflag:s15] =	ssyncset.done $0x0  }
0x24: {  	s3 =	simm.s32 @p1 $0x2780;
	s0 =	simm.s32 @p1 $0x0;
	[sflag:s15] =	ssyncadd.s32 $0xFFFFD900  }
0x25: {  	[tilespmem:s3], [sflag:$0x11] =	stream.linear.gather @p1 [hbm4b:s8+s0], $0x2700, $0x38;
	[tilespmem:$0x1EB40] =	vst v63  }
0x26: {  	s0 =	simm.s32 @p1 $0x11  }
0x27: {  	_ =	swait.ge @p1 [sflag:s0], $0x2700  }
0x28: {  	s3 =	simm.s32 @!p1 $0x2700;
	[sflag:s0] =	ssyncset.done @p1 $0x0  }
0x29: {  	s7 =	rddreg [dreg:$0x6];
	[sflag:s0] =	ssyncadd.s32 @p1 $0xFFFFD900;
	s0 =	simm.s32 @!p1 $0x0  }
0x2a: {  	[tilespmem:s3], [sflag:$0x11] =	stream.linear.gather @!p1 [hbm4b:s7+s0], $0x80, $0x38;
	[tilespmem:$0x1EB40] =	vst v63  }
0x2b: {  	s3 =	simm.s32 @!p1 $0x11  }
0x2c: {  	_ =	swait.ge @!p1 [sflag:s3], $0x80  }
0x2d: {  	[sflag:s3] =	ssyncset.done @!p1 $0x0  }
0x2e: {  	s13 =	simm.s32 @!p1 $0x2780;
	[sflag:s3] =	ssyncadd.s32 @!p1 $0xFFFFFF80  }
0x2f: {  	[tilespmem:s13], [sflag:$0x11] =	stream.linear.gather @!p1 [hbm4b:s8+s0], $0x2700, $0x38;
	[tilespmem:$0x1EB40] =	vst v63  }
0x30: {  	_ =	swait.ge @!p1 [sflag:s3], $0x2700  }
0x31: {  	[sflag:s3] =	ssyncset.done @!p1 $0x0  }
0x32: {  	s13 =	simm.s32 @!p1 $0x4E80;
	s7 =	rddreg [dreg:$0x7];
	[sflag:s3] =	ssyncadd.s32 @!p1 $0xFFFFD900  }
0x33: {  	[tilespmem:s13], [sflag:$0x11] =	stream.linear.gather @!p1 [hbm4b:s7+s0], $0x80, $0x38;
	[tilespmem:$0x1EB40] =	vst v63  }
0x34: {  	_ =	swait.ge @!p1 [sflag:s3], $0x80  }
0x35: {  	[sflag:s3] =	ssyncset.done @!p1 $0x0  }
0x36: {  	[sflag:s3] =	ssyncadd.s32 @!p1 $0xFFFFFF80  }
0x37: {  	[bflag:$0x0] =	sbarrier.arrive $0xFFFF  }
0x38: {  	[tilespmem:s17], [sflag:$0x1] =	stream.indirect.gather [hbm4b:s4+s16], $0x40, s25, s16, $0xb8;
	[tilespmem:$0x1EB40] =	vst v63  }
0x39: {  	_ = 	snop  }
0x3a: {  	[tilespmem:s18], [sflag:$0x2] =	stream.indirect.gather [hbm4b:s4+s16], $0x40, s16, s16, $0xb8;
	[tilespmem:$0x1EB40] =	vst v63  }
0x3b: {  	s9 =	simm.s32 $0x100  }
0x3c: {  	[tilespmem:s20], [sflag:$0x3] =	stream.indirect.gather [hbm4b:s4+s16], $0x40, s9, s16, $0xb8;
	[tilespmem:$0x1EB40] =	vst v63  }
0x3d: {  	s13 =	simm.s32 $0x180  }
0x3e: {  	[tilespmem:s22], [sflag:$0x4] =	stream.indirect.gather [hbm4b:s4+s16], $0x40, s13, s16, $0xb8;
	[tilespmem:$0x1EB40] =	vst v63  }
0x3f: {  	s14 =	simm.s32 $0x200  }
0x40: {  	[tilespmem:s26], [sflag:$0x5] =	stream.indirect.gather [hbm4b:s4+s16], $0x40, s14, s16, $0xb8;
	[tilespmem:$0x1EB40] =	vst v63  }
0x41: {  	s19 =	simm.s32 $0x280  }
0x42: {  	[tilespmem:s29], [sflag:$0x6] =	stream.indirect.gather [hbm4b:s4+s16], $0x40, s19, s16, $0xb8;
	[tilespmem:$0x1EB40] =	vst v63  }
0x43: {  	s24 =	simm.s32 $0x300;
	s25 =	simm.s32 $0x10F00  }
0x44: {  	[tilespmem:s25], [sflag:$0x7] =	stream.indirect.gather [hbm4b:s4+s16], $0x40, s24, s16, $0xb8;
	[tilespmem:$0x1EB40] =	vst v63  }
0x45: {  	s5 =	simm.s32 $0x380;
	s7 =	simm.s32 $0x12F00  }
0x46: {  	[tilespmem:s7], [sflag:$0x8] =	stream.indirect.gather [hbm4b:s4+s16], $0x40, s5, s16, $0xb8;
	[tilespmem:$0x1EB40] =	vst v63  }
0x47: {  	_ =	swait.ge [sflag:s21], $0x2000  }
0x48: {  	p3 =	sle.u32 s6, $0x8;
	[sflag:s21] =	ssyncset.done $0x0  }
0x49: {  	s3 =	simm.s32 @!p3 $0x9;
	s9 =	simm.s32 $0x2780;
	[sflag:s21] =	ssyncadd.s32 $0xFFFFE000  }
0x4a: {  	[spmem:s2] =	stream.indirect.scatter.add.f32 [tilespmem:s17], [sflag:$0x9], $0x40, s9, s16, $0xb8;
	[tilespmem:$0x1EB40] =	vst v63  }
0x4b: {  	_ =	swait.ge @!p3 [sflag:s3], $0x2000  }
0x4c: {  	s0 =	simm.s32 @!p3 $0x400;
	[sflag:s3] =	ssyncset.done @!p3 $0x0  }
0x4d: {  	s13 =	simm.s32 @!p3 $0x80;
	s14 =	simm.s32 @!p3 $0x4F00;
	[sflag:s3] =	ssyncadd.s32 @!p3 $0xFFFFE000  }
0x4e: {  	[tilespmem:s14], [sflag:$0x1] =	stream.indirect.gather @!p3 [hbm4b:s4+s13], $0x40, s0, s13, $0xb8;
	[tilespmem:$0x1EB40] =	vst v63  }
0x4f: {  	_ =	swait.ge [sflag:s23], $0x2000  }
0x50: {  	p3 =	sle.u32 s6, $0x9;
	[sflag:s23] =	ssyncset.done $0x0  }
0x51: {  	s13 =	simm.s32 $0x2800;
	s3 =	simm.s32 @!p3 $0xA;
	[sflag:s23] =	ssyncadd.s32 $0xFFFFE000  }
0x52: {  	[spmem:s2] =	stream.indirect.scatter.add.f32 [tilespmem:s18], [sflag:$0xA], $0x40, s13, s16, $0xb8;
	[tilespmem:$0x1EB40] =	vst v63  }
0x53: {  	_ =	swait.ge @!p3 [sflag:s3], $0x2000  }
0x54: {  	s0 =	simm.s32 @!p3 $0x480;
	[sflag:s3] =	ssyncset.done @!p3 $0x0  }
0x55: {  	s14 =	simm.s32 @!p3 $0x6F00;
	s13 =	simm.s32 @!p3 $0x80;
	[sflag:s3] =	ssyncadd.s32 @!p3 $0xFFFFE000  }
0x56: {  	[tilespmem:s14], [sflag:$0x2] =	stream.indirect.gather @!p3 [hbm4b:s4+s13], $0x40, s0, s13, $0xb8;
	[tilespmem:$0x1EB40] =	vst v63  }
0x57: {  	_ =	swait.ge [sflag:s28], $0x2000  }
0x58: {  	p3 =	sle.u32 s6, $0xA;
	[sflag:s28] =	ssyncset.done $0x0  }
0x59: {  	s14 =	simm.s32 $0x2880;
	s3 =	simm.s32 @!p3 $0xB;
	[sflag:s28] =	ssyncadd.s32 $0xFFFFE000  }
0x5a: {  	[spmem:s2] =	stream.indirect.scatter.add.f32 [tilespmem:s20], [sflag:$0xB], $0x40, s14, s16, $0xb8;
	[tilespmem:$0x1EB40] =	vst v63  }
0x5b: {  	_ =	swait.ge @!p3 [sflag:s3], $0x2000  }
0x5c: {  	s0 =	simm.s32 @!p3 $0x500;
	[sflag:s3] =	ssyncset.done @!p3 $0x0  }
0x5d: {  	s13 =	simm.s32 @!p3 $0x80;
	s14 =	simm.s32 @!p3 $0x8F00;
	[sflag:s3] =	ssyncadd.s32 @!p3 $0xFFFFE000  }
0x5e: {  	[tilespmem:s14], [sflag:$0x3] =	stream.indirect.gather @!p3 [hbm4b:s4+s13], $0x40, s0, s13, $0xb8;
	[tilespmem:$0x1EB40] =	vst v63  }
0x5f: {  	_ =	swait.ge [sflag:s30], $0x2000  }
0x60: {  	p3 =	sle.u32 s6, $0xB;
	[sflag:s30] =	ssyncset.done $0x0  }
0x61: {  	s19 =	simm.s32 $0x2900;
	s3 =	simm.s32 @!p3 $0xC;
	[sflag:s30] =	ssyncadd.s32 $0xFFFFE000  }
0x62: {  	[spmem:s2] =	stream.indirect.scatter.add.f32 [tilespmem:s22], [sflag:$0xC], $0x40, s19, s16, $0xb8;
	[tilespmem:$0x1EB40] =	vst v63  }
0x63: {  	_ =	swait.ge @!p3 [sflag:s3], $0x2000  }
0x64: {  	s0 =	simm.s32 @!p3 $0x580;
	[sflag:s3] =	ssyncset.done @!p3 $0x0  }
0x65: {  	s13 =	simm.s32 @!p3 $0x80;
	s14 =	simm.s32 @!p3 $0xAF00;
	[sflag:s3] =	ssyncadd.s32 @!p3 $0xFFFFE000  }
0x66: {  	[tilespmem:s14], [sflag:$0x4] =	stream.indirect.gather @!p3 [hbm4b:s4+s13], $0x40, s0, s13, $0xb8;
	[tilespmem:$0x1EB40] =	vst v63  }
0x67: {  	_ =	swait.ge [sflag:s31], $0x2000  }
0x68: {  	p3 =	sle.u32 s6, $0xC;
	[sflag:s31] =	ssyncset.done $0x0  }
0x69: {  	s24 =	simm.s32 $0x2980;
	s3 =	simm.s32 @!p3 $0xD;
	[sflag:s31] =	ssyncadd.s32 $0xFFFFE000  }
0x6a: {  	[spmem:s2] =	stream.indirect.scatter.add.f32 [tilespmem:s26], [sflag:$0xD], $0x40, s24, s16, $0xb8;
	[tilespmem:$0x1EB40] =	vst v63  }
0x6b: {  	_ =	swait.ge @!p3 [sflag:s3], $0x2000  }
0x6c: {  	s0 =	simm.s32 @!p3 $0x600;
	[sflag:s3] =	ssyncset.done @!p3 $0x0  }
0x6d: {  	s13 =	simm.s32 @!p3 $0x80;
	s14 =	simm.s32 @!p3 $0xCF00;
	[sflag:s3] =	ssyncadd.s32 @!p3 $0xFFFFE000  }
0x6e: {  	[tilespmem:s14], [sflag:$0x5] =	stream.indirect.gather @!p3 [hbm4b:s4+s13], $0x40, s0, s13, $0xb8;
	[tilespmem:$0x1EB40] =	vst v63  }
0x6f: {  	_ =	swait.ge [sflag:s1], $0x2000  }
0x70: {  	p3 =	sle.u32 s6, $0xD;
	[sflag:s1] =	ssyncset.done $0x0  }
0x71: {  	s25 =	simm.s32 $0x2A00;
	s3 =	simm.s32 @!p3 $0xE;
	[sflag:s1] =	ssyncadd.s32 $0xFFFFE000  }
0x72: {  	[spmem:s2] =	stream.indirect.scatter.add.f32 [tilespmem:s29], [sflag:$0xE], $0x40, s25, s16, $0xb8;
	[tilespmem:$0x1EB40] =	vst v63  }
0x73: {  	p4 =	sle.u32 s6, $0x6;
	_ =	swait.ge @!p3 [sflag:s3], $0x2000  }
0x74: {  	s0 =	simm.s32 @!p3 $0x680;
	s13 =	simm.s32 @!p3 $0xEF00;
	[sflag:s3] =	ssyncset.done @!p3 $0x0  }
0x75: {  	s14 =	simm.s32 @!p3 $0x80;
	[sflag:s3] =	ssyncadd.s32 @!p3 $0xFFFFE000;
	s3 =	simm.s32 @!p4 $0x7  }
0x76: {  	[tilespmem:s13], [sflag:$0x6] =	stream.indirect.gather @!p3 [hbm4b:s4+s14], $0x40, s0, s14, $0xb8;
	[tilespmem:$0x1EB40] =	vst v63  }
0x77: {  	s0 =	simm.s32 @!p4 $0x2A80;
	_ =	swait.ge @!p4 [sflag:s3], $0x2000  }
0x78: {  	s13 =	simm.s32 @!p4 $0x10F00;
	p3 =	sle.u32 s6, $0xE;
	[sflag:s3] =	ssyncset.done @!p4 $0x0  }
0x79: {  	s14 =	simm.s32 @!p4 $0x80;
	[sflag:s3] =	ssyncadd.s32 @!p4 $0xFFFFE000;
	s3 =	simm.s32 @!p3 $0xF  }
0x7a: {  	[spmem:s2] =	stream.indirect.scatter.add.f32 @!p4 [tilespmem:s13], [sflag:$0xF], $0x40, s0, s14, $0xb8;
	[tilespmem:$0x1EB40] =	vst v63  }
0x7b: {  	p5 =	sle.u32 s6, $0x7;
	s0 =	simm.s32 @!p3 $0x700;
	_ =	swait.ge @!p3 [sflag:s3], $0x2000  }
0x7c: {  	s13 =	simm.s32 @!p3 $0x10F00;
	s14 =	simm.s32 @!p3 $0x80;
	[sflag:s3] =	ssyncset.done @!p3 $0x0  }
0x7d: {  	p4 =	sle.u32 s6, $0xF;
	[sflag:s3] =	ssyncadd.s32 @!p3 $0xFFFFE000;
	s3 =	simm.s32 @!p5 $0x8  }
0x7e: {  	[tilespmem:s13], [sflag:$0x7] =	stream.indirect.gather @!p3 [hbm4b:s4+s14], $0x40, s0, s14, $0xb8;
	[tilespmem:$0x1EB40] =	vst v63  }
0x7f: {  	s25 =	simm.s32 @!p4 $0x10;
	_ =	swait.ge @!p5 [sflag:s3], $0x2000  }
0x80: {  	s19 =	simm.s32 @!p4 $0x780;
	s0 =	simm.s32 @!p5 $0x2B00;
	[sflag:s3] =	ssyncset.done @!p5 $0x0  }
0x81: {  	s13 =	simm.s32 @!p5 $0x12F00;
	s14 =	simm.s32 @!p5 $0x80;
	[sflag:s3] =	ssyncadd.s32 @!p5 $0xFFFFE000  }
0x82: {  	[spmem:s2] =	stream.indirect.scatter.add.f32 @!p5 [tilespmem:s13], [sflag:$0x10], $0x40, s0, s14, $0xb8;
	[tilespmem:$0x1EB40] =	vst v63  }
0x83: {  	s3 =	simm.s32 @!p4 $0x12F00;
	s13 =	simm.s32 $0x1000;
	_ =	swait.ge @!p4 [sflag:s25], $0x2000  }
0x84: {  	s0 =	simm.s32 @!p4 $0x80;
	s14 =	simm.s32 $0xF;
	[sflag:s25] =	ssyncset.done @!p4 $0x0  }
.LBB2_2:
0x85: {  	[sflag:s25] =	ssyncadd.s32 @!p4 $0xFFFFE000  }
0x86: {  	s14 =	sadd.s32 $0x8, s14;
	s24 =	smov.u32 s13;
	s13 =	sadd.s32 $0x1000, s13  }
0x87: {  	[tilespmem:s3], [sflag:$0x8] =	stream.indirect.gather @!p4 [hbm4b:s4+s0], $0x40, s19, s0, $0xb8;
	[tilespmem:$0x1EB40] =	vst v63  }
0x88: {  	s25 =	sshra.s32 s24, $0x2;
	s0 =	sadd.s32 $0xFFFFFFF9, s14;
	_ =	swait.ge [sflag:s21], $0x2000  }
0x89: {  	s3 =	sadd.s32 $0x2780, s25;
	p4 =	sge.u32 s0, s6;
	[sflag:s21] =	ssyncset.done $0x0  }
0x8a: {  	s0 =	simm.s32 @!p4 $0x9;
	s19 =	sshra.s32 @!p4 s24, $0x2;
	[sflag:s21] =	ssyncadd.s32 $0xFFFFE000  }
0x8b: {  	[spmem:s2] =	stream.indirect.scatter.add.f32 [tilespmem:s17], [sflag:$0x9], $0x40, s3, s16, $0xb8;
	[tilespmem:$0x1EB40] =	vst v63  }
0x8c: {  	p3 =	sne.s32 s13, $0xA000;
	s3 =	sadd.s32 @!p4 $0x400, s19;
	_ =	swait.ge @!p4 [sflag:s0], $0x2000  }
0x8d: {  	s5 =	simm.s32 @!p4 $0x4F00;
	s19 =	simm.s32 @!p4 $0x80;
	[sflag:s0] =	ssyncset.done @!p4 $0x0  }
0x8e: {  	[sflag:s0] =	ssyncadd.s32 @!p4 $0xFFFFE000  }
0x8f: {  	[tilespmem:s5], [sflag:$0x1] =	stream.indirect.gather @!p4 [hbm4b:s4+s19], $0x40, s3, s19, $0xb8;
	[tilespmem:$0x1EB40] =	vst v63  }
0x90: {  	s0 =	sadd.s32 $0xFFFFFFFA, s14;
	_ =	swait.ge [sflag:s23], $0x2000  }
0x91: {  	s3 =	sadd.s32 $0x2800, s25;
	p4 =	sge.u32 s0, s6;
	[sflag:s23] =	ssyncset.done $0x0  }
0x92: {  	s0 =	simm.s32 @!p4 $0xA;
	s5 =	sshra.s32 @!p4 s24, $0x2;
	[sflag:s23] =	ssyncadd.s32 $0xFFFFE000  }
0x93: {  	[spmem:s2] =	stream.indirect.scatter.add.f32 [tilespmem:s18], [sflag:$0xA], $0x40, s3, s16, $0xb8;
	[tilespmem:$0x1EB40] =	vst v63  }
0x94: {  	s3 =	sadd.s32 @!p4 $0x480, s5;
	_ =	swait.ge @!p4 [sflag:s0], $0x2000  }
0x95: {  	s19 =	simm.s32 @!p4 $0x6F00;
	s5 =	simm.s32 @!p4 $0x80;
	[sflag:s0] =	ssyncset.done @!p4 $0x0  }
0x96: {  	[sflag:s0] =	ssyncadd.s32 @!p4 $0xFFFFE000  }
0x97: {  	[tilespmem:s19], [sflag:$0x2] =	stream.indirect.gather @!p4 [hbm4b:s4+s5], $0x40, s3, s5, $0xb8;
	[tilespmem:$0x1EB40] =	vst v63  }
0x98: {  	s0 =	sadd.s32 $0xFFFFFFFB, s14;
	_ =	swait.ge [sflag:s28], $0x2000  }
0x99: {  	s3 =	sadd.s32 $0x2880, s25;
	p4 =	sge.u32 s0, s6;
	[sflag:s28] =	ssyncset.done $0x0  }
0x9a: {  	s0 =	simm.s32 @!p4 $0xB;
	s5 =	sshra.s32 @!p4 s24, $0x2;
	[sflag:s28] =	ssyncadd.s32 $0xFFFFE000  }
0x9b: {  	[spmem:s2] =	stream.indirect.scatter.add.f32 [tilespmem:s20], [sflag:$0xB], $0x40, s3, s16, $0xb8;
	[tilespmem:$0x1EB40] =	vst v63  }
0x9c: {  	s3 =	sadd.s32 @!p4 $0x500, s5;
	_ =	swait.ge @!p4 [sflag:s0], $0x2000  }
0x9d: {  	s19 =	simm.s32 @!p4 $0x8F00;
	s5 =	simm.s32 @!p4 $0x80;
	[sflag:s0] =	ssyncset.done @!p4 $0x0  }
0x9e: {  	[sflag:s0] =	ssyncadd.s32 @!p4 $0xFFFFE000  }
0x9f: {  	[tilespmem:s19], [sflag:$0x3] =	stream.indirect.gather @!p4 [hbm4b:s4+s5], $0x40, s3, s5, $0xb8;
	[tilespmem:$0x1EB40] =	vst v63  }
0xa0: {  	s0 =	sadd.s32 $0xFFFFFFFC, s14;
	_ =	swait.ge [sflag:s30], $0x2000  }
0xa1: {  	s3 =	sadd.s32 $0x2900, s25;
	p4 =	sge.u32 s0, s6;
	[sflag:s30] =	ssyncset.done $0x0  }
0xa2: {  	s0 =	simm.s32 @!p4 $0xC;
	s5 =	sshra.s32 @!p4 s24, $0x2;
	[sflag:s30] =	ssyncadd.s32 $0xFFFFE000  }
0xa3: {  	[spmem:s2] =	stream.indirect.scatter.add.f32 [tilespmem:s22], [sflag:$0xC], $0x40, s3, s16, $0xb8;
	[tilespmem:$0x1EB40] =	vst v63  }
0xa4: {  	s3 =	sadd.s32 @!p4 $0x580, s5;
	_ =	swait.ge @!p4 [sflag:s0], $0x2000  }
0xa5: {  	s19 =	simm.s32 @!p4 $0xAF00;
	s5 =	simm.s32 @!p4 $0x80;
	[sflag:s0] =	ssyncset.done @!p4 $0x0  }
0xa6: {  	[sflag:s0] =	ssyncadd.s32 @!p4 $0xFFFFE000  }
0xa7: {  	[tilespmem:s19], [sflag:$0x4] =	stream.indirect.gather @!p4 [hbm4b:s4+s5], $0x40, s3, s5, $0xb8;
	[tilespmem:$0x1EB40] =	vst v63  }
0xa8: {  	s0 =	sadd.s32 $0xFFFFFFFD, s14;
	_ =	swait.ge [sflag:s31], $0x2000  }
0xa9: {  	s3 =	sadd.s32 $0x2980, s25;
	p5 =	sge.u32 s0, s6;
	[sflag:s31] =	ssyncset.done $0x0  }
0xaa: {  	s0 =	simm.s32 @!p5 $0xD;
	s5 =	sshra.s32 @!p5 s24, $0x2;
	[sflag:s31] =	ssyncadd.s32 $0xFFFFE000  }
0xab: {  	[spmem:s2] =	stream.indirect.scatter.add.f32 [tilespmem:s26], [sflag:$0xD], $0x40, s3, s16, $0xb8;
	[tilespmem:$0x1EB40] =	vst v63  }
0xac: {  	p4 =	sge.u32 s14, s6;
	s3 =	sadd.s32 @!p5 $0x600, s5;
	_ =	swait.ge @!p5 [sflag:s0], $0x2000  }
0xad: {  	s19 =	simm.s32 @!p5 $0xCF00;
	s5 =	simm.s32 @!p5 $0x80;
	[sflag:s0] =	ssyncset.done @!p5 $0x0  }
0xae: {  	s7 =	sadd.s32 $0xFFFFFFF8, s14;
	[sflag:s0] =	ssyncadd.s32 @!p5 $0xFFFFE000;
	s0 =	sadd.s32 $0xFFFFFFFF, s14  }
0xaf: {  	[tilespmem:s19], [sflag:$0x5] =	stream.indirect.gather @!p5 [hbm4b:s4+s5], $0x40, s3, s5, $0xb8;
	[tilespmem:$0x1EB40] =	vst v63  }
0xb0: {  	s3 =	sadd.s32 $0xFFFFFFFE, s14;
	s5 =	sadd.s32 $0xFFFFFFF7, s14;
	_ =	swait.ge [sflag:s1], $0x2000  }
0xb1: {  	s19 =	sadd.s32 $0x2A00, s25;
	p5 =	sge.u32 s3, s6;
	[sflag:s1] =	ssyncset.done $0x0  }
0xb2: {  	s3 =	simm.s32 @!p5 $0xE;
	s25 =	sshra.s32 @!p5 s24, $0x2;
	[sflag:s1] =	ssyncadd.s32 $0xFFFFE000  }
0xb3: {  	[spmem:s2] =	stream.indirect.scatter.add.f32 [tilespmem:s29], [sflag:$0xE], $0x40, s19, s16, $0xb8;
	[tilespmem:$0x1EB40] =	vst v63  }
0xb4: {  	s19 =	sadd.s32 @!p5 $0x680, s25;
	s25 =	simm.s32 @!p5 $0xEF00;
	_ =	swait.ge @!p5 [sflag:s3], $0x2000  }
0xb5: {  	p6 =	sge.u32 s5, s6;
	s9 =	simm.s32 @!p5 $0x80;
	[sflag:s3] =	ssyncset.done @!p5 $0x0  }
0xb6: {  	s5 =	sshra.s32 @!p6 s24, $0x2;
	[sflag:s3] =	ssyncadd.s32 @!p5 $0xFFFFE000;
	s3 =	simm.s32 @!p6 $0x7  }
0xb7: {  	[tilespmem:s25], [sflag:$0x6] =	stream.indirect.gather @!p5 [hbm4b:s4+s9], $0x40, s19, s9, $0xb8;
	[tilespmem:$0x1EB40] =	vst v63  }
0xb8: {  	s5 =	sadd.s32 @!p6 $0x2A80, s5;
	s9 =	simm.s32 @!p6 $0x10F00;
	_ =	swait.ge @!p6 [sflag:s3], $0x2000  }
0xb9: {  	s19 =	simm.s32 @!p6 $0x80;
	p5 =	sge.u32 s0, s6;
	[sflag:s3] =	ssyncset.done @!p6 $0x0  }
0xba: {  	s0 =	simm.s32 @!p5 $0xF;
	[sflag:s3] =	ssyncadd.s32 @!p6 $0xFFFFE000;
	s3 =	sshra.s32 @!p5 s24, $0x2  }
0xbb: {  	[spmem:s2] =	stream.indirect.scatter.add.f32 @!p6 [tilespmem:s9], [sflag:$0xF], $0x40, s5, s19, $0xb8;
	[tilespmem:$0x1EB40] =	vst v63  }
0xbc: {  	s3 =	sadd.s32 @!p5 $0x700, s3;
	s5 =	simm.s32 @!p5 $0x10F00;
	_ =	swait.ge @!p5 [sflag:s0], $0x2000  }
0xbd: {  	s9 =	simm.s32 @!p5 $0x80;
	p6 =	sge.u32 s7, s6;
	[sflag:s0] =	ssyncset.done @!p5 $0x0  }
0xbe: {  	s7 =	sshra.s32 @!p6 s24, $0x2;
	[sflag:s0] =	ssyncadd.s32 @!p5 $0xFFFFE000;
	s0 =	simm.s32 @!p6 $0x8  }
0xbf: {  	[tilespmem:s5], [sflag:$0x7] =	stream.indirect.gather @!p5 [hbm4b:s4+s9], $0x40, s3, s9, $0xb8;
	[tilespmem:$0x1EB40] =	vst v63  }
0xc0: {  	s3 =	sadd.s32 @!p6 $0x2B00, s7;
	s5 =	simm.s32 @!p6 $0x12F00;
	_ =	swait.ge @!p6 [sflag:s0], $0x2000  }
.Ltmp0:
0xc1: {  	s7 =	simm.s32 @!p6 $0x80;
	[sflag:s0] =	ssyncset.done @!p6 $0x0;
	(pc) =	sbr.rel @p3 .LBB2_2-.Ltmp0, $4  }
0xc2: {  	s25 =	simm.s32 @!p4 $0x10;
	[sflag:s0] =	ssyncadd.s32 @!p6 $0xFFFFE000;
	s0 =	sshra.s32 @!p4 s24, $0x2  }
0xc3: {  	[spmem:s2] =	stream.indirect.scatter.add.f32 @!p6 [tilespmem:s5], [sflag:$0x10], $0x40, s3, s7, $0xb8;
	[tilespmem:$0x1EB40] =	vst v63  }
0xc4: {  	s19 =	sadd.s32 @!p4 $0x780, s0;
	_ =	swait.ge @!p4 [sflag:s25], $0x2000  }
0xc5: {  	s0 =	simm.s32 @!p4 $0x80;
	s3 =	simm.s32 @!p4 $0x12F00;
	[sflag:s25] =	ssyncset.done @!p4 $0x0  }
0xc6: {  	[sflag:s25] =	ssyncadd.s32 @!p4 $0xFFFFE000  }
0xc7: {  	[tilespmem:s3], [sflag:$0x8] =	stream.indirect.gather @!p4 [hbm4b:s4+s0], $0x40, s19, s0, $0xb8;
	[tilespmem:$0x1EB40] =	vst v63  }
0xc8: {  	s3 =	simm.s32 $0x9  }
0xc9: {  	_ =	swait.ge [sflag:s3], $0x2000  }
0xca: {  	[sflag:s3] =	ssyncset.done $0x0  }
0xcb: {  	s5 =	simm.s32 $0xA;
	[sflag:s3] =	ssyncadd.s32 $0xFFFFE000  }
0xcc: {  	_ =	swait.ge [sflag:s5], $0x2000  }
0xcd: {  	[sflag:s5] =	ssyncset.done $0x0  }
0xce: {  	s7 =	simm.s32 $0xB;
	[sflag:s5] =	ssyncadd.s32 $0xFFFFE000  }
0xcf: {  	_ =	swait.ge [sflag:s7], $0x2000  }
0xd0: {  	[sflag:s7] =	ssyncset.done $0x0  }
0xd1: {  	s9 =	simm.s32 $0xC;
	[sflag:s7] =	ssyncadd.s32 $0xFFFFE000  }
0xd2: {  	_ =	swait.ge [sflag:s9], $0x2000  }
0xd3: {  	[sflag:s9] =	ssyncset.done $0x0  }
0xd4: {  	s13 =	simm.s32 $0xD;
	[sflag:s9] =	ssyncadd.s32 $0xFFFFE000  }
0xd5: {  	_ =	swait.ge [sflag:s13], $0x2000  }
0xd6: {  	[sflag:s13] =	ssyncset.done $0x0  }
0xd7: {  	s14 =	simm.s32 $0xE;
	[sflag:s13] =	ssyncadd.s32 $0xFFFFE000  }
0xd8: {  	_ =	swait.ge [sflag:s14], $0x2000  }
0xd9: {  	[sflag:s14] =	ssyncset.done $0x0  }
0xda: {  	[sflag:s14] =	ssyncadd.s32 $0xFFFFE000  }
0xdb: {  	_ =	swait.ge [sflag:s10], $0x2000  }
0xdc: {  	[sflag:s10] =	ssyncset.done $0x0  }
0xdd: {  	[sflag:s10] =	ssyncadd.s32 $0xFFFFE000  }
0xde: {  	_ =	swait.ge [sflag:s11], $0x2000  }
0xdf: {  	[sflag:s11] =	ssyncset.done $0x0  }
0xe0: {  	[sflag:s11] =	ssyncadd.s32 $0xFFFFE000  }
0xe1: {  	s19 =	stileid.u32;
	[bflag:$0x0] =	sbarrier.arrive $0xFFFF  }
0xe2: {  	s0 =	sshll.u32 s19, $0x6;
	s24 =	rddreg [dreg:$0x8]  }
0xe3: {  	s0 =	sor.u32 $0x1C11, s0;
	s5 =	rddreg [dreg:$0xc]  }
0xe4: {  	[hbm:s24], [sflag:s0] =	dma.local [spmem:s5], $0x1380  }
0xe5: {  	_ =	swait.ge [sflag:s15], $0x1380  }
0xe6: {  	[sflag:s15] =	ssyncset.done $0x0;
	s3 =	rddreg [dreg:$0x9]  }
0xe7: {  	s5 =	rddreg [dreg:$0xd];
	[sflag:s15] =	ssyncadd.s32 $0xFFFFEC80  }
0xe8: {  	[hbm:s3], [sflag:s0] =	dma.local @!p2 [spmem:s5], $0x80  }
0xe9: {  	s0 =	simm.s32 @!p2 $0x11  }
0xea: {  	_ =	swait.ge @!p2 [sflag:s0], $0x80  }
0xeb: {  	s12 =	sadd.s32 $0x1, s12;
	s25 =	rddreg [dreg:$0xa]  }
0xec: {  	p3 =	sne.s32 s12, s25  }
.Ltmp1:
0xed: {  	_ = 	snop;
	(pc) =	sbr.rel @p3 .LBB2_1-.Ltmp1, $3  }
0xee: {  	_ =	sdelay $0x1  }
0xef: {  	[sflag:s0] =	ssyncset.done @!p2 $0x0  }
0xf0: {  	[sflag:s0] =	ssyncadd.s32 @!p2 $0xFFFFFF80  }
0xf1: {  	_ =	sfence.sel $0x180000  }
0xf2: {  	[bflag:$0x0] =	sbarrier.arrive $0xFFFF  }
0xf3: {  	_ =	strace $0x9000004A  }
0xf4: {  	[bflag:$0x2] =	sbarrier.arrive $0xFFFF  }
0xf5: {  	s0 =	rddreg [dreg:$0x3]  }
0xf6: {  	s0 =	sadd.s32 @!p0 $0x100000, s0  }
0xf7: {  	[sflag:s0] =	ssyncadd.tile.s32 @!p0 $0x1;
	_ =	shalt  }
.Lfunc_end2:
_tile_overlayer_lowered:
.L_overlay_start_2:
0xf8: {  	(tag) =	ssettag $0x2  }
0xf9: {  	s0 =	rddreg [dreg:$0x0];
	s2 =	stileid.u32  }
0xfa: {  	s1 =	rddreg [dreg:$0x1];
	p0 =	sne.s32 s2, $0x0  }
0xfb: {  	s3 =	rddreg [dreg:$0x2];
	[bflag:$0x3] =	sbarrier.arrive $0xFFFF;
	s2 =	simm.s32 @!p0 $0x1C11  }
0xfc: {  	[timem:s3], [sflag:s2] =	dma.local @!p0 [hbm:s0], s1  }
0xfd: {  	s0 =	simm.s32 @!p0 $0x11  }
0xfe: {  	_ =	swait.ge @!p0 [sflag:s0], s1  }
0xff: {  	s1 =	ssub.s32 @!p0 $0x0, s1;
	[sflag:s0] =	ssyncset.done @!p0 $0x0  }
0x100: {  	[sflag:s0] =	ssyncadd.s32 @!p0 s1  }
0x101: {  	[bflag:$0x3] =	sbarrier.arrive $0xFFFF  }
0x102: {  	_ =	shalt  }

// kernel: kernel.14.cloned.1.call-start
scs
__scs_entry_jumppad:
0x0: {  	(pc) =	sbr.rel $0x88, $3  }
0x1: {  	(tag) =	ssettag $0x0;
	lr =	simm.s32 $0x1  }
0x2: {  	[smem:$0x3F93] =	sst lr;
	_ =	strace $0xD0000000  }
0x3: {  	_ = 	snop  }
0x4: {  	_ = 	snop  }
0x5: {  	_ = 	snop  }
0x6: {  	_ = 	snop  }
0x7: {  	_ = 	snop  }
__scs_overlays_trampoline_lowered:
0x8: {  	[smem:$0x3FA2] =	sst s0  }
0x9: {  	[smem:$0x3FA3] =	sst s1  }
0xa: {  	[smem:$0x3FA4] =	sst s2  }
0xb: {  	[smem:$0x3FA5] =	sst s3  }
0xc: {  	[smem:$0x3FA6] =	sst s4  }
0xd: {  	[smem:$0x3FA7] =	sst s5  }
0xe: {  	[smem:$0x3FA8] =	sst s6  }
0xf: {  	[smem:$0x3FA9] =	sst s7  }
0x10: {  	[smem:$0x3FAA] =	sst s8  }
0x11: {  	[smem:$0x3FAB] =	sst s9;
	s0 =	simm.s32 @!p0 $0x0  }
0x12: {  	s1 =	sld [smem:$0x3F91];
	s0 =	simm.s32 @p0 $0x1  }
0x13: {  	[smem:$0x3FAC] =	sst s0;
	s0 =	simm.s32 @!p1 $0x0  }
0x14: {  	s2 =	sld [smem:$0x3F90];
	s0 =	simm.s32 @p1 $0x1  }
0x15: {  	[smem:$0x3FAD] =	sst s0;
	s0 =	simm.s32 @!p2 $0x0  }
0x16: {  	s3 =	sld [smem:$0x3FDB];
	s0 =	simm.s32 @p2 $0x1  }
0x17: {  	s4 =	simm.s32 $0x1BF5;
	[smem:$0x3FAF] =	sst s0  }
0x18: {  	s0 =	sld [smem:$0x3F92];
	_ =	swait.ge [sflag:s4], $0x0  }
0x19: {  	s7 =	sld [smem:$0x3F93]  }
0x1a: {  	s8 =	sadd.s32 $0xFFFFE003, lr  }
0x1b: {  	s9 =	sadd.s32 $0xFFFFFEF7, lr;
	s5 =	simm.s32 $0xFFFFFFFF;
	p2 =	slt.u32 s8, $0xFFFFF086  }
0x1c: {  	p1 =	slt.u32 s9, $0xF7A;
	s5 =	simm.s32 @!p2 $0x0  }
0x1d: {  	s5 =	simm.s32 @p1 $0x1;
	p0 =	seq.s32 s7, s2  }
0x1e: {  	s7 =	smul.u32 @!p0 $0xF7A, s2;
	p2 =	seq.s32 @!p0 s5, $0x0  }
0x1f: {  	s9 =	smul.u32 $0xF7A, s1;
	s8 =	simm.s32 @!p0 $0x1BF5;
	p2 =	por !p2, p0  }
0x20: {  	[sflag:s8] =	ssyncset.s32 @!p0 $0xFFFFF086;
	s6 =	sadd.s32 @!p0 s3, s7;
	s7 =	simm.s32 @!p0 $0x108  }
0x21: {  	s3 =	sadd.s32 s3, s9;
	s6 =	sadd.s32 @!p0 $0x88, s6;
	s7 =	simm.s32 @p2 $0x1082  }
0x22: {  	[simem:s7], [sflag:s8] =	dma.local @!p0 [hbm:s6], $0xF7A  }
0x23: {  	s9 =	sor.u32 $0xD0000000, s2;
	s6 =	simm.s32 $0x108;
	_ =	swait.ge @!p0 [sflag:s8], $0x0  }
0x24: {  	s3 =	sadd.s32 $0x88, s3;
	s6 =	simm.s32 @!p1 $0x1082;
	[sflag:s4] =	ssyncset.s32 $0xFFFFF086  }
0x25: {  	[simem:s6], [sflag:s4] =	dma.local [hbm:s3], $0xF7A  }
0x26: {  	[smem:$0x3F93] =	sst s1;
	(tag) =	ssettag s2;
	_ =	strace s9  }
0x27: {  	s1 =	sld [smem:$0x3FA3]  }
0x28: {  	s2 =	sld [smem:$0x3FA4]  }
0x29: {  	s4 =	sld [smem:$0x3FA6]  }
0x2a: {  	p0 =	seq.s32 s5, $0x0;
	s5 =	sld [smem:$0x3FA7]  }
0x2b: {  	s6 =	sld [smem:$0x3FA8]  }
0x2c: {  	s7 =	sld [smem:$0x3FA9]  }
0x2d: {  	s3 =	simm.s32 $0x108;
	s8 =	sld [smem:$0x3FAA]  }
0x2e: {  	s3 =	simm.s32 @!p0 $0x1082;
	s9 =	sld [smem:$0x3FAB]  }
0x2f: {  	lr =	sadd.s32 s0, s3;
	s0 =	sld [smem:$0x3FA2]  }
0x30: {  	s3 =	sld [smem:$0x3FA5]  }
0x31: {  	[smem:$0x3FAE] =	sst s10  }
0x32: {  	s10 =	sld [smem:$0x3FAC];
	_ =	sdelay $0x3  }
0x33: {  	p0 =	seq.s32 s10, $0x1;
	s10 =	sld [smem:$0x3FAE];
	_ =	sdelay $0x3  }
0x34: {  	[smem:$0x3FAE] =	sst s10  }
0x35: {  	s10 =	sld [smem:$0x3FAD];
	_ =	sdelay $0x3  }
0x36: {  	p1 =	seq.s32 s10, $0x1;
	s10 =	sld [smem:$0x3FAE];
	_ =	sdelay $0x3  }
0x37: {  	[smem:$0x3FAE] =	sst s10  }
0x38: {  	s10 =	sld [smem:$0x3FAF]  }
0x39: {  	_ = 	snop;
	(pc) =	sbr.ind lr, $3  }
0x3a: {  	_ = 	snop  }
0x3b: {  	_ = 	snop  }
0x3c: {  	p2 =	seq.s32 s10, $0x1;
	s10 =	sld [smem:$0x3FAE]  }
0x3d: {  	_ =	shalt  }
0x3e: {  	_ =	shalt  }
0x3f: {  	_ =	shalt  }
0x40: {  	_ =	shalt  }
0x41: {  	_ =	shalt  }
0x42: {  	_ =	shalt  }
0x43: {  	_ =	shalt  }
0x44: {  	_ =	shalt  }
0x45: {  	_ =	shalt  }
0x46: {  	_ =	shalt  }
0x47: {  	_ =	shalt  }
0x48: {  	_ =	shalt  }
0x49: {  	_ =	shalt  }
0x4a: {  	_ =	shalt  }
0x4b: {  	_ =	shalt  }
0x4c: {  	_ =	shalt  }
0x4d: {  	_ =	shalt  }
0x4e: {  	_ =	shalt  }
0x4f: {  	_ =	shalt  }
0x50: {  	_ =	shalt  }
0x51: {  	_ =	shalt  }
0x52: {  	_ =	shalt  }
0x53: {  	_ =	shalt  }
0x54: {  	_ =	shalt  }
0x55: {  	_ =	shalt  }
0x56: {  	_ =	shalt  }
0x57: {  	_ =	shalt  }
0x58: {  	_ =	shalt  }
0x59: {  	_ =	shalt  }
0x5a: {  	_ =	shalt  }
0x5b: {  	_ =	shalt  }
0x5c: {  	_ =	shalt  }
0x5d: {  	_ =	shalt  }
0x5e: {  	_ =	shalt  }
0x5f: {  	_ =	shalt  }
0x60: {  	_ =	shalt  }
0x61: {  	_ =	shalt  }
0x62: {  	_ =	shalt  }
0x63: {  	_ =	shalt  }
0x64: {  	_ =	shalt  }
0x65: {  	_ =	shalt  }
0x66: {  	_ =	shalt  }
0x67: {  	_ =	shalt  }
0x68: {  	_ =	shalt  }
0x69: {  	_ =	shalt  }
0x6a: {  	_ =	shalt  }
0x6b: {  	_ =	shalt  }
0x6c: {  	_ =	shalt  }
0x6d: {  	_ =	shalt  }
0x6e: {  	_ =	shalt  }
0x6f: {  	_ =	shalt  }
0x70: {  	_ =	shalt  }
0x71: {  	_ =	shalt  }
0x72: {  	_ =	shalt  }
0x73: {  	_ =	shalt  }
0x74: {  	_ =	shalt  }
0x75: {  	_ =	shalt  }
0x76: {  	_ =	shalt  }
0x77: {  	_ =	shalt  }
0x78: {  	_ =	shalt  }
0x79: {  	_ =	shalt  }
0x7a: {  	_ =	shalt  }
0x7b: {  	_ =	shalt  }
0x7c: {  	_ =	shalt  }
0x7d: {  	_ =	shalt  }
0x7e: {  	_ =	shalt  }
0x7f: {  	_ =	shalt  }
0x80: {  	_ =	shalt  }
0x81: {  	_ =	shalt  }
0x82: {  	_ =	shalt  }
0x83: {  	_ =	shalt  }
0x84: {  	_ =	shalt  }
0x85: {  	_ =	shalt  }
0x86: {  	_ =	shalt  }
0x87: {  	_ =	shalt  }
.Lfunc_end0:
.L_simem_size_0:
called_computation.2_lowered:
.L_overlay_start_0:
0x88: {  	s2 =	sld [smem:$0x3FD9]  }
0x89: {  	s3 =	sld [smem:$0x3FFE];
	_ =	sdelay $0x1  }
0x8a: {  	s1 =	srdreg.scid  }
0x8b: {  	s0 =	sand.u32 $0x1, s1  }
0x8c: {  	s14 =	sshll.u32 s0, $0xA;
	s2 =	sadd.s32 s3, s2  }
0x8d: {  	s2 =	sadd.s32 s2, s14  }
0x8e: {  	[smem:$0x3FBA] =	sst s2  }
0x8f: {  	_ = 	snop  }
0x90: {  	s2 =	sld [smem:$0x3FD0];
	_ =	sdelay $0x2  }
0x91: {  	s15 =	simm.s32 $0xA;
	s4 =	simm.s32 $0x10  }
0x92: {  	[smem:s4], [sflag:s15] =	dma.local [hbm:s2], $0x1  }
0x93: {  	_ =	swait.eq [sflag:s15], $0x1  }
0x94: {  	[sflag:s15] =	ssyncset.done $0x0  }
0x95: {  	s16 =	sld [smem:$0x10];
	[sflag:s15] =	ssyncadd.s32 $0xFFFFFFFF  }
0x96: {  	s17 =	sld [smem:$0x11];
	(tm) =	ssettm $0x1  }
0x97: {  	s18 =	sld [smem:$0x3FFB];
	_ =	sdelay $0x3  }
0x98: {  	_ =	strace s18  }
0x99: {  	s4 =	sld [smem:$0x3FFC];
	_ =	sdelay $0x3  }
0x9a: {  	_ =	strace s4  }
0x9b: {  	s4 =	sld [smem:$0x3FFD];
	_ =	sdelay $0x3  }
0x9c: {  	_ =	strace s4  }
0x9d: {  	_ =	strace $0x8FFFFFFF  }
0x9e: {  	s19 =	sld [smem:$0x3FDB];
	_ =	sdelay $0x1  }
0x9f: {  	s5 =	simm.s32 $_scs_section_size  }
0xa0: {  	s6 =	simm.s32 $_size__tile_overlayer_lowered;
	s7 =	simm.s32 $_tile_overlayer_lowered  }
0xa1: {  	s22 =	simm.s32 $0x1BFF;
	s21 =	sshll.u32 s7, $0x1;
	s4 =	sadd.s32 s5, s19  }
0xa2: {  	s8 =	simm.s32 $0x0;
	s20 =	sshll.u32 s6, $0x1;
	s6 =	sadd.s32 s21, s4  }
0xa3: {  	[timem:s8], [sflag:s22] =	dma.local [hbm:s6], s20  }
0xa4: {  	_ =	swait.ge [sflag:s22], s20  }
0xa5: {  	s5 =	ssub.s32 $0x0, s20;
	[sflag:s22] =	ssyncset.done $0x0  }
0xa6: {  	[sflag:s22] =	ssyncadd.s32 s5;
	_ =	sdelay $0x1  }
0xa7: {  	s23 =	simm.s32 $0x1B8B  }
0xa8: {  	_ =	swait.ge [sflag:s23], $0x1  }
0xa9: {  	[sflag:s23] =	ssyncset.done $0x0  }
0xaa: {  	s25 =	simm.s32 $0x1B8E;
	s24 =	sld [smem:$0x3FFE];
	[sflag:s23] =	ssyncadd.s32 $0xFFFFFFFF  }
0xab: {  	s26 =	simm.s32 $execute0_lowered;
	[smem:$0x3FD2] =	sst s25  }
0xac: {  	s6 =	sshll.u32 s26, $0x1;
	_ =	strace $0x8000004C;
	[dreg:$0x1] =	wrdreg $0xFFFFFFFF  }
0xad: {  	s28 =	simm.s32 $_size_execute0_lowered;
	s4 =	sadd.s32 s4, s6;
	[dreg:$0x0] =	wrdreg $0x0  }
0xae: {  	s6 =	sshll.u32 s28, $0x1;
	[dreg:$0x2] =	wrdreg s4  }
0xaf: {  	[dreg:$0x3] =	wrdreg s6  }
0xb0: {  	[dreg:$0x4] =	wrdreg $0xC0  }
0xb1: {  	_ =	task [dreg:s8], $0x5FFFF  }
0xb2: {  	[dreg:$0x1] =	wrdreg $0xFFFFFFFF  }
0xb3: {  	[dreg:$0x0] =	wrdreg $0x60  }
0xb4: {  	[dreg:$0x2] =	wrdreg s16  }
0xb5: {  	[dreg:$0x3] =	wrdreg s24  }
0xb6: {  	[dreg:$0x4] =	wrdreg s17  }
0xb7: {  	[dreg:$0x5] =	wrdreg $0xCF000  }
0xb8: {  	[dreg:$0x6] =	wrdreg $0x9  }
0xb9: {  	_ =	task.clear_ibuf [dreg:s8], $0x7FFFF;
	_ =	strace $0x9000004C  }
0xba: {  	s29 =	simm.s32 $0x9;
	_ =	strace $0x8000004E  }
0xbb: {  	_ =	swait.ge [sflag:s29], $0x1  }
0xbc: {  	[sflag:s29] =	ssyncadd.s32 $0xFFFFFFFF  }
0xbd: {  	_ =	strace $0x9000004E  }
0xbe: {  	_ =	sfence  }
0xbf: {  	s30 =	sld [smem:$0x0];
	_ =	sdelay $0x2  }
0xc0: {  	s31 =	sshll.u32 s1, $0xD;
	s1 =	sshrl.u32 s1, $0x2  }
0xc1: {  	s3 =	sand.u32 $0x4000, s31;
	s1 =	sadd.s32 s1, s30  }
0xc2: {  	s0 =	sor.u32 s3, s0;
	s1 =	sshll.u32 s1, $0x11  }
0xc3: {  	s0 =	sor.u32 s1, s0  }
0xc4: {  	s0 =	sadd.s32 $0x8F2B, s0  }
0xc5: {  	[sflag:s0] =	ssyncadd.remote.s32 $0x1  }
0xc6: {  	_ =	sfence.sel $0xFFFF  }
0xc7: {  	[dreg:$0x0] =	wrdreg $0xFFFFFFFF;
	(pc) =	sbr.abs _section_cstart, $3  }
0xc8: {  	[dreg:$0x1] =	wrdreg $0xFFFFFFFF  }
0xc9: {  	_ =	task.clear_ibuf [dreg:s8], $0x2FFFF;
	_ =	strace $0x9FFFFFFF  }
0xca: {  	(tm) =	ssettm $0x7FFFFFFF  }
0xcb: {  	_ =	shalt  }
tec
execute0_lowered:
.L_overlay_start_1:
0x0: {  	(tag) =	ssettag $0x1  }
0x1: {  	s1 =	rddreg [dreg:$0x0]  }
0x2: {  	s4 =	rddreg [dreg:$0x1]  }
0x3: {  	s0 =	srdreg.scid;
	s5 =	rddreg [dreg:$0x2]  }
0x4: {  	s10 =	stileid.u32;
	s3 =	rddreg [dreg:$0x3]  }
0x5: {  	s7 =	simm.s32 $0x0;
	s15 =	simm.s32 $0x11;
	s16 =	simm.s32 $0x80  }
0x6: {  	s17 =	simm.s32 $0x4F00;
	s18 =	simm.s32 $0x5F00;
	s29 =	simm.s32 $0x9F00  }
0x7: {  	s28 =	simm.s32 $0x3;
	s30 =	simm.s32 $0x4;
	s31 =	simm.s32 $0x5  }
0x8: {  	s11 =	simm.s32 $0x10;
	s12 =	simm.s32 $0x0;
	s0 =	sand.u32 $0x1, s0  }
0x9: {  	s2 =	sshll.u32 s10, $0x1;
	[smem:$0x7FF] =	sst s7;
	p0 =	slt.u32 s10, $0x2  }
0xa: {  	s23 =	smul.u32 $0x4E00, s10;
	p1 =	sgt.u32 s10, $0x1;
	p2 =	sne.s32 s10, $0xF  }
0xb: {  	s2 =	sor.u32 s0, s2;
	s20 =	ssub.s32 $0x2, s0;
	s0 =	smul.u32 $0x4E200, s0  }
0xc: {  	_ =	strace $0x8000004D;
	s6 =	smul.u32 $0x4E, s2;
	s21 =	sshrl.u32 s20, $0x1  }
0xd: {  	s2 =	smin.u32 s2, $0x4;
	s26 =	sadd.s32 s23, s3;
	s22 =	ssub.s32 s20, s21  }
0xe: {  	s24 =	sadd.s32 s23, s0;
	s0 =	sshrl.u32 s0, $0x3;
	s20 =	simm.s32 $0x6F00  }
0xf: {  	s21 =	simm.s32 $0x1;
	s2 =	sadd.s32 s2, s6;
	s0 =	sadd.s32 s5, s0  }
0x10: {  	s23 =	simm.s32 $0x2;
	s2 =	sshll.u32 s2, $0x4;
	s0 =	sadd.s32 $0x9C00, s0  }
0x11: {  	s2 =	sadd.s32 s2, s4;
	s4 =	sadd.s32 $0x16E00, s4;
	[dreg:$0xa] =	wrdreg s0  }
0x12: {  	s6 =	simm.s32 $0x4F;
	[dreg:$0x5] =	wrdreg s4;
	s8 =	sadd.s32 $0x3400, s2  }
0x13: {  	s6 =	simm.s32 @!p0 $0x4E;
	s9 =	sadd.s32 $0x38E0, s2;
	[dreg:$0x6] =	wrdreg s8  }
0x14: {  	s0 =	sadd.s32 $0x4E000, s3;
	s4 =	smax.u32 s22, $0x1;
	[dreg:$0x7] =	wrdreg s9  }
0x15: {  	p0 =	sne.s32 s10, $0x0;
	s0 =	sshrl.u32 @!p2 s0, $0x3;
	[dreg:$0xb] =	wrdreg s4  }
0x16: {  	s8 =	sadd.s32 $0xD040, s2;
	s2 =	sadd.s32 $0xD520, s2;
	[dreg:$0xe] =	wrdreg s0  }
0x17: {  	s25 =	sshrl.u32 s24, $0x3;
	s4 =	sshrl.u32 @!p0 s3, $0x3;
	[dreg:$0x8] =	wrdreg s2  }
0x18: {  	s10 =	simm.s32 $0xF;
	s2 =	sadd.s32 s5, s25;
	[dreg:$0xc] =	wrdreg s4  }
0x19: {  	s22 =	simm.s32 $0x7F00;
	[dreg:$0x9] =	wrdreg s2;
	s2 =	sshrl.u32 s26, $0x3  }
0x1a: {  	s26 =	simm.s32 $0x8F00;
	[dreg:$0xd] =	wrdreg s2;
	s2 =	simm.s32 $0x6  }
.LBB2_1:
0x1b: {  	s4 =	rddreg [dreg:$0x5]  }
0x1c: {  	s0 =	simm.s32 @!p0 $0x1C11;
	s5 =	rddreg [dreg:$0xc]  }
0x1d: {  	[spmem:s5], [sflag:s0] =	dma.local @!p0 [hbm:s4], $0x9C40  }
0x1e: {  	s0 =	simm.s32 @!p0 $0x11  }
0x1f: {  	_ =	swait.ge @!p0 [sflag:s0], $0x9C40  }
0x20: {  	[sflag:s0] =	ssyncset.done @!p0 $0x0  }
0x21: {  	s25 =	simm.s32 $0x0;
	s7 =	rddreg [dreg:$0x6];
	[sflag:s0] =	ssyncadd.s32 @!p0 $0xFFFF63C0  }
0x22: {  	[tilespmem:s25], [sflag:$0x11] =	stream.linear.gather [hbm4b:s7+s25], $0x2700, $0x38;
	[tilespmem:$0x11D20] =	vst v63  }
0x23: {  	_ =	swait.ge [sflag:s15], $0x2700  }
0x24: {  	[sflag:s15] =	ssyncset.done $0x0  }
0x25: {  	s4 =	simm.s32 @p1 $0x2780;
	s0 =	simm.s32 @p1 $0x0;
	[sflag:s15] =	ssyncadd.s32 $0xFFFFD900  }
0x26: {  	[tilespmem:s4], [sflag:$0x11] =	stream.linear.gather @p1 [hbm4b:s8+s0], $0x2700, $0x38;
	[tilespmem:$0x11D20] =	vst v63  }
0x27: {  	s0 =	simm.s32 @p1 $0x11  }
0x28: {  	_ =	swait.ge @p1 [sflag:s0], $0x2700  }
0x29: {  	s4 =	simm.s32 @!p1 $0x2700;
	[sflag:s0] =	ssyncset.done @p1 $0x0  }
0x2a: {  	s7 =	rddreg [dreg:$0x7];
	[sflag:s0] =	ssyncadd.s32 @p1 $0xFFFFD900;
	s0 =	simm.s32 @!p1 $0x0  }
0x2b: {  	[tilespmem:s4], [sflag:$0x11] =	stream.linear.gather @!p1 [hbm4b:s7+s0], $0x80, $0x38;
	[tilespmem:$0x11D20] =	vst v63  }
0x2c: {  	s4 =	simm.s32 @!p1 $0x11  }
0x2d: {  	_ =	swait.ge @!p1 [sflag:s4], $0x80  }
0x2e: {  	[sflag:s4] =	ssyncset.done @!p1 $0x0  }
0x2f: {  	s13 =	simm.s32 @!p1 $0x2780;
	[sflag:s4] =	ssyncadd.s32 @!p1 $0xFFFFFF80  }
0x30: {  	[tilespmem:s13], [sflag:$0x11] =	stream.linear.gather @!p1 [hbm4b:s8+s0], $0x2700, $0x38;
	[tilespmem:$0x11D20] =	vst v63  }
0x31: {  	_ =	swait.ge @!p1 [sflag:s4], $0x2700  }
0x32: {  	[sflag:s4] =	ssyncset.done @!p1 $0x0  }
0x33: {  	s13 =	simm.s32 @!p1 $0x4E80;
	s7 =	rddreg [dreg:$0x8];
	[sflag:s4] =	ssyncadd.s32 @!p1 $0xFFFFD900  }
0x34: {  	[tilespmem:s13], [sflag:$0x11] =	stream.linear.gather @!p1 [hbm4b:s7+s0], $0x80, $0x38;
	[tilespmem:$0x11D20] =	vst v63  }
0x35: {  	_ =	swait.ge @!p1 [sflag:s4], $0x80  }
0x36: {  	[sflag:s4] =	ssyncset.done @!p1 $0x0  }
0x37: {  	[sflag:s4] =	ssyncadd.s32 @!p1 $0xFFFFFF80  }
0x38: {  	[bflag:$0x0] =	sbarrier.arrive $0xFFFF  }
0x39: {  	[tilespmem:s17], [sflag:$0x1] =	stream.indirect.gather [hbm4b:s1+s16], $0x20, s25, s16, $0xb8;
	[tilespmem:$0x11D20] =	vst v63  }
0x3a: {  	_ = 	snop  }
0x3b: {  	[tilespmem:s18], [sflag:$0x2] =	stream.indirect.gather [hbm4b:s1+s16], $0x20, s16, s16, $0xb8;
	[tilespmem:$0x11D20] =	vst v63  }
0x3c: {  	s9 =	simm.s32 $0x100  }
0x3d: {  	[tilespmem:s20], [sflag:$0x3] =	stream.indirect.gather [hbm4b:s1+s16], $0x20, s9, s16, $0xb8;
	[tilespmem:$0x11D20] =	vst v63  }
0x3e: {  	s13 =	simm.s32 $0x180  }
0x3f: {  	[tilespmem:s22], [sflag:$0x4] =	stream.indirect.gather [hbm4b:s1+s16], $0x20, s13, s16, $0xb8;
	[tilespmem:$0x11D20] =	vst v63  }
0x40: {  	s14 =	simm.s32 $0x200  }
0x41: {  	[tilespmem:s26], [sflag:$0x5] =	stream.indirect.gather [hbm4b:s1+s16], $0x20, s14, s16, $0xb8;
	[tilespmem:$0x11D20] =	vst v63  }
0x42: {  	s19 =	simm.s32 $0x280  }
0x43: {  	[tilespmem:s29], [sflag:$0x6] =	stream.indirect.gather [hbm4b:s1+s16], $0x20, s19, s16, $0xb8;
	[tilespmem:$0x11D20] =	vst v63  }
0x44: {  	s24 =	simm.s32 $0x300;
	s25 =	simm.s32 $0xAF00  }
0x45: {  	[tilespmem:s25], [sflag:$0x7] =	stream.indirect.gather [hbm4b:s1+s16], $0x20, s24, s16, $0xb8;
	[tilespmem:$0x11D20] =	vst v63  }
0x46: {  	s5 =	simm.s32 $0x380;
	s7 =	simm.s32 $0xBF00  }
0x47: {  	[tilespmem:s7], [sflag:$0x8] =	stream.indirect.gather [hbm4b:s1+s16], $0x20, s5, s16, $0xb8;
	[tilespmem:$0x11D20] =	vst v63  }
0x48: {  	_ =	swait.ge [sflag:s21], $0x1000  }
0x49: {  	p3 =	sle.u32 s6, $0x8;
	[sflag:s21] =	ssyncset.done $0x0  }
0x4a: {  	s4 =	simm.s32 @!p3 $0x9;
	s9 =	simm.s32 $0x2780;
	[sflag:s21] =	ssyncadd.s32 $0xFFFFF000  }
0x4b: {  	[spmem:s3] =	stream.indirect.scatter.add.f32 [tilespmem:s17], [sflag:$0x9], $0x20, s9, s16, $0xb8;
	[tilespmem:$0x11D20] =	vst v63  }
0x4c: {  	_ =	swait.ge @!p3 [sflag:s4], $0x1000  }
0x4d: {  	s0 =	simm.s32 @!p3 $0x400;
	[sflag:s4] =	ssyncset.done @!p3 $0x0  }
0x4e: {  	s13 =	simm.s32 @!p3 $0x80;
	s14 =	simm.s32 @!p3 $0x4F00;
	[sflag:s4] =	ssyncadd.s32 @!p3 $0xFFFFF000  }
0x4f: {  	[tilespmem:s14], [sflag:$0x1] =	stream.indirect.gather @!p3 [hbm4b:s1+s13], $0x20, s0, s13, $0xb8;
	[tilespmem:$0x11D20] =	vst v63  }
0x50: {  	_ =	swait.ge [sflag:s23], $0x1000  }
0x51: {  	p3 =	sle.u32 s6, $0x9;
	[sflag:s23] =	ssyncset.done $0x0  }
0x52: {  	s13 =	simm.s32 $0x2800;
	s4 =	simm.s32 @!p3 $0xA;
	[sflag:s23] =	ssyncadd.s32 $0xFFFFF000  }
0x53: {  	[spmem:s3] =	stream.indirect.scatter.add.f32 [tilespmem:s18], [sflag:$0xA], $0x20, s13, s16, $0xb8;
	[tilespmem:$0x11D20] =	vst v63  }
0x54: {  	_ =	swait.ge @!p3 [sflag:s4], $0x1000  }
0x55: {  	s0 =	simm.s32 @!p3 $0x480;
	[sflag:s4] =	ssyncset.done @!p3 $0x0  }
0x56: {  	s14 =	simm.s32 @!p3 $0x5F00;
	s13 =	simm.s32 @!p3 $0x80;
	[sflag:s4] =	ssyncadd.s32 @!p3 $0xFFFFF000  }
0x57: {  	[tilespmem:s14], [sflag:$0x2] =	stream.indirect.gather @!p3 [hbm4b:s1+s13], $0x20, s0, s13, $0xb8;
	[tilespmem:$0x11D20] =	vst v63  }
0x58: {  	_ =	swait.ge [sflag:s28], $0x1000  }
0x59: {  	p3 =	sle.u32 s6, $0xA;
	[sflag:s28] =	ssyncset.done $0x0  }
0x5a: {  	s14 =	simm.s32 $0x2880;
	s4 =	simm.s32 @!p3 $0xB;
	[sflag:s28] =	ssyncadd.s32 $0xFFFFF000  }
0x5b: {  	[spmem:s3] =	stream.indirect.scatter.add.f32 [tilespmem:s20], [sflag:$0xB], $0x20, s14, s16, $0xb8;
	[tilespmem:$0x11D20] =	vst v63  }
0x5c: {  	_ =	swait.ge @!p3 [sflag:s4], $0x1000  }
0x5d: {  	s0 =	simm.s32 @!p3 $0x500;
	[sflag:s4] =	ssyncset.done @!p3 $0x0  }
0x5e: {  	s13 =	simm.s32 @!p3 $0x80;
	s14 =	simm.s32 @!p3 $0x6F00;
	[sflag:s4] =	ssyncadd.s32 @!p3 $0xFFFFF000  }
0x5f: {  	[tilespmem:s14], [sflag:$0x3] =	stream.indirect.gather @!p3 [hbm4b:s1+s13], $0x20, s0, s13, $0xb8;
	[tilespmem:$0x11D20] =	vst v63  }
0x60: {  	_ =	swait.ge [sflag:s30], $0x1000  }
0x61: {  	p3 =	sle.u32 s6, $0xB;
	[sflag:s30] =	ssyncset.done $0x0  }
0x62: {  	s19 =	simm.s32 $0x2900;
	s4 =	simm.s32 @!p3 $0xC;
	[sflag:s30] =	ssyncadd.s32 $0xFFFFF000  }
0x63: {  	[spmem:s3] =	stream.indirect.scatter.add.f32 [tilespmem:s22], [sflag:$0xC], $0x20, s19, s16, $0xb8;
	[tilespmem:$0x11D20] =	vst v63  }
0x64: {  	_ =	swait.ge @!p3 [sflag:s4], $0x1000  }
0x65: {  	s0 =	simm.s32 @!p3 $0x580;
	[sflag:s4] =	ssyncset.done @!p3 $0x0  }
0x66: {  	s13 =	simm.s32 @!p3 $0x80;
	s14 =	simm.s32 @!p3 $0x7F00;
	[sflag:s4] =	ssyncadd.s32 @!p3 $0xFFFFF000  }
0x67: {  	[tilespmem:s14], [sflag:$0x4] =	stream.indirect.gather @!p3 [hbm4b:s1+s13], $0x20, s0, s13, $0xb8;
	[tilespmem:$0x11D20] =	vst v63  }
0x68: {  	_ =	swait.ge [sflag:s31], $0x1000  }
0x69: {  	p3 =	sle.u32 s6, $0xC;
	[sflag:s31] =	ssyncset.done $0x0  }
0x6a: {  	s24 =	simm.s32 $0x2980;
	s4 =	simm.s32 @!p3 $0xD;
	[sflag:s31] =	ssyncadd.s32 $0xFFFFF000  }
0x6b: {  	[spmem:s3] =	stream.indirect.scatter.add.f32 [tilespmem:s26], [sflag:$0xD], $0x20, s24, s16, $0xb8;
	[tilespmem:$0x11D20] =	vst v63  }
0x6c: {  	_ =	swait.ge @!p3 [sflag:s4], $0x1000  }
0x6d: {  	s0 =	simm.s32 @!p3 $0x600;
	[sflag:s4] =	ssyncset.done @!p3 $0x0  }
0x6e: {  	s13 =	simm.s32 @!p3 $0x80;
	s14 =	simm.s32 @!p3 $0x8F00;
	[sflag:s4] =	ssyncadd.s32 @!p3 $0xFFFFF000  }
0x6f: {  	[tilespmem:s14], [sflag:$0x5] =	stream.indirect.gather @!p3 [hbm4b:s1+s13], $0x20, s0, s13, $0xb8;
	[tilespmem:$0x11D20] =	vst v63  }
0x70: {  	_ =	swait.ge [sflag:s2], $0x1000  }
0x71: {  	p3 =	sle.u32 s6, $0xD;
	[sflag:s2] =	ssyncset.done $0x0  }
0x72: {  	s25 =	simm.s32 $0x2A00;
	s4 =	simm.s32 @!p3 $0xE;
	[sflag:s2] =	ssyncadd.s32 $0xFFFFF000  }
0x73: {  	[spmem:s3] =	stream.indirect.scatter.add.f32 [tilespmem:s29], [sflag:$0xE], $0x20, s25, s16, $0xb8;
	[tilespmem:$0x11D20] =	vst v63  }
0x74: {  	p4 =	sle.u32 s6, $0x6;
	_ =	swait.ge @!p3 [sflag:s4], $0x1000  }
0x75: {  	s0 =	simm.s32 @!p3 $0x680;
	s13 =	simm.s32 @!p3 $0x9F00;
	[sflag:s4] =	ssyncset.done @!p3 $0x0  }
0x76: {  	s14 =	simm.s32 @!p3 $0x80;
	[sflag:s4] =	ssyncadd.s32 @!p3 $0xFFFFF000;
	s4 =	simm.s32 @!p4 $0x7  }
0x77: {  	[tilespmem:s13], [sflag:$0x6] =	stream.indirect.gather @!p3 [hbm4b:s1+s14], $0x20, s0, s14, $0xb8;
	[tilespmem:$0x11D20] =	vst v63  }
0x78: {  	s0 =	simm.s32 @!p4 $0x2A80;
	_ =	swait.ge @!p4 [sflag:s4], $0x1000  }
0x79: {  	s13 =	simm.s32 @!p4 $0xAF00;
	p3 =	sle.u32 s6, $0xE;
	[sflag:s4] =	ssyncset.done @!p4 $0x0  }
0x7a: {  	s14 =	simm.s32 @!p4 $0x80;
	[sflag:s4] =	ssyncadd.s32 @!p4 $0xFFFFF000;
	s4 =	simm.s32 @!p3 $0xF  }
0x7b: {  	[spmem:s3] =	stream.indirect.scatter.add.f32 @!p4 [tilespmem:s13], [sflag:$0xF], $0x20, s0, s14, $0xb8;
	[tilespmem:$0x11D20] =	vst v63  }
0x7c: {  	p5 =	sle.u32 s6, $0x7;
	s0 =	simm.s32 @!p3 $0x700;
	_ =	swait.ge @!p3 [sflag:s4], $0x1000  }
0x7d: {  	s13 =	simm.s32 @!p3 $0xAF00;
	s14 =	simm.s32 @!p3 $0x80;
	[sflag:s4] =	ssyncset.done @!p3 $0x0  }
0x7e: {  	p4 =	sle.u32 s6, $0xF;
	[sflag:s4] =	ssyncadd.s32 @!p3 $0xFFFFF000;
	s4 =	simm.s32 @!p5 $0x8  }
0x7f: {  	[tilespmem:s13], [sflag:$0x7] =	stream.indirect.gather @!p3 [hbm4b:s1+s14], $0x20, s0, s14, $0xb8;
	[tilespmem:$0x11D20] =	vst v63  }
0x80: {  	s25 =	simm.s32 @!p4 $0x10;
	_ =	swait.ge @!p5 [sflag:s4], $0x1000  }
0x81: {  	s19 =	simm.s32 @!p4 $0x780;
	s0 =	simm.s32 @!p5 $0x2B00;
	[sflag:s4] =	ssyncset.done @!p5 $0x0  }
0x82: {  	s13 =	simm.s32 @!p5 $0xBF00;
	s14 =	simm.s32 @!p5 $0x80;
	[sflag:s4] =	ssyncadd.s32 @!p5 $0xFFFFF000  }
0x83: {  	[spmem:s3] =	stream.indirect.scatter.add.f32 @!p5 [tilespmem:s13], [sflag:$0x10], $0x20, s0, s14, $0xb8;
	[tilespmem:$0x11D20] =	vst v63  }
0x84: {  	s4 =	simm.s32 @!p4 $0xBF00;
	s13 =	simm.s32 $0x1000;
	_ =	swait.ge @!p4 [sflag:s25], $0x1000  }
0x85: {  	s0 =	simm.s32 @!p4 $0x80;
	s14 =	simm.s32 $0xF;
	[sflag:s25] =	ssyncset.done @!p4 $0x0  }
.LBB2_2:
0x86: {  	[sflag:s25] =	ssyncadd.s32 @!p4 $0xFFFFF000  }
0x87: {  	s14 =	sadd.s32 $0x8, s14;
	s24 =	smov.u32 s13;
	s13 =	sadd.s32 $0x1000, s13  }
0x88: {  	[tilespmem:s4], [sflag:$0x8] =	stream.indirect.gather @!p4 [hbm4b:s1+s0], $0x20, s19, s0, $0xb8;
	[tilespmem:$0x11D20] =	vst v63  }
0x89: {  	s25 =	sshra.s32 s24, $0x2;
	s0 =	sadd.s32 $0xFFFFFFF9, s14;
	_ =	swait.ge [sflag:s21], $0x1000  }
0x8a: {  	s4 =	sadd.s32 $0x2780, s25;
	p4 =	sge.u32 s0, s6;
	[sflag:s21] =	ssyncset.done $0x0  }
0x8b: {  	s0 =	simm.s32 @!p4 $0x9;
	s19 =	sshra.s32 @!p4 s24, $0x2;
	[sflag:s21] =	ssyncadd.s32 $0xFFFFF000  }
0x8c: {  	[spmem:s3] =	stream.indirect.scatter.add.f32 [tilespmem:s17], [sflag:$0x9], $0x20, s4, s16, $0xb8;
	[tilespmem:$0x11D20] =	vst v63  }
0x8d: {  	p3 =	sne.s32 s13, $0xA000;
	s4 =	sadd.s32 @!p4 $0x400, s19;
	_ =	swait.ge @!p4 [sflag:s0], $0x1000  }
0x8e: {  	s5 =	simm.s32 @!p4 $0x4F00;
	s19 =	simm.s32 @!p4 $0x80;
	[sflag:s0] =	ssyncset.done @!p4 $0x0  }
0x8f: {  	[sflag:s0] =	ssyncadd.s32 @!p4 $0xFFFFF000  }
0x90: {  	[tilespmem:s5], [sflag:$0x1] =	stream.indirect.gather @!p4 [hbm4b:s1+s19], $0x20, s4, s19, $0xb8;
	[tilespmem:$0x11D20] =	vst v63  }
0x91: {  	s0 =	sadd.s32 $0xFFFFFFFA, s14;
	_ =	swait.ge [sflag:s23], $0x1000  }
0x92: {  	s4 =	sadd.s32 $0x2800, s25;
	p4 =	sge.u32 s0, s6;
	[sflag:s23] =	ssyncset.done $0x0  }
0x93: {  	s0 =	simm.s32 @!p4 $0xA;
	s5 =	sshra.s32 @!p4 s24, $0x2;
	[sflag:s23] =	ssyncadd.s32 $0xFFFFF000  }
0x94: {  	[spmem:s3] =	stream.indirect.scatter.add.f32 [tilespmem:s18], [sflag:$0xA], $0x20, s4, s16, $0xb8;
	[tilespmem:$0x11D20] =	vst v63  }
0x95: {  	s4 =	sadd.s32 @!p4 $0x480, s5;
	_ =	swait.ge @!p4 [sflag:s0], $0x1000  }
0x96: {  	s19 =	simm.s32 @!p4 $0x5F00;
	s5 =	simm.s32 @!p4 $0x80;
	[sflag:s0] =	ssyncset.done @!p4 $0x0  }
0x97: {  	[sflag:s0] =	ssyncadd.s32 @!p4 $0xFFFFF000  }
0x98: {  	[tilespmem:s19], [sflag:$0x2] =	stream.indirect.gather @!p4 [hbm4b:s1+s5], $0x20, s4, s5, $0xb8;
	[tilespmem:$0x11D20] =	vst v63  }
0x99: {  	s0 =	sadd.s32 $0xFFFFFFFB, s14;
	_ =	swait.ge [sflag:s28], $0x1000  }
0x9a: {  	s4 =	sadd.s32 $0x2880, s25;
	p4 =	sge.u32 s0, s6;
	[sflag:s28] =	ssyncset.done $0x0  }
0x9b: {  	s0 =	simm.s32 @!p4 $0xB;
	s5 =	sshra.s32 @!p4 s24, $0x2;
	[sflag:s28] =	ssyncadd.s32 $0xFFFFF000  }
0x9c: {  	[spmem:s3] =	stream.indirect.scatter.add.f32 [tilespmem:s20], [sflag:$0xB], $0x20, s4, s16, $0xb8;
	[tilespmem:$0x11D20] =	vst v63  }
0x9d: {  	s4 =	sadd.s32 @!p4 $0x500, s5;
	_ =	swait.ge @!p4 [sflag:s0], $0x1000  }
0x9e: {  	s19 =	simm.s32 @!p4 $0x6F00;
	s5 =	simm.s32 @!p4 $0x80;
	[sflag:s0] =	ssyncset.done @!p4 $0x0  }
0x9f: {  	[sflag:s0] =	ssyncadd.s32 @!p4 $0xFFFFF000  }
0xa0: {  	[tilespmem:s19], [sflag:$0x3] =	stream.indirect.gather @!p4 [hbm4b:s1+s5], $0x20, s4, s5, $0xb8;
	[tilespmem:$0x11D20] =	vst v63  }
0xa1: {  	s0 =	sadd.s32 $0xFFFFFFFC, s14;
	_ =	swait.ge [sflag:s30], $0x1000  }
0xa2: {  	s4 =	sadd.s32 $0x2900, s25;
	p4 =	sge.u32 s0, s6;
	[sflag:s30] =	ssyncset.done $0x0  }
0xa3: {  	s0 =	simm.s32 @!p4 $0xC;
	s5 =	sshra.s32 @!p4 s24, $0x2;
	[sflag:s30] =	ssyncadd.s32 $0xFFFFF000  }
0xa4: {  	[spmem:s3] =	stream.indirect.scatter.add.f32 [tilespmem:s22], [sflag:$0xC], $0x20, s4, s16, $0xb8;
	[tilespmem:$0x11D20] =	vst v63  }
0xa5: {  	s4 =	sadd.s32 @!p4 $0x580, s5;
	_ =	swait.ge @!p4 [sflag:s0], $0x1000  }
0xa6: {  	s19 =	simm.s32 @!p4 $0x7F00;
	s5 =	simm.s32 @!p4 $0x80;
	[sflag:s0] =	ssyncset.done @!p4 $0x0  }
0xa7: {  	[sflag:s0] =	ssyncadd.s32 @!p4 $0xFFFFF000  }
0xa8: {  	[tilespmem:s19], [sflag:$0x4] =	stream.indirect.gather @!p4 [hbm4b:s1+s5], $0x20, s4, s5, $0xb8;
	[tilespmem:$0x11D20] =	vst v63  }
0xa9: {  	s0 =	sadd.s32 $0xFFFFFFFD, s14;
	_ =	swait.ge [sflag:s31], $0x1000  }
0xaa: {  	s4 =	sadd.s32 $0x2980, s25;
	p5 =	sge.u32 s0, s6;
	[sflag:s31] =	ssyncset.done $0x0  }
0xab: {  	s0 =	simm.s32 @!p5 $0xD;
	s5 =	sshra.s32 @!p5 s24, $0x2;
	[sflag:s31] =	ssyncadd.s32 $0xFFFFF000  }
0xac: {  	[spmem:s3] =	stream.indirect.scatter.add.f32 [tilespmem:s26], [sflag:$0xD], $0x20, s4, s16, $0xb8;
	[tilespmem:$0x11D20] =	vst v63  }
0xad: {  	p4 =	sge.u32 s14, s6;
	s4 =	sadd.s32 @!p5 $0x600, s5;
	_ =	swait.ge @!p5 [sflag:s0], $0x1000  }
0xae: {  	s19 =	simm.s32 @!p5 $0x8F00;
	s5 =	simm.s32 @!p5 $0x80;
	[sflag:s0] =	ssyncset.done @!p5 $0x0  }
0xaf: {  	s7 =	sadd.s32 $0xFFFFFFF8, s14;
	[sflag:s0] =	ssyncadd.s32 @!p5 $0xFFFFF000;
	s0 =	sadd.s32 $0xFFFFFFFF, s14  }
0xb0: {  	[tilespmem:s19], [sflag:$0x5] =	stream.indirect.gather @!p5 [hbm4b:s1+s5], $0x20, s4, s5, $0xb8;
	[tilespmem:$0x11D20] =	vst v63  }
0xb1: {  	s4 =	sadd.s32 $0xFFFFFFFE, s14;
	s5 =	sadd.s32 $0xFFFFFFF7, s14;
	_ =	swait.ge [sflag:s2], $0x1000  }
0xb2: {  	s19 =	sadd.s32 $0x2A00, s25;
	p5 =	sge.u32 s4, s6;
	[sflag:s2] =	ssyncset.done $0x0  }
0xb3: {  	s4 =	simm.s32 @!p5 $0xE;
	s25 =	sshra.s32 @!p5 s24, $0x2;
	[sflag:s2] =	ssyncadd.s32 $0xFFFFF000  }
0xb4: {  	[spmem:s3] =	stream.indirect.scatter.add.f32 [tilespmem:s29], [sflag:$0xE], $0x20, s19, s16, $0xb8;
	[tilespmem:$0x11D20] =	vst v63  }
0xb5: {  	s19 =	sadd.s32 @!p5 $0x680, s25;
	s25 =	simm.s32 @!p5 $0x9F00;
	_ =	swait.ge @!p5 [sflag:s4], $0x1000  }
0xb6: {  	p6 =	sge.u32 s5, s6;
	s9 =	simm.s32 @!p5 $0x80;
	[sflag:s4] =	ssyncset.done @!p5 $0x0  }
0xb7: {  	s5 =	sshra.s32 @!p6 s24, $0x2;
	[sflag:s4] =	ssyncadd.s32 @!p5 $0xFFFFF000;
	s4 =	simm.s32 @!p6 $0x7  }
0xb8: {  	[tilespmem:s25], [sflag:$0x6] =	stream.indirect.gather @!p5 [hbm4b:s1+s9], $0x20, s19, s9, $0xb8;
	[tilespmem:$0x11D20] =	vst v63  }
0xb9: {  	s5 =	sadd.s32 @!p6 $0x2A80, s5;
	s9 =	simm.s32 @!p6 $0xAF00;
	_ =	swait.ge @!p6 [sflag:s4], $0x1000  }
0xba: {  	s19 =	simm.s32 @!p6 $0x80;
	p5 =	sge.u32 s0, s6;
	[sflag:s4] =	ssyncset.done @!p6 $0x0  }
0xbb: {  	s0 =	simm.s32 @!p5 $0xF;
	[sflag:s4] =	ssyncadd.s32 @!p6 $0xFFFFF000;
	s4 =	sshra.s32 @!p5 s24, $0x2  }
0xbc: {  	[spmem:s3] =	stream.indirect.scatter.add.f32 @!p6 [tilespmem:s9], [sflag:$0xF], $0x20, s5, s19, $0xb8;
	[tilespmem:$0x11D20] =	vst v63  }
0xbd: {  	s4 =	sadd.s32 @!p5 $0x700, s4;
	s5 =	simm.s32 @!p5 $0xAF00;
	_ =	swait.ge @!p5 [sflag:s0], $0x1000  }
0xbe: {  	s9 =	simm.s32 @!p5 $0x80;
	p6 =	sge.u32 s7, s6;
	[sflag:s0] =	ssyncset.done @!p5 $0x0  }
0xbf: {  	s7 =	sshra.s32 @!p6 s24, $0x2;
	[sflag:s0] =	ssyncadd.s32 @!p5 $0xFFFFF000;
	s0 =	simm.s32 @!p6 $0x8  }
0xc0: {  	[tilespmem:s5], [sflag:$0x7] =	stream.indirect.gather @!p5 [hbm4b:s1+s9], $0x20, s4, s9, $0xb8;
	[tilespmem:$0x11D20] =	vst v63  }
0xc1: {  	s4 =	sadd.s32 @!p6 $0x2B00, s7;
	s5 =	simm.s32 @!p6 $0xBF00;
	_ =	swait.ge @!p6 [sflag:s0], $0x1000  }
.Ltmp0:
0xc2: {  	s7 =	simm.s32 @!p6 $0x80;
	[sflag:s0] =	ssyncset.done @!p6 $0x0;
	(pc) =	sbr.rel @p3 .LBB2_2-.Ltmp0, $4  }
0xc3: {  	s25 =	simm.s32 @!p4 $0x10;
	[sflag:s0] =	ssyncadd.s32 @!p6 $0xFFFFF000;
	s0 =	sshra.s32 @!p4 s24, $0x2  }
0xc4: {  	[spmem:s3] =	stream.indirect.scatter.add.f32 @!p6 [tilespmem:s5], [sflag:$0x10], $0x20, s4, s7, $0xb8;
	[tilespmem:$0x11D20] =	vst v63  }
0xc5: {  	s19 =	sadd.s32 @!p4 $0x780, s0;
	_ =	swait.ge @!p4 [sflag:s25], $0x1000  }
0xc6: {  	s0 =	simm.s32 @!p4 $0x80;
	s4 =	simm.s32 @!p4 $0xBF00;
	[sflag:s25] =	ssyncset.done @!p4 $0x0  }
0xc7: {  	[sflag:s25] =	ssyncadd.s32 @!p4 $0xFFFFF000  }
0xc8: {  	[tilespmem:s4], [sflag:$0x8] =	stream.indirect.gather @!p4 [hbm4b:s1+s0], $0x20, s19, s0, $0xb8;
	[tilespmem:$0x11D20] =	vst v63  }
0xc9: {  	s4 =	simm.s32 $0x9  }
0xca: {  	_ =	swait.ge [sflag:s4], $0x1000  }
0xcb: {  	[sflag:s4] =	ssyncset.done $0x0  }
0xcc: {  	s5 =	simm.s32 $0xA;
	[sflag:s4] =	ssyncadd.s32 $0xFFFFF000  }
0xcd: {  	_ =	swait.ge [sflag:s5], $0x1000  }
0xce: {  	[sflag:s5] =	ssyncset.done $0x0  }
0xcf: {  	s7 =	simm.s32 $0xB;
	[sflag:s5] =	ssyncadd.s32 $0xFFFFF000  }
0xd0: {  	_ =	swait.ge [sflag:s7], $0x1000  }
0xd1: {  	[sflag:s7] =	ssyncset.done $0x0  }
0xd2: {  	s9 =	simm.s32 $0xC;
	[sflag:s7] =	ssyncadd.s32 $0xFFFFF000  }
0xd3: {  	_ =	swait.ge [sflag:s9], $0x1000  }
0xd4: {  	[sflag:s9] =	ssyncset.done $0x0  }
0xd5: {  	s13 =	simm.s32 $0xD;
	[sflag:s9] =	ssyncadd.s32 $0xFFFFF000  }
0xd6: {  	_ =	swait.ge [sflag:s13], $0x1000  }
0xd7: {  	[sflag:s13] =	ssyncset.done $0x0  }
0xd8: {  	s14 =	simm.s32 $0xE;
	[sflag:s13] =	ssyncadd.s32 $0xFFFFF000  }
0xd9: {  	_ =	swait.ge [sflag:s14], $0x1000  }
0xda: {  	[sflag:s14] =	ssyncset.done $0x0  }
0xdb: {  	[sflag:s14] =	ssyncadd.s32 $0xFFFFF000  }
0xdc: {  	_ =	swait.ge [sflag:s10], $0x1000  }
0xdd: {  	[sflag:s10] =	ssyncset.done $0x0  }
0xde: {  	[sflag:s10] =	ssyncadd.s32 $0xFFFFF000  }
0xdf: {  	_ =	swait.ge [sflag:s11], $0x1000  }
0xe0: {  	[sflag:s11] =	ssyncset.done $0x0  }
0xe1: {  	[sflag:s11] =	ssyncadd.s32 $0xFFFFF000  }
0xe2: {  	s19 =	stileid.u32;
	[bflag:$0x0] =	sbarrier.arrive $0xFFFF  }
0xe3: {  	s0 =	sshll.u32 s19, $0x6;
	s24 =	rddreg [dreg:$0x9]  }
0xe4: {  	s0 =	sor.u32 $0x1C11, s0;
	s5 =	rddreg [dreg:$0xd]  }
0xe5: {  	[hbm:s24], [sflag:s0] =	dma.local [spmem:s5], $0x9C0  }
0xe6: {  	_ =	swait.ge [sflag:s15], $0x9C0  }
0xe7: {  	[sflag:s15] =	ssyncset.done $0x0;
	s4 =	rddreg [dreg:$0xa]  }
0xe8: {  	s5 =	rddreg [dreg:$0xe];
	[sflag:s15] =	ssyncadd.s32 $0xFFFFF640  }
0xe9: {  	[hbm:s4], [sflag:s0] =	dma.local @!p2 [spmem:s5], $0x40  }
0xea: {  	s0 =	simm.s32 @!p2 $0x11  }
0xeb: {  	_ =	swait.ge @!p2 [sflag:s0], $0x40  }
0xec: {  	s12 =	sadd.s32 $0x1, s12;
	s25 =	rddreg [dreg:$0xb]  }
0xed: {  	p3 =	sne.s32 s12, s25  }
.Ltmp1:
0xee: {  	_ = 	snop;
	(pc) =	sbr.rel @p3 .LBB2_1-.Ltmp1, $3  }
0xef: {  	_ =	sdelay $0x1  }
0xf0: {  	[sflag:s0] =	ssyncset.done @!p2 $0x0  }
0xf1: {  	[sflag:s0] =	ssyncadd.s32 @!p2 $0xFFFFFFC0  }
0xf2: {  	_ =	sfence.sel $0x180000  }
0xf3: {  	[bflag:$0x0] =	sbarrier.arrive $0xFFFF  }
0xf4: {  	_ =	strace $0x9000004D  }
0xf5: {  	[bflag:$0x2] =	sbarrier.arrive $0xFFFF  }
0xf6: {  	s0 =	rddreg [dreg:$0x4]  }
0xf7: {  	s0 =	sadd.s32 @!p0 $0x100000, s0  }
0xf8: {  	[sflag:s0] =	ssyncadd.tile.s32 @!p0 $0x1;
	_ =	shalt  }
.Lfunc_end2:
_tile_overlayer_lowered:
.L_overlay_start_2:
0xf9: {  	(tag) =	ssettag $0x2  }
0xfa: {  	s0 =	rddreg [dreg:$0x0];
	s2 =	stileid.u32  }
0xfb: {  	s1 =	rddreg [dreg:$0x1];
	p0 =	sne.s32 s2, $0x0  }
0xfc: {  	s3 =	rddreg [dreg:$0x2];
	[bflag:$0x3] =	sbarrier.arrive $0xFFFF;
	s2 =	simm.s32 @!p0 $0x1C11  }
0xfd: {  	[timem:s3], [sflag:s2] =	dma.local @!p0 [hbm:s0], s1  }
0xfe: {  	s0 =	simm.s32 @!p0 $0x11  }
0xff: {  	_ =	swait.ge @!p0 [sflag:s0], s1  }
0x100: {  	s1 =	ssub.s32 @!p0 $0x0, s1;
	[sflag:s0] =	ssyncset.done @!p0 $0x0  }
0x101: {  	[sflag:s0] =	ssyncadd.s32 @!p0 s1  }
0x102: {  	[bflag:$0x3] =	sbarrier.arrive $0xFFFF  }
0x103: {  	_ =	shalt  }

// kernel: kernel.8.cloned.1.call-start
scs
__scs_entry_jumppad:
0x0: {  	(pc) =	sbr.rel $0x88, $3  }
0x1: {  	(tag) =	ssettag $0x0;
	lr =	simm.s32 $0x1  }
0x2: {  	[smem:$0x3F93] =	sst lr;
	_ =	strace $0xD0000000  }
0x3: {  	_ = 	snop  }
0x4: {  	_ = 	snop  }
0x5: {  	_ = 	snop  }
0x6: {  	_ = 	snop  }
0x7: {  	_ = 	snop  }
__scs_overlays_trampoline_lowered:
0x8: {  	[smem:$0x3FA2] =	sst s0  }
0x9: {  	[smem:$0x3FA3] =	sst s1  }
0xa: {  	[smem:$0x3FA4] =	sst s2  }
0xb: {  	[smem:$0x3FA5] =	sst s3  }
0xc: {  	[smem:$0x3FA6] =	sst s4  }
0xd: {  	[smem:$0x3FA7] =	sst s5  }
0xe: {  	[smem:$0x3FA8] =	sst s6  }
0xf: {  	[smem:$0x3FA9] =	sst s7  }
0x10: {  	[smem:$0x3FAA] =	sst s8  }
0x11: {  	[smem:$0x3FAB] =	sst s9;
	s0 =	simm.s32 @!p0 $0x0  }
0x12: {  	s1 =	sld [smem:$0x3F91];
	s0 =	simm.s32 @p0 $0x1  }
0x13: {  	[smem:$0x3FAC] =	sst s0;
	s0 =	simm.s32 @!p1 $0x0  }
0x14: {  	s2 =	sld [smem:$0x3F90];
	s0 =	simm.s32 @p1 $0x1  }
0x15: {  	[smem:$0x3FAD] =	sst s0;
	s0 =	simm.s32 @!p2 $0x0  }
0x16: {  	s3 =	sld [smem:$0x3FDB];
	s0 =	simm.s32 @p2 $0x1  }
0x17: {  	s4 =	simm.s32 $0x1BF5;
	[smem:$0x3FAF] =	sst s0  }
0x18: {  	s0 =	sld [smem:$0x3F92];
	_ =	swait.ge [sflag:s4], $0x0  }
0x19: {  	s7 =	sld [smem:$0x3F93]  }
0x1a: {  	s8 =	sadd.s32 $0xFFFFE003, lr  }
0x1b: {  	s9 =	sadd.s32 $0xFFFFFEF7, lr;
	s5 =	simm.s32 $0xFFFFFFFF;
	p2 =	slt.u32 s8, $0xFFFFF086  }
0x1c: {  	p1 =	slt.u32 s9, $0xF7A;
	s5 =	simm.s32 @!p2 $0x0  }
0x1d: {  	s5 =	simm.s32 @p1 $0x1;
	p0 =	seq.s32 s7, s2  }
0x1e: {  	s7 =	smul.u32 @!p0 $0xF7A, s2;
	p2 =	seq.s32 @!p0 s5, $0x0  }
0x1f: {  	s9 =	smul.u32 $0xF7A, s1;
	s8 =	simm.s32 @!p0 $0x1BF5;
	p2 =	por !p2, p0  }
0x20: {  	[sflag:s8] =	ssyncset.s32 @!p0 $0xFFFFF086;
	s6 =	sadd.s32 @!p0 s3, s7;
	s7 =	simm.s32 @!p0 $0x108  }
0x21: {  	s3 =	sadd.s32 s3, s9;
	s6 =	sadd.s32 @!p0 $0x88, s6;
	s7 =	simm.s32 @p2 $0x1082  }
0x22: {  	[simem:s7], [sflag:s8] =	dma.local @!p0 [hbm:s6], $0xF7A  }
0x23: {  	s9 =	sor.u32 $0xD0000000, s2;
	s6 =	simm.s32 $0x108;
	_ =	swait.ge @!p0 [sflag:s8], $0x0  }
0x24: {  	s3 =	sadd.s32 $0x88, s3;
	s6 =	simm.s32 @!p1 $0x1082;
	[sflag:s4] =	ssyncset.s32 $0xFFFFF086  }
0x25: {  	[simem:s6], [sflag:s4] =	dma.local [hbm:s3], $0xF7A  }
0x26: {  	[smem:$0x3F93] =	sst s1;
	(tag) =	ssettag s2;
	_ =	strace s9  }
0x27: {  	s1 =	sld [smem:$0x3FA3]  }
0x28: {  	s2 =	sld [smem:$0x3FA4]  }
0x29: {  	s4 =	sld [smem:$0x3FA6]  }
0x2a: {  	p0 =	seq.s32 s5, $0x0;
	s5 =	sld [smem:$0x3FA7]  }
0x2b: {  	s6 =	sld [smem:$0x3FA8]  }
0x2c: {  	s7 =	sld [smem:$0x3FA9]  }
0x2d: {  	s3 =	simm.s32 $0x108;
	s8 =	sld [smem:$0x3FAA]  }
0x2e: {  	s3 =	simm.s32 @!p0 $0x1082;
	s9 =	sld [smem:$0x3FAB]  }
0x2f: {  	lr =	sadd.s32 s0, s3;
	s0 =	sld [smem:$0x3FA2]  }
0x30: {  	s3 =	sld [smem:$0x3FA5]  }
0x31: {  	[smem:$0x3FAE] =	sst s10  }
0x32: {  	s10 =	sld [smem:$0x3FAC];
	_ =	sdelay $0x3  }
0x33: {  	p0 =	seq.s32 s10, $0x1;
	s10 =	sld [smem:$0x3FAE];
	_ =	sdelay $0x3  }
0x34: {  	[smem:$0x3FAE] =	sst s10  }
0x35: {  	s10 =	sld [smem:$0x3FAD];
	_ =	sdelay $0x3  }
0x36: {  	p1 =	seq.s32 s10, $0x1;
	s10 =	sld [smem:$0x3FAE];
	_ =	sdelay $0x3  }
0x37: {  	[smem:$0x3FAE] =	sst s10  }
0x38: {  	s10 =	sld [smem:$0x3FAF]  }
0x39: {  	_ = 	snop;
	(pc) =	sbr.ind lr, $3  }
0x3a: {  	_ = 	snop  }
0x3b: {  	_ = 	snop  }
0x3c: {  	p2 =	seq.s32 s10, $0x1;
	s10 =	sld [smem:$0x3FAE]  }
0x3d: {  	_ =	shalt  }
0x3e: {  	_ =	shalt  }
0x3f: {  	_ =	shalt  }
0x40: {  	_ =	shalt  }
0x41: {  	_ =	shalt  }
0x42: {  	_ =	shalt  }
0x43: {  	_ =	shalt  }
0x44: {  	_ =	shalt  }
0x45: {  	_ =	shalt  }
0x46: {  	_ =	shalt  }
0x47: {  	_ =	shalt  }
0x48: {  	_ =	shalt  }
0x49: {  	_ =	shalt  }
0x4a: {  	_ =	shalt  }
0x4b: {  	_ =	shalt  }
0x4c: {  	_ =	shalt  }
0x4d: {  	_ =	shalt  }
0x4e: {  	_ =	shalt  }
0x4f: {  	_ =	shalt  }
0x50: {  	_ =	shalt  }
0x51: {  	_ =	shalt  }
0x52: {  	_ =	shalt  }
0x53: {  	_ =	shalt  }
0x54: {  	_ =	shalt  }
0x55: {  	_ =	shalt  }
0x56: {  	_ =	shalt  }
0x57: {  	_ =	shalt  }
0x58: {  	_ =	shalt  }
0x59: {  	_ =	shalt  }
0x5a: {  	_ =	shalt  }
0x5b: {  	_ =	shalt  }
0x5c: {  	_ =	shalt  }
0x5d: {  	_ =	shalt  }
0x5e: {  	_ =	shalt  }
0x5f: {  	_ =	shalt  }
0x60: {  	_ =	shalt  }
0x61: {  	_ =	shalt  }
0x62: {  	_ =	shalt  }
0x63: {  	_ =	shalt  }
0x64: {  	_ =	shalt  }
0x65: {  	_ =	shalt  }
0x66: {  	_ =	shalt  }
0x67: {  	_ =	shalt  }
0x68: {  	_ =	shalt  }
0x69: {  	_ =	shalt  }
0x6a: {  	_ =	shalt  }
0x6b: {  	_ =	shalt  }
0x6c: {  	_ =	shalt  }
0x6d: {  	_ =	shalt  }
0x6e: {  	_ =	shalt  }
0x6f: {  	_ =	shalt  }
0x70: {  	_ =	shalt  }
0x71: {  	_ =	shalt  }
0x72: {  	_ =	shalt  }
0x73: {  	_ =	shalt  }
0x74: {  	_ =	shalt  }
0x75: {  	_ =	shalt  }
0x76: {  	_ =	shalt  }
0x77: {  	_ =	shalt  }
0x78: {  	_ =	shalt  }
0x79: {  	_ =	shalt  }
0x7a: {  	_ =	shalt  }
0x7b: {  	_ =	shalt  }
0x7c: {  	_ =	shalt  }
0x7d: {  	_ =	shalt  }
0x7e: {  	_ =	shalt  }
0x7f: {  	_ =	shalt  }
0x80: {  	_ =	shalt  }
0x81: {  	_ =	shalt  }
0x82: {  	_ =	shalt  }
0x83: {  	_ =	shalt  }
0x84: {  	_ =	shalt  }
0x85: {  	_ =	shalt  }
0x86: {  	_ =	shalt  }
0x87: {  	_ =	shalt  }
.Lfunc_end0:
.L_simem_size_0:
called_computation_lowered:
.L_overlay_start_0:
0x88: {  	s2 =	sld [smem:$0x3FD9]  }
0x89: {  	s3 =	sld [smem:$0x3FFE];
	_ =	sdelay $0x1  }
0x8a: {  	s1 =	srdreg.scid  }
0x8b: {  	s0 =	sand.u32 $0x1, s1  }
0x8c: {  	s14 =	sshll.u32 s0, $0xA;
	s2 =	sadd.s32 s3, s2  }
0x8d: {  	s2 =	sadd.s32 s2, s14  }
0x8e: {  	[smem:$0x3FBA] =	sst s2  }
0x8f: {  	_ = 	snop  }
0x90: {  	s2 =	sld [smem:$0x3FD0];
	_ =	sdelay $0x2  }
0x91: {  	s15 =	simm.s32 $0xA;
	s4 =	simm.s32 $0x10  }
0x92: {  	[smem:s4], [sflag:s15] =	dma.local [hbm:s2], $0x1  }
0x93: {  	_ =	swait.eq [sflag:s15], $0x1  }
0x94: {  	s16 =	sld [smem:$0x10];
	[sflag:s15] =	ssyncset.done $0x0  }
0x95: {  	s17 =	sld [smem:$0x11];
	[sflag:s15] =	ssyncadd.s32 $0xFFFFFFFF  }
0x96: {  	s18 =	sld [smem:$0x12];
	(tm) =	ssettm $0x1  }
0x97: {  	s5 =	sld [smem:$0x3FFB];
	_ =	sdelay $0x3  }
0x98: {  	_ =	strace s5  }
0x99: {  	s5 =	sld [smem:$0x3FFC];
	_ =	sdelay $0x3  }
0x9a: {  	_ =	strace s5  }
0x9b: {  	s5 =	sld [smem:$0x3FFD];
	_ =	sdelay $0x3  }
0x9c: {  	_ =	strace s5  }
0x9d: {  	_ =	strace $0x8FFFFFFF  }
0x9e: {  	s19 =	sld [smem:$0x3FDB];
	_ =	sdelay $0x1  }
0x9f: {  	s6 =	simm.s32 $_scs_section_size  }
0xa0: {  	s7 =	simm.s32 $_size__tile_overlayer_lowered;
	s8 =	simm.s32 $_tile_overlayer_lowered  }
0xa1: {  	s22 =	simm.s32 $0x1BFF;
	s21 =	sshll.u32 s8, $0x1;
	s5 =	sadd.s32 s6, s19  }
0xa2: {  	s9 =	simm.s32 $0x0;
	s20 =	sshll.u32 s7, $0x1;
	s7 =	sadd.s32 s21, s5  }
0xa3: {  	[timem:s9], [sflag:s22] =	dma.local [hbm:s7], s20  }
0xa4: {  	_ =	swait.ge [sflag:s22], s20  }
0xa5: {  	s6 =	ssub.s32 $0x0, s20;
	[sflag:s22] =	ssyncset.done $0x0  }
0xa6: {  	[sflag:s22] =	ssyncadd.s32 s6;
	_ =	sdelay $0x1  }
0xa7: {  	s23 =	simm.s32 $0x1B8B  }
0xa8: {  	_ =	swait.ge [sflag:s23], $0x1  }
0xa9: {  	[sflag:s23] =	ssyncset.done $0x0  }
0xaa: {  	s25 =	simm.s32 $0x1B8E;
	s24 =	sld [smem:$0x3FFE];
	[sflag:s23] =	ssyncadd.s32 $0xFFFFFFFF  }
0xab: {  	s26 =	simm.s32 $execute0_lowered;
	[smem:$0x3FD2] =	sst s25  }
0xac: {  	s7 =	sshll.u32 s26, $0x1;
	_ =	strace $0x80000046;
	[dreg:$0x1] =	wrdreg $0xFFFFFFFF  }
0xad: {  	s28 =	simm.s32 $_size_execute0_lowered;
	s5 =	sadd.s32 s5, s7;
	[dreg:$0x0] =	wrdreg $0x0  }
0xae: {  	s7 =	sshll.u32 s28, $0x1;
	[dreg:$0x2] =	wrdreg s5  }
0xaf: {  	[dreg:$0x3] =	wrdreg s7  }
0xb0: {  	[dreg:$0x4] =	wrdreg $0xC0  }
0xb1: {  	_ =	task [dreg:s9], $0x5FFFF  }
0xb2: {  	[dreg:$0x1] =	wrdreg $0xFFFFFFFF  }
0xb3: {  	[dreg:$0x0] =	wrdreg $0x60  }
0xb4: {  	[dreg:$0x2] =	wrdreg s24  }
0xb5: {  	[dreg:$0x3] =	wrdreg s18  }
0xb6: {  	[dreg:$0x4] =	wrdreg s17  }
0xb7: {  	[dreg:$0x5] =	wrdreg s16  }
0xb8: {  	[dreg:$0x6] =	wrdreg $0x2B800  }
0xb9: {  	[dreg:$0x7] =	wrdreg $0x9  }
0xba: {  	_ =	task.clear_ibuf [dreg:s9], $0x8FFFF;
	_ =	strace $0x90000046  }
0xbb: {  	s29 =	simm.s32 $0x9;
	_ =	strace $0x80000048  }
0xbc: {  	_ =	swait.ge [sflag:s29], $0x1  }
0xbd: {  	[sflag:s29] =	ssyncadd.s32 $0xFFFFFFFF  }
0xbe: {  	_ =	strace $0x90000048  }
0xbf: {  	_ =	sfence  }
0xc0: {  	s30 =	sld [smem:$0x0];
	_ =	sdelay $0x2  }
0xc1: {  	s31 =	sshll.u32 s1, $0xD;
	s1 =	sshrl.u32 s1, $0x2  }
0xc2: {  	s3 =	sand.u32 $0x4000, s31;
	s1 =	sadd.s32 s1, s30  }
0xc3: {  	s0 =	sor.u32 s3, s0;
	s1 =	sshll.u32 s1, $0x11  }
0xc4: {  	s0 =	sor.u32 s1, s0  }
0xc5: {  	s0 =	sadd.s32 $0x8F2B, s0  }
0xc6: {  	[sflag:s0] =	ssyncadd.remote.s32 $0x1  }
0xc7: {  	_ =	sfence.sel $0xFFFF  }
0xc8: {  	[dreg:$0x0] =	wrdreg $0xFFFFFFFF;
	(pc) =	sbr.abs _section_cstart, $3  }
0xc9: {  	[dreg:$0x1] =	wrdreg $0xFFFFFFFF  }
0xca: {  	_ =	task.clear_ibuf [dreg:s9], $0x2FFFF;
	_ =	strace $0x9FFFFFFF  }
0xcb: {  	(tm) =	ssettm $0x7FFFFFFF  }
tec
execute0_lowered:
.L_overlay_start_1:
0x0: {  	(tag) =	ssettag $0x1  }
0x1: {  	s5 =	rddreg [dreg:$0x0]  }
0x2: {  	s0 =	rddreg [dreg:$0x1]  }
0x3: {  	s1 =	rddreg [dreg:$0x2];
	s2 =	srdreg.scid  }
0x4: {  	s15 =	stileid.u32;
	s7 =	rddreg [dreg:$0x3]  }
0x5: {  	s3 =	rddreg [dreg:$0x4];
	s4 =	simm.s32 $0x0;
	s13 =	simm.s32 $0x80  }
0x6: {  	s14 =	simm.s32 $0x1;
	s6 =	sand.u32 $0x1, s2;
	s2 =	rddreg [dreg:$0x5]  }
0x7: {  	s26 =	sshll.u32 s15, $0x1;
	[smem:$0x7FF] =	sst s4;
	s11 =	smul.u32 $0x1380, s15  }
0x8: {  	s17 =	sadd.s32 $0x13800, s3;
	p0 =	sne.s32 s15, $0x0;
	p1 =	sgt.u32 s15, $0x1  }
0x9: {  	s18 =	sshll.u32 s15, $0x6;
	p2 =	sne.s32 s15, $0xF;
	s8 =	sor.u32 s6, s26  }
0xa: {  	s28 =	ssub.s32 $0x2, s6;
	s6 =	smul.u32 $0x13880, s6;
	_ =	strace $0x80000047  }
0xb: {  	s15 =	sor.u32 $0x1C02, s18;
	s17 =	sshrl.u32 @!p2 s17, $0x3;
	s18 =	simm.s32 $0x0  }
0xc: {  	s9 =	smul.u32 $0x4E, s8;
	s8 =	smin.u32 s8, $0x4;
	s10 =	sshrl.u32 s28, $0x1  }
0xd: {  	s16 =	sadd.s32 s11, s3;
	s29 =	sadd.s32 s11, s6;
	s12 =	sshrl.u32 s6, $0x3  }
0xe: {  	s11 =	simm.s32 $0x2;
	s16 =	sshrl.u32 s16, $0x3;
	s8 =	sadd.s32 s8, s9  }
0xf: {  	s9 =	ssub.s32 s28, s10;
	s30 =	sshrl.u32 s29, $0x3;
	s31 =	sadd.s32 s7, s12  }
0x10: {  	s10 =	sshrl.u32 @!p0 s3, $0x3;
	s12 =	simm.s32 $0x2780;
	s8 =	sshll.u32 s8, $0x4  }
0x11: {  	s7 =	sadd.s32 s7, s30;
	s9 =	smax.u32 s9, $0x1;
	s8 =	sadd.s32 s8, s5  }
0x12: {  	s5 =	sadd.s32 $0xD040, s8;
	s6 =	sadd.s32 $0xD520, s8;
	s8 =	sadd.s32 $0x2700, s31  }
.LBB2_1:
0x13: {  	s19 =	simm.s32 @!p0 $0x1C02  }
0x14: {  	[spmem:s10], [sflag:s19] =	dma.local @!p0 [hbm:s1], $0x2710  }
0x15: {  	s19 =	simm.s32 @!p0 $0x2  }
0x16: {  	_ =	swait.ge @!p0 [sflag:s19], $0x2710  }
0x17: {  	[sflag:s19] =	ssyncset.done @!p0 $0x0  }
0x18: {  	[sflag:s19] =	ssyncadd.s32 @!p0 $0xFFFFD8F0  }
0x19: {  	[tilespmem:s4], [sflag:$0x2] =	stream.linear.gather [hbm4b:s5+s4], $0x2700, $0x38;
	[tilespmem:$0x3F08] =	vst v63  }
0x1a: {  	_ =	swait.ge [sflag:s11], $0x2700  }
0x1b: {  	[sflag:s11] =	ssyncset.done $0x0  }
0x1c: {  	s20 =	simm.s32 @!p1 $0x2700;
	s19 =	simm.s32 @!p1 $0x0;
	[sflag:s11] =	ssyncadd.s32 $0xFFFFD900  }
0x1d: {  	[tilespmem:s20], [sflag:$0x2] =	stream.linear.gather @!p1 [hbm4b:s6+s19], $0x80, $0x38;
	[tilespmem:$0x3F08] =	vst v63  }
0x1e: {  	s19 =	simm.s32 @!p1 $0x2  }
0x1f: {  	_ =	swait.ge @!p1 [sflag:s19], $0x80  }
0x20: {  	[sflag:s19] =	ssyncset.done @!p1 $0x0  }
0x21: {  	[sflag:s19] =	ssyncadd.s32 @!p1 $0xFFFFFF80  }
0x22: {  	[tilespmem:s12], [sflag:$0x2] =	stream.linear.gather [hbm4b:s0+s4], $0x400, $0x38;
	[tilespmem:$0x3F08] =	vst v63  }
0x23: {  	_ =	swait.ge [sflag:s11], $0x400  }
0x24: {  	[sflag:s11] =	ssyncset.done $0x0  }
0x25: {  	[sflag:s11] =	ssyncadd.s32 $0xFFFFFC00  }
0x26: {  	s20 =	simm.s32 $0x0;
	s19 =	simm.s32 $0x200;
	[bflag:$0x0] =	sbarrier.arrive $0xFFFF  }
.LBB2_2:
0x27: {  	[spmem:s3] =	stream.indirect.scatter.add.f32 [tilespmem:s12], [sflag:$0x1], $0x8, s20, s13, $0xb8;
	[tilespmem:$0x3F08] =	vst v63  }
0x28: {  	s20 =	smov.u32 s19;
	p3 =	sne.s32 s19, $0x9A00  }
.Ltmp0:
0x29: {  	s19 =	sadd.s32 $0x200, s19;
	(pc) =	sbr.rel @p3 .LBB2_2-.Ltmp0, $2  }
0x2a: {  	_ =	sdelay $0x2  }
0x2b: {  	s20 =	sshra.s32 s20, $0x2  }
0x2c: {  	[spmem:s3] =	stream.indirect.scatter.add.f32 [tilespmem:s12], [sflag:$0x1], $0x8, s20, s13, $0xb8;
	[tilespmem:$0x3F08] =	vst v63  }
0x2d: {  	s19 =	simm.s32 @!p1 $0x80;
	s20 =	simm.s32 @!p1 $0x2700;
	s21 =	simm.s32 @!p1 $0x2780  }
0x2e: {  	[spmem:s3] =	stream.indirect.scatter.add.f32 @!p1 [tilespmem:s21], [sflag:$0x1], $0x8, s20, s19, $0xb8;
	[tilespmem:$0x3F08] =	vst v63  }
0x2f: {  	_ =	swait.ge [sflag:s14], $0x400  }
0x30: {  	s19 =	simm.s32 $0x4D;
	[sflag:s14] =	ssyncset.done $0x0  }
.LBB2_4:
0x31: {  	p3 =	sne.s32 s19, $0x1;
	s19 =	sadd.s32 $0xFFFFFFFF, s19;
	[sflag:s14] =	ssyncadd.s32 $0xFFFFFC00  }
.Ltmp1:
0x32: {  	(pc) =	sbr.rel @p3 .LBB2_4-.Ltmp1, $3  }
0x33: {  	_ =	sdelay $0x1  }
0x34: {  	_ =	swait.ge [sflag:s14], $0x400  }
0x35: {  	[sflag:s14] =	ssyncset.done $0x0  }
0x36: {  	[sflag:s14] =	ssyncadd.s32 $0xFFFFFC00;
	s19 =	simm.s32 @!p1 $0x1  }
0x37: {  	_ =	swait.ge @!p1 [sflag:s19], $0x400  }
0x38: {  	[sflag:s19] =	ssyncset.done @!p1 $0x0  }
0x39: {  	[sflag:s19] =	ssyncadd.s32 @!p1 $0xFFFFFC00  }
0x3a: {  	[bflag:$0x0] =	sbarrier.arrive $0xFFFF  }
0x3b: {  	[hbm:s7], [sflag:s15] =	dma.local [spmem:s16], $0x270  }
0x3c: {  	s18 =	sadd.s32 $0x1, s18;
	_ =	swait.ge [sflag:s11], $0x270  }
0x3d: {  	p3 =	sne.s32 s18, s9;
	[sflag:s11] =	ssyncset.done $0x0  }
.Ltmp2:
0x3e: {  	s19 =	simm.s32 @!p2 $0x2;
	[sflag:s11] =	ssyncadd.s32 $0xFFFFFD90;
	(pc) =	sbr.rel @p3 .LBB2_1-.Ltmp2, $4  }
0x3f: {  	[hbm:s8], [sflag:s15] =	dma.local @!p2 [spmem:s17], $0x10  }
0x40: {  	_ =	swait.ge @!p2 [sflag:s19], $0x10  }
0x41: {  	[sflag:s19] =	ssyncset.done @!p2 $0x0  }
0x42: {  	[sflag:s19] =	ssyncadd.s32 @!p2 $0xFFFFFFF0  }
0x43: {  	_ =	sfence.sel $0x180000  }
0x44: {  	[bflag:$0x0] =	sbarrier.arrive $0xFFFF  }
0x45: {  	_ =	strace $0x90000047  }
0x46: {  	s0 =	sadd.s32 @!p0 $0x100000, s2;
	[bflag:$0x2] =	sbarrier.arrive $0xFFFF  }
0x47: {  	[sflag:s0] =	ssyncadd.tile.s32 @!p0 $0x1;
	_ =	shalt  }
.Lfunc_end2:
_tile_overlayer_lowered:
.L_overlay_start_2:
0x48: {  	(tag) =	ssettag $0x2  }
0x49: {  	s0 =	rddreg [dreg:$0x0];
	s2 =	stileid.u32  }
0x4a: {  	s1 =	rddreg [dreg:$0x1];
	p0 =	sne.s32 s2, $0x0  }
0x4b: {  	s3 =	rddreg [dreg:$0x2];
	[bflag:$0x3] =	sbarrier.arrive $0xFFFF;
	s2 =	simm.s32 @!p0 $0x1C02  }
0x4c: {  	[timem:s3], [sflag:s2] =	dma.local @!p0 [hbm:s0], s1  }
0x4d: {  	s0 =	simm.s32 @!p0 $0x2  }
0x4e: {  	_ =	swait.ge @!p0 [sflag:s0], s1  }
0x4f: {  	s1 =	ssub.s32 @!p0 $0x0, s1;
	[sflag:s0] =	ssyncset.done @!p0 $0x0  }
0x50: {  	[sflag:s0] =	ssyncadd.s32 @!p0 s1  }
0x51: {  	[bflag:$0x3] =	sbarrier.arrive $0xFFFF  }
0x52: {  	_ =	shalt  }

</sc_bundles>
